<compile_context>
chip_gen: v7x
topology: tpu7x:2x2x1
jax: 0.10.2.dev20260603
libtpu: 0.0.44.dev20260713+nightly
codegen_flags: <defaults>
</compile_context>

<pallas_src>
import dataclasses

import jax
import jax.numpy as jnp
from jax import lax
from jax.experimental import pallas as pl
from jax.experimental.pallas import tpu as pltpu
from jax.experimental.pallas import tpu_sc as plsc

_D = 33
_PLANE = _D * _D * _D
_LUT_PAD = 107824

_B, _C, _H, _W = 4, 3, 512, 512
_NWORKERS = 32
_BAND = _H // 8
_NCHUNK = (_BAND // 8) * (_W // 128)


def _coords(v):
    s = v * 2.0 - 1.0
    f = (s + 1.0) * (0.5 * (_D - 1))
    f = jnp.minimum(jnp.maximum(f, 0.0), float(_D - 1))
    i0 = f.astype(jnp.int32)
    w = f - i0.astype(jnp.float32)
    i1 = jnp.minimum(i0 + 1, _D - 1)
    return i0, i1, w


def _compute(lut_v, rb, gb, bb, orb, ogb, obb):
    @plsc.parallel_loop(0, 64, 1, unroll=4)
    def _vec(j):
        sl = (j // 8, pl.ds((j % 8) * 16, 16))
        x0, x1, wx = _coords(rb[sl])
        y0, y1, wy = _coords(gb[sl])
        z0, z1, wz = _coords(bb[sl])

        ya = y0 * _D
        yb = y1 * _D
        za = z0 * (_D * _D)
        zb = z1 * (_D * _D)
        i000 = za + ya + x0
        i001 = za + ya + x1
        i010 = za + yb + x0
        i011 = za + yb + x1
        i100 = zb + ya + x0
        i101 = zb + ya + x1
        i110 = zb + yb + x0
        i111 = zb + yb + x1

        ex = 1.0 - wx
        ey = 1.0 - wy
        ez = 1.0 - wz
        a00 = ey * ez
        a10 = wy * ez
        a01 = ey * wz
        a11 = wy * wz
        w000 = ex * a00
        w001 = wx * a00
        w010 = ex * a10
        w011 = wx * a10
        w100 = ex * a01
        w101 = wx * a01
        w110 = ex * a11
        w111 = wx * a11

        for c, ob in ((0, orb), (1, ogb), (2, obb)):
            oc = c * _PLANE
            acc = w000 * plsc.load_gather(lut_v, [i000 + oc])
            acc += w001 * plsc.load_gather(lut_v, [i001 + oc])
            acc += w010 * plsc.load_gather(lut_v, [i010 + oc])
            acc += w011 * plsc.load_gather(lut_v, [i011 + oc])
            acc += w100 * plsc.load_gather(lut_v, [i100 + oc])
            acc += w101 * plsc.load_gather(lut_v, [i101 + oc])
            acc += w110 * plsc.load_gather(lut_v, [i110 + oc])
            acc += w111 * plsc.load_gather(lut_v, [i111 + oc])
            ob[sl] = acc


def _tile_slice(img, ci, band):
    r0 = band * _BAND + (ci // (_W // 128)) * 8
    c0 = (ci % (_W // 128)) * 128
    return img, pl.ds(r0, 8), pl.ds(c0, 128)


def _in_copies(x_hbm, img, ci, band, bufs, sem):
    b, rs, cs = _tile_slice(img, ci, band)
    return [
        pltpu.make_async_copy(x_hbm.at[b, k, rs, cs], bufs[k], sem)
        for k in range(3)
    ]


def _out_copies(o_hbm, img, ci, band, bufs, sem):
    b, rs, cs = _tile_slice(img, ci, band)
    return [
        pltpu.make_async_copy(bufs[k], o_hbm.at[b, k, rs, cs], sem)
        for k in range(3)
    ]


def _body(lut_hbm, x_hbm, o_hbm, lut_v,
          ra, ga, ba, rb2, gb2, bb2,
          ora, oga, oba, orb, ogb, obb,
          isem_a, isem_b, osem_a, osem_b):
    wid = lax.axis_index("c") * 16 + lax.axis_index("s")
    pltpu.sync_copy(lut_hbm, lut_v)

    img = wid // 8
    band = wid % 8
    in_a, in_b = (ra, ga, ba), (rb2, gb2, bb2)
    out_a, out_b = (ora, oga, oba), (orb, ogb, obb)

    for c in _in_copies(x_hbm, img, 0, band, in_a, isem_a):
        c.start()

    @pl.loop(0, _NCHUNK, step=2)
    def _chunk(ci):
        @pl.when(ci > 0)
        def _():
            for c in _out_copies(o_hbm, img, ci - 2, band, out_a, osem_a):
                c.wait()
        for c in _in_copies(x_hbm, img, ci, band, in_a, isem_a):
            c.wait()
        for c in _in_copies(x_hbm, img, ci + 1, band, in_b, isem_b):
            c.start()
        _compute(lut_v, *in_a, *out_a)
        for c in _out_copies(o_hbm, img, ci, band, out_a, osem_a):
            c.start()

        @pl.when(ci > 0)
        def _():
            for c in _out_copies(o_hbm, img, ci - 1, band, out_b, osem_b):
                c.wait()
        for c in _in_copies(x_hbm, img, ci + 1, band, in_b, isem_b):
            c.wait()

        @pl.when(ci + 2 < _NCHUNK)
        def _():
            for c in _in_copies(x_hbm, img, ci + 2, band, in_a, isem_a):
                c.start()
        _compute(lut_v, *in_b, *out_b)
        for c in _out_copies(o_hbm, img, ci + 1, band, out_b, osem_b):
            c.start()

    for c in _out_copies(o_hbm, img, _NCHUNK - 2, band, out_a, osem_a):
        c.wait()
    for c in _out_copies(o_hbm, img, _NCHUNK - 1, band, out_b, osem_b):
        c.wait()


def kernel(lut, x):
    lut_pad = jnp.pad(lut.reshape(-1), (0, _LUT_PAD - 3 * _PLANE))

    cp = pltpu.CompilerParams()
    if "needs_layout_passes" in pltpu.CompilerParams.__dataclass_fields__:
        cp = dataclasses.replace(cp, needs_layout_passes=False)
    cp = dataclasses.replace(cp, use_tc_tiling_on_sc=True)

    mesh = plsc.VectorSubcoreMesh(core_axis_name="c", subcore_axis_name="s")
    buf = pltpu.VMEM((8, 128), jnp.float32)
    fn = pl.kernel(
        _body,
        out_type=jax.ShapeDtypeStruct((_B, _C, _H, _W), jnp.float32),
        mesh=mesh,
        scratch_types=[pltpu.VMEM((_LUT_PAD,), jnp.float32)]
        + [buf] * 12
        + [pltpu.SemaphoreType.DMA] * 4,
        compiler_params=cp,
    )
    return fn(lut_pad, x)

# --- scband reference (transcript-rebuilt; emitter-appended) ---
"""Pipeline reference for scband-trilinear-interpolation-62302795595975 (READ-ONLY COPY).

The authoritative reference and input builder live on the scoring server;
editing this copy changes nothing except your own understanding.
"""

import jax, jax.numpy as jnp
import numpy as np


def _grid_sample_3d(vol, grid):
    # vol: [B, C, D, H, W]; grid: [B, Do, Ho, Wo, 3] with (x, y, z) in [-1, 1]
    # mode='bilinear' (trilinear), padding_mode='border', align_corners=True
    B, C, Dv, Hv, Wv = vol.shape
    ix = (grid[..., 0] + 1.0) * 0.5 * (Wv - 1)
    iy = (grid[..., 1] + 1.0) * 0.5 * (Hv - 1)
    iz = (grid[..., 2] + 1.0) * 0.5 * (Dv - 1)
    # border padding: clamp coords to valid range
    ix = jnp.clip(ix, 0.0, Wv - 1)
    iy = jnp.clip(iy, 0.0, Hv - 1)
    iz = jnp.clip(iz, 0.0, Dv - 1)
    x0f = jnp.floor(ix)
    y0f = jnp.floor(iy)
    z0f = jnp.floor(iz)
    x0 = x0f.astype(jnp.int32)
    y0 = y0f.astype(jnp.int32)
    z0 = z0f.astype(jnp.int32)
    x1 = jnp.clip(x0 + 1, 0, Wv - 1)
    y1 = jnp.clip(y0 + 1, 0, Hv - 1)
    z1 = jnp.clip(z0 + 1, 0, Dv - 1)
    x0 = jnp.clip(x0, 0, Wv - 1)
    y0 = jnp.clip(y0, 0, Hv - 1)
    z0 = jnp.clip(z0, 0, Dv - 1)
    wx = (ix - x0f)[..., None]
    wy = (iy - y0f)[..., None]
    wz = (iz - z0f)[..., None]
    volp = jnp.transpose(vol, (0, 2, 3, 4, 1))  # [B, D, H, W, C]
    b = jnp.arange(B).reshape(B, 1, 1, 1)

    def g(zz, yy, xx):
        return volp[b, zz, yy, xx]  # [B, Do, Ho, Wo, C]

    c000 = g(z0, y0, x0)
    c001 = g(z0, y0, x1)
    c010 = g(z0, y1, x0)
    c011 = g(z0, y1, x1)
    c100 = g(z1, y0, x0)
    c101 = g(z1, y0, x1)
    c110 = g(z1, y1, x0)
    c111 = g(z1, y1, x1)

    out = (c000 * (1 - wx) * (1 - wy) * (1 - wz)
           + c001 * wx * (1 - wy) * (1 - wz)
           + c010 * (1 - wx) * wy * (1 - wz)
           + c011 * wx * wy * (1 - wz)
           + c100 * (1 - wx) * (1 - wy) * wz
           + c101 * wx * (1 - wy) * wz
           + c110 * (1 - wx) * wy * wz
           + c111 * wx * wy * wz)
    # [B, Do, Ho, Wo, C] -> [B, C, Do, Ho, Wo]
    return jnp.transpose(out, (0, 4, 1, 2, 3))


def setup_inputs(seed: int = 0) -> dict:
    key = jax.random.key(seed)
    k1, k2 = jax.random.split(key)
    lut = jax.random.uniform(k1, (3, 33, 33, 33), dtype=jnp.float32)
    x = jax.random.uniform(k2, (4, 3, 512, 512), dtype=jnp.float32)
    return {"lut": lut, "x": x}


def reference(lut, x):
    B, C, H, W = x.shape
    lut_vol = jnp.broadcast_to(lut[None], (B,) + lut.shape)  # [B, 3, D, D, D]
    grid = jnp.transpose(x, (0, 2, 3, 1))[:, None] * 2.0 - 1.0  # [B, 1, H, W, 3]
    sampled = _grid_sample_3d(lut_vol, grid)  # [B, 3, 1, H, W]
    return sampled[:, :, 0]  # [B, 3, H, W]

if __name__ == "__main__":
    import jax
    _d = setup_inputs()
    print(jax.jit(kernel)(*tuple(_d.values())))

</pallas_src>

<mosaic_0001>
#map = affine_map<(d0, d1) -> (0)>
#map1 = affine_map<(d0, d1) -> (0, 0, 0, 0)>
module attributes {stable_mosaic.version = 14 : i64} {
  func.func @_body(%arg0: i32, %arg1: i32, %arg2: memref<107824xf32, #tpu.memory_space<hbm>>, %arg3: memref<4x3x512x512xf32, #tpu.memory_space<hbm>>, %arg4: memref<4x3x512x512xf32, #tpu.memory_space<hbm>>, %arg5: memref<107824xf32, #tpu.memory_space<vmem>>, %arg6: memref<8x128xf32, #tpu.memory_space<vmem>>, %arg7: memref<8x128xf32, #tpu.memory_space<vmem>>, %arg8: memref<8x128xf32, #tpu.memory_space<vmem>>, %arg9: memref<8x128xf32, #tpu.memory_space<vmem>>, %arg10: memref<8x128xf32, #tpu.memory_space<vmem>>, %arg11: memref<8x128xf32, #tpu.memory_space<vmem>>, %arg12: memref<8x128xf32, #tpu.memory_space<vmem>>, %arg13: memref<8x128xf32, #tpu.memory_space<vmem>>, %arg14: memref<8x128xf32, #tpu.memory_space<vmem>>, %arg15: memref<8x128xf32, #tpu.memory_space<vmem>>, %arg16: memref<8x128xf32, #tpu.memory_space<vmem>>, %arg17: memref<8x128xf32, #tpu.memory_space<vmem>>, %arg18: memref<!tpu.dma_semaphore, #tpu.memory_space<semaphore_mem>>, %arg19: memref<!tpu.dma_semaphore, #tpu.memory_space<semaphore_mem>>, %arg20: memref<!tpu.dma_semaphore, #tpu.memory_space<semaphore_mem>>, %arg21: memref<!tpu.dma_semaphore, #tpu.memory_space<semaphore_mem>>) attributes {dimension_semantics = [#tpu.dimension_semantics<core_parallel>, #tpu.dimension_semantics<subcore_parallel>], iteration_bounds = array<i64: 2, 16>, scalar_prefetch = 0 : i64, scratch_operands = 17 : i64, tpu.core_type = #tpu.core_type<sc_vector_subcore>, window_params = [{transform_indices = #map}, {transform_indices = #map1}, {transform_indices = #map1}]} {
    %mul3A = arith.constant 16 : i32
    %mul3A_0 = arith.muli %arg0, %mul3A : i32
    %add3A = arith.addi %mul3A_0, %arg1 : i32
    "tpu.region"() ({
      %run_scoped3A = tpu.sem_alloc : memref<!tpu.dma_semaphore, #tpu.memory_space<semaphore_mem>>
      tpu.enqueue_dma source(%arg2 : memref<107824xf32, #tpu.memory_space<hbm>>) target(%arg5 : memref<107824xf32, #tpu.memory_space<vmem>>) target_semaphore(%run_scoped3A : memref<!tpu.dma_semaphore, #tpu.memory_space<semaphore_mem>>)
      tpu.wait_dma2 semaphore(%run_scoped3A : memref<!tpu.dma_semaphore, #tpu.memory_space<semaphore_mem>>) src(%arg2 : memref<107824xf32, #tpu.memory_space<hbm>>) dst(%arg5 : memref<107824xf32, #tpu.memory_space<vmem>>)
      tpu.yield
    }) : () -> ()
    %jit3A = arith.constant 8 : i32
    %div3A = arith.divsi %add3A, %jit3A : i32
    %sign3A = arith.constant 0 : i32
    %sign3A_1 = arith.cmpi sgt, %add3A, %sign3A : i32
    %sign3A_2 = arith.extui %sign3A_1 : i1 to i32
    %sign3A_3 = arith.constant 0 : i32
    %sign3A_4 = arith.cmpi slt, %add3A, %sign3A_3 : i32
    %sign3A_5 = arith.extui %sign3A_4 : i1 to i32
    %sign3A_6 = arith.subi %sign3A_2, %sign3A_5 : i32
    %sign3A_7 = arith.constant 0 : i32
    %sign3A_8 = arith.cmpi sgt, %jit3A, %sign3A_7 : i32
    %sign3A_9 = arith.extui %sign3A_8 : i1 to i32
    %sign3A_10 = arith.constant 0 : i32
    %sign3A_11 = arith.cmpi slt, %jit3A, %sign3A_10 : i32
    %sign3A_12 = arith.extui %sign3A_11 : i1 to i32
    %sign3A_13 = arith.subi %sign3A_9, %sign3A_12 : i32
    %ne3A = arith.cmpi ne, %sign3A_6, %sign3A_13 : i32
    %rem3A = arith.remsi %add3A, %jit3A : i32
    %ne3A_14 = arith.constant 0 : i32
    %ne3A_15 = arith.cmpi ne, %rem3A, %ne3A_14 : i32
    %and3A = arith.andi %ne3A, %ne3A_15 : i1
    %sub3A = arith.constant 1 : i32
    %sub3A_16 = arith.subi %div3A, %sub3A : i32
    %select_n3A = arith.select %and3A, %sub3A_16, %div3A : i32
    %jit3A_17 = arith.constant 8 : i32
    %eq3A = arith.constant 0 : i32
    %eq3A_18 = arith.cmpi eq, %jit3A_17, %eq3A : i32
    %jit3A_19 = arith.constant 1 : i32
    %select_n3A_20 = arith.select %eq3A_18, %jit3A_19, %jit3A_17 : i32
    %rem3A_21 = arith.remsi %add3A, %select_n3A_20 : i32
    %ne3A_22 = arith.constant 0 : i32
    %ne3A_23 = arith.cmpi ne, %rem3A_21, %ne3A_22 : i32
    %lt3A = arith.constant 0 : i32
    %lt3A_24 = arith.cmpi slt, %rem3A_21, %lt3A : i32
    %lt3A_25 = arith.constant 0 : i32
    %lt3A_26 = arith.cmpi slt, %select_n3A_20, %lt3A_25 : i32
    %ne3A_27 = arith.xori %lt3A_24, %lt3A_26 : i1
    %and3A_28 = arith.andi %ne3A_27, %ne3A_23 : i1
    %add3A_29 = arith.addi %rem3A_21, %select_n3A_20 : i32
    %select_n3A_30 = arith.select %and3A_28, %add3A_29, %rem3A_21 : i32
    %mul3A_31 = arith.constant 64 : i32
    %mul3A_32 = arith.muli %select_n3A_30, %mul3A_31 : i32
    %add3A_33 = arith.constant 0 : i32
    %add3A_34 = arith.addi %mul3A_32, %add3A_33 : i32
    %dma_start3A = arith.constant 0 : i32
    %dma_start3A_35 = arith.constant 0 : i32
    %dma_start3A_36 = tpu.memref_slice %arg3[%select_n3A, %dma_start3A, %add3A_34, %dma_start3A_35] : memref<4x3x512x512xf32, #tpu.memory_space<hbm>> -> memref<1x1x8x128xf32, #tpu.memory_space<hbm>>
    %dma_start3A_37 = tpu.memref_squeeze %dma_start3A_36 : memref<1x1x8x128xf32, #tpu.memory_space<hbm>> -> memref<8x128xf32, #tpu.memory_space<hbm>>
    %dma_start3A_38 = arith.constant 0 : i32
    %dma_start3A_39 = tpu.memref_slice %arg3[%select_n3A, %dma_start3A, %add3A_34, %dma_start3A_38] : memref<4x3x512x512xf32, #tpu.memory_space<hbm>> -> memref<1x1x8x128xf32, #tpu.memory_space<hbm>>
    %dma_start3A_40 = tpu.memref_squeeze %dma_start3A_39 : memref<1x1x8x128xf32, #tpu.memory_space<hbm>> -> memref<8x128xf32, #tpu.memory_space<hbm>>
    tpu.enqueue_dma source(%dma_start3A_40 : memref<8x128xf32, #tpu.memory_space<hbm>>) target(%arg6 : memref<8x128xf32, #tpu.memory_space<vmem>>) target_semaphore(%arg18 : memref<!tpu.dma_semaphore, #tpu.memory_space<semaphore_mem>>)
    %dma_start3A_41 = arith.constant 1 : i32
    %dma_start3A_42 = arith.constant 0 : i32
    %dma_start3A_43 = tpu.memref_slice %arg3[%select_n3A, %dma_start3A_41, %add3A_34, %dma_start3A_42] : memref<4x3x512x512xf32, #tpu.memory_space<hbm>> -> memref<1x1x8x128xf32, #tpu.memory_space<hbm>>
    %dma_start3A_44 = tpu.memref_squeeze %dma_start3A_43 : memref<1x1x8x128xf32, #tpu.memory_space<hbm>> -> memref<8x128xf32, #tpu.memory_space<hbm>>
    %dma_start3A_45 = arith.constant 0 : i32
    %dma_start3A_46 = tpu.memref_slice %arg3[%select_n3A, %dma_start3A_41, %add3A_34, %dma_start3A_45] : memref<4x3x512x512xf32, #tpu.memory_space<hbm>> -> memref<1x1x8x128xf32, #tpu.memory_space<hbm>>
    %dma_start3A_47 = tpu.memref_squeeze %dma_start3A_46 : memref<1x1x8x128xf32, #tpu.memory_space<hbm>> -> memref<8x128xf32, #tpu.memory_space<hbm>>
    tpu.enqueue_dma source(%dma_start3A_47 : memref<8x128xf32, #tpu.memory_space<hbm>>) target(%arg7 : memref<8x128xf32, #tpu.memory_space<vmem>>) target_semaphore(%arg18 : memref<!tpu.dma_semaphore, #tpu.memory_space<semaphore_mem>>)
    %dma_start3A_48 = arith.constant 2 : i32
    %dma_start3A_49 = arith.constant 0 : i32
    %dma_start3A_50 = tpu.memref_slice %arg3[%select_n3A, %dma_start3A_48, %add3A_34, %dma_start3A_49] : memref<4x3x512x512xf32, #tpu.memory_space<hbm>> -> memref<1x1x8x128xf32, #tpu.memory_space<hbm>>
    %dma_start3A_51 = tpu.memref_squeeze %dma_start3A_50 : memref<1x1x8x128xf32, #tpu.memory_space<hbm>> -> memref<8x128xf32, #tpu.memory_space<hbm>>
    %dma_start3A_52 = arith.constant 0 : i32
    %dma_start3A_53 = tpu.memref_slice %arg3[%select_n3A, %dma_start3A_48, %add3A_34, %dma_start3A_52] : memref<4x3x512x512xf32, #tpu.memory_space<hbm>> -> memref<1x1x8x128xf32, #tpu.memory_space<hbm>>
    %dma_start3A_54 = tpu.memref_squeeze %dma_start3A_53 : memref<1x1x8x128xf32, #tpu.memory_space<hbm>> -> memref<8x128xf32, #tpu.memory_space<hbm>>
    tpu.enqueue_dma source(%dma_start3A_54 : memref<8x128xf32, #tpu.memory_space<hbm>>) target(%arg8 : memref<8x128xf32, #tpu.memory_space<vmem>>) target_semaphore(%arg18 : memref<!tpu.dma_semaphore, #tpu.memory_space<semaphore_mem>>)
    %scan3A = arith.constant 0 : i32
    %scan3A_55 = arith.constant 16 : i32
    %scan3A_56 = arith.addi %scan3A, %scan3A_55 : i32
    %scan3A_57 = arith.constant 1 : i32
    scf.for %scan3A_108 = %scan3A to %scan3A_56 step %scan3A_57  : i32 {
      %mul3A_109 = arith.constant 2 : i32
      %mul3A_110 = arith.muli %scan3A_108, %mul3A_109 : i32
      %add3A_111 = arith.constant 0 : i32
      %add3A_112 = arith.addi %add3A_111, %mul3A_110 : i32
      %gt3A = arith.constant 0 : i32
      %gt3A_113 = arith.cmpi sgt, %add3A_112, %gt3A : i32
      %convert_element_type3A = arith.extui %gt3A_113 : i1 to i32
      %cond3A = arith.constant 0 : i32
      %cond3A_114 = arith.cmpi ne, %convert_element_type3A, %cond3A : i32
      scf.if %cond3A_114 {
        %sub3A_448 = arith.constant 2 : i32
        %sub3A_449 = arith.subi %add3A_112, %sub3A_448 : i32
        %mul3A_450 = arith.constant 64 : i32
        %mul3A_451 = arith.muli %select_n3A_30, %mul3A_450 : i32
        %jit3A_452 = arith.constant 4 : i32
        %div3A_453 = arith.divsi %sub3A_449, %jit3A_452 : i32
        %sign3A_454 = arith.constant 0 : i32
        %sign3A_455 = arith.cmpi sgt, %sub3A_449, %sign3A_454 : i32
        %sign3A_456 = arith.extui %sign3A_455 : i1 to i32
        %sign3A_457 = arith.constant 0 : i32
        %sign3A_458 = arith.cmpi slt, %sub3A_449, %sign3A_457 : i32
        %sign3A_459 = arith.extui %sign3A_458 : i1 to i32
        %sign3A_460 = arith.subi %sign3A_456, %sign3A_459 : i32
        %sign3A_461 = arith.constant 0 : i32
        %sign3A_462 = arith.cmpi sgt, %jit3A_452, %sign3A_461 : i32
        %sign3A_463 = arith.extui %sign3A_462 : i1 to i32
        %sign3A_464 = arith.constant 0 : i32
        %sign3A_465 = arith.cmpi slt, %jit3A_452, %sign3A_464 : i32
        %sign3A_466 = arith.extui %sign3A_465 : i1 to i32
        %sign3A_467 = arith.subi %sign3A_463, %sign3A_466 : i32
        %ne3A_468 = arith.cmpi ne, %sign3A_460, %sign3A_467 : i32
        %rem3A_469 = arith.remsi %sub3A_449, %jit3A_452 : i32
        %ne3A_470 = arith.constant 0 : i32
        %ne3A_471 = arith.cmpi ne, %rem3A_469, %ne3A_470 : i32
        %and3A_472 = arith.andi %ne3A_468, %ne3A_471 : i1
        %sub3A_473 = arith.constant 1 : i32
        %sub3A_474 = arith.subi %div3A_453, %sub3A_473 : i32
        %select_n3A_475 = arith.select %and3A_472, %sub3A_474, %div3A_453 : i32
        %mul3A_476 = arith.constant 8 : i32
        %mul3A_477 = arith.muli %select_n3A_475, %mul3A_476 : i32
        %add3A_478 = arith.addi %mul3A_451, %mul3A_477 : i32
        %jit3A_479 = arith.constant 4 : i32
        %eq3A_480 = arith.constant 0 : i32
        %eq3A_481 = arith.cmpi eq, %jit3A_479, %eq3A_480 : i32
        %jit3A_482 = arith.constant 1 : i32
        %select_n3A_483 = arith.select %eq3A_481, %jit3A_482, %jit3A_479 : i32
        %rem3A_484 = arith.remsi %sub3A_449, %select_n3A_483 : i32
        %ne3A_485 = arith.constant 0 : i32
        %ne3A_486 = arith.cmpi ne, %rem3A_484, %ne3A_485 : i32
        %lt3A_487 = arith.constant 0 : i32
        %lt3A_488 = arith.cmpi slt, %rem3A_484, %lt3A_487 : i32
        %lt3A_489 = arith.constant 0 : i32
        %lt3A_490 = arith.cmpi slt, %select_n3A_483, %lt3A_489 : i32
        %ne3A_491 = arith.xori %lt3A_488, %lt3A_490 : i1
        %and3A_492 = arith.andi %ne3A_491, %ne3A_486 : i1
        %add3A_493 = arith.addi %rem3A_484, %select_n3A_483 : i32
        %select_n3A_494 = arith.select %and3A_492, %add3A_493, %rem3A_484 : i32
        %mul3A_495 = arith.constant 128 : i32
        %mul3A_496 = arith.muli %select_n3A_494, %mul3A_495 : i32
        %dma_wait3A_497 = arith.constant 0 : i32
        %dma_wait3A_498 = tpu.memref_slice %arg4[%select_n3A, %dma_wait3A_497, %add3A_478, %mul3A_496] : memref<4x3x512x512xf32, #tpu.memory_space<hbm>> -> memref<1x1x8x128xf32, #tpu.memory_space<hbm>>
        %dma_wait3A_499 = tpu.memref_squeeze %dma_wait3A_498 : memref<1x1x8x128xf32, #tpu.memory_space<hbm>> -> memref<8x128xf32, #tpu.memory_space<hbm>>
        %dma_wait3A_500 = tpu.memref_slice %arg4[%select_n3A, %dma_wait3A_497, %add3A_478, %mul3A_496] : memref<4x3x512x512xf32, #tpu.memory_space<hbm>> -> memref<1x1x8x128xf32, #tpu.memory_space<hbm>>
        %dma_wait3A_501 = tpu.memref_squeeze %dma_wait3A_500 : memref<1x1x8x128xf32, #tpu.memory_space<hbm>> -> memref<8x128xf32, #tpu.memory_space<hbm>>
        tpu.wait_dma2 semaphore(%arg20 : memref<!tpu.dma_semaphore, #tpu.memory_space<semaphore_mem>>) src(%arg12 : memref<8x128xf32, #tpu.memory_space<vmem>>) dst(%dma_wait3A_501 : memref<8x128xf32, #tpu.memory_space<hbm>>)
        %dma_wait3A_502 = arith.constant 1 : i32
        %dma_wait3A_503 = tpu.memref_slice %arg4[%select_n3A, %dma_wait3A_502, %add3A_478, %mul3A_496] : memref<4x3x512x512xf32, #tpu.memory_space<hbm>> -> memref<1x1x8x128xf32, #tpu.memory_space<hbm>>
        %dma_wait3A_504 = tpu.memref_squeeze %dma_wait3A_503 : memref<1x1x8x128xf32, #tpu.memory_space<hbm>> -> memref<8x128xf32, #tpu.memory_space<hbm>>
        %dma_wait3A_505 = tpu.memref_slice %arg4[%select_n3A, %dma_wait3A_502, %add3A_478, %mul3A_496] : memref<4x3x512x512xf32, #tpu.memory_space<hbm>> -> memref<1x1x8x128xf32, #tpu.memory_space<hbm>>
        %dma_wait3A_506 = tpu.memref_squeeze %dma_wait3A_505 : memref<1x1x8x128xf32, #tpu.memory_space<hbm>> -> memref<8x128xf32, #tpu.memory_space<hbm>>
        tpu.wait_dma2 semaphore(%arg20 : memref<!tpu.dma_semaphore, #tpu.memory_space<semaphore_mem>>) src(%arg13 : memref<8x128xf32, #tpu.memory_space<vmem>>) dst(%dma_wait3A_506 : memref<8x128xf32, #tpu.memory_space<hbm>>)
        %dma_wait3A_507 = arith.constant 2 : i32
        %dma_wait3A_508 = tpu.memref_slice %arg4[%select_n3A, %dma_wait3A_507, %add3A_478, %mul3A_496] : memref<4x3x512x512xf32, #tpu.memory_space<hbm>> -> memref<1x1x8x128xf32, #tpu.memory_space<hbm>>
        %dma_wait3A_509 = tpu.memref_squeeze %dma_wait3A_508 : memref<1x1x8x128xf32, #tpu.memory_space<hbm>> -> memref<8x128xf32, #tpu.memory_space<hbm>>
        %dma_wait3A_510 = tpu.memref_slice %arg4[%select_n3A, %dma_wait3A_507, %add3A_478, %mul3A_496] : memref<4x3x512x512xf32, #tpu.memory_space<hbm>> -> memref<1x1x8x128xf32, #tpu.memory_space<hbm>>
        %dma_wait3A_511 = tpu.memref_squeeze %dma_wait3A_510 : memref<1x1x8x128xf32, #tpu.memory_space<hbm>> -> memref<8x128xf32, #tpu.memory_space<hbm>>
        tpu.wait_dma2 semaphore(%arg20 : memref<!tpu.dma_semaphore, #tpu.memory_space<semaphore_mem>>) src(%arg14 : memref<8x128xf32, #tpu.memory_space<vmem>>) dst(%dma_wait3A_511 : memref<8x128xf32, #tpu.memory_space<hbm>>)
      } else {
      }
      %mul3A_115 = arith.constant 64 : i32
      %mul3A_116 = arith.muli %select_n3A_30, %mul3A_115 : i32
      %jit3A_117 = arith.constant 4 : i32
      %div3A_118 = arith.divsi %add3A_112, %jit3A_117 : i32
      %sign3A_119 = arith.constant 0 : i32
      %sign3A_120 = arith.cmpi sgt, %add3A_112, %sign3A_119 : i32
      %sign3A_121 = arith.extui %sign3A_120 : i1 to i32
      %sign3A_122 = arith.constant 0 : i32
      %sign3A_123 = arith.cmpi slt, %add3A_112, %sign3A_122 : i32
      %sign3A_124 = arith.extui %sign3A_123 : i1 to i32
      %sign3A_125 = arith.subi %sign3A_121, %sign3A_124 : i32
      %sign3A_126 = arith.constant 0 : i32
      %sign3A_127 = arith.cmpi sgt, %jit3A_117, %sign3A_126 : i32
      %sign3A_128 = arith.extui %sign3A_127 : i1 to i32
      %sign3A_129 = arith.constant 0 : i32
      %sign3A_130 = arith.cmpi slt, %jit3A_117, %sign3A_129 : i32
      %sign3A_131 = arith.extui %sign3A_130 : i1 to i32
      %sign3A_132 = arith.subi %sign3A_128, %sign3A_131 : i32
      %ne3A_133 = arith.cmpi ne, %sign3A_125, %sign3A_132 : i32
      %rem3A_134 = arith.remsi %add3A_112, %jit3A_117 : i32
      %ne3A_135 = arith.constant 0 : i32
      %ne3A_136 = arith.cmpi ne, %rem3A_134, %ne3A_135 : i32
      %and3A_137 = arith.andi %ne3A_133, %ne3A_136 : i1
      %sub3A_138 = arith.constant 1 : i32
      %sub3A_139 = arith.subi %div3A_118, %sub3A_138 : i32
      %select_n3A_140 = arith.select %and3A_137, %sub3A_139, %div3A_118 : i32
      %mul3A_141 = arith.constant 8 : i32
      %mul3A_142 = arith.muli %select_n3A_140, %mul3A_141 : i32
      %add3A_143 = arith.addi %mul3A_116, %mul3A_142 : i32
      %jit3A_144 = arith.constant 4 : i32
      %eq3A_145 = arith.constant 0 : i32
      %eq3A_146 = arith.cmpi eq, %jit3A_144, %eq3A_145 : i32
      %jit3A_147 = arith.constant 1 : i32
      %select_n3A_148 = arith.select %eq3A_146, %jit3A_147, %jit3A_144 : i32
      %rem3A_149 = arith.remsi %add3A_112, %select_n3A_148 : i32
      %ne3A_150 = arith.constant 0 : i32
      %ne3A_151 = arith.cmpi ne, %rem3A_149, %ne3A_150 : i32
      %lt3A_152 = arith.constant 0 : i32
      %lt3A_153 = arith.cmpi slt, %rem3A_149, %lt3A_152 : i32
      %lt3A_154 = arith.constant 0 : i32
      %lt3A_155 = arith.cmpi slt, %select_n3A_148, %lt3A_154 : i32
      %ne3A_156 = arith.xori %lt3A_153, %lt3A_155 : i1
      %and3A_157 = arith.andi %ne3A_156, %ne3A_151 : i1
      %add3A_158 = arith.addi %rem3A_149, %select_n3A_148 : i32
      %select_n3A_159 = arith.select %and3A_157, %add3A_158, %rem3A_149 : i32
      %mul3A_160 = arith.constant 128 : i32
      %mul3A_161 = arith.muli %select_n3A_159, %mul3A_160 : i32
      %dma_wait3A_162 = arith.constant 0 : i32
      %dma_wait3A_163 = tpu.memref_slice %arg3[%select_n3A, %dma_wait3A_162, %add3A_143, %mul3A_161] : memref<4x3x512x512xf32, #tpu.memory_space<hbm>> -> memref<1x1x8x128xf32, #tpu.memory_space<hbm>>
      %dma_wait3A_164 = tpu.memref_squeeze %dma_wait3A_163 : memref<1x1x8x128xf32, #tpu.memory_space<hbm>> -> memref<8x128xf32, #tpu.memory_space<hbm>>
      %dma_wait3A_165 = tpu.memref_slice %arg3[%select_n3A, %dma_wait3A_162, %add3A_143, %mul3A_161] : memref<4x3x512x512xf32, #tpu.memory_space<hbm>> -> memref<1x1x8x128xf32, #tpu.memory_space<hbm>>
      %dma_wait3A_166 = tpu.memref_squeeze %dma_wait3A_165 : memref<1x1x8x128xf32, #tpu.memory_space<hbm>> -> memref<8x128xf32, #tpu.memory_space<hbm>>
      tpu.wait_dma2 semaphore(%arg18 : memref<!tpu.dma_semaphore, #tpu.memory_space<semaphore_mem>>) src(%dma_wait3A_166 : memref<8x128xf32, #tpu.memory_space<hbm>>) dst(%arg6 : memref<8x128xf32, #tpu.memory_space<vmem>>)
      %dma_wait3A_167 = arith.constant 1 : i32
      %dma_wait3A_168 = tpu.memref_slice %arg3[%select_n3A, %dma_wait3A_167, %add3A_143, %mul3A_161] : memref<4x3x512x512xf32, #tpu.memory_space<hbm>> -> memref<1x1x8x128xf32, #tpu.memory_space<hbm>>
      %dma_wait3A_169 = tpu.memref_squeeze %dma_wait3A_168 : memref<1x1x8x128xf32, #tpu.memory_space<hbm>> -> memref<8x128xf32, #tpu.memory_space<hbm>>
      %dma_wait3A_170 = tpu.memref_slice %arg3[%select_n3A, %dma_wait3A_167, %add3A_143, %mul3A_161] : memref<4x3x512x512xf32, #tpu.memory_space<hbm>> -> memref<1x1x8x128xf32, #tpu.memory_space<hbm>>
      %dma_wait3A_171 = tpu.memref_squeeze %dma_wait3A_170 : memref<1x1x8x128xf32, #tpu.memory_space<hbm>> -> memref<8x128xf32, #tpu.memory_space<hbm>>
      tpu.wait_dma2 semaphore(%arg18 : memref<!tpu.dma_semaphore, #tpu.memory_space<semaphore_mem>>) src(%dma_wait3A_171 : memref<8x128xf32, #tpu.memory_space<hbm>>) dst(%arg7 : memref<8x128xf32, #tpu.memory_space<vmem>>)
      %dma_wait3A_172 = arith.constant 2 : i32
      %dma_wait3A_173 = tpu.memref_slice %arg3[%select_n3A, %dma_wait3A_172, %add3A_143, %mul3A_161] : memref<4x3x512x512xf32, #tpu.memory_space<hbm>> -> memref<1x1x8x128xf32, #tpu.memory_space<hbm>>
      %dma_wait3A_174 = tpu.memref_squeeze %dma_wait3A_173 : memref<1x1x8x128xf32, #tpu.memory_space<hbm>> -> memref<8x128xf32, #tpu.memory_space<hbm>>
      %dma_wait3A_175 = tpu.memref_slice %arg3[%select_n3A, %dma_wait3A_172, %add3A_143, %mul3A_161] : memref<4x3x512x512xf32, #tpu.memory_space<hbm>> -> memref<1x1x8x128xf32, #tpu.memory_space<hbm>>
      %dma_wait3A_176 = tpu.memref_squeeze %dma_wait3A_175 : memref<1x1x8x128xf32, #tpu.memory_space<hbm>> -> memref<8x128xf32, #tpu.memory_space<hbm>>
      tpu.wait_dma2 semaphore(%arg18 : memref<!tpu.dma_semaphore, #tpu.memory_space<semaphore_mem>>) src(%dma_wait3A_176 : memref<8x128xf32, #tpu.memory_space<hbm>>) dst(%arg8 : memref<8x128xf32, #tpu.memory_space<vmem>>)
      %add3A_177 = arith.constant 1 : i32
      %add3A_178 = arith.addi %add3A_112, %add3A_177 : i32
      %mul3A_179 = arith.constant 64 : i32
      %mul3A_180 = arith.muli %select_n3A_30, %mul3A_179 : i32
      %jit3A_181 = arith.constant 4 : i32
      %div3A_182 = arith.divsi %add3A_178, %jit3A_181 : i32
      %sign3A_183 = arith.constant 0 : i32
      %sign3A_184 = arith.cmpi sgt, %add3A_178, %sign3A_183 : i32
      %sign3A_185 = arith.extui %sign3A_184 : i1 to i32
      %sign3A_186 = arith.constant 0 : i32
      %sign3A_187 = arith.cmpi slt, %add3A_178, %sign3A_186 : i32
      %sign3A_188 = arith.extui %sign3A_187 : i1 to i32
      %sign3A_189 = arith.subi %sign3A_185, %sign3A_188 : i32
      %sign3A_190 = arith.constant 0 : i32
      %sign3A_191 = arith.cmpi sgt, %jit3A_181, %sign3A_190 : i32
      %sign3A_192 = arith.extui %sign3A_191 : i1 to i32
      %sign3A_193 = arith.constant 0 : i32
      %sign3A_194 = arith.cmpi slt, %jit3A_181, %sign3A_193 : i32
      %sign3A_195 = arith.extui %sign3A_194 : i1 to i32
      %sign3A_196 = arith.subi %sign3A_192, %sign3A_195 : i32
      %ne3A_197 = arith.cmpi ne, %sign3A_189, %sign3A_196 : i32
      %rem3A_198 = arith.remsi %add3A_178, %jit3A_181 : i32
      %ne3A_199 = arith.constant 0 : i32
      %ne3A_200 = arith.cmpi ne, %rem3A_198, %ne3A_199 : i32
      %and3A_201 = arith.andi %ne3A_197, %ne3A_200 : i1
      %sub3A_202 = arith.constant 1 : i32
      %sub3A_203 = arith.subi %div3A_182, %sub3A_202 : i32
      %select_n3A_204 = arith.select %and3A_201, %sub3A_203, %div3A_182 : i32
      %mul3A_205 = arith.constant 8 : i32
      %mul3A_206 = arith.muli %select_n3A_204, %mul3A_205 : i32
      %add3A_207 = arith.addi %mul3A_180, %mul3A_206 : i32
      %jit3A_208 = arith.constant 4 : i32
      %eq3A_209 = arith.constant 0 : i32
      %eq3A_210 = arith.cmpi eq, %jit3A_208, %eq3A_209 : i32
      %jit3A_211 = arith.constant 1 : i32
      %select_n3A_212 = arith.select %eq3A_210, %jit3A_211, %jit3A_208 : i32
      %rem3A_213 = arith.remsi %add3A_178, %select_n3A_212 : i32
      %ne3A_214 = arith.constant 0 : i32
      %ne3A_215 = arith.cmpi ne, %rem3A_213, %ne3A_214 : i32
      %lt3A_216 = arith.constant 0 : i32
      %lt3A_217 = arith.cmpi slt, %rem3A_213, %lt3A_216 : i32
      %lt3A_218 = arith.constant 0 : i32
      %lt3A_219 = arith.cmpi slt, %select_n3A_212, %lt3A_218 : i32
      %ne3A_220 = arith.xori %lt3A_217, %lt3A_219 : i1
      %and3A_221 = arith.andi %ne3A_220, %ne3A_215 : i1
      %add3A_222 = arith.addi %rem3A_213, %select_n3A_212 : i32
      %select_n3A_223 = arith.select %and3A_221, %add3A_222, %rem3A_213 : i32
      %mul3A_224 = arith.constant 128 : i32
      %mul3A_225 = arith.muli %select_n3A_223, %mul3A_224 : i32
      %dma_start3A_226 = arith.constant 0 : i32
      %dma_start3A_227 = tpu.memref_slice %arg3[%select_n3A, %dma_start3A_226, %add3A_207, %mul3A_225] : memref<4x3x512x512xf32, #tpu.memory_space<hbm>> -> memref<1x1x8x128xf32, #tpu.memory_space<hbm>>
      %dma_start3A_228 = tpu.memref_squeeze %dma_start3A_227 : memref<1x1x8x128xf32, #tpu.memory_space<hbm>> -> memref<8x128xf32, #tpu.memory_space<hbm>>
      %dma_start3A_229 = tpu.memref_slice %arg3[%select_n3A, %dma_start3A_226, %add3A_207, %mul3A_225] : memref<4x3x512x512xf32, #tpu.memory_space<hbm>> -> memref<1x1x8x128xf32, #tpu.memory_space<hbm>>
      %dma_start3A_230 = tpu.memref_squeeze %dma_start3A_229 : memref<1x1x8x128xf32, #tpu.memory_space<hbm>> -> memref<8x128xf32, #tpu.memory_space<hbm>>
      tpu.enqueue_dma source(%dma_start3A_230 : memref<8x128xf32, #tpu.memory_space<hbm>>) target(%arg9 : memref<8x128xf32, #tpu.memory_space<vmem>>) target_semaphore(%arg19 : memref<!tpu.dma_semaphore, #tpu.memory_space<semaphore_mem>>)
      %dma_start3A_231 = arith.constant 1 : i32
      %dma_start3A_232 = tpu.memref_slice %arg3[%select_n3A, %dma_start3A_231, %add3A_207, %mul3A_225] : memref<4x3x512x512xf32, #tpu.memory_space<hbm>> -> memref<1x1x8x128xf32, #tpu.memory_space<hbm>>
      %dma_start3A_233 = tpu.memref_squeeze %dma_start3A_232 : memref<1x1x8x128xf32, #tpu.memory_space<hbm>> -> memref<8x128xf32, #tpu.memory_space<hbm>>
      %dma_start3A_234 = tpu.memref_slice %arg3[%select_n3A, %dma_start3A_231, %add3A_207, %mul3A_225] : memref<4x3x512x512xf32, #tpu.memory_space<hbm>> -> memref<1x1x8x128xf32, #tpu.memory_space<hbm>>
      %dma_start3A_235 = tpu.memref_squeeze %dma_start3A_234 : memref<1x1x8x128xf32, #tpu.memory_space<hbm>> -> memref<8x128xf32, #tpu.memory_space<hbm>>
      tpu.enqueue_dma source(%dma_start3A_235 : memref<8x128xf32, #tpu.memory_space<hbm>>) target(%arg10 : memref<8x128xf32, #tpu.memory_space<vmem>>) target_semaphore(%arg19 : memref<!tpu.dma_semaphore, #tpu.memory_space<semaphore_mem>>)
      %dma_start3A_236 = arith.constant 2 : i32
      %dma_start3A_237 = tpu.memref_slice %arg3[%select_n3A, %dma_start3A_236, %add3A_207, %mul3A_225] : memref<4x3x512x512xf32, #tpu.memory_space<hbm>> -> memref<1x1x8x128xf32, #tpu.memory_space<hbm>>
      %dma_start3A_238 = tpu.memref_squeeze %dma_start3A_237 : memref<1x1x8x128xf32, #tpu.memory_space<hbm>> -> memref<8x128xf32, #tpu.memory_space<hbm>>
      %dma_start3A_239 = tpu.memref_slice %arg3[%select_n3A, %dma_start3A_236, %add3A_207, %mul3A_225] : memref<4x3x512x512xf32, #tpu.memory_space<hbm>> -> memref<1x1x8x128xf32, #tpu.memory_space<hbm>>
      %dma_start3A_240 = tpu.memref_squeeze %dma_start3A_239 : memref<1x1x8x128xf32, #tpu.memory_space<hbm>> -> memref<8x128xf32, #tpu.memory_space<hbm>>
      tpu.enqueue_dma source(%dma_start3A_240 : memref<8x128xf32, #tpu.memory_space<hbm>>) target(%arg11 : memref<8x128xf32, #tpu.memory_space<vmem>>) target_semaphore(%arg19 : memref<!tpu.dma_semaphore, #tpu.memory_space<semaphore_mem>>)
      %parallel_loop3A = arith.constant 0 : i32
      %parallel_loop3A_241 = arith.constant 64 : i32
      %parallel_loop3A_242 = arith.constant 1 : i32
      scf.for %parallel_loop3A_448 = %parallel_loop3A to %parallel_loop3A_241 step %parallel_loop3A_242  : i32 {
        %parallel_loop3A_449 = arith.constant 8 : i32
        %parallel_loop3A_450 = arith.divsi %parallel_loop3A_448, %parallel_loop3A_449 : i32
        %parallel_loop3A_451 = arith.constant 0 : i32
        %parallel_loop3A_452 = arith.cmpi sgt, %parallel_loop3A_448, %parallel_loop3A_451 : i32
        %parallel_loop3A_453 = arith.extui %parallel_loop3A_452 : i1 to i32
        %parallel_loop3A_454 = arith.constant 0 : i32
        %parallel_loop3A_455 = arith.cmpi slt, %parallel_loop3A_448, %parallel_loop3A_454 : i32
        %parallel_loop3A_456 = arith.extui %parallel_loop3A_455 : i1 to i32
        %parallel_loop3A_457 = arith.subi %parallel_loop3A_453, %parallel_loop3A_456 : i32
        %parallel_loop3A_458 = arith.constant 0 : i32
        %parallel_loop3A_459 = arith.cmpi sgt, %parallel_loop3A_449, %parallel_loop3A_458 : i32
        %parallel_loop3A_460 = arith.extui %parallel_loop3A_459 : i1 to i32
        %parallel_loop3A_461 = arith.constant 0 : i32
        %parallel_loop3A_462 = arith.cmpi slt, %parallel_loop3A_449, %parallel_loop3A_461 : i32
        %parallel_loop3A_463 = arith.extui %parallel_loop3A_462 : i1 to i32
        %parallel_loop3A_464 = arith.subi %parallel_loop3A_460, %parallel_loop3A_463 : i32
        %parallel_loop3A_465 = arith.cmpi ne, %parallel_loop3A_457, %parallel_loop3A_464 : i32
        %parallel_loop3A_466 = arith.remsi %parallel_loop3A_448, %parallel_loop3A_449 : i32
        %parallel_loop3A_467 = arith.constant 0 : i32
        %parallel_loop3A_468 = arith.cmpi ne, %parallel_loop3A_466, %parallel_loop3A_467 : i32
        %parallel_loop3A_469 = arith.andi %parallel_loop3A_465, %parallel_loop3A_468 : i1
        %parallel_loop3A_470 = arith.constant 1 : i32
        %parallel_loop3A_471 = arith.subi %parallel_loop3A_450, %parallel_loop3A_470 : i32
        %parallel_loop3A_472 = arith.select %parallel_loop3A_469, %parallel_loop3A_471, %parallel_loop3A_450 : i32
        %parallel_loop3A_473 = arith.constant 8 : i32
        %parallel_loop3A_474 = arith.constant 0 : i32
        %parallel_loop3A_475 = arith.cmpi eq, %parallel_loop3A_473, %parallel_loop3A_474 : i32
        %parallel_loop3A_476 = arith.constant 1 : i32
        %parallel_loop3A_477 = arith.select %parallel_loop3A_475, %parallel_loop3A_476, %parallel_loop3A_473 : i32
        %parallel_loop3A_478 = arith.remsi %parallel_loop3A_448, %parallel_loop3A_477 : i32
        %parallel_loop3A_479 = arith.constant 0 : i32
        %parallel_loop3A_480 = arith.cmpi ne, %parallel_loop3A_478, %parallel_loop3A_479 : i32
        %parallel_loop3A_481 = arith.constant 0 : i32
        %parallel_loop3A_482 = arith.cmpi slt, %parallel_loop3A_478, %parallel_loop3A_481 : i32
        %parallel_loop3A_483 = arith.constant 0 : i32
        %parallel_loop3A_484 = arith.cmpi slt, %parallel_loop3A_477, %parallel_loop3A_483 : i32
        %parallel_loop3A_485 = arith.xori %parallel_loop3A_482, %parallel_loop3A_484 : i1
        %parallel_loop3A_486 = arith.andi %parallel_loop3A_485, %parallel_loop3A_480 : i1
        %parallel_loop3A_487 = arith.addi %parallel_loop3A_478, %parallel_loop3A_477 : i32
        %parallel_loop3A_488 = arith.select %parallel_loop3A_486, %parallel_loop3A_487, %parallel_loop3A_478 : i32
        %parallel_loop3A_489 = arith.constant 16 : i32
        %parallel_loop3A_490 = arith.muli %parallel_loop3A_488, %parallel_loop3A_489 : i32
        %parallel_loop3A_491 = arith.index_cast %parallel_loop3A_472 : i32 to index
        %parallel_loop3A_492 = arith.index_cast %parallel_loop3A_490 : i32 to index
        %parallel_loop3A_493 = tpu.vector_load %arg6[%parallel_loop3A_491, %parallel_loop3A_492] {strides = array<i32>} : memref<8x128xf32, #tpu.memory_space<vmem>>, vector<16xf32>,
        %parallel_loop3A_494 = arith.constant 2.000000e+00 : f32
        %parallel_loop3A_495 = vector.broadcast %parallel_loop3A_494 : f32 to vector<16xf32>
        %parallel_loop3A_496 = arith.mulf %parallel_loop3A_493, %parallel_loop3A_495 : vector<16xf32>
        %parallel_loop3A_497 = arith.constant 1.000000e+00 : f32
        %parallel_loop3A_498 = vector.broadcast %parallel_loop3A_497 : f32 to vector<16xf32>
        %parallel_loop3A_499 = arith.subf %parallel_loop3A_496, %parallel_loop3A_498 : vector<16xf32>
        %parallel_loop3A_500 = arith.constant 1.000000e+00 : f32
        %parallel_loop3A_501 = vector.broadcast %parallel_loop3A_500 : f32 to vector<16xf32>
        %parallel_loop3A_502 = arith.addf %parallel_loop3A_499, %parallel_loop3A_501 : vector<16xf32>
        %parallel_loop3A_503 = arith.constant 1.600000e+01 : f32
        %parallel_loop3A_504 = vector.broadcast %parallel_loop3A_503 : f32 to vector<16xf32>
        %parallel_loop3A_505 = arith.mulf %parallel_loop3A_502, %parallel_loop3A_504 : vector<16xf32>
        %parallel_loop3A_506 = arith.constant 0.000000e+00 : f32
        %parallel_loop3A_507 = vector.broadcast %parallel_loop3A_506 : f32 to vector<16xf32>
        %parallel_loop3A_508 = arith.maximumf %parallel_loop3A_505, %parallel_loop3A_507 : vector<16xf32>
        %parallel_loop3A_509 = arith.constant 3.200000e+01 : f32
        %parallel_loop3A_510 = vector.broadcast %parallel_loop3A_509 : f32 to vector<16xf32>
        %parallel_loop3A_511 = arith.minimumf %parallel_loop3A_508, %parallel_loop3A_510 : vector<16xf32>
        %parallel_loop3A_512 = arith.fptosi %parallel_loop3A_511 : vector<16xf32> to vector<16xi32>
        %parallel_loop3A_513 = arith.sitofp %parallel_loop3A_512 : vector<16xi32> to vector<16xf32>
        %parallel_loop3A_514 = arith.subf %parallel_loop3A_511, %parallel_loop3A_513 : vector<16xf32>
        %parallel_loop3A_515 = arith.constant 1 : i32
        %parallel_loop3A_516 = vector.broadcast %parallel_loop3A_515 : i32 to vector<16xi32>
        %parallel_loop3A_517 = arith.addi %parallel_loop3A_512, %parallel_loop3A_516 : vector<16xi32>
        %parallel_loop3A_518 = arith.constant 32 : i32
        %parallel_loop3A_519 = vector.broadcast %parallel_loop3A_518 : i32 to vector<16xi32>
        %parallel_loop3A_520 = arith.minsi %parallel_loop3A_517, %parallel_loop3A_519 : vector<16xi32>
        %parallel_loop3A_521 = arith.index_cast %parallel_loop3A_472 : i32 to index
        %parallel_loop3A_522 = arith.index_cast %parallel_loop3A_490 : i32 to index
        %parallel_loop3A_523 = tpu.vector_load %arg7[%parallel_loop3A_521, %parallel_loop3A_522] {strides = array<i32>} : memref<8x128xf32, #tpu.memory_space<vmem>>, vector<16xf32>,
        %parallel_loop3A_524 = arith.constant 2.000000e+00 : f32
        %parallel_loop3A_525 = vector.broadcast %parallel_loop3A_524 : f32 to vector<16xf32>
        %parallel_loop3A_526 = arith.mulf %parallel_loop3A_523, %parallel_loop3A_525 : vector<16xf32>
        %parallel_loop3A_527 = arith.constant 1.000000e+00 : f32
        %parallel_loop3A_528 = vector.broadcast %parallel_loop3A_527 : f32 to vector<16xf32>
        %parallel_loop3A_529 = arith.subf %parallel_loop3A_526, %parallel_loop3A_528 : vector<16xf32>
        %parallel_loop3A_530 = arith.constant 1.000000e+00 : f32
        %parallel_loop3A_531 = vector.broadcast %parallel_loop3A_530 : f32 to vector<16xf32>
        %parallel_loop3A_532 = arith.addf %parallel_loop3A_529, %parallel_loop3A_531 : vector<16xf32>
        %parallel_loop3A_533 = arith.constant 1.600000e+01 : f32
        %parallel_loop3A_534 = vector.broadcast %parallel_loop3A_533 : f32 to vector<16xf32>
        %parallel_loop3A_535 = arith.mulf %parallel_loop3A_532, %parallel_loop3A_534 : vector<16xf32>
        %parallel_loop3A_536 = arith.constant 0.000000e+00 : f32
        %parallel_loop3A_537 = vector.broadcast %parallel_loop3A_536 : f32 to vector<16xf32>
        %parallel_loop3A_538 = arith.maximumf %parallel_loop3A_535, %parallel_loop3A_537 : vector<16xf32>
        %parallel_loop3A_539 = arith.constant 3.200000e+01 : f32
        %parallel_loop3A_540 = vector.broadcast %parallel_loop3A_539 : f32 to vector<16xf32>
        %parallel_loop3A_541 = arith.minimumf %parallel_loop3A_538, %parallel_loop3A_540 : vector<16xf32>
        %parallel_loop3A_542 = arith.fptosi %parallel_loop3A_541 : vector<16xf32> to vector<16xi32>
        %parallel_loop3A_543 = arith.sitofp %parallel_loop3A_542 : vector<16xi32> to vector<16xf32>
        %parallel_loop3A_544 = arith.subf %parallel_loop3A_541, %parallel_loop3A_543 : vector<16xf32>
        %parallel_loop3A_545 = arith.constant 1 : i32
        %parallel_loop3A_546 = vector.broadcast %parallel_loop3A_545 : i32 to vector<16xi32>
        %parallel_loop3A_547 = arith.addi %parallel_loop3A_542, %parallel_loop3A_546 : vector<16xi32>
        %parallel_loop3A_548 = arith.constant 32 : i32
        %parallel_loop3A_549 = vector.broadcast %parallel_loop3A_548 : i32 to vector<16xi32>
        %parallel_loop3A_550 = arith.minsi %parallel_loop3A_547, %parallel_loop3A_549 : vector<16xi32>
        %parallel_loop3A_551 = arith.index_cast %parallel_loop3A_472 : i32 to index
        %parallel_loop3A_552 = arith.index_cast %parallel_loop3A_490 : i32 to index
        %parallel_loop3A_553 = tpu.vector_load %arg8[%parallel_loop3A_551, %parallel_loop3A_552] {strides = array<i32>} : memref<8x128xf32, #tpu.memory_space<vmem>>, vector<16xf32>,
        %parallel_loop3A_554 = arith.constant 2.000000e+00 : f32
        %parallel_loop3A_555 = vector.broadcast %parallel_loop3A_554 : f32 to vector<16xf32>
        %parallel_loop3A_556 = arith.mulf %parallel_loop3A_553, %parallel_loop3A_555 : vector<16xf32>
        %parallel_loop3A_557 = arith.constant 1.000000e+00 : f32
        %parallel_loop3A_558 = vector.broadcast %parallel_loop3A_557 : f32 to vector<16xf32>
        %parallel_loop3A_559 = arith.subf %parallel_loop3A_556, %parallel_loop3A_558 : vector<16xf32>
        %parallel_loop3A_560 = arith.constant 1.000000e+00 : f32
        %parallel_loop3A_561 = vector.broadcast %parallel_loop3A_560 : f32 to vector<16xf32>
        %parallel_loop3A_562 = arith.addf %parallel_loop3A_559, %parallel_loop3A_561 : vector<16xf32>
        %parallel_loop3A_563 = arith.constant 1.600000e+01 : f32
        %parallel_loop3A_564 = vector.broadcast %parallel_loop3A_563 : f32 to vector<16xf32>
        %parallel_loop3A_565 = arith.mulf %parallel_loop3A_562, %parallel_loop3A_564 : vector<16xf32>
        %parallel_loop3A_566 = arith.constant 0.000000e+00 : f32
        %parallel_loop3A_567 = vector.broadcast %parallel_loop3A_566 : f32 to vector<16xf32>
        %parallel_loop3A_568 = arith.maximumf %parallel_loop3A_565, %parallel_loop3A_567 : vector<16xf32>
        %parallel_loop3A_569 = arith.constant 3.200000e+01 : f32
        %parallel_loop3A_570 = vector.broadcast %parallel_loop3A_569 : f32 to vector<16xf32>
        %parallel_loop3A_571 = arith.minimumf %parallel_loop3A_568, %parallel_loop3A_570 : vector<16xf32>
        %parallel_loop3A_572 = arith.fptosi %parallel_loop3A_571 : vector<16xf32> to vector<16xi32>
        %parallel_loop3A_573 = arith.sitofp %parallel_loop3A_572 : vector<16xi32> to vector<16xf32>
        %parallel_loop3A_574 = arith.subf %parallel_loop3A_571, %parallel_loop3A_573 : vector<16xf32>
        %parallel_loop3A_575 = arith.constant 1 : i32
        %parallel_loop3A_576 = vector.broadcast %parallel_loop3A_575 : i32 to vector<16xi32>
        %parallel_loop3A_577 = arith.addi %parallel_loop3A_572, %parallel_loop3A_576 : vector<16xi32>
        %parallel_loop3A_578 = arith.constant 32 : i32
        %parallel_loop3A_579 = vector.broadcast %parallel_loop3A_578 : i32 to vector<16xi32>
        %parallel_loop3A_580 = arith.minsi %parallel_loop3A_577, %parallel_loop3A_579 : vector<16xi32>
        %parallel_loop3A_581 = arith.constant 33 : i32
        %parallel_loop3A_582 = vector.broadcast %parallel_loop3A_581 : i32 to vector<16xi32>
        %parallel_loop3A_583 = arith.muli %parallel_loop3A_542, %parallel_loop3A_582 : vector<16xi32>
        %parallel_loop3A_584 = arith.constant 33 : i32
        %parallel_loop3A_585 = vector.broadcast %parallel_loop3A_584 : i32 to vector<16xi32>
        %parallel_loop3A_586 = arith.muli %parallel_loop3A_550, %parallel_loop3A_585 : vector<16xi32>
        %parallel_loop3A_587 = arith.constant 1089 : i32
        %parallel_loop3A_588 = vector.broadcast %parallel_loop3A_587 : i32 to vector<16xi32>
        %parallel_loop3A_589 = arith.muli %parallel_loop3A_572, %parallel_loop3A_588 : vector<16xi32>
        %parallel_loop3A_590 = arith.constant 1089 : i32
        %parallel_loop3A_591 = vector.broadcast %parallel_loop3A_590 : i32 to vector<16xi32>
        %parallel_loop3A_592 = arith.muli %parallel_loop3A_580, %parallel_loop3A_591 : vector<16xi32>
        %parallel_loop3A_593 = arith.addi %parallel_loop3A_589, %parallel_loop3A_583 : vector<16xi32>
        %parallel_loop3A_594 = arith.addi %parallel_loop3A_593, %parallel_loop3A_512 : vector<16xi32>
        %parallel_loop3A_595 = arith.addi %parallel_loop3A_589, %parallel_loop3A_583 : vector<16xi32>
        %parallel_loop3A_596 = arith.addi %parallel_loop3A_595, %parallel_loop3A_520 : vector<16xi32>
        %parallel_loop3A_597 = arith.addi %parallel_loop3A_589, %parallel_loop3A_586 : vector<16xi32>
        %parallel_loop3A_598 = arith.addi %parallel_loop3A_597, %parallel_loop3A_512 : vector<16xi32>
        %parallel_loop3A_599 = arith.addi %parallel_loop3A_589, %parallel_loop3A_586 : vector<16xi32>
        %parallel_loop3A_600 = arith.addi %parallel_loop3A_599, %parallel_loop3A_520 : vector<16xi32>
        %parallel_loop3A_601 = arith.addi %parallel_loop3A_592, %parallel_loop3A_583 : vector<16xi32>
        %parallel_loop3A_602 = arith.addi %parallel_loop3A_601, %parallel_loop3A_512 : vector<16xi32>
        %parallel_loop3A_603 = arith.addi %parallel_loop3A_592, %parallel_loop3A_583 : vector<16xi32>
        %parallel_loop3A_604 = arith.addi %parallel_loop3A_603, %parallel_loop3A_520 : vector<16xi32>
        %parallel_loop3A_605 = arith.addi %parallel_loop3A_592, %parallel_loop3A_586 : vector<16xi32>
        %parallel_loop3A_606 = arith.addi %parallel_loop3A_605, %parallel_loop3A_512 : vector<16xi32>
        %parallel_loop3A_607 = arith.addi %parallel_loop3A_592, %parallel_loop3A_586 : vector<16xi32>
        %parallel_loop3A_608 = arith.addi %parallel_loop3A_607, %parallel_loop3A_520 : vector<16xi32>
        %parallel_loop3A_609 = arith.constant 1.000000e+00 : f32
        %parallel_loop3A_610 = vector.broadcast %parallel_loop3A_609 : f32 to vector<16xf32>
        %parallel_loop3A_611 = arith.subf %parallel_loop3A_610, %parallel_loop3A_514 : vector<16xf32>
        %parallel_loop3A_612 = arith.constant 1.000000e+00 : f32
        %parallel_loop3A_613 = vector.broadcast %parallel_loop3A_612 : f32 to vector<16xf32>
        %parallel_loop3A_614 = arith.subf %parallel_loop3A_613, %parallel_loop3A_544 : vector<16xf32>
        %parallel_loop3A_615 = arith.constant 1.000000e+00 : f32
        %parallel_loop3A_616 = vector.broadcast %parallel_loop3A_615 : f32 to vector<16xf32>
        %parallel_loop3A_617 = arith.subf %parallel_loop3A_616, %parallel_loop3A_574 : vector<16xf32>
        %parallel_loop3A_618 = arith.mulf %parallel_loop3A_614, %parallel_loop3A_617 : vector<16xf32>
        %parallel_loop3A_619 = arith.mulf %parallel_loop3A_544, %parallel_loop3A_617 : vector<16xf32>
        %parallel_loop3A_620 = arith.mulf %parallel_loop3A_614, %parallel_loop3A_574 : vector<16xf32>
        %parallel_loop3A_621 = arith.mulf %parallel_loop3A_544, %parallel_loop3A_574 : vector<16xf32>
        %parallel_loop3A_622 = arith.mulf %parallel_loop3A_611, %parallel_loop3A_618 : vector<16xf32>
        %parallel_loop3A_623 = arith.mulf %parallel_loop3A_514, %parallel_loop3A_618 : vector<16xf32>
        %parallel_loop3A_624 = arith.mulf %parallel_loop3A_611, %parallel_loop3A_619 : vector<16xf32>
        %parallel_loop3A_625 = arith.mulf %parallel_loop3A_514, %parallel_loop3A_619 : vector<16xf32>
        %parallel_loop3A_626 = arith.mulf %parallel_loop3A_611, %parallel_loop3A_620 : vector<16xf32>
        %parallel_loop3A_627 = arith.mulf %parallel_loop3A_514, %parallel_loop3A_620 : vector<16xf32>
        %parallel_loop3A_628 = arith.mulf %parallel_loop3A_611, %parallel_loop3A_621 : vector<16xf32>
        %parallel_loop3A_629 = arith.mulf %parallel_loop3A_514, %parallel_loop3A_621 : vector<16xf32>
        %parallel_loop3A_630 = arith.constant 0 : i32
        %parallel_loop3A_631 = vector.broadcast %parallel_loop3A_630 : i32 to vector<16xi32>
        %parallel_loop3A_632 = arith.addi %parallel_loop3A_594, %parallel_loop3A_631 : vector<16xi32>
        %parallel_loop3A_633 = tpu.vector_load_idx %arg5[%parallel_loop3A_632] : memref<107824xf32, #tpu.memory_space<vmem>>[vector<16xi32>], vector<16xf32>,
        %parallel_loop3A_634 = arith.mulf %parallel_loop3A_622, %parallel_loop3A_633 : vector<16xf32>
        %parallel_loop3A_635 = arith.constant 0 : i32
        %parallel_loop3A_636 = vector.broadcast %parallel_loop3A_635 : i32 to vector<16xi32>
        %parallel_loop3A_637 = arith.addi %parallel_loop3A_596, %parallel_loop3A_636 : vector<16xi32>
        %parallel_loop3A_638 = tpu.vector_load_idx %arg5[%parallel_loop3A_637] : memref<107824xf32, #tpu.memory_space<vmem>>[vector<16xi32>], vector<16xf32>,
        %parallel_loop3A_639 = arith.mulf %parallel_loop3A_623, %parallel_loop3A_638 : vector<16xf32>
        %parallel_loop3A_640 = arith.addf %parallel_loop3A_634, %parallel_loop3A_639 : vector<16xf32>
        %parallel_loop3A_641 = arith.constant 0 : i32
        %parallel_loop3A_642 = vector.broadcast %parallel_loop3A_641 : i32 to vector<16xi32>
        %parallel_loop3A_643 = arith.addi %parallel_loop3A_598, %parallel_loop3A_642 : vector<16xi32>
        %parallel_loop3A_644 = tpu.vector_load_idx %arg5[%parallel_loop3A_643] : memref<107824xf32, #tpu.memory_space<vmem>>[vector<16xi32>], vector<16xf32>,
        %parallel_loop3A_645 = arith.mulf %parallel_loop3A_624, %parallel_loop3A_644 : vector<16xf32>
        %parallel_loop3A_646 = arith.addf %parallel_loop3A_640, %parallel_loop3A_645 : vector<16xf32>
        %parallel_loop3A_647 = arith.constant 0 : i32
        %parallel_loop3A_648 = vector.broadcast %parallel_loop3A_647 : i32 to vector<16xi32>
        %parallel_loop3A_649 = arith.addi %parallel_loop3A_600, %parallel_loop3A_648 : vector<16xi32>
        %parallel_loop3A_650 = tpu.vector_load_idx %arg5[%parallel_loop3A_649] : memref<107824xf32, #tpu.memory_space<vmem>>[vector<16xi32>], vector<16xf32>,
        %parallel_loop3A_651 = arith.mulf %parallel_loop3A_625, %parallel_loop3A_650 : vector<16xf32>
        %parallel_loop3A_652 = arith.addf %parallel_loop3A_646, %parallel_loop3A_651 : vector<16xf32>
        %parallel_loop3A_653 = arith.constant 0 : i32
        %parallel_loop3A_654 = vector.broadcast %parallel_loop3A_653 : i32 to vector<16xi32>
        %parallel_loop3A_655 = arith.addi %parallel_loop3A_602, %parallel_loop3A_654 : vector<16xi32>
        %parallel_loop3A_656 = tpu.vector_load_idx %arg5[%parallel_loop3A_655] : memref<107824xf32, #tpu.memory_space<vmem>>[vector<16xi32>], vector<16xf32>,
        %parallel_loop3A_657 = arith.mulf %parallel_loop3A_626, %parallel_loop3A_656 : vector<16xf32>
        %parallel_loop3A_658 = arith.addf %parallel_loop3A_652, %parallel_loop3A_657 : vector<16xf32>
        %parallel_loop3A_659 = arith.constant 0 : i32
        %parallel_loop3A_660 = vector.broadcast %parallel_loop3A_659 : i32 to vector<16xi32>
        %parallel_loop3A_661 = arith.addi %parallel_loop3A_604, %parallel_loop3A_660 : vector<16xi32>
        %parallel_loop3A_662 = tpu.vector_load_idx %arg5[%parallel_loop3A_661] : memref<107824xf32, #tpu.memory_space<vmem>>[vector<16xi32>], vector<16xf32>,
        %parallel_loop3A_663 = arith.mulf %parallel_loop3A_627, %parallel_loop3A_662 : vector<16xf32>
        %parallel_loop3A_664 = arith.addf %parallel_loop3A_658, %parallel_loop3A_663 : vector<16xf32>
        %parallel_loop3A_665 = arith.constant 0 : i32
        %parallel_loop3A_666 = vector.broadcast %parallel_loop3A_665 : i32 to vector<16xi32>
        %parallel_loop3A_667 = arith.addi %parallel_loop3A_606, %parallel_loop3A_666 : vector<16xi32>
        %parallel_loop3A_668 = tpu.vector_load_idx %arg5[%parallel_loop3A_667] : memref<107824xf32, #tpu.memory_space<vmem>>[vector<16xi32>], vector<16xf32>,
        %parallel_loop3A_669 = arith.mulf %parallel_loop3A_628, %parallel_loop3A_668 : vector<16xf32>
        %parallel_loop3A_670 = arith.addf %parallel_loop3A_664, %parallel_loop3A_669 : vector<16xf32>
        %parallel_loop3A_671 = arith.constant 0 : i32
        %parallel_loop3A_672 = vector.broadcast %parallel_loop3A_671 : i32 to vector<16xi32>
        %parallel_loop3A_673 = arith.addi %parallel_loop3A_608, %parallel_loop3A_672 : vector<16xi32>
        %parallel_loop3A_674 = tpu.vector_load_idx %arg5[%parallel_loop3A_673] : memref<107824xf32, #tpu.memory_space<vmem>>[vector<16xi32>], vector<16xf32>,
        %parallel_loop3A_675 = arith.mulf %parallel_loop3A_629, %parallel_loop3A_674 : vector<16xf32>
        %parallel_loop3A_676 = arith.addf %parallel_loop3A_670, %parallel_loop3A_675 : vector<16xf32>
        %parallel_loop3A_677 = arith.index_cast %parallel_loop3A_472 : i32 to index
        %parallel_loop3A_678 = arith.index_cast %parallel_loop3A_490 : i32 to index
        %parallel_loop3A_679 = tpu.vector_load %arg12[%parallel_loop3A_677, %parallel_loop3A_678] {strides = array<i32>} : memref<8x128xf32, #tpu.memory_space<vmem>>, vector<16xf32>,
        tpu.vector_store %arg12[%parallel_loop3A_677, %parallel_loop3A_678], %parallel_loop3A_676 {strides = array<i32>} : memref<8x128xf32, #tpu.memory_space<vmem>>, vector<16xf32>,
        %parallel_loop3A_680 = arith.constant 35937 : i32
        %parallel_loop3A_681 = vector.broadcast %parallel_loop3A_680 : i32 to vector<16xi32>
        %parallel_loop3A_682 = arith.addi %parallel_loop3A_594, %parallel_loop3A_681 : vector<16xi32>
        %parallel_loop3A_683 = tpu.vector_load_idx %arg5[%parallel_loop3A_682] : memref<107824xf32, #tpu.memory_space<vmem>>[vector<16xi32>], vector<16xf32>,
        %parallel_loop3A_684 = arith.mulf %parallel_loop3A_622, %parallel_loop3A_683 : vector<16xf32>
        %parallel_loop3A_685 = arith.constant 35937 : i32
        %parallel_loop3A_686 = vector.broadcast %parallel_loop3A_685 : i32 to vector<16xi32>
        %parallel_loop3A_687 = arith.addi %parallel_loop3A_596, %parallel_loop3A_686 : vector<16xi32>
        %parallel_loop3A_688 = tpu.vector_load_idx %arg5[%parallel_loop3A_687] : memref<107824xf32, #tpu.memory_space<vmem>>[vector<16xi32>], vector<16xf32>,
        %parallel_loop3A_689 = arith.mulf %parallel_loop3A_623, %parallel_loop3A_688 : vector<16xf32>
        %parallel_loop3A_690 = arith.addf %parallel_loop3A_684, %parallel_loop3A_689 : vector<16xf32>
        %parallel_loop3A_691 = arith.constant 35937 : i32
        %parallel_loop3A_692 = vector.broadcast %parallel_loop3A_691 : i32 to vector<16xi32>
        %parallel_loop3A_693 = arith.addi %parallel_loop3A_598, %parallel_loop3A_692 : vector<16xi32>
        %parallel_loop3A_694 = tpu.vector_load_idx %arg5[%parallel_loop3A_693] : memref<107824xf32, #tpu.memory_space<vmem>>[vector<16xi32>], vector<16xf32>,
        %parallel_loop3A_695 = arith.mulf %parallel_loop3A_624, %parallel_loop3A_694 : vector<16xf32>
        %parallel_loop3A_696 = arith.addf %parallel_loop3A_690, %parallel_loop3A_695 : vector<16xf32>
        %parallel_loop3A_697 = arith.constant 35937 : i32
        %parallel_loop3A_698 = vector.broadcast %parallel_loop3A_697 : i32 to vector<16xi32>
        %parallel_loop3A_699 = arith.addi %parallel_loop3A_600, %parallel_loop3A_698 : vector<16xi32>
        %parallel_loop3A_700 = tpu.vector_load_idx %arg5[%parallel_loop3A_699] : memref<107824xf32, #tpu.memory_space<vmem>>[vector<16xi32>], vector<16xf32>,
        %parallel_loop3A_701 = arith.mulf %parallel_loop3A_625, %parallel_loop3A_700 : vector<16xf32>
        %parallel_loop3A_702 = arith.addf %parallel_loop3A_696, %parallel_loop3A_701 : vector<16xf32>
        %parallel_loop3A_703 = arith.constant 35937 : i32
        %parallel_loop3A_704 = vector.broadcast %parallel_loop3A_703 : i32 to vector<16xi32>
        %parallel_loop3A_705 = arith.addi %parallel_loop3A_602, %parallel_loop3A_704 : vector<16xi32>
        %parallel_loop3A_706 = tpu.vector_load_idx %arg5[%parallel_loop3A_705] : memref<107824xf32, #tpu.memory_space<vmem>>[vector<16xi32>], vector<16xf32>,
        %parallel_loop3A_707 = arith.mulf %parallel_loop3A_626, %parallel_loop3A_706 : vector<16xf32>
        %parallel_loop3A_708 = arith.addf %parallel_loop3A_702, %parallel_loop3A_707 : vector<16xf32>
        %parallel_loop3A_709 = arith.constant 35937 : i32
        %parallel_loop3A_710 = vector.broadcast %parallel_loop3A_709 : i32 to vector<16xi32>
        %parallel_loop3A_711 = arith.addi %parallel_loop3A_604, %parallel_loop3A_710 : vector<16xi32>
        %parallel_loop3A_712 = tpu.vector_load_idx %arg5[%parallel_loop3A_711] : memref<107824xf32, #tpu.memory_space<vmem>>[vector<16xi32>], vector<16xf32>,
        %parallel_loop3A_713 = arith.mulf %parallel_loop3A_627, %parallel_loop3A_712 : vector<16xf32>
        %parallel_loop3A_714 = arith.addf %parallel_loop3A_708, %parallel_loop3A_713 : vector<16xf32>
        %parallel_loop3A_715 = arith.constant 35937 : i32
        %parallel_loop3A_716 = vector.broadcast %parallel_loop3A_715 : i32 to vector<16xi32>
        %parallel_loop3A_717 = arith.addi %parallel_loop3A_606, %parallel_loop3A_716 : vector<16xi32>
        %parallel_loop3A_718 = tpu.vector_load_idx %arg5[%parallel_loop3A_717] : memref<107824xf32, #tpu.memory_space<vmem>>[vector<16xi32>], vector<16xf32>,
        %parallel_loop3A_719 = arith.mulf %parallel_loop3A_628, %parallel_loop3A_718 : vector<16xf32>
        %parallel_loop3A_720 = arith.addf %parallel_loop3A_714, %parallel_loop3A_719 : vector<16xf32>
        %parallel_loop3A_721 = arith.constant 35937 : i32
        %parallel_loop3A_722 = vector.broadcast %parallel_loop3A_721 : i32 to vector<16xi32>
        %parallel_loop3A_723 = arith.addi %parallel_loop3A_608, %parallel_loop3A_722 : vector<16xi32>
        %parallel_loop3A_724 = tpu.vector_load_idx %arg5[%parallel_loop3A_723] : memref<107824xf32, #tpu.memory_space<vmem>>[vector<16xi32>], vector<16xf32>,
        %parallel_loop3A_725 = arith.mulf %parallel_loop3A_629, %parallel_loop3A_724 : vector<16xf32>
        %parallel_loop3A_726 = arith.addf %parallel_loop3A_720, %parallel_loop3A_725 : vector<16xf32>
        %parallel_loop3A_727 = arith.index_cast %parallel_loop3A_472 : i32 to index
        %parallel_loop3A_728 = arith.index_cast %parallel_loop3A_490 : i32 to index
        %parallel_loop3A_729 = tpu.vector_load %arg13[%parallel_loop3A_727, %parallel_loop3A_728] {strides = array<i32>} : memref<8x128xf32, #tpu.memory_space<vmem>>, vector<16xf32>,
        tpu.vector_store %arg13[%parallel_loop3A_727, %parallel_loop3A_728], %parallel_loop3A_726 {strides = array<i32>} : memref<8x128xf32, #tpu.memory_space<vmem>>, vector<16xf32>,
        %parallel_loop3A_730 = arith.constant 71874 : i32
        %parallel_loop3A_731 = vector.broadcast %parallel_loop3A_730 : i32 to vector<16xi32>
        %parallel_loop3A_732 = arith.addi %parallel_loop3A_594, %parallel_loop3A_731 : vector<16xi32>
        %parallel_loop3A_733 = tpu.vector_load_idx %arg5[%parallel_loop3A_732] : memref<107824xf32, #tpu.memory_space<vmem>>[vector<16xi32>], vector<16xf32>,
        %parallel_loop3A_734 = arith.mulf %parallel_loop3A_622, %parallel_loop3A_733 : vector<16xf32>
        %parallel_loop3A_735 = arith.constant 71874 : i32
        %parallel_loop3A_736 = vector.broadcast %parallel_loop3A_735 : i32 to vector<16xi32>
        %parallel_loop3A_737 = arith.addi %parallel_loop3A_596, %parallel_loop3A_736 : vector<16xi32>
        %parallel_loop3A_738 = tpu.vector_load_idx %arg5[%parallel_loop3A_737] : memref<107824xf32, #tpu.memory_space<vmem>>[vector<16xi32>], vector<16xf32>,
        %parallel_loop3A_739 = arith.mulf %parallel_loop3A_623, %parallel_loop3A_738 : vector<16xf32>
        %parallel_loop3A_740 = arith.addf %parallel_loop3A_734, %parallel_loop3A_739 : vector<16xf32>
        %parallel_loop3A_741 = arith.constant 71874 : i32
        %parallel_loop3A_742 = vector.broadcast %parallel_loop3A_741 : i32 to vector<16xi32>
        %parallel_loop3A_743 = arith.addi %parallel_loop3A_598, %parallel_loop3A_742 : vector<16xi32>
        %parallel_loop3A_744 = tpu.vector_load_idx %arg5[%parallel_loop3A_743] : memref<107824xf32, #tpu.memory_space<vmem>>[vector<16xi32>], vector<16xf32>,
        %parallel_loop3A_745 = arith.mulf %parallel_loop3A_624, %parallel_loop3A_744 : vector<16xf32>
        %parallel_loop3A_746 = arith.addf %parallel_loop3A_740, %parallel_loop3A_745 : vector<16xf32>
        %parallel_loop3A_747 = arith.constant 71874 : i32
        %parallel_loop3A_748 = vector.broadcast %parallel_loop3A_747 : i32 to vector<16xi32>
        %parallel_loop3A_749 = arith.addi %parallel_loop3A_600, %parallel_loop3A_748 : vector<16xi32>
        %parallel_loop3A_750 = tpu.vector_load_idx %arg5[%parallel_loop3A_749] : memref<107824xf32, #tpu.memory_space<vmem>>[vector<16xi32>], vector<16xf32>,
        %parallel_loop3A_751 = arith.mulf %parallel_loop3A_625, %parallel_loop3A_750 : vector<16xf32>
        %parallel_loop3A_752 = arith.addf %parallel_loop3A_746, %parallel_loop3A_751 : vector<16xf32>
        %parallel_loop3A_753 = arith.constant 71874 : i32
        %parallel_loop3A_754 = vector.broadcast %parallel_loop3A_753 : i32 to vector<16xi32>
        %parallel_loop3A_755 = arith.addi %parallel_loop3A_602, %parallel_loop3A_754 : vector<16xi32>
        %parallel_loop3A_756 = tpu.vector_load_idx %arg5[%parallel_loop3A_755] : memref<107824xf32, #tpu.memory_space<vmem>>[vector<16xi32>], vector<16xf32>,
        %parallel_loop3A_757 = arith.mulf %parallel_loop3A_626, %parallel_loop3A_756 : vector<16xf32>
        %parallel_loop3A_758 = arith.addf %parallel_loop3A_752, %parallel_loop3A_757 : vector<16xf32>
        %parallel_loop3A_759 = arith.constant 71874 : i32
        %parallel_loop3A_760 = vector.broadcast %parallel_loop3A_759 : i32 to vector<16xi32>
        %parallel_loop3A_761 = arith.addi %parallel_loop3A_604, %parallel_loop3A_760 : vector<16xi32>
        %parallel_loop3A_762 = tpu.vector_load_idx %arg5[%parallel_loop3A_761] : memref<107824xf32, #tpu.memory_space<vmem>>[vector<16xi32>], vector<16xf32>,
        %parallel_loop3A_763 = arith.mulf %parallel_loop3A_627, %parallel_loop3A_762 : vector<16xf32>
        %parallel_loop3A_764 = arith.addf %parallel_loop3A_758, %parallel_loop3A_763 : vector<16xf32>
        %parallel_loop3A_765 = arith.constant 71874 : i32
        %parallel_loop3A_766 = vector.broadcast %parallel_loop3A_765 : i32 to vector<16xi32>
        %parallel_loop3A_767 = arith.addi %parallel_loop3A_606, %parallel_loop3A_766 : vector<16xi32>
        %parallel_loop3A_768 = tpu.vector_load_idx %arg5[%parallel_loop3A_767] : memref<107824xf32, #tpu.memory_space<vmem>>[vector<16xi32>], vector<16xf32>,
        %parallel_loop3A_769 = arith.mulf %parallel_loop3A_628, %parallel_loop3A_768 : vector<16xf32>
        %parallel_loop3A_770 = arith.addf %parallel_loop3A_764, %parallel_loop3A_769 : vector<16xf32>
        %parallel_loop3A_771 = arith.constant 71874 : i32
        %parallel_loop3A_772 = vector.broadcast %parallel_loop3A_771 : i32 to vector<16xi32>
        %parallel_loop3A_773 = arith.addi %parallel_loop3A_608, %parallel_loop3A_772 : vector<16xi32>
        %parallel_loop3A_774 = tpu.vector_load_idx %arg5[%parallel_loop3A_773] : memref<107824xf32, #tpu.memory_space<vmem>>[vector<16xi32>], vector<16xf32>,
        %parallel_loop3A_775 = arith.mulf %parallel_loop3A_629, %parallel_loop3A_774 : vector<16xf32>
        %parallel_loop3A_776 = arith.addf %parallel_loop3A_770, %parallel_loop3A_775 : vector<16xf32>
        %parallel_loop3A_777 = arith.index_cast %parallel_loop3A_472 : i32 to index
        %parallel_loop3A_778 = arith.index_cast %parallel_loop3A_490 : i32 to index
        %parallel_loop3A_779 = tpu.vector_load %arg14[%parallel_loop3A_777, %parallel_loop3A_778] {strides = array<i32>} : memref<8x128xf32, #tpu.memory_space<vmem>>, vector<16xf32>,
        tpu.vector_store %arg14[%parallel_loop3A_777, %parallel_loop3A_778], %parallel_loop3A_776 {strides = array<i32>} : memref<8x128xf32, #tpu.memory_space<vmem>>, vector<16xf32>,
      } {sc.loop_unroll_factor = 4 : i64, sc.parallel_access}
      %mul3A_243 = arith.constant 64 : i32
      %mul3A_244 = arith.muli %select_n3A_30, %mul3A_243 : i32
      %jit3A_245 = arith.constant 4 : i32
      %div3A_246 = arith.divsi %add3A_112, %jit3A_245 : i32
      %sign3A_247 = arith.constant 0 : i32
      %sign3A_248 = arith.cmpi sgt, %add3A_112, %sign3A_247 : i32
      %sign3A_249 = arith.extui %sign3A_248 : i1 to i32
      %sign3A_250 = arith.constant 0 : i32
      %sign3A_251 = arith.cmpi slt, %add3A_112, %sign3A_250 : i32
      %sign3A_252 = arith.extui %sign3A_251 : i1 to i32
      %sign3A_253 = arith.subi %sign3A_249, %sign3A_252 : i32
      %sign3A_254 = arith.constant 0 : i32
      %sign3A_255 = arith.cmpi sgt, %jit3A_245, %sign3A_254 : i32
      %sign3A_256 = arith.extui %sign3A_255 : i1 to i32
      %sign3A_257 = arith.constant 0 : i32
      %sign3A_258 = arith.cmpi slt, %jit3A_245, %sign3A_257 : i32
      %sign3A_259 = arith.extui %sign3A_258 : i1 to i32
      %sign3A_260 = arith.subi %sign3A_256, %sign3A_259 : i32
      %ne3A_261 = arith.cmpi ne, %sign3A_253, %sign3A_260 : i32
      %rem3A_262 = arith.remsi %add3A_112, %jit3A_245 : i32
      %ne3A_263 = arith.constant 0 : i32
      %ne3A_264 = arith.cmpi ne, %rem3A_262, %ne3A_263 : i32
      %and3A_265 = arith.andi %ne3A_261, %ne3A_264 : i1
      %sub3A_266 = arith.constant 1 : i32
      %sub3A_267 = arith.subi %div3A_246, %sub3A_266 : i32
      %select_n3A_268 = arith.select %and3A_265, %sub3A_267, %div3A_246 : i32
      %mul3A_269 = arith.constant 8 : i32
      %mul3A_270 = arith.muli %select_n3A_268, %mul3A_269 : i32
      %add3A_271 = arith.addi %mul3A_244, %mul3A_270 : i32
      %jit3A_272 = arith.constant 4 : i32
      %eq3A_273 = arith.constant 0 : i32
      %eq3A_274 = arith.cmpi eq, %jit3A_272, %eq3A_273 : i32
      %jit3A_275 = arith.constant 1 : i32
      %select_n3A_276 = arith.select %eq3A_274, %jit3A_275, %jit3A_272 : i32
      %rem3A_277 = arith.remsi %add3A_112, %select_n3A_276 : i32
      %ne3A_278 = arith.constant 0 : i32
      %ne3A_279 = arith.cmpi ne, %rem3A_277, %ne3A_278 : i32
      %lt3A_280 = arith.constant 0 : i32
      %lt3A_281 = arith.cmpi slt, %rem3A_277, %lt3A_280 : i32
      %lt3A_282 = arith.constant 0 : i32
      %lt3A_283 = arith.cmpi slt, %select_n3A_276, %lt3A_282 : i32
      %ne3A_284 = arith.xori %lt3A_281, %lt3A_283 : i1
      %and3A_285 = arith.andi %ne3A_284, %ne3A_279 : i1
      %add3A_286 = arith.addi %rem3A_277, %select_n3A_276 : i32
      %select_n3A_287 = arith.select %and3A_285, %add3A_286, %rem3A_277 : i32
      %mul3A_288 = arith.constant 128 : i32
      %mul3A_289 = arith.muli %select_n3A_287, %mul3A_288 : i32
      %dma_start3A_290 = arith.constant 0 : i32
      %dma_start3A_291 = tpu.memref_slice %arg4[%select_n3A, %dma_start3A_290, %add3A_271, %mul3A_289] : memref<4x3x512x512xf32, #tpu.memory_space<hbm>> -> memref<1x1x8x128xf32, #tpu.memory_space<hbm>>
      %dma_start3A_292 = tpu.memref_squeeze %dma_start3A_291 : memref<1x1x8x128xf32, #tpu.memory_space<hbm>> -> memref<8x128xf32, #tpu.memory_space<hbm>>
      %dma_start3A_293 = tpu.memref_slice %arg4[%select_n3A, %dma_start3A_290, %add3A_271, %mul3A_289] : memref<4x3x512x512xf32, #tpu.memory_space<hbm>> -> memref<1x1x8x128xf32, #tpu.memory_space<hbm>>
      %dma_start3A_294 = tpu.memref_squeeze %dma_start3A_293 : memref<1x1x8x128xf32, #tpu.memory_space<hbm>> -> memref<8x128xf32, #tpu.memory_space<hbm>>
      tpu.enqueue_dma source(%arg12 : memref<8x128xf32, #tpu.memory_space<vmem>>) target(%dma_start3A_294 : memref<8x128xf32, #tpu.memory_space<hbm>>) target_semaphore(%arg20 : memref<!tpu.dma_semaphore, #tpu.memory_space<semaphore_mem>>)
      %dma_start3A_295 = arith.constant 1 : i32
      %dma_start3A_296 = tpu.memref_slice %arg4[%select_n3A, %dma_start3A_295, %add3A_271, %mul3A_289] : memref<4x3x512x512xf32, #tpu.memory_space<hbm>> -> memref<1x1x8x128xf32, #tpu.memory_space<hbm>>
      %dma_start3A_297 = tpu.memref_squeeze %dma_start3A_296 : memref<1x1x8x128xf32, #tpu.memory_space<hbm>> -> memref<8x128xf32, #tpu.memory_space<hbm>>
      %dma_start3A_298 = tpu.memref_slice %arg4[%select_n3A, %dma_start3A_295, %add3A_271, %mul3A_289] : memref<4x3x512x512xf32, #tpu.memory_space<hbm>> -> memref<1x1x8x128xf32, #tpu.memory_space<hbm>>
      %dma_start3A_299 = tpu.memref_squeeze %dma_start3A_298 : memref<1x1x8x128xf32, #tpu.memory_space<hbm>> -> memref<8x128xf32, #tpu.memory_space<hbm>>
      tpu.enqueue_dma source(%arg13 : memref<8x128xf32, #tpu.memory_space<vmem>>) target(%dma_start3A_299 : memref<8x128xf32, #tpu.memory_space<hbm>>) target_semaphore(%arg20 : memref<!tpu.dma_semaphore, #tpu.memory_space<semaphore_mem>>)
      %dma_start3A_300 = arith.constant 2 : i32
      %dma_start3A_301 = tpu.memref_slice %arg4[%select_n3A, %dma_start3A_300, %add3A_271, %mul3A_289] : memref<4x3x512x512xf32, #tpu.memory_space<hbm>> -> memref<1x1x8x128xf32, #tpu.memory_space<hbm>>
      %dma_start3A_302 = tpu.memref_squeeze %dma_start3A_301 : memref<1x1x8x128xf32, #tpu.memory_space<hbm>> -> memref<8x128xf32, #tpu.memory_space<hbm>>
      %dma_start3A_303 = tpu.memref_slice %arg4[%select_n3A, %dma_start3A_300, %add3A_271, %mul3A_289] : memref<4x3x512x512xf32, #tpu.memory_space<hbm>> -> memref<1x1x8x128xf32, #tpu.memory_space<hbm>>
      %dma_start3A_304 = tpu.memref_squeeze %dma_start3A_303 : memref<1x1x8x128xf32, #tpu.memory_space<hbm>> -> memref<8x128xf32, #tpu.memory_space<hbm>>
      tpu.enqueue_dma source(%arg14 : memref<8x128xf32, #tpu.memory_space<vmem>>) target(%dma_start3A_304 : memref<8x128xf32, #tpu.memory_space<hbm>>) target_semaphore(%arg20 : memref<!tpu.dma_semaphore, #tpu.memory_space<semaphore_mem>>)
      %gt3A_305 = arith.constant 0 : i32
      %gt3A_306 = arith.cmpi sgt, %add3A_112, %gt3A_305 : i32
      %convert_element_type3A_307 = arith.extui %gt3A_306 : i1 to i32
      %cond3A_308 = arith.constant 0 : i32
      %cond3A_309 = arith.cmpi ne, %convert_element_type3A_307, %cond3A_308 : i32
      scf.if %cond3A_309 {
        %sub3A_448 = arith.constant 1 : i32
        %sub3A_449 = arith.subi %add3A_112, %sub3A_448 : i32
        %mul3A_450 = arith.constant 64 : i32
        %mul3A_451 = arith.muli %select_n3A_30, %mul3A_450 : i32
        %jit3A_452 = arith.constant 4 : i32
        %div3A_453 = arith.divsi %sub3A_449, %jit3A_452 : i32
        %sign3A_454 = arith.constant 0 : i32
        %sign3A_455 = arith.cmpi sgt, %sub3A_449, %sign3A_454 : i32
        %sign3A_456 = arith.extui %sign3A_455 : i1 to i32
        %sign3A_457 = arith.constant 0 : i32
        %sign3A_458 = arith.cmpi slt, %sub3A_449, %sign3A_457 : i32
        %sign3A_459 = arith.extui %sign3A_458 : i1 to i32
        %sign3A_460 = arith.subi %sign3A_456, %sign3A_459 : i32
        %sign3A_461 = arith.constant 0 : i32
        %sign3A_462 = arith.cmpi sgt, %jit3A_452, %sign3A_461 : i32
        %sign3A_463 = arith.extui %sign3A_462 : i1 to i32
        %sign3A_464 = arith.constant 0 : i32
        %sign3A_465 = arith.cmpi slt, %jit3A_452, %sign3A_464 : i32
        %sign3A_466 = arith.extui %sign3A_465 : i1 to i32
        %sign3A_467 = arith.subi %sign3A_463, %sign3A_466 : i32
        %ne3A_468 = arith.cmpi ne, %sign3A_460, %sign3A_467 : i32
        %rem3A_469 = arith.remsi %sub3A_449, %jit3A_452 : i32
        %ne3A_470 = arith.constant 0 : i32
        %ne3A_471 = arith.cmpi ne, %rem3A_469, %ne3A_470 : i32
        %and3A_472 = arith.andi %ne3A_468, %ne3A_471 : i1
        %sub3A_473 = arith.constant 1 : i32
        %sub3A_474 = arith.subi %div3A_453, %sub3A_473 : i32
        %select_n3A_475 = arith.select %and3A_472, %sub3A_474, %div3A_453 : i32
        %mul3A_476 = arith.constant 8 : i32
        %mul3A_477 = arith.muli %select_n3A_475, %mul3A_476 : i32
        %add3A_478 = arith.addi %mul3A_451, %mul3A_477 : i32
        %jit3A_479 = arith.constant 4 : i32
        %eq3A_480 = arith.constant 0 : i32
        %eq3A_481 = arith.cmpi eq, %jit3A_479, %eq3A_480 : i32
        %jit3A_482 = arith.constant 1 : i32
        %select_n3A_483 = arith.select %eq3A_481, %jit3A_482, %jit3A_479 : i32
        %rem3A_484 = arith.remsi %sub3A_449, %select_n3A_483 : i32
        %ne3A_485 = arith.constant 0 : i32
        %ne3A_486 = arith.cmpi ne, %rem3A_484, %ne3A_485 : i32
        %lt3A_487 = arith.constant 0 : i32
        %lt3A_488 = arith.cmpi slt, %rem3A_484, %lt3A_487 : i32
        %lt3A_489 = arith.constant 0 : i32
        %lt3A_490 = arith.cmpi slt, %select_n3A_483, %lt3A_489 : i32
        %ne3A_491 = arith.xori %lt3A_488, %lt3A_490 : i1
        %and3A_492 = arith.andi %ne3A_491, %ne3A_486 : i1
        %add3A_493 = arith.addi %rem3A_484, %select_n3A_483 : i32
        %select_n3A_494 = arith.select %and3A_492, %add3A_493, %rem3A_484 : i32
        %mul3A_495 = arith.constant 128 : i32
        %mul3A_496 = arith.muli %select_n3A_494, %mul3A_495 : i32
        %dma_wait3A_497 = arith.constant 0 : i32
        %dma_wait3A_498 = tpu.memref_slice %arg4[%select_n3A, %dma_wait3A_497, %add3A_478, %mul3A_496] : memref<4x3x512x512xf32, #tpu.memory_space<hbm>> -> memref<1x1x8x128xf32, #tpu.memory_space<hbm>>
        %dma_wait3A_499 = tpu.memref_squeeze %dma_wait3A_498 : memref<1x1x8x128xf32, #tpu.memory_space<hbm>> -> memref<8x128xf32, #tpu.memory_space<hbm>>
        %dma_wait3A_500 = tpu.memref_slice %arg4[%select_n3A, %dma_wait3A_497, %add3A_478, %mul3A_496] : memref<4x3x512x512xf32, #tpu.memory_space<hbm>> -> memref<1x1x8x128xf32, #tpu.memory_space<hbm>>
        %dma_wait3A_501 = tpu.memref_squeeze %dma_wait3A_500 : memref<1x1x8x128xf32, #tpu.memory_space<hbm>> -> memref<8x128xf32, #tpu.memory_space<hbm>>
        tpu.wait_dma2 semaphore(%arg21 : memref<!tpu.dma_semaphore, #tpu.memory_space<semaphore_mem>>) src(%arg15 : memref<8x128xf32, #tpu.memory_space<vmem>>) dst(%dma_wait3A_501 : memref<8x128xf32, #tpu.memory_space<hbm>>)
        %dma_wait3A_502 = arith.constant 1 : i32
        %dma_wait3A_503 = tpu.memref_slice %arg4[%select_n3A, %dma_wait3A_502, %add3A_478, %mul3A_496] : memref<4x3x512x512xf32, #tpu.memory_space<hbm>> -> memref<1x1x8x128xf32, #tpu.memory_space<hbm>>
        %dma_wait3A_504 = tpu.memref_squeeze %dma_wait3A_503 : memref<1x1x8x128xf32, #tpu.memory_space<hbm>> -> memref<8x128xf32, #tpu.memory_space<hbm>>
        %dma_wait3A_505 = tpu.memref_slice %arg4[%select_n3A, %dma_wait3A_502, %add3A_478, %mul3A_496] : memref<4x3x512x512xf32, #tpu.memory_space<hbm>> -> memref<1x1x8x128xf32, #tpu.memory_space<hbm>>
        %dma_wait3A_506 = tpu.memref_squeeze %dma_wait3A_505 : memref<1x1x8x128xf32, #tpu.memory_space<hbm>> -> memref<8x128xf32, #tpu.memory_space<hbm>>
        tpu.wait_dma2 semaphore(%arg21 : memref<!tpu.dma_semaphore, #tpu.memory_space<semaphore_mem>>) src(%arg16 : memref<8x128xf32, #tpu.memory_space<vmem>>) dst(%dma_wait3A_506 : memref<8x128xf32, #tpu.memory_space<hbm>>)
        %dma_wait3A_507 = arith.constant 2 : i32
        %dma_wait3A_508 = tpu.memref_slice %arg4[%select_n3A, %dma_wait3A_507, %add3A_478, %mul3A_496] : memref<4x3x512x512xf32, #tpu.memory_space<hbm>> -> memref<1x1x8x128xf32, #tpu.memory_space<hbm>>
        %dma_wait3A_509 = tpu.memref_squeeze %dma_wait3A_508 : memref<1x1x8x128xf32, #tpu.memory_space<hbm>> -> memref<8x128xf32, #tpu.memory_space<hbm>>
        %dma_wait3A_510 = tpu.memref_slice %arg4[%select_n3A, %dma_wait3A_507, %add3A_478, %mul3A_496] : memref<4x3x512x512xf32, #tpu.memory_space<hbm>> -> memref<1x1x8x128xf32, #tpu.memory_space<hbm>>
        %dma_wait3A_511 = tpu.memref_squeeze %dma_wait3A_510 : memref<1x1x8x128xf32, #tpu.memory_space<hbm>> -> memref<8x128xf32, #tpu.memory_space<hbm>>
        tpu.wait_dma2 semaphore(%arg21 : memref<!tpu.dma_semaphore, #tpu.memory_space<semaphore_mem>>) src(%arg17 : memref<8x128xf32, #tpu.memory_space<vmem>>) dst(%dma_wait3A_511 : memref<8x128xf32, #tpu.memory_space<hbm>>)
      } else {
      }
      %add3A_310 = arith.constant 1 : i32
      %add3A_311 = arith.addi %add3A_112, %add3A_310 : i32
      %mul3A_312 = arith.constant 64 : i32
      %mul3A_313 = arith.muli %select_n3A_30, %mul3A_312 : i32
      %jit3A_314 = arith.constant 4 : i32
      %div3A_315 = arith.divsi %add3A_311, %jit3A_314 : i32
      %sign3A_316 = arith.constant 0 : i32
      %sign3A_317 = arith.cmpi sgt, %add3A_311, %sign3A_316 : i32
      %sign3A_318 = arith.extui %sign3A_317 : i1 to i32
      %sign3A_319 = arith.constant 0 : i32
      %sign3A_320 = arith.cmpi slt, %add3A_311, %sign3A_319 : i32
      %sign3A_321 = arith.extui %sign3A_320 : i1 to i32
      %sign3A_322 = arith.subi %sign3A_318, %sign3A_321 : i32
      %sign3A_323 = arith.constant 0 : i32
      %sign3A_324 = arith.cmpi sgt, %jit3A_314, %sign3A_323 : i32
      %sign3A_325 = arith.extui %sign3A_324 : i1 to i32
      %sign3A_326 = arith.constant 0 : i32
      %sign3A_327 = arith.cmpi slt, %jit3A_314, %sign3A_326 : i32
      %sign3A_328 = arith.extui %sign3A_327 : i1 to i32
      %sign3A_329 = arith.subi %sign3A_325, %sign3A_328 : i32
      %ne3A_330 = arith.cmpi ne, %sign3A_322, %sign3A_329 : i32
      %rem3A_331 = arith.remsi %add3A_311, %jit3A_314 : i32
      %ne3A_332 = arith.constant 0 : i32
      %ne3A_333 = arith.cmpi ne, %rem3A_331, %ne3A_332 : i32
      %and3A_334 = arith.andi %ne3A_330, %ne3A_333 : i1
      %sub3A_335 = arith.constant 1 : i32
      %sub3A_336 = arith.subi %div3A_315, %sub3A_335 : i32
      %select_n3A_337 = arith.select %and3A_334, %sub3A_336, %div3A_315 : i32
      %mul3A_338 = arith.constant 8 : i32
      %mul3A_339 = arith.muli %select_n3A_337, %mul3A_338 : i32
      %add3A_340 = arith.addi %mul3A_313, %mul3A_339 : i32
      %jit3A_341 = arith.constant 4 : i32
      %eq3A_342 = arith.constant 0 : i32
      %eq3A_343 = arith.cmpi eq, %jit3A_341, %eq3A_342 : i32
      %jit3A_344 = arith.constant 1 : i32
      %select_n3A_345 = arith.select %eq3A_343, %jit3A_344, %jit3A_341 : i32
      %rem3A_346 = arith.remsi %add3A_311, %select_n3A_345 : i32
      %ne3A_347 = arith.constant 0 : i32
      %ne3A_348 = arith.cmpi ne, %rem3A_346, %ne3A_347 : i32
      %lt3A_349 = arith.constant 0 : i32
      %lt3A_350 = arith.cmpi slt, %rem3A_346, %lt3A_349 : i32
      %lt3A_351 = arith.constant 0 : i32
      %lt3A_352 = arith.cmpi slt, %select_n3A_345, %lt3A_351 : i32
      %ne3A_353 = arith.xori %lt3A_350, %lt3A_352 : i1
      %and3A_354 = arith.andi %ne3A_353, %ne3A_348 : i1
      %add3A_355 = arith.addi %rem3A_346, %select_n3A_345 : i32
      %select_n3A_356 = arith.select %and3A_354, %add3A_355, %rem3A_346 : i32
      %mul3A_357 = arith.constant 128 : i32
      %mul3A_358 = arith.muli %select_n3A_356, %mul3A_357 : i32
      %dma_wait3A_359 = arith.constant 0 : i32
      %dma_wait3A_360 = tpu.memref_slice %arg3[%select_n3A, %dma_wait3A_359, %add3A_340, %mul3A_358] : memref<4x3x512x512xf32, #tpu.memory_space<hbm>> -> memref<1x1x8x128xf32, #tpu.memory_space<hbm>>
      %dma_wait3A_361 = tpu.memref_squeeze %dma_wait3A_360 : memref<1x1x8x128xf32, #tpu.memory_space<hbm>> -> memref<8x128xf32, #tpu.memory_space<hbm>>
      %dma_wait3A_362 = tpu.memref_slice %arg3[%select_n3A, %dma_wait3A_359, %add3A_340, %mul3A_358] : memref<4x3x512x512xf32, #tpu.memory_space<hbm>> -> memref<1x1x8x128xf32, #tpu.memory_space<hbm>>
      %dma_wait3A_363 = tpu.memref_squeeze %dma_wait3A_362 : memref<1x1x8x128xf32, #tpu.memory_space<hbm>> -> memref<8x128xf32, #tpu.memory_space<hbm>>
      tpu.wait_dma2 semaphore(%arg19 : memref<!tpu.dma_semaphore, #tpu.memory_space<semaphore_mem>>) src(%dma_wait3A_363 : memref<8x128xf32, #tpu.memory_space<hbm>>) dst(%arg9 : memref<8x128xf32, #tpu.memory_space<vmem>>)
      %dma_wait3A_364 = arith.constant 1 : i32
      %dma_wait3A_365 = tpu.memref_slice %arg3[%select_n3A, %dma_wait3A_364, %add3A_340, %mul3A_358] : memref<4x3x512x512xf32, #tpu.memory_space<hbm>> -> memref<1x1x8x128xf32, #tpu.memory_space<hbm>>
      %dma_wait3A_366 = tpu.memref_squeeze %dma_wait3A_365 : memref<1x1x8x128xf32, #tpu.memory_space<hbm>> -> memref<8x128xf32, #tpu.memory_space<hbm>>
      %dma_wait3A_367 = tpu.memref_slice %arg3[%select_n3A, %dma_wait3A_364, %add3A_340, %mul3A_358] : memref<4x3x512x512xf32, #tpu.memory_space<hbm>> -> memref<1x1x8x128xf32, #tpu.memory_space<hbm>>
      %dma_wait3A_368 = tpu.memref_squeeze %dma_wait3A_367 : memref<1x1x8x128xf32, #tpu.memory_space<hbm>> -> memref<8x128xf32, #tpu.memory_space<hbm>>
      tpu.wait_dma2 semaphore(%arg19 : memref<!tpu.dma_semaphore, #tpu.memory_space<semaphore_mem>>) src(%dma_wait3A_368 : memref<8x128xf32, #tpu.memory_space<hbm>>) dst(%arg10 : memref<8x128xf32, #tpu.memory_space<vmem>>)
      %dma_wait3A_369 = arith.constant 2 : i32
      %dma_wait3A_370 = tpu.memref_slice %arg3[%select_n3A, %dma_wait3A_369, %add3A_340, %mul3A_358] : memref<4x3x512x512xf32, #tpu.memory_space<hbm>> -> memref<1x1x8x128xf32, #tpu.memory_space<hbm>>
      %dma_wait3A_371 = tpu.memref_squeeze %dma_wait3A_370 : memref<1x1x8x128xf32, #tpu.memory_space<hbm>> -> memref<8x128xf32, #tpu.memory_space<hbm>>
      %dma_wait3A_372 = tpu.memref_slice %arg3[%select_n3A, %dma_wait3A_369, %add3A_340, %mul3A_358] : memref<4x3x512x512xf32, #tpu.memory_space<hbm>> -> memref<1x1x8x128xf32, #tpu.memory_space<hbm>>
      %dma_wait3A_373 = tpu.memref_squeeze %dma_wait3A_372 : memref<1x1x8x128xf32, #tpu.memory_space<hbm>> -> memref<8x128xf32, #tpu.memory_space<hbm>>
      tpu.wait_dma2 semaphore(%arg19 : memref<!tpu.dma_semaphore, #tpu.memory_space<semaphore_mem>>) src(%dma_wait3A_373 : memref<8x128xf32, #tpu.memory_space<hbm>>) dst(%arg11 : memref<8x128xf32, #tpu.memory_space<vmem>>)
      %add3A_374 = arith.constant 2 : i32
      %add3A_375 = arith.addi %add3A_112, %add3A_374 : i32
      %lt3A_376 = arith.constant 32 : i32
      %lt3A_377 = arith.cmpi slt, %add3A_375, %lt3A_376 : i32
      %convert_element_type3A_378 = arith.extui %lt3A_377 : i1 to i32
      %cond3A_379 = arith.constant 0 : i32
      %cond3A_380 = arith.cmpi ne, %convert_element_type3A_378, %cond3A_379 : i32
      scf.if %cond3A_380 {
        %add3A_448 = arith.constant 2 : i32
        %add3A_449 = arith.addi %add3A_112, %add3A_448 : i32
        %mul3A_450 = arith.constant 64 : i32
        %mul3A_451 = arith.muli %select_n3A_30, %mul3A_450 : i32
        %jit3A_452 = arith.constant 4 : i32
        %div3A_453 = arith.divsi %add3A_449, %jit3A_452 : i32
        %sign3A_454 = arith.constant 0 : i32
        %sign3A_455 = arith.cmpi sgt, %add3A_449, %sign3A_454 : i32
        %sign3A_456 = arith.extui %sign3A_455 : i1 to i32
        %sign3A_457 = arith.constant 0 : i32
        %sign3A_458 = arith.cmpi slt, %add3A_449, %sign3A_457 : i32
        %sign3A_459 = arith.extui %sign3A_458 : i1 to i32
        %sign3A_460 = arith.subi %sign3A_456, %sign3A_459 : i32
        %sign3A_461 = arith.constant 0 : i32
        %sign3A_462 = arith.cmpi sgt, %jit3A_452, %sign3A_461 : i32
        %sign3A_463 = arith.extui %sign3A_462 : i1 to i32
        %sign3A_464 = arith.constant 0 : i32
        %sign3A_465 = arith.cmpi slt, %jit3A_452, %sign3A_464 : i32
        %sign3A_466 = arith.extui %sign3A_465 : i1 to i32
        %sign3A_467 = arith.subi %sign3A_463, %sign3A_466 : i32
        %ne3A_468 = arith.cmpi ne, %sign3A_460, %sign3A_467 : i32
        %rem3A_469 = arith.remsi %add3A_449, %jit3A_452 : i32
        %ne3A_470 = arith.constant 0 : i32
        %ne3A_471 = arith.cmpi ne, %rem3A_469, %ne3A_470 : i32
        %and3A_472 = arith.andi %ne3A_468, %ne3A_471 : i1
        %sub3A_473 = arith.constant 1 : i32
        %sub3A_474 = arith.subi %div3A_453, %sub3A_473 : i32
        %select_n3A_475 = arith.select %and3A_472, %sub3A_474, %div3A_453 : i32
        %mul3A_476 = arith.constant 8 : i32
        %mul3A_477 = arith.muli %select_n3A_475, %mul3A_476 : i32
        %add3A_478 = arith.addi %mul3A_451, %mul3A_477 : i32
        %jit3A_479 = arith.constant 4 : i32
        %eq3A_480 = arith.constant 0 : i32
        %eq3A_481 = arith.cmpi eq, %jit3A_479, %eq3A_480 : i32
        %jit3A_482 = arith.constant 1 : i32
        %select_n3A_483 = arith.select %eq3A_481, %jit3A_482, %jit3A_479 : i32
        %rem3A_484 = arith.remsi %add3A_449, %select_n3A_483 : i32
        %ne3A_485 = arith.constant 0 : i32
        %ne3A_486 = arith.cmpi ne, %rem3A_484, %ne3A_485 : i32
        %lt3A_487 = arith.constant 0 : i32
        %lt3A_488 = arith.cmpi slt, %rem3A_484, %lt3A_487 : i32
        %lt3A_489 = arith.constant 0 : i32
        %lt3A_490 = arith.cmpi slt, %select_n3A_483, %lt3A_489 : i32
        %ne3A_491 = arith.xori %lt3A_488, %lt3A_490 : i1
        %and3A_492 = arith.andi %ne3A_491, %ne3A_486 : i1
        %add3A_493 = arith.addi %rem3A_484, %select_n3A_483 : i32
        %select_n3A_494 = arith.select %and3A_492, %add3A_493, %rem3A_484 : i32
        %mul3A_495 = arith.constant 128 : i32
        %mul3A_496 = arith.muli %select_n3A_494, %mul3A_495 : i32
        %dma_start3A_497 = arith.constant 0 : i32
        %dma_start3A_498 = tpu.memref_slice %arg3[%select_n3A, %dma_start3A_497, %add3A_478, %mul3A_496] : memref<4x3x512x512xf32, #tpu.memory_space<hbm>> -> memref<1x1x8x128xf32, #tpu.memory_space<hbm>>
        %dma_start3A_499 = tpu.memref_squeeze %dma_start3A_498 : memref<1x1x8x128xf32, #tpu.memory_space<hbm>> -> memref<8x128xf32, #tpu.memory_space<hbm>>
        %dma_start3A_500 = tpu.memref_slice %arg3[%select_n3A, %dma_start3A_497, %add3A_478, %mul3A_496] : memref<4x3x512x512xf32, #tpu.memory_space<hbm>> -> memref<1x1x8x128xf32, #tpu.memory_space<hbm>>
        %dma_start3A_501 = tpu.memref_squeeze %dma_start3A_500 : memref<1x1x8x128xf32, #tpu.memory_space<hbm>> -> memref<8x128xf32, #tpu.memory_space<hbm>>
        tpu.enqueue_dma source(%dma_start3A_501 : memref<8x128xf32, #tpu.memory_space<hbm>>) target(%arg6 : memref<8x128xf32, #tpu.memory_space<vmem>>) target_semaphore(%arg18 : memref<!tpu.dma_semaphore, #tpu.memory_space<semaphore_mem>>)
        %dma_start3A_502 = arith.constant 1 : i32
        %dma_start3A_503 = tpu.memref_slice %arg3[%select_n3A, %dma_start3A_502, %add3A_478, %mul3A_496] : memref<4x3x512x512xf32, #tpu.memory_space<hbm>> -> memref<1x1x8x128xf32, #tpu.memory_space<hbm>>
        %dma_start3A_504 = tpu.memref_squeeze %dma_start3A_503 : memref<1x1x8x128xf32, #tpu.memory_space<hbm>> -> memref<8x128xf32, #tpu.memory_space<hbm>>
        %dma_start3A_505 = tpu.memref_slice %arg3[%select_n3A, %dma_start3A_502, %add3A_478, %mul3A_496] : memref<4x3x512x512xf32, #tpu.memory_space<hbm>> -> memref<1x1x8x128xf32, #tpu.memory_space<hbm>>
        %dma_start3A_506 = tpu.memref_squeeze %dma_start3A_505 : memref<1x1x8x128xf32, #tpu.memory_space<hbm>> -> memref<8x128xf32, #tpu.memory_space<hbm>>
        tpu.enqueue_dma source(%dma_start3A_506 : memref<8x128xf32, #tpu.memory_space<hbm>>) target(%arg7 : memref<8x128xf32, #tpu.memory_space<vmem>>) target_semaphore(%arg18 : memref<!tpu.dma_semaphore, #tpu.memory_space<semaphore_mem>>)
        %dma_start3A_507 = arith.constant 2 : i32
        %dma_start3A_508 = tpu.memref_slice %arg3[%select_n3A, %dma_start3A_507, %add3A_478, %mul3A_496] : memref<4x3x512x512xf32, #tpu.memory_space<hbm>> -> memref<1x1x8x128xf32, #tpu.memory_space<hbm>>
        %dma_start3A_509 = tpu.memref_squeeze %dma_start3A_508 : memref<1x1x8x128xf32, #tpu.memory_space<hbm>> -> memref<8x128xf32, #tpu.memory_space<hbm>>
        %dma_start3A_510 = tpu.memref_slice %arg3[%select_n3A, %dma_start3A_507, %add3A_478, %mul3A_496] : memref<4x3x512x512xf32, #tpu.memory_space<hbm>> -> memref<1x1x8x128xf32, #tpu.memory_space<hbm>>
        %dma_start3A_511 = tpu.memref_squeeze %dma_start3A_510 : memref<1x1x8x128xf32, #tpu.memory_space<hbm>> -> memref<8x128xf32, #tpu.memory_space<hbm>>
        tpu.enqueue_dma source(%dma_start3A_511 : memref<8x128xf32, #tpu.memory_space<hbm>>) target(%arg8 : memref<8x128xf32, #tpu.memory_space<vmem>>) target_semaphore(%arg18 : memref<!tpu.dma_semaphore, #tpu.memory_space<semaphore_mem>>)
      } else {
      }
      %parallel_loop3A_381 = arith.constant 0 : i32
      %parallel_loop3A_382 = arith.constant 64 : i32
      %parallel_loop3A_383 = arith.constant 1 : i32
      scf.for %parallel_loop3A_448 = %parallel_loop3A_381 to %parallel_loop3A_382 step %parallel_loop3A_383  : i32 {
        %parallel_loop3A_449 = arith.constant 8 : i32
        %parallel_loop3A_450 = arith.divsi %parallel_loop3A_448, %parallel_loop3A_449 : i32
        %parallel_loop3A_451 = arith.constant 0 : i32
        %parallel_loop3A_452 = arith.cmpi sgt, %parallel_loop3A_448, %parallel_loop3A_451 : i32
        %parallel_loop3A_453 = arith.extui %parallel_loop3A_452 : i1 to i32
        %parallel_loop3A_454 = arith.constant 0 : i32
        %parallel_loop3A_455 = arith.cmpi slt, %parallel_loop3A_448, %parallel_loop3A_454 : i32
        %parallel_loop3A_456 = arith.extui %parallel_loop3A_455 : i1 to i32
        %parallel_loop3A_457 = arith.subi %parallel_loop3A_453, %parallel_loop3A_456 : i32
        %parallel_loop3A_458 = arith.constant 0 : i32
        %parallel_loop3A_459 = arith.cmpi sgt, %parallel_loop3A_449, %parallel_loop3A_458 : i32
        %parallel_loop3A_460 = arith.extui %parallel_loop3A_459 : i1 to i32
        %parallel_loop3A_461 = arith.constant 0 : i32
        %parallel_loop3A_462 = arith.cmpi slt, %parallel_loop3A_449, %parallel_loop3A_461 : i32
        %parallel_loop3A_463 = arith.extui %parallel_loop3A_462 : i1 to i32
        %parallel_loop3A_464 = arith.subi %parallel_loop3A_460, %parallel_loop3A_463 : i32
        %parallel_loop3A_465 = arith.cmpi ne, %parallel_loop3A_457, %parallel_loop3A_464 : i32
        %parallel_loop3A_466 = arith.remsi %parallel_loop3A_448, %parallel_loop3A_449 : i32
        %parallel_loop3A_467 = arith.constant 0 : i32
        %parallel_loop3A_468 = arith.cmpi ne, %parallel_loop3A_466, %parallel_loop3A_467 : i32
        %parallel_loop3A_469 = arith.andi %parallel_loop3A_465, %parallel_loop3A_468 : i1
        %parallel_loop3A_470 = arith.constant 1 : i32
        %parallel_loop3A_471 = arith.subi %parallel_loop3A_450, %parallel_loop3A_470 : i32
        %parallel_loop3A_472 = arith.select %parallel_loop3A_469, %parallel_loop3A_471, %parallel_loop3A_450 : i32
        %parallel_loop3A_473 = arith.constant 8 : i32
        %parallel_loop3A_474 = arith.constant 0 : i32
        %parallel_loop3A_475 = arith.cmpi eq, %parallel_loop3A_473, %parallel_loop3A_474 : i32
        %parallel_loop3A_476 = arith.constant 1 : i32
        %parallel_loop3A_477 = arith.select %parallel_loop3A_475, %parallel_loop3A_476, %parallel_loop3A_473 : i32
        %parallel_loop3A_478 = arith.remsi %parallel_loop3A_448, %parallel_loop3A_477 : i32
        %parallel_loop3A_479 = arith.constant 0 : i32
        %parallel_loop3A_480 = arith.cmpi ne, %parallel_loop3A_478, %parallel_loop3A_479 : i32
        %parallel_loop3A_481 = arith.constant 0 : i32
        %parallel_loop3A_482 = arith.cmpi slt, %parallel_loop3A_478, %parallel_loop3A_481 : i32
        %parallel_loop3A_483 = arith.constant 0 : i32
        %parallel_loop3A_484 = arith.cmpi slt, %parallel_loop3A_477, %parallel_loop3A_483 : i32
        %parallel_loop3A_485 = arith.xori %parallel_loop3A_482, %parallel_loop3A_484 : i1
        %parallel_loop3A_486 = arith.andi %parallel_loop3A_485, %parallel_loop3A_480 : i1
        %parallel_loop3A_487 = arith.addi %parallel_loop3A_478, %parallel_loop3A_477 : i32
        %parallel_loop3A_488 = arith.select %parallel_loop3A_486, %parallel_loop3A_487, %parallel_loop3A_478 : i32
        %parallel_loop3A_489 = arith.constant 16 : i32
        %parallel_loop3A_490 = arith.muli %parallel_loop3A_488, %parallel_loop3A_489 : i32
        %parallel_loop3A_491 = arith.index_cast %parallel_loop3A_472 : i32 to index
        %parallel_loop3A_492 = arith.index_cast %parallel_loop3A_490 : i32 to index
        %parallel_loop3A_493 = tpu.vector_load %arg9[%parallel_loop3A_491, %parallel_loop3A_492] {strides = array<i32>} : memref<8x128xf32, #tpu.memory_space<vmem>>, vector<16xf32>,
        %parallel_loop3A_494 = arith.constant 2.000000e+00 : f32
        %parallel_loop3A_495 = vector.broadcast %parallel_loop3A_494 : f32 to vector<16xf32>
        %parallel_loop3A_496 = arith.mulf %parallel_loop3A_493, %parallel_loop3A_495 : vector<16xf32>
        %parallel_loop3A_497 = arith.constant 1.000000e+00 : f32
        %parallel_loop3A_498 = vector.broadcast %parallel_loop3A_497 : f32 to vector<16xf32>
        %parallel_loop3A_499 = arith.subf %parallel_loop3A_496, %parallel_loop3A_498 : vector<16xf32>
        %parallel_loop3A_500 = arith.constant 1.000000e+00 : f32
        %parallel_loop3A_501 = vector.broadcast %parallel_loop3A_500 : f32 to vector<16xf32>
        %parallel_loop3A_502 = arith.addf %parallel_loop3A_499, %parallel_loop3A_501 : vector<16xf32>
        %parallel_loop3A_503 = arith.constant 1.600000e+01 : f32
        %parallel_loop3A_504 = vector.broadcast %parallel_loop3A_503 : f32 to vector<16xf32>
        %parallel_loop3A_505 = arith.mulf %parallel_loop3A_502, %parallel_loop3A_504 : vector<16xf32>
        %parallel_loop3A_506 = arith.constant 0.000000e+00 : f32
        %parallel_loop3A_507 = vector.broadcast %parallel_loop3A_506 : f32 to vector<16xf32>
        %parallel_loop3A_508 = arith.maximumf %parallel_loop3A_505, %parallel_loop3A_507 : vector<16xf32>
        %parallel_loop3A_509 = arith.constant 3.200000e+01 : f32
        %parallel_loop3A_510 = vector.broadcast %parallel_loop3A_509 : f32 to vector<16xf32>
        %parallel_loop3A_511 = arith.minimumf %parallel_loop3A_508, %parallel_loop3A_510 : vector<16xf32>
        %parallel_loop3A_512 = arith.fptosi %parallel_loop3A_511 : vector<16xf32> to vector<16xi32>
        %parallel_loop3A_513 = arith.sitofp %parallel_loop3A_512 : vector<16xi32> to vector<16xf32>
        %parallel_loop3A_514 = arith.subf %parallel_loop3A_511, %parallel_loop3A_513 : vector<16xf32>
        %parallel_loop3A_515 = arith.constant 1 : i32
        %parallel_loop3A_516 = vector.broadcast %parallel_loop3A_515 : i32 to vector<16xi32>
        %parallel_loop3A_517 = arith.addi %parallel_loop3A_512, %parallel_loop3A_516 : vector<16xi32>
        %parallel_loop3A_518 = arith.constant 32 : i32
        %parallel_loop3A_519 = vector.broadcast %parallel_loop3A_518 : i32 to vector<16xi32>
        %parallel_loop3A_520 = arith.minsi %parallel_loop3A_517, %parallel_loop3A_519 : vector<16xi32>
        %parallel_loop3A_521 = arith.index_cast %parallel_loop3A_472 : i32 to index
        %parallel_loop3A_522 = arith.index_cast %parallel_loop3A_490 : i32 to index
        %parallel_loop3A_523 = tpu.vector_load %arg10[%parallel_loop3A_521, %parallel_loop3A_522] {strides = array<i32>} : memref<8x128xf32, #tpu.memory_space<vmem>>, vector<16xf32>,
        %parallel_loop3A_524 = arith.constant 2.000000e+00 : f32
        %parallel_loop3A_525 = vector.broadcast %parallel_loop3A_524 : f32 to vector<16xf32>
        %parallel_loop3A_526 = arith.mulf %parallel_loop3A_523, %parallel_loop3A_525 : vector<16xf32>
        %parallel_loop3A_527 = arith.constant 1.000000e+00 : f32
        %parallel_loop3A_528 = vector.broadcast %parallel_loop3A_527 : f32 to vector<16xf32>
        %parallel_loop3A_529 = arith.subf %parallel_loop3A_526, %parallel_loop3A_528 : vector<16xf32>
        %parallel_loop3A_530 = arith.constant 1.000000e+00 : f32
        %parallel_loop3A_531 = vector.broadcast %parallel_loop3A_530 : f32 to vector<16xf32>
        %parallel_loop3A_532 = arith.addf %parallel_loop3A_529, %parallel_loop3A_531 : vector<16xf32>
        %parallel_loop3A_533 = arith.constant 1.600000e+01 : f32
        %parallel_loop3A_534 = vector.broadcast %parallel_loop3A_533 : f32 to vector<16xf32>
        %parallel_loop3A_535 = arith.mulf %parallel_loop3A_532, %parallel_loop3A_534 : vector<16xf32>
        %parallel_loop3A_536 = arith.constant 0.000000e+00 : f32
        %parallel_loop3A_537 = vector.broadcast %parallel_loop3A_536 : f32 to vector<16xf32>
        %parallel_loop3A_538 = arith.maximumf %parallel_loop3A_535, %parallel_loop3A_537 : vector<16xf32>
        %parallel_loop3A_539 = arith.constant 3.200000e+01 : f32
        %parallel_loop3A_540 = vector.broadcast %parallel_loop3A_539 : f32 to vector<16xf32>
        %parallel_loop3A_541 = arith.minimumf %parallel_loop3A_538, %parallel_loop3A_540 : vector<16xf32>
        %parallel_loop3A_542 = arith.fptosi %parallel_loop3A_541 : vector<16xf32> to vector<16xi32>
        %parallel_loop3A_543 = arith.sitofp %parallel_loop3A_542 : vector<16xi32> to vector<16xf32>
        %parallel_loop3A_544 = arith.subf %parallel_loop3A_541, %parallel_loop3A_543 : vector<16xf32>
        %parallel_loop3A_545 = arith.constant 1 : i32
        %parallel_loop3A_546 = vector.broadcast %parallel_loop3A_545 : i32 to vector<16xi32>
        %parallel_loop3A_547 = arith.addi %parallel_loop3A_542, %parallel_loop3A_546 : vector<16xi32>
        %parallel_loop3A_548 = arith.constant 32 : i32
        %parallel_loop3A_549 = vector.broadcast %parallel_loop3A_548 : i32 to vector<16xi32>
        %parallel_loop3A_550 = arith.minsi %parallel_loop3A_547, %parallel_loop3A_549 : vector<16xi32>
        %parallel_loop3A_551 = arith.index_cast %parallel_loop3A_472 : i32 to index
        %parallel_loop3A_552 = arith.index_cast %parallel_loop3A_490 : i32 to index
        %parallel_loop3A_553 = tpu.vector_load %arg11[%parallel_loop3A_551, %parallel_loop3A_552] {strides = array<i32>} : memref<8x128xf32, #tpu.memory_space<vmem>>, vector<16xf32>,
        %parallel_loop3A_554 = arith.constant 2.000000e+00 : f32
        %parallel_loop3A_555 = vector.broadcast %parallel_loop3A_554 : f32 to vector<16xf32>
        %parallel_loop3A_556 = arith.mulf %parallel_loop3A_553, %parallel_loop3A_555 : vector<16xf32>
        %parallel_loop3A_557 = arith.constant 1.000000e+00 : f32
        %parallel_loop3A_558 = vector.broadcast %parallel_loop3A_557 : f32 to vector<16xf32>
        %parallel_loop3A_559 = arith.subf %parallel_loop3A_556, %parallel_loop3A_558 : vector<16xf32>
        %parallel_loop3A_560 = arith.constant 1.000000e+00 : f32
        %parallel_loop3A_561 = vector.broadcast %parallel_loop3A_560 : f32 to vector<16xf32>
        %parallel_loop3A_562 = arith.addf %parallel_loop3A_559, %parallel_loop3A_561 : vector<16xf32>
        %parallel_loop3A_563 = arith.constant 1.600000e+01 : f32
        %parallel_loop3A_564 = vector.broadcast %parallel_loop3A_563 : f32 to vector<16xf32>
        %parallel_loop3A_565 = arith.mulf %parallel_loop3A_562, %parallel_loop3A_564 : vector<16xf32>
        %parallel_loop3A_566 = arith.constant 0.000000e+00 : f32
        %parallel_loop3A_567 = vector.broadcast %parallel_loop3A_566 : f32 to vector<16xf32>
        %parallel_loop3A_568 = arith.maximumf %parallel_loop3A_565, %parallel_loop3A_567 : vector<16xf32>
        %parallel_loop3A_569 = arith.constant 3.200000e+01 : f32
        %parallel_loop3A_570 = vector.broadcast %parallel_loop3A_569 : f32 to vector<16xf32>
        %parallel_loop3A_571 = arith.minimumf %parallel_loop3A_568, %parallel_loop3A_570 : vector<16xf32>
        %parallel_loop3A_572 = arith.fptosi %parallel_loop3A_571 : vector<16xf32> to vector<16xi32>
        %parallel_loop3A_573 = arith.sitofp %parallel_loop3A_572 : vector<16xi32> to vector<16xf32>
        %parallel_loop3A_574 = arith.subf %parallel_loop3A_571, %parallel_loop3A_573 : vector<16xf32>
        %parallel_loop3A_575 = arith.constant 1 : i32
        %parallel_loop3A_576 = vector.broadcast %parallel_loop3A_575 : i32 to vector<16xi32>
        %parallel_loop3A_577 = arith.addi %parallel_loop3A_572, %parallel_loop3A_576 : vector<16xi32>
        %parallel_loop3A_578 = arith.constant 32 : i32
        %parallel_loop3A_579 = vector.broadcast %parallel_loop3A_578 : i32 to vector<16xi32>
        %parallel_loop3A_580 = arith.minsi %parallel_loop3A_577, %parallel_loop3A_579 : vector<16xi32>
        %parallel_loop3A_581 = arith.constant 33 : i32
        %parallel_loop3A_582 = vector.broadcast %parallel_loop3A_581 : i32 to vector<16xi32>
        %parallel_loop3A_583 = arith.muli %parallel_loop3A_542, %parallel_loop3A_582 : vector<16xi32>
        %parallel_loop3A_584 = arith.constant 33 : i32
        %parallel_loop3A_585 = vector.broadcast %parallel_loop3A_584 : i32 to vector<16xi32>
        %parallel_loop3A_586 = arith.muli %parallel_loop3A_550, %parallel_loop3A_585 : vector<16xi32>
        %parallel_loop3A_587 = arith.constant 1089 : i32
        %parallel_loop3A_588 = vector.broadcast %parallel_loop3A_587 : i32 to vector<16xi32>
        %parallel_loop3A_589 = arith.muli %parallel_loop3A_572, %parallel_loop3A_588 : vector<16xi32>
        %parallel_loop3A_590 = arith.constant 1089 : i32
        %parallel_loop3A_591 = vector.broadcast %parallel_loop3A_590 : i32 to vector<16xi32>
        %parallel_loop3A_592 = arith.muli %parallel_loop3A_580, %parallel_loop3A_591 : vector<16xi32>
        %parallel_loop3A_593 = arith.addi %parallel_loop3A_589, %parallel_loop3A_583 : vector<16xi32>
        %parallel_loop3A_594 = arith.addi %parallel_loop3A_593, %parallel_loop3A_512 : vector<16xi32>
        %parallel_loop3A_595 = arith.addi %parallel_loop3A_589, %parallel_loop3A_583 : vector<16xi32>
        %parallel_loop3A_596 = arith.addi %parallel_loop3A_595, %parallel_loop3A_520 : vector<16xi32>
        %parallel_loop3A_597 = arith.addi %parallel_loop3A_589, %parallel_loop3A_586 : vector<16xi32>
        %parallel_loop3A_598 = arith.addi %parallel_loop3A_597, %parallel_loop3A_512 : vector<16xi32>
        %parallel_loop3A_599 = arith.addi %parallel_loop3A_589, %parallel_loop3A_586 : vector<16xi32>
        %parallel_loop3A_600 = arith.addi %parallel_loop3A_599, %parallel_loop3A_520 : vector<16xi32>
        %parallel_loop3A_601 = arith.addi %parallel_loop3A_592, %parallel_loop3A_583 : vector<16xi32>
        %parallel_loop3A_602 = arith.addi %parallel_loop3A_601, %parallel_loop3A_512 : vector<16xi32>
        %parallel_loop3A_603 = arith.addi %parallel_loop3A_592, %parallel_loop3A_583 : vector<16xi32>
        %parallel_loop3A_604 = arith.addi %parallel_loop3A_603, %parallel_loop3A_520 : vector<16xi32>
        %parallel_loop3A_605 = arith.addi %parallel_loop3A_592, %parallel_loop3A_586 : vector<16xi32>
        %parallel_loop3A_606 = arith.addi %parallel_loop3A_605, %parallel_loop3A_512 : vector<16xi32>
        %parallel_loop3A_607 = arith.addi %parallel_loop3A_592, %parallel_loop3A_586 : vector<16xi32>
        %parallel_loop3A_608 = arith.addi %parallel_loop3A_607, %parallel_loop3A_520 : vector<16xi32>
        %parallel_loop3A_609 = arith.constant 1.000000e+00 : f32
        %parallel_loop3A_610 = vector.broadcast %parallel_loop3A_609 : f32 to vector<16xf32>
        %parallel_loop3A_611 = arith.subf %parallel_loop3A_610, %parallel_loop3A_514 : vector<16xf32>
        %parallel_loop3A_612 = arith.constant 1.000000e+00 : f32
        %parallel_loop3A_613 = vector.broadcast %parallel_loop3A_612 : f32 to vector<16xf32>
        %parallel_loop3A_614 = arith.subf %parallel_loop3A_613, %parallel_loop3A_544 : vector<16xf32>
        %parallel_loop3A_615 = arith.constant 1.000000e+00 : f32
        %parallel_loop3A_616 = vector.broadcast %parallel_loop3A_615 : f32 to vector<16xf32>
        %parallel_loop3A_617 = arith.subf %parallel_loop3A_616, %parallel_loop3A_574 : vector<16xf32>
        %parallel_loop3A_618 = arith.mulf %parallel_loop3A_614, %parallel_loop3A_617 : vector<16xf32>
        %parallel_loop3A_619 = arith.mulf %parallel_loop3A_544, %parallel_loop3A_617 : vector<16xf32>
        %parallel_loop3A_620 = arith.mulf %parallel_loop3A_614, %parallel_loop3A_574 : vector<16xf32>
        %parallel_loop3A_621 = arith.mulf %parallel_loop3A_544, %parallel_loop3A_574 : vector<16xf32>
        %parallel_loop3A_622 = arith.mulf %parallel_loop3A_611, %parallel_loop3A_618 : vector<16xf32>
        %parallel_loop3A_623 = arith.mulf %parallel_loop3A_514, %parallel_loop3A_618 : vector<16xf32>
        %parallel_loop3A_624 = arith.mulf %parallel_loop3A_611, %parallel_loop3A_619 : vector<16xf32>
        %parallel_loop3A_625 = arith.mulf %parallel_loop3A_514, %parallel_loop3A_619 : vector<16xf32>
        %parallel_loop3A_626 = arith.mulf %parallel_loop3A_611, %parallel_loop3A_620 : vector<16xf32>
        %parallel_loop3A_627 = arith.mulf %parallel_loop3A_514, %parallel_loop3A_620 : vector<16xf32>
        %parallel_loop3A_628 = arith.mulf %parallel_loop3A_611, %parallel_loop3A_621 : vector<16xf32>
        %parallel_loop3A_629 = arith.mulf %parallel_loop3A_514, %parallel_loop3A_621 : vector<16xf32>
        %parallel_loop3A_630 = arith.constant 0 : i32
        %parallel_loop3A_631 = vector.broadcast %parallel_loop3A_630 : i32 to vector<16xi32>
        %parallel_loop3A_632 = arith.addi %parallel_loop3A_594, %parallel_loop3A_631 : vector<16xi32>
        %parallel_loop3A_633 = tpu.vector_load_idx %arg5[%parallel_loop3A_632] : memref<107824xf32, #tpu.memory_space<vmem>>[vector<16xi32>], vector<16xf32>,
        %parallel_loop3A_634 = arith.mulf %parallel_loop3A_622, %parallel_loop3A_633 : vector<16xf32>
        %parallel_loop3A_635 = arith.constant 0 : i32
        %parallel_loop3A_636 = vector.broadcast %parallel_loop3A_635 : i32 to vector<16xi32>
        %parallel_loop3A_637 = arith.addi %parallel_loop3A_596, %parallel_loop3A_636 : vector<16xi32>
        %parallel_loop3A_638 = tpu.vector_load_idx %arg5[%parallel_loop3A_637] : memref<107824xf32, #tpu.memory_space<vmem>>[vector<16xi32>], vector<16xf32>,
        %parallel_loop3A_639 = arith.mulf %parallel_loop3A_623, %parallel_loop3A_638 : vector<16xf32>
        %parallel_loop3A_640 = arith.addf %parallel_loop3A_634, %parallel_loop3A_639 : vector<16xf32>
        %parallel_loop3A_641 = arith.constant 0 : i32
        %parallel_loop3A_642 = vector.broadcast %parallel_loop3A_641 : i32 to vector<16xi32>
        %parallel_loop3A_643 = arith.addi %parallel_loop3A_598, %parallel_loop3A_642 : vector<16xi32>
        %parallel_loop3A_644 = tpu.vector_load_idx %arg5[%parallel_loop3A_643] : memref<107824xf32, #tpu.memory_space<vmem>>[vector<16xi32>], vector<16xf32>,
        %parallel_loop3A_645 = arith.mulf %parallel_loop3A_624, %parallel_loop3A_644 : vector<16xf32>
        %parallel_loop3A_646 = arith.addf %parallel_loop3A_640, %parallel_loop3A_645 : vector<16xf32>
        %parallel_loop3A_647 = arith.constant 0 : i32
        %parallel_loop3A_648 = vector.broadcast %parallel_loop3A_647 : i32 to vector<16xi32>
        %parallel_loop3A_649 = arith.addi %parallel_loop3A_600, %parallel_loop3A_648 : vector<16xi32>
        %parallel_loop3A_650 = tpu.vector_load_idx %arg5[%parallel_loop3A_649] : memref<107824xf32, #tpu.memory_space<vmem>>[vector<16xi32>], vector<16xf32>,
        %parallel_loop3A_651 = arith.mulf %parallel_loop3A_625, %parallel_loop3A_650 : vector<16xf32>
        %parallel_loop3A_652 = arith.addf %parallel_loop3A_646, %parallel_loop3A_651 : vector<16xf32>
        %parallel_loop3A_653 = arith.constant 0 : i32
        %parallel_loop3A_654 = vector.broadcast %parallel_loop3A_653 : i32 to vector<16xi32>
        %parallel_loop3A_655 = arith.addi %parallel_loop3A_602, %parallel_loop3A_654 : vector<16xi32>
        %parallel_loop3A_656 = tpu.vector_load_idx %arg5[%parallel_loop3A_655] : memref<107824xf32, #tpu.memory_space<vmem>>[vector<16xi32>], vector<16xf32>,
        %parallel_loop3A_657 = arith.mulf %parallel_loop3A_626, %parallel_loop3A_656 : vector<16xf32>
        %parallel_loop3A_658 = arith.addf %parallel_loop3A_652, %parallel_loop3A_657 : vector<16xf32>
        %parallel_loop3A_659 = arith.constant 0 : i32
        %parallel_loop3A_660 = vector.broadcast %parallel_loop3A_659 : i32 to vector<16xi32>
        %parallel_loop3A_661 = arith.addi %parallel_loop3A_604, %parallel_loop3A_660 : vector<16xi32>
        %parallel_loop3A_662 = tpu.vector_load_idx %arg5[%parallel_loop3A_661] : memref<107824xf32, #tpu.memory_space<vmem>>[vector<16xi32>], vector<16xf32>,
        %parallel_loop3A_663 = arith.mulf %parallel_loop3A_627, %parallel_loop3A_662 : vector<16xf32>
        %parallel_loop3A_664 = arith.addf %parallel_loop3A_658, %parallel_loop3A_663 : vector<16xf32>
        %parallel_loop3A_665 = arith.constant 0 : i32
        %parallel_loop3A_666 = vector.broadcast %parallel_loop3A_665 : i32 to vector<16xi32>
        %parallel_loop3A_667 = arith.addi %parallel_loop3A_606, %parallel_loop3A_666 : vector<16xi32>
        %parallel_loop3A_668 = tpu.vector_load_idx %arg5[%parallel_loop3A_667] : memref<107824xf32, #tpu.memory_space<vmem>>[vector<16xi32>], vector<16xf32>,
        %parallel_loop3A_669 = arith.mulf %parallel_loop3A_628, %parallel_loop3A_668 : vector<16xf32>
        %parallel_loop3A_670 = arith.addf %parallel_loop3A_664, %parallel_loop3A_669 : vector<16xf32>
        %parallel_loop3A_671 = arith.constant 0 : i32
        %parallel_loop3A_672 = vector.broadcast %parallel_loop3A_671 : i32 to vector<16xi32>
        %parallel_loop3A_673 = arith.addi %parallel_loop3A_608, %parallel_loop3A_672 : vector<16xi32>
        %parallel_loop3A_674 = tpu.vector_load_idx %arg5[%parallel_loop3A_673] : memref<107824xf32, #tpu.memory_space<vmem>>[vector<16xi32>], vector<16xf32>,
        %parallel_loop3A_675 = arith.mulf %parallel_loop3A_629, %parallel_loop3A_674 : vector<16xf32>
        %parallel_loop3A_676 = arith.addf %parallel_loop3A_670, %parallel_loop3A_675 : vector<16xf32>
        %parallel_loop3A_677 = arith.index_cast %parallel_loop3A_472 : i32 to index
        %parallel_loop3A_678 = arith.index_cast %parallel_loop3A_490 : i32 to index
        %parallel_loop3A_679 = tpu.vector_load %arg15[%parallel_loop3A_677, %parallel_loop3A_678] {strides = array<i32>} : memref<8x128xf32, #tpu.memory_space<vmem>>, vector<16xf32>,
        tpu.vector_store %arg15[%parallel_loop3A_677, %parallel_loop3A_678], %parallel_loop3A_676 {strides = array<i32>} : memref<8x128xf32, #tpu.memory_space<vmem>>, vector<16xf32>,
        %parallel_loop3A_680 = arith.constant 35937 : i32
        %parallel_loop3A_681 = vector.broadcast %parallel_loop3A_680 : i32 to vector<16xi32>
        %parallel_loop3A_682 = arith.addi %parallel_loop3A_594, %parallel_loop3A_681 : vector<16xi32>
        %parallel_loop3A_683 = tpu.vector_load_idx %arg5[%parallel_loop3A_682] : memref<107824xf32, #tpu.memory_space<vmem>>[vector<16xi32>], vector<16xf32>,
        %parallel_loop3A_684 = arith.mulf %parallel_loop3A_622, %parallel_loop3A_683 : vector<16xf32>
        %parallel_loop3A_685 = arith.constant 35937 : i32
        %parallel_loop3A_686 = vector.broadcast %parallel_loop3A_685 : i32 to vector<16xi32>
        %parallel_loop3A_687 = arith.addi %parallel_loop3A_596, %parallel_loop3A_686 : vector<16xi32>
        %parallel_loop3A_688 = tpu.vector_load_idx %arg5[%parallel_loop3A_687] : memref<107824xf32, #tpu.memory_space<vmem>>[vector<16xi32>], vector<16xf32>,
        %parallel_loop3A_689 = arith.mulf %parallel_loop3A_623, %parallel_loop3A_688 : vector<16xf32>
        %parallel_loop3A_690 = arith.addf %parallel_loop3A_684, %parallel_loop3A_689 : vector<16xf32>
        %parallel_loop3A_691 = arith.constant 35937 : i32
        %parallel_loop3A_692 = vector.broadcast %parallel_loop3A_691 : i32 to vector<16xi32>
        %parallel_loop3A_693 = arith.addi %parallel_loop3A_598, %parallel_loop3A_692 : vector<16xi32>
        %parallel_loop3A_694 = tpu.vector_load_idx %arg5[%parallel_loop3A_693] : memref<107824xf32, #tpu.memory_space<vmem>>[vector<16xi32>], vector<16xf32>,
        %parallel_loop3A_695 = arith.mulf %parallel_loop3A_624, %parallel_loop3A_694 : vector<16xf32>
        %parallel_loop3A_696 = arith.addf %parallel_loop3A_690, %parallel_loop3A_695 : vector<16xf32>
        %parallel_loop3A_697 = arith.constant 35937 : i32
        %parallel_loop3A_698 = vector.broadcast %parallel_loop3A_697 : i32 to vector<16xi32>
        %parallel_loop3A_699 = arith.addi %parallel_loop3A_600, %parallel_loop3A_698 : vector<16xi32>
        %parallel_loop3A_700 = tpu.vector_load_idx %arg5[%parallel_loop3A_699] : memref<107824xf32, #tpu.memory_space<vmem>>[vector<16xi32>], vector<16xf32>,
        %parallel_loop3A_701 = arith.mulf %parallel_loop3A_625, %parallel_loop3A_700 : vector<16xf32>
        %parallel_loop3A_702 = arith.addf %parallel_loop3A_696, %parallel_loop3A_701 : vector<16xf32>
        %parallel_loop3A_703 = arith.constant 35937 : i32
        %parallel_loop3A_704 = vector.broadcast %parallel_loop3A_703 : i32 to vector<16xi32>
        %parallel_loop3A_705 = arith.addi %parallel_loop3A_602, %parallel_loop3A_704 : vector<16xi32>
        %parallel_loop3A_706 = tpu.vector_load_idx %arg5[%parallel_loop3A_705] : memref<107824xf32, #tpu.memory_space<vmem>>[vector<16xi32>], vector<16xf32>,
        %parallel_loop3A_707 = arith.mulf %parallel_loop3A_626, %parallel_loop3A_706 : vector<16xf32>
        %parallel_loop3A_708 = arith.addf %parallel_loop3A_702, %parallel_loop3A_707 : vector<16xf32>
        %parallel_loop3A_709 = arith.constant 35937 : i32
        %parallel_loop3A_710 = vector.broadcast %parallel_loop3A_709 : i32 to vector<16xi32>
        %parallel_loop3A_711 = arith.addi %parallel_loop3A_604, %parallel_loop3A_710 : vector<16xi32>
        %parallel_loop3A_712 = tpu.vector_load_idx %arg5[%parallel_loop3A_711] : memref<107824xf32, #tpu.memory_space<vmem>>[vector<16xi32>], vector<16xf32>,
        %parallel_loop3A_713 = arith.mulf %parallel_loop3A_627, %parallel_loop3A_712 : vector<16xf32>
        %parallel_loop3A_714 = arith.addf %parallel_loop3A_708, %parallel_loop3A_713 : vector<16xf32>
        %parallel_loop3A_715 = arith.constant 35937 : i32
        %parallel_loop3A_716 = vector.broadcast %parallel_loop3A_715 : i32 to vector<16xi32>
        %parallel_loop3A_717 = arith.addi %parallel_loop3A_606, %parallel_loop3A_716 : vector<16xi32>
        %parallel_loop3A_718 = tpu.vector_load_idx %arg5[%parallel_loop3A_717] : memref<107824xf32, #tpu.memory_space<vmem>>[vector<16xi32>], vector<16xf32>,
        %parallel_loop3A_719 = arith.mulf %parallel_loop3A_628, %parallel_loop3A_718 : vector<16xf32>
        %parallel_loop3A_720 = arith.addf %parallel_loop3A_714, %parallel_loop3A_719 : vector<16xf32>
        %parallel_loop3A_721 = arith.constant 35937 : i32
        %parallel_loop3A_722 = vector.broadcast %parallel_loop3A_721 : i32 to vector<16xi32>
        %parallel_loop3A_723 = arith.addi %parallel_loop3A_608, %parallel_loop3A_722 : vector<16xi32>
        %parallel_loop3A_724 = tpu.vector_load_idx %arg5[%parallel_loop3A_723] : memref<107824xf32, #tpu.memory_space<vmem>>[vector<16xi32>], vector<16xf32>,
        %parallel_loop3A_725 = arith.mulf %parallel_loop3A_629, %parallel_loop3A_724 : vector<16xf32>
        %parallel_loop3A_726 = arith.addf %parallel_loop3A_720, %parallel_loop3A_725 : vector<16xf32>
        %parallel_loop3A_727 = arith.index_cast %parallel_loop3A_472 : i32 to index
        %parallel_loop3A_728 = arith.index_cast %parallel_loop3A_490 : i32 to index
        %parallel_loop3A_729 = tpu.vector_load %arg16[%parallel_loop3A_727, %parallel_loop3A_728] {strides = array<i32>} : memref<8x128xf32, #tpu.memory_space<vmem>>, vector<16xf32>,
        tpu.vector_store %arg16[%parallel_loop3A_727, %parallel_loop3A_728], %parallel_loop3A_726 {strides = array<i32>} : memref<8x128xf32, #tpu.memory_space<vmem>>, vector<16xf32>,
        %parallel_loop3A_730 = arith.constant 71874 : i32
        %parallel_loop3A_731 = vector.broadcast %parallel_loop3A_730 : i32 to vector<16xi32>
        %parallel_loop3A_732 = arith.addi %parallel_loop3A_594, %parallel_loop3A_731 : vector<16xi32>
        %parallel_loop3A_733 = tpu.vector_load_idx %arg5[%parallel_loop3A_732] : memref<107824xf32, #tpu.memory_space<vmem>>[vector<16xi32>], vector<16xf32>,
        %parallel_loop3A_734 = arith.mulf %parallel_loop3A_622, %parallel_loop3A_733 : vector<16xf32>
        %parallel_loop3A_735 = arith.constant 71874 : i32
        %parallel_loop3A_736 = vector.broadcast %parallel_loop3A_735 : i32 to vector<16xi32>
        %parallel_loop3A_737 = arith.addi %parallel_loop3A_596, %parallel_loop3A_736 : vector<16xi32>
        %parallel_loop3A_738 = tpu.vector_load_idx %arg5[%parallel_loop3A_737] : memref<107824xf32, #tpu.memory_space<vmem>>[vector<16xi32>], vector<16xf32>,
        %parallel_loop3A_739 = arith.mulf %parallel_loop3A_623, %parallel_loop3A_738 : vector<16xf32>
        %parallel_loop3A_740 = arith.addf %parallel_loop3A_734, %parallel_loop3A_739 : vector<16xf32>
        %parallel_loop3A_741 = arith.constant 71874 : i32
        %parallel_loop3A_742 = vector.broadcast %parallel_loop3A_741 : i32 to vector<16xi32>
        %parallel_loop3A_743 = arith.addi %parallel_loop3A_598, %parallel_loop3A_742 : vector<16xi32>
        %parallel_loop3A_744 = tpu.vector_load_idx %arg5[%parallel_loop3A_743] : memref<107824xf32, #tpu.memory_space<vmem>>[vector<16xi32>], vector<16xf32>,
        %parallel_loop3A_745 = arith.mulf %parallel_loop3A_624, %parallel_loop3A_744 : vector<16xf32>
        %parallel_loop3A_746 = arith.addf %parallel_loop3A_740, %parallel_loop3A_745 : vector<16xf32>
        %parallel_loop3A_747 = arith.constant 71874 : i32
        %parallel_loop3A_748 = vector.broadcast %parallel_loop3A_747 : i32 to vector<16xi32>
        %parallel_loop3A_749 = arith.addi %parallel_loop3A_600, %parallel_loop3A_748 : vector<16xi32>
        %parallel_loop3A_750 = tpu.vector_load_idx %arg5[%parallel_loop3A_749] : memref<107824xf32, #tpu.memory_space<vmem>>[vector<16xi32>], vector<16xf32>,
        %parallel_loop3A_751 = arith.mulf %parallel_loop3A_625, %parallel_loop3A_750 : vector<16xf32>
        %parallel_loop3A_752 = arith.addf %parallel_loop3A_746, %parallel_loop3A_751 : vector<16xf32>
        %parallel_loop3A_753 = arith.constant 71874 : i32
        %parallel_loop3A_754 = vector.broadcast %parallel_loop3A_753 : i32 to vector<16xi32>
        %parallel_loop3A_755 = arith.addi %parallel_loop3A_602, %parallel_loop3A_754 : vector<16xi32>
        %parallel_loop3A_756 = tpu.vector_load_idx %arg5[%parallel_loop3A_755] : memref<107824xf32, #tpu.memory_space<vmem>>[vector<16xi32>], vector<16xf32>,
        %parallel_loop3A_757 = arith.mulf %parallel_loop3A_626, %parallel_loop3A_756 : vector<16xf32>
        %parallel_loop3A_758 = arith.addf %parallel_loop3A_752, %parallel_loop3A_757 : vector<16xf32>
        %parallel_loop3A_759 = arith.constant 71874 : i32
        %parallel_loop3A_760 = vector.broadcast %parallel_loop3A_759 : i32 to vector<16xi32>
        %parallel_loop3A_761 = arith.addi %parallel_loop3A_604, %parallel_loop3A_760 : vector<16xi32>
        %parallel_loop3A_762 = tpu.vector_load_idx %arg5[%parallel_loop3A_761] : memref<107824xf32, #tpu.memory_space<vmem>>[vector<16xi32>], vector<16xf32>,
        %parallel_loop3A_763 = arith.mulf %parallel_loop3A_627, %parallel_loop3A_762 : vector<16xf32>
        %parallel_loop3A_764 = arith.addf %parallel_loop3A_758, %parallel_loop3A_763 : vector<16xf32>
        %parallel_loop3A_765 = arith.constant 71874 : i32
        %parallel_loop3A_766 = vector.broadcast %parallel_loop3A_765 : i32 to vector<16xi32>
        %parallel_loop3A_767 = arith.addi %parallel_loop3A_606, %parallel_loop3A_766 : vector<16xi32>
        %parallel_loop3A_768 = tpu.vector_load_idx %arg5[%parallel_loop3A_767] : memref<107824xf32, #tpu.memory_space<vmem>>[vector<16xi32>], vector<16xf32>,
        %parallel_loop3A_769 = arith.mulf %parallel_loop3A_628, %parallel_loop3A_768 : vector<16xf32>
        %parallel_loop3A_770 = arith.addf %parallel_loop3A_764, %parallel_loop3A_769 : vector<16xf32>
        %parallel_loop3A_771 = arith.constant 71874 : i32
        %parallel_loop3A_772 = vector.broadcast %parallel_loop3A_771 : i32 to vector<16xi32>
        %parallel_loop3A_773 = arith.addi %parallel_loop3A_608, %parallel_loop3A_772 : vector<16xi32>
        %parallel_loop3A_774 = tpu.vector_load_idx %arg5[%parallel_loop3A_773] : memref<107824xf32, #tpu.memory_space<vmem>>[vector<16xi32>], vector<16xf32>,
        %parallel_loop3A_775 = arith.mulf %parallel_loop3A_629, %parallel_loop3A_774 : vector<16xf32>
        %parallel_loop3A_776 = arith.addf %parallel_loop3A_770, %parallel_loop3A_775 : vector<16xf32>
        %parallel_loop3A_777 = arith.index_cast %parallel_loop3A_472 : i32 to index
        %parallel_loop3A_778 = arith.index_cast %parallel_loop3A_490 : i32 to index
        %parallel_loop3A_779 = tpu.vector_load %arg17[%parallel_loop3A_777, %parallel_loop3A_778] {strides = array<i32>} : memref<8x128xf32, #tpu.memory_space<vmem>>, vector<16xf32>,
        tpu.vector_store %arg17[%parallel_loop3A_777, %parallel_loop3A_778], %parallel_loop3A_776 {strides = array<i32>} : memref<8x128xf32, #tpu.memory_space<vmem>>, vector<16xf32>,
      } {sc.loop_unroll_factor = 4 : i64, sc.parallel_access}
      %add3A_384 = arith.constant 1 : i32
      %add3A_385 = arith.addi %add3A_112, %add3A_384 : i32
      %mul3A_386 = arith.constant 64 : i32
      %mul3A_387 = arith.muli %select_n3A_30, %mul3A_386 : i32
      %jit3A_388 = arith.constant 4 : i32
      %div3A_389 = arith.divsi %add3A_385, %jit3A_388 : i32
      %sign3A_390 = arith.constant 0 : i32
      %sign3A_391 = arith.cmpi sgt, %add3A_385, %sign3A_390 : i32
      %sign3A_392 = arith.extui %sign3A_391 : i1 to i32
      %sign3A_393 = arith.constant 0 : i32
      %sign3A_394 = arith.cmpi slt, %add3A_385, %sign3A_393 : i32
      %sign3A_395 = arith.extui %sign3A_394 : i1 to i32
      %sign3A_396 = arith.subi %sign3A_392, %sign3A_395 : i32
      %sign3A_397 = arith.constant 0 : i32
      %sign3A_398 = arith.cmpi sgt, %jit3A_388, %sign3A_397 : i32
      %sign3A_399 = arith.extui %sign3A_398 : i1 to i32
      %sign3A_400 = arith.constant 0 : i32
      %sign3A_401 = arith.cmpi slt, %jit3A_388, %sign3A_400 : i32
      %sign3A_402 = arith.extui %sign3A_401 : i1 to i32
      %sign3A_403 = arith.subi %sign3A_399, %sign3A_402 : i32
      %ne3A_404 = arith.cmpi ne, %sign3A_396, %sign3A_403 : i32
      %rem3A_405 = arith.remsi %add3A_385, %jit3A_388 : i32
      %ne3A_406 = arith.constant 0 : i32
      %ne3A_407 = arith.cmpi ne, %rem3A_405, %ne3A_406 : i32
      %and3A_408 = arith.andi %ne3A_404, %ne3A_407 : i1
      %sub3A_409 = arith.constant 1 : i32
      %sub3A_410 = arith.subi %div3A_389, %sub3A_409 : i32
      %select_n3A_411 = arith.select %and3A_408, %sub3A_410, %div3A_389 : i32
      %mul3A_412 = arith.constant 8 : i32
      %mul3A_413 = arith.muli %select_n3A_411, %mul3A_412 : i32
      %add3A_414 = arith.addi %mul3A_387, %mul3A_413 : i32
      %jit3A_415 = arith.constant 4 : i32
      %eq3A_416 = arith.constant 0 : i32
      %eq3A_417 = arith.cmpi eq, %jit3A_415, %eq3A_416 : i32
      %jit3A_418 = arith.constant 1 : i32
      %select_n3A_419 = arith.select %eq3A_417, %jit3A_418, %jit3A_415 : i32
      %rem3A_420 = arith.remsi %add3A_385, %select_n3A_419 : i32
      %ne3A_421 = arith.constant 0 : i32
      %ne3A_422 = arith.cmpi ne, %rem3A_420, %ne3A_421 : i32
      %lt3A_423 = arith.constant 0 : i32
      %lt3A_424 = arith.cmpi slt, %rem3A_420, %lt3A_423 : i32
      %lt3A_425 = arith.constant 0 : i32
      %lt3A_426 = arith.cmpi slt, %select_n3A_419, %lt3A_425 : i32
      %ne3A_427 = arith.xori %lt3A_424, %lt3A_426 : i1
      %and3A_428 = arith.andi %ne3A_427, %ne3A_422 : i1
      %add3A_429 = arith.addi %rem3A_420, %select_n3A_419 : i32
      %select_n3A_430 = arith.select %and3A_428, %add3A_429, %rem3A_420 : i32
      %mul3A_431 = arith.constant 128 : i32
      %mul3A_432 = arith.muli %select_n3A_430, %mul3A_431 : i32
      %dma_start3A_433 = arith.constant 0 : i32
      %dma_start3A_434 = tpu.memref_slice %arg4[%select_n3A, %dma_start3A_433, %add3A_414, %mul3A_432] : memref<4x3x512x512xf32, #tpu.memory_space<hbm>> -> memref<1x1x8x128xf32, #tpu.memory_space<hbm>>
      %dma_start3A_435 = tpu.memref_squeeze %dma_start3A_434 : memref<1x1x8x128xf32, #tpu.memory_space<hbm>> -> memref<8x128xf32, #tpu.memory_space<hbm>>
      %dma_start3A_436 = tpu.memref_slice %arg4[%select_n3A, %dma_start3A_433, %add3A_414, %mul3A_432] : memref<4x3x512x512xf32, #tpu.memory_space<hbm>> -> memref<1x1x8x128xf32, #tpu.memory_space<hbm>>
      %dma_start3A_437 = tpu.memref_squeeze %dma_start3A_436 : memref<1x1x8x128xf32, #tpu.memory_space<hbm>> -> memref<8x128xf32, #tpu.memory_space<hbm>>
      tpu.enqueue_dma source(%arg15 : memref<8x128xf32, #tpu.memory_space<vmem>>) target(%dma_start3A_437 : memref<8x128xf32, #tpu.memory_space<hbm>>) target_semaphore(%arg21 : memref<!tpu.dma_semaphore, #tpu.memory_space<semaphore_mem>>)
      %dma_start3A_438 = arith.constant 1 : i32
      %dma_start3A_439 = tpu.memref_slice %arg4[%select_n3A, %dma_start3A_438, %add3A_414, %mul3A_432] : memref<4x3x512x512xf32, #tpu.memory_space<hbm>> -> memref<1x1x8x128xf32, #tpu.memory_space<hbm>>
      %dma_start3A_440 = tpu.memref_squeeze %dma_start3A_439 : memref<1x1x8x128xf32, #tpu.memory_space<hbm>> -> memref<8x128xf32, #tpu.memory_space<hbm>>
      %dma_start3A_441 = tpu.memref_slice %arg4[%select_n3A, %dma_start3A_438, %add3A_414, %mul3A_432] : memref<4x3x512x512xf32, #tpu.memory_space<hbm>> -> memref<1x1x8x128xf32, #tpu.memory_space<hbm>>
      %dma_start3A_442 = tpu.memref_squeeze %dma_start3A_441 : memref<1x1x8x128xf32, #tpu.memory_space<hbm>> -> memref<8x128xf32, #tpu.memory_space<hbm>>
      tpu.enqueue_dma source(%arg16 : memref<8x128xf32, #tpu.memory_space<vmem>>) target(%dma_start3A_442 : memref<8x128xf32, #tpu.memory_space<hbm>>) target_semaphore(%arg21 : memref<!tpu.dma_semaphore, #tpu.memory_space<semaphore_mem>>)
      %dma_start3A_443 = arith.constant 2 : i32
      %dma_start3A_444 = tpu.memref_slice %arg4[%select_n3A, %dma_start3A_443, %add3A_414, %mul3A_432] : memref<4x3x512x512xf32, #tpu.memory_space<hbm>> -> memref<1x1x8x128xf32, #tpu.memory_space<hbm>>
      %dma_start3A_445 = tpu.memref_squeeze %dma_start3A_444 : memref<1x1x8x128xf32, #tpu.memory_space<hbm>> -> memref<8x128xf32, #tpu.memory_space<hbm>>
      %dma_start3A_446 = tpu.memref_slice %arg4[%select_n3A, %dma_start3A_443, %add3A_414, %mul3A_432] : memref<4x3x512x512xf32, #tpu.memory_space<hbm>> -> memref<1x1x8x128xf32, #tpu.memory_space<hbm>>
      %dma_start3A_447 = tpu.memref_squeeze %dma_start3A_446 : memref<1x1x8x128xf32, #tpu.memory_space<hbm>> -> memref<8x128xf32, #tpu.memory_space<hbm>>
      tpu.enqueue_dma source(%arg17 : memref<8x128xf32, #tpu.memory_space<vmem>>) target(%dma_start3A_447 : memref<8x128xf32, #tpu.memory_space<hbm>>) target_semaphore(%arg21 : memref<!tpu.dma_semaphore, #tpu.memory_space<semaphore_mem>>)
    }
    %scan3A_58 = arith.constant 16 : i32
    %mul3A_59 = arith.constant 64 : i32
    %mul3A_60 = arith.muli %select_n3A_30, %mul3A_59 : i32
    %add3A_61 = arith.constant 56 : i32
    %add3A_62 = arith.addi %mul3A_60, %add3A_61 : i32
    %dma_wait3A = arith.constant 0 : i32
    %dma_wait3A_63 = arith.constant 256 : i32
    %dma_wait3A_64 = tpu.memref_slice %arg4[%select_n3A, %dma_wait3A, %add3A_62, %dma_wait3A_63] : memref<4x3x512x512xf32, #tpu.memory_space<hbm>> -> memref<1x1x8x128xf32, #tpu.memory_space<hbm>>
    %dma_wait3A_65 = tpu.memref_squeeze %dma_wait3A_64 : memref<1x1x8x128xf32, #tpu.memory_space<hbm>> -> memref<8x128xf32, #tpu.memory_space<hbm>>
    %dma_wait3A_66 = arith.constant 256 : i32
    %dma_wait3A_67 = tpu.memref_slice %arg4[%select_n3A, %dma_wait3A, %add3A_62, %dma_wait3A_66] : memref<4x3x512x512xf32, #tpu.memory_space<hbm>> -> memref<1x1x8x128xf32, #tpu.memory_space<hbm>>
    %dma_wait3A_68 = tpu.memref_squeeze %dma_wait3A_67 : memref<1x1x8x128xf32, #tpu.memory_space<hbm>> -> memref<8x128xf32, #tpu.memory_space<hbm>>
    tpu.wait_dma2 semaphore(%arg20 : memref<!tpu.dma_semaphore, #tpu.memory_space<semaphore_mem>>) src(%arg12 : memref<8x128xf32, #tpu.memory_space<vmem>>) dst(%dma_wait3A_68 : memref<8x128xf32, #tpu.memory_space<hbm>>)
    %dma_wait3A_69 = arith.constant 1 : i32
    %dma_wait3A_70 = arith.constant 256 : i32
    %dma_wait3A_71 = tpu.memref_slice %arg4[%select_n3A, %dma_wait3A_69, %add3A_62, %dma_wait3A_70] : memref<4x3x512x512xf32, #tpu.memory_space<hbm>> -> memref<1x1x8x128xf32, #tpu.memory_space<hbm>>
    %dma_wait3A_72 = tpu.memref_squeeze %dma_wait3A_71 : memref<1x1x8x128xf32, #tpu.memory_space<hbm>> -> memref<8x128xf32, #tpu.memory_space<hbm>>
    %dma_wait3A_73 = arith.constant 256 : i32
    %dma_wait3A_74 = tpu.memref_slice %arg4[%select_n3A, %dma_wait3A_69, %add3A_62, %dma_wait3A_73] : memref<4x3x512x512xf32, #tpu.memory_space<hbm>> -> memref<1x1x8x128xf32, #tpu.memory_space<hbm>>
    %dma_wait3A_75 = tpu.memref_squeeze %dma_wait3A_74 : memref<1x1x8x128xf32, #tpu.memory_space<hbm>> -> memref<8x128xf32, #tpu.memory_space<hbm>>
    tpu.wait_dma2 semaphore(%arg20 : memref<!tpu.dma_semaphore, #tpu.memory_space<semaphore_mem>>) src(%arg13 : memref<8x128xf32, #tpu.memory_space<vmem>>) dst(%dma_wait3A_75 : memref<8x128xf32, #tpu.memory_space<hbm>>)
    %dma_wait3A_76 = arith.constant 2 : i32
    %dma_wait3A_77 = arith.constant 256 : i32
    %dma_wait3A_78 = tpu.memref_slice %arg4[%select_n3A, %dma_wait3A_76, %add3A_62, %dma_wait3A_77] : memref<4x3x512x512xf32, #tpu.memory_space<hbm>> -> memref<1x1x8x128xf32, #tpu.memory_space<hbm>>
    %dma_wait3A_79 = tpu.memref_squeeze %dma_wait3A_78 : memref<1x1x8x128xf32, #tpu.memory_space<hbm>> -> memref<8x128xf32, #tpu.memory_space<hbm>>
    %dma_wait3A_80 = arith.constant 256 : i32
    %dma_wait3A_81 = tpu.memref_slice %arg4[%select_n3A, %dma_wait3A_76, %add3A_62, %dma_wait3A_80] : memref<4x3x512x512xf32, #tpu.memory_space<hbm>> -> memref<1x1x8x128xf32, #tpu.memory_space<hbm>>
    %dma_wait3A_82 = tpu.memref_squeeze %dma_wait3A_81 : memref<1x1x8x128xf32, #tpu.memory_space<hbm>> -> memref<8x128xf32, #tpu.memory_space<hbm>>
    tpu.wait_dma2 semaphore(%arg20 : memref<!tpu.dma_semaphore, #tpu.memory_space<semaphore_mem>>) src(%arg14 : memref<8x128xf32, #tpu.memory_space<vmem>>) dst(%dma_wait3A_82 : memref<8x128xf32, #tpu.memory_space<hbm>>)
    %mul3A_83 = arith.constant 64 : i32
    %mul3A_84 = arith.muli %select_n3A_30, %mul3A_83 : i32
    %add3A_85 = arith.constant 56 : i32
    %add3A_86 = arith.addi %mul3A_84, %add3A_85 : i32
    %dma_wait3A_87 = arith.constant 0 : i32
    %dma_wait3A_88 = arith.constant 384 : i32
    %dma_wait3A_89 = tpu.memref_slice %arg4[%select_n3A, %dma_wait3A_87, %add3A_86, %dma_wait3A_88] : memref<4x3x512x512xf32, #tpu.memory_space<hbm>> -> memref<1x1x8x128xf32, #tpu.memory_space<hbm>>
    %dma_wait3A_90 = tpu.memref_squeeze %dma_wait3A_89 : memref<1x1x8x128xf32, #tpu.memory_space<hbm>> -> memref<8x128xf32, #tpu.memory_space<hbm>>
    %dma_wait3A_91 = arith.constant 384 : i32
    %dma_wait3A_92 = tpu.memref_slice %arg4[%select_n3A, %dma_wait3A_87, %add3A_86, %dma_wait3A_91] : memref<4x3x512x512xf32, #tpu.memory_space<hbm>> -> memref<1x1x8x128xf32, #tpu.memory_space<hbm>>
    %dma_wait3A_93 = tpu.memref_squeeze %dma_wait3A_92 : memref<1x1x8x128xf32, #tpu.memory_space<hbm>> -> memref<8x128xf32, #tpu.memory_space<hbm>>
    tpu.wait_dma2 semaphore(%arg21 : memref<!tpu.dma_semaphore, #tpu.memory_space<semaphore_mem>>) src(%arg15 : memref<8x128xf32, #tpu.memory_space<vmem>>) dst(%dma_wait3A_93 : memref<8x128xf32, #tpu.memory_space<hbm>>)
    %dma_wait3A_94 = arith.constant 1 : i32
    %dma_wait3A_95 = arith.constant 384 : i32
    %dma_wait3A_96 = tpu.memref_slice %arg4[%select_n3A, %dma_wait3A_94, %add3A_86, %dma_wait3A_95] : memref<4x3x512x512xf32, #tpu.memory_space<hbm>> -> memref<1x1x8x128xf32, #tpu.memory_space<hbm>>
    %dma_wait3A_97 = tpu.memref_squeeze %dma_wait3A_96 : memref<1x1x8x128xf32, #tpu.memory_space<hbm>> -> memref<8x128xf32, #tpu.memory_space<hbm>>
    %dma_wait3A_98 = arith.constant 384 : i32
    %dma_wait3A_99 = tpu.memref_slice %arg4[%select_n3A, %dma_wait3A_94, %add3A_86, %dma_wait3A_98] : memref<4x3x512x512xf32, #tpu.memory_space<hbm>> -> memref<1x1x8x128xf32, #tpu.memory_space<hbm>>
    %dma_wait3A_100 = tpu.memref_squeeze %dma_wait3A_99 : memref<1x1x8x128xf32, #tpu.memory_space<hbm>> -> memref<8x128xf32, #tpu.memory_space<hbm>>
    tpu.wait_dma2 semaphore(%arg21 : memref<!tpu.dma_semaphore, #tpu.memory_space<semaphore_mem>>) src(%arg16 : memref<8x128xf32, #tpu.memory_space<vmem>>) dst(%dma_wait3A_100 : memref<8x128xf32, #tpu.memory_space<hbm>>)
    %dma_wait3A_101 = arith.constant 2 : i32
    %dma_wait3A_102 = arith.constant 384 : i32
    %dma_wait3A_103 = tpu.memref_slice %arg4[%select_n3A, %dma_wait3A_101, %add3A_86, %dma_wait3A_102] : memref<4x3x512x512xf32, #tpu.memory_space<hbm>> -> memref<1x1x8x128xf32, #tpu.memory_space<hbm>>
    %dma_wait3A_104 = tpu.memref_squeeze %dma_wait3A_103 : memref<1x1x8x128xf32, #tpu.memory_space<hbm>> -> memref<8x128xf32, #tpu.memory_space<hbm>>
    %dma_wait3A_105 = arith.constant 384 : i32
    %dma_wait3A_106 = tpu.memref_slice %arg4[%select_n3A, %dma_wait3A_101, %add3A_86, %dma_wait3A_105] : memref<4x3x512x512xf32, #tpu.memory_space<hbm>> -> memref<1x1x8x128xf32, #tpu.memory_space<hbm>>
    %dma_wait3A_107 = tpu.memref_squeeze %dma_wait3A_106 : memref<1x1x8x128xf32, #tpu.memory_space<hbm>> -> memref<8x128xf32, #tpu.memory_space<hbm>>
    tpu.wait_dma2 semaphore(%arg21 : memref<!tpu.dma_semaphore, #tpu.memory_space<semaphore_mem>>) src(%arg17 : memref<8x128xf32, #tpu.memory_space<vmem>>) dst(%dma_wait3A_107 : memref<8x128xf32, #tpu.memory_space<hbm>>)
    return
  }
}

</mosaic_0001>

<sc_bundles>
// kernel: kernel.3.cloned.1.call-start
scs
__scs_entry_jumppad:
0x0: {  	(pc) =	sbr.rel $0x88, $3  }
0x1: {  	(tag) =	ssettag $0x0;
	lr =	simm.s32 $0x1  }
0x2: {  	[smem:$0x3F9F] =	sst lr;
	_ =	strace $0xD0000000  }
0x3: {  	_ = 	snop  }
0x4: {  	_ = 	snop  }
0x5: {  	_ = 	snop  }
0x6: {  	_ = 	snop  }
0x7: {  	_ = 	snop  }
__scs_overlays_trampoline_lowered:
0x8: {  	[smem:$0x3FAE] =	sst s0  }
0x9: {  	[smem:$0x3FAF] =	sst s1  }
0xa: {  	[smem:$0x3FB0] =	sst s2  }
0xb: {  	[smem:$0x3FB1] =	sst s3  }
0xc: {  	[smem:$0x3FB2] =	sst s4  }
0xd: {  	[smem:$0x3FB3] =	sst s5  }
0xe: {  	[smem:$0x3FB4] =	sst s6  }
0xf: {  	[smem:$0x3FB5] =	sst s7  }
0x10: {  	[smem:$0x3FB6] =	sst s8  }
0x11: {  	[smem:$0x3FB7] =	sst s9;
	s0 =	simm.s32 @!p0 $0x0  }
0x12: {  	s1 =	sld [smem:$0x3F9D];
	s0 =	simm.s32 @p0 $0x1  }
0x13: {  	[smem:$0x3FB8] =	sst s0;
	s0 =	simm.s32 @!p1 $0x0  }
0x14: {  	s2 =	sld [smem:$0x3F9C];
	s0 =	simm.s32 @p1 $0x1  }
0x15: {  	[smem:$0x3FB9] =	sst s0;
	s0 =	simm.s32 @!p2 $0x0  }
0x16: {  	s3 =	sld [smem:$0x3FDB];
	s0 =	simm.s32 @p2 $0x1  }
0x17: {  	s4 =	simm.s32 $0x1BF5;
	[smem:$0x3FBB] =	sst s0  }
0x18: {  	s0 =	sld [smem:$0x3F9E];
	_ =	swait.ge [sflag:s4], $0x0  }
0x19: {  	s7 =	sld [smem:$0x3F9F]  }
0x1a: {  	s8 =	sadd.s32 $0xFFFFE003, lr  }
0x1b: {  	s9 =	sadd.s32 $0xFFFFFEF7, lr;
	s5 =	simm.s32 $0xFFFFFFFF;
	p2 =	slt.u32 s8, $0xFFFFF086  }
0x1c: {  	p1 =	slt.u32 s9, $0xF7A;
	s5 =	simm.s32 @!p2 $0x0  }
0x1d: {  	s5 =	simm.s32 @p1 $0x1;
	p0 =	seq.s32 s7, s2  }
0x1e: {  	s7 =	smul.u32 @!p0 $0xF7A, s2;
	p2 =	seq.s32 @!p0 s5, $0x0  }
0x1f: {  	s9 =	smul.u32 $0xF7A, s1;
	s8 =	simm.s32 @!p0 $0x1BF5;
	p2 =	por !p2, p0  }
0x20: {  	[sflag:s8] =	ssyncset.s32 @!p0 $0xFFFFF086;
	s6 =	sadd.s32 @!p0 s3, s7;
	s7 =	simm.s32 @!p0 $0x108  }
0x21: {  	s3 =	sadd.s32 s3, s9;
	s6 =	sadd.s32 @!p0 $0x88, s6;
	s7 =	simm.s32 @p2 $0x1082  }
0x22: {  	[simem:s7], [sflag:s8] =	dma.local @!p0 [hbm:s6], $0xF7A  }
0x23: {  	s9 =	sor.u32 $0xD0000000, s2;
	s6 =	simm.s32 $0x108;
	_ =	swait.ge @!p0 [sflag:s8], $0x0  }
0x24: {  	s3 =	sadd.s32 $0x88, s3;
	s6 =	simm.s32 @!p1 $0x1082;
	[sflag:s4] =	ssyncset.s32 $0xFFFFF086  }
0x25: {  	[simem:s6], [sflag:s4] =	dma.local [hbm:s3], $0xF7A  }
0x26: {  	[smem:$0x3F9F] =	sst s1;
	(tag) =	ssettag s2;
	_ =	strace s9  }
0x27: {  	s1 =	sld [smem:$0x3FAF]  }
0x28: {  	s2 =	sld [smem:$0x3FB0]  }
0x29: {  	s4 =	sld [smem:$0x3FB2]  }
0x2a: {  	p0 =	seq.s32 s5, $0x0;
	s5 =	sld [smem:$0x3FB3]  }
0x2b: {  	s6 =	sld [smem:$0x3FB4]  }
0x2c: {  	s7 =	sld [smem:$0x3FB5]  }
0x2d: {  	s3 =	simm.s32 $0x108;
	s8 =	sld [smem:$0x3FB6]  }
0x2e: {  	s3 =	simm.s32 @!p0 $0x1082;
	s9 =	sld [smem:$0x3FB7]  }
0x2f: {  	lr =	sadd.s32 s0, s3;
	s0 =	sld [smem:$0x3FAE]  }
0x30: {  	s3 =	sld [smem:$0x3FB1]  }
0x31: {  	[smem:$0x3FBA] =	sst s10  }
0x32: {  	s10 =	sld [smem:$0x3FB8];
	_ =	sdelay $0x3  }
0x33: {  	p0 =	seq.s32 s10, $0x1;
	s10 =	sld [smem:$0x3FBA];
	_ =	sdelay $0x3  }
0x34: {  	[smem:$0x3FBA] =	sst s10  }
0x35: {  	s10 =	sld [smem:$0x3FB9];
	_ =	sdelay $0x3  }
0x36: {  	p1 =	seq.s32 s10, $0x1;
	s10 =	sld [smem:$0x3FBA];
	_ =	sdelay $0x3  }
0x37: {  	[smem:$0x3FBA] =	sst s10  }
0x38: {  	s10 =	sld [smem:$0x3FBB]  }
0x39: {  	_ = 	snop;
	(pc) =	sbr.ind lr, $3  }
0x3a: {  	_ = 	snop  }
0x3b: {  	_ = 	snop  }
0x3c: {  	p2 =	seq.s32 s10, $0x1;
	s10 =	sld [smem:$0x3FBA]  }
0x3d: {  	_ =	shalt  }
0x3e: {  	_ =	shalt  }
0x3f: {  	_ =	shalt  }
0x40: {  	_ =	shalt  }
0x41: {  	_ =	shalt  }
0x42: {  	_ =	shalt  }
0x43: {  	_ =	shalt  }
0x44: {  	_ =	shalt  }
0x45: {  	_ =	shalt  }
0x46: {  	_ =	shalt  }
0x47: {  	_ =	shalt  }
0x48: {  	_ =	shalt  }
0x49: {  	_ =	shalt  }
0x4a: {  	_ =	shalt  }
0x4b: {  	_ =	shalt  }
0x4c: {  	_ =	shalt  }
0x4d: {  	_ =	shalt  }
0x4e: {  	_ =	shalt  }
0x4f: {  	_ =	shalt  }
0x50: {  	_ =	shalt  }
0x51: {  	_ =	shalt  }
0x52: {  	_ =	shalt  }
0x53: {  	_ =	shalt  }
0x54: {  	_ =	shalt  }
0x55: {  	_ =	shalt  }
0x56: {  	_ =	shalt  }
0x57: {  	_ =	shalt  }
0x58: {  	_ =	shalt  }
0x59: {  	_ =	shalt  }
0x5a: {  	_ =	shalt  }
0x5b: {  	_ =	shalt  }
0x5c: {  	_ =	shalt  }
0x5d: {  	_ =	shalt  }
0x5e: {  	_ =	shalt  }
0x5f: {  	_ =	shalt  }
0x60: {  	_ =	shalt  }
0x61: {  	_ =	shalt  }
0x62: {  	_ =	shalt  }
0x63: {  	_ =	shalt  }
0x64: {  	_ =	shalt  }
0x65: {  	_ =	shalt  }
0x66: {  	_ =	shalt  }
0x67: {  	_ =	shalt  }
0x68: {  	_ =	shalt  }
0x69: {  	_ =	shalt  }
0x6a: {  	_ =	shalt  }
0x6b: {  	_ =	shalt  }
0x6c: {  	_ =	shalt  }
0x6d: {  	_ =	shalt  }
0x6e: {  	_ =	shalt  }
0x6f: {  	_ =	shalt  }
0x70: {  	_ =	shalt  }
0x71: {  	_ =	shalt  }
0x72: {  	_ =	shalt  }
0x73: {  	_ =	shalt  }
0x74: {  	_ =	shalt  }
0x75: {  	_ =	shalt  }
0x76: {  	_ =	shalt  }
0x77: {  	_ =	shalt  }
0x78: {  	_ =	shalt  }
0x79: {  	_ =	shalt  }
0x7a: {  	_ =	shalt  }
0x7b: {  	_ =	shalt  }
0x7c: {  	_ =	shalt  }
0x7d: {  	_ =	shalt  }
0x7e: {  	_ =	shalt  }
0x7f: {  	_ =	shalt  }
0x80: {  	_ =	shalt  }
0x81: {  	_ =	shalt  }
0x82: {  	_ =	shalt  }
0x83: {  	_ =	shalt  }
0x84: {  	_ =	shalt  }
0x85: {  	_ =	shalt  }
0x86: {  	_ =	shalt  }
0x87: {  	_ =	shalt  }
.Lfunc_end0:
.L_simem_size_0:
called_computation_lowered:
.L_overlay_start_0:
0x88: {  	s2 =	sld [smem:$0x3FD9]  }
0x89: {  	s3 =	sld [smem:$0x3FFE];
	_ =	sdelay $0x1  }
0x8a: {  	s1 =	srdreg.scid  }
0x8b: {  	s0 =	sand.u32 $0x1, s1  }
0x8c: {  	s17 =	sshll.u32 s0, $0xA;
	s2 =	sadd.s32 s3, s2  }
0x8d: {  	s2 =	sadd.s32 s2, s17  }
0x8e: {  	[smem:$0x3FC6] =	sst s2  }
0x8f: {  	_ = 	snop  }
0x90: {  	s2 =	sld [smem:$0x3FC8]  }
0x91: {  	s18 =	sld [smem:$0x3FD0];
	(tm) =	ssettm $0x1  }
0x92: {  	s4 =	sld [smem:$0x3FFB];
	_ =	sdelay $0x3  }
0x93: {  	_ =	strace s4  }
0x94: {  	s4 =	sld [smem:$0x3FFC];
	_ =	sdelay $0x3  }
0x95: {  	_ =	strace s4  }
0x96: {  	s4 =	sld [smem:$0x3FFD];
	_ =	sdelay $0x3  }
0x97: {  	_ =	strace s4  }
0x98: {  	_ =	strace $0x8FFFFFFF  }
0x99: {  	s19 =	sld [smem:$0x3FDB];
	_ =	sdelay $0x1  }
0x9a: {  	s5 =	simm.s32 $_scs_section_size  }
0x9b: {  	s6 =	simm.s32 $_size__tile_overlayer_lowered;
	s7 =	simm.s32 $_tile_overlayer_lowered  }
0x9c: {  	s22 =	simm.s32 $0x1BFF;
	s21 =	sshll.u32 s7, $0x1;
	s4 =	sadd.s32 s5, s19  }
0x9d: {  	s8 =	simm.s32 $0x0;
	s20 =	sshll.u32 s6, $0x1;
	s6 =	sadd.s32 s21, s4  }
0x9e: {  	[timem:s8], [sflag:s22] =	dma.local [hbm:s6], s20  }
0x9f: {  	_ =	swait.ge [sflag:s22], s20  }
0xa0: {  	s5 =	ssub.s32 $0x0, s20;
	[sflag:s22] =	ssyncset.done $0x0  }
0xa1: {  	[sflag:s22] =	ssyncadd.s32 s5;
	_ =	sdelay $0x1  }
0xa2: {  	s23 =	simm.s32 $0x1B8B  }
0xa3: {  	_ =	swait.ge [sflag:s23], $0x1  }
0xa4: {  	[sflag:s23] =	ssyncset.done $0x0  }
0xa5: {  	s25 =	simm.s32 $0x1B8E;
	s24 =	sld [smem:$0x3FFE];
	[sflag:s23] =	ssyncadd.s32 $0xFFFFFFFF  }
0xa6: {  	s26 =	simm.s32 $execute0_lowered;
	[smem:$0x3FD2] =	sst s25  }
0xa7: {  	s6 =	sshll.u32 s26, $0x1;
	_ =	strace $0x80000046;
	[dreg:$0x1] =	wrdreg $0xFFFFFFFF  }
0xa8: {  	s28 =	simm.s32 $_size_execute0_lowered;
	s4 =	sadd.s32 s4, s6;
	[dreg:$0x0] =	wrdreg $0x0  }
0xa9: {  	s6 =	sshll.u32 s28, $0x1;
	[dreg:$0x2] =	wrdreg s4  }
0xaa: {  	[dreg:$0x3] =	wrdreg s6  }
0xab: {  	[dreg:$0x4] =	wrdreg $0xC0  }
0xac: {  	_ =	task [dreg:s8], $0x5FFFF  }
0xad: {  	[dreg:$0x1] =	wrdreg $0xFFFFFFFF  }
0xae: {  	[dreg:$0x0] =	wrdreg $0x60  }
0xaf: {  	[dreg:$0x2] =	wrdreg s24  }
0xb0: {  	[dreg:$0x3] =	wrdreg s2  }
0xb1: {  	[dreg:$0x4] =	wrdreg s18  }
0xb2: {  	[dreg:$0x5] =	wrdreg $0x9  }
0xb3: {  	_ =	task.clear_ibuf [dreg:s8], $0x6FFFF;
	_ =	strace $0x90000046  }
0xb4: {  	s29 =	simm.s32 $0x9;
	_ =	strace $0x80000048  }
0xb5: {  	_ =	swait.ge [sflag:s29], $0x1  }
0xb6: {  	[sflag:s29] =	ssyncadd.s32 $0xFFFFFFFF  }
0xb7: {  	_ =	strace $0x90000048  }
0xb8: {  	_ =	sfence  }
0xb9: {  	s30 =	sld [smem:$0x0];
	_ =	sdelay $0x2  }
0xba: {  	s31 =	sshll.u32 s1, $0xD;
	s1 =	sshrl.u32 s1, $0x2  }
0xbb: {  	s3 =	sand.u32 $0x4000, s31;
	s1 =	sadd.s32 s1, s30  }
0xbc: {  	s0 =	sor.u32 s3, s0;
	s1 =	sshll.u32 s1, $0x11  }
0xbd: {  	s0 =	sor.u32 s1, s0  }
0xbe: {  	s0 =	sadd.s32 $0x8F2B, s0  }
0xbf: {  	[sflag:s0] =	ssyncadd.remote.s32 $0x1  }
0xc0: {  	_ =	sfence.sel $0xFFFF  }
0xc1: {  	[dreg:$0x0] =	wrdreg $0xFFFFFFFF;
	(pc) =	sbr.abs _section_cstart, $3  }
0xc2: {  	[dreg:$0x1] =	wrdreg $0xFFFFFFFF  }
0xc3: {  	_ =	task.clear_ibuf [dreg:s8], $0x2FFFF;
	_ =	strace $0x9FFFFFFF  }
0xc4: {  	(tm) =	ssettm $0x7FFFFFFF  }
0xc5: {  	_ =	shalt  }
tec
execute0_lowered:
.L_overlay_start_1:
0x0: {  	(tag) =	ssettag $0x1  }
0x1: {  	s0 =	srdreg.scid;
	s6 =	rddreg [dreg:$0x0]  }
0x2: {  	s2 =	stileid.u32;
	s7 =	simm.s32 $0x1;
	s3 =	rddreg [dreg:$0x2]  }
0x3: {  	s4 =	simm.s32 $0x0;
	s16 =	simm.s32 $0x1B180;
	s0 =	sand.u32 $0x1, s0  }
0x4: {  	s17 =	simm.s32 $0x1B580;
	s18 =	simm.s32 $0x1B980;
	s1 =	sshll.u32 s0, $0x4  }
0x5: {  	s19 =	simm.s32 $0x1BD80;
	s5 =	sand.u32 $0x7, s2;
	s1 =	sor.u32 s2, s1  }
0x6: {  	s20 =	simm.s32 $0x1C180;
	p1 =	sne.s32 s5, $0x0;
	p0 =	seq.s32 s1, $0x0  }
0x7: {  	s21 =	simm.s32 $0x1C580;
	s22 =	simm.s32 $0x2;
	p0 =	por !p1, !p0  }
0x8: {  	s23 =	simm.s32 $0x1C980;
	s24 =	simm.s32 $0x1CD80;
	p0 =	por !p0, !p0  }
0x9: {  	[smem:$0x7FF] =	sst s4;
	s1 =	sshrl.u32 s1, $0x3;
	s7 =	simm.s32 @!p0 $0x0  }
0xa: {  	s6 =	sadd.s32 $0x400, s6;
	s0 =	ssub.s32 $0x2, s0;
	s1 =	ssub.s32 s1, s7  }
0xb: {  	s5 =	sshll.u32 s5, $0xF;
	s30 =	sshrl.u32 s0, $0x1;
	s1 =	smul.u32 $0xC0000, s1  }
0xc: {  	s2 =	rddreg [dreg:$0x1];
	_ =	strace $0x80000047;
	s0 =	ssub.s32 s0, s30  }
0xd: {  	[dreg:$0x4] =	wrdreg s6;
	s0 =	smax.u32 s0, $0x1;
	s6 =	sor.u32 s5, s1  }
0xe: {  	[dreg:$0x8] =	wrdreg s0;
	s1 =	sadd.s32 $0x40000, s6;
	s8 =	sshrl.u32 s6, $0x3  }
0xf: {  	s5 =	sadd.s32 $0x80000, s6;
	s1 =	sshrl.u32 s1, $0x3;
	s8 =	sadd.s32 s2, s8  }
0x10: {  	s5 =	sshrl.u32 s5, $0x3;
	[dreg:$0x5] =	wrdreg s8;
	s1 =	sadd.s32 s2, s1  }
0x11: {  	s25 =	simm.s32 $0x1D180;
	s31 =	sadd.s32 s2, s5;
	[dreg:$0x6] =	wrdreg s1  }
0x12: {  	s29 =	simm.s32 $0x0;
	s7 =	simm.s32 $0x1;
	[dreg:$0x7] =	wrdreg s31  }
.LBB2_1:
0x13: {  	s0 =	rddreg [dreg:$0x4];
	s13 =	simm.s32 $0x5  }
0x14: {  	[tilespmem:s4], [sflag:$0x5] =	stream.linear.gather [hbm4b:s0+s4], $0x1A580, $0x38;
	[tilespmem:$0x1D580] =	vst v63  }
0x15: {  	_ =	swait.ge [sflag:s13], $0x1A580  }
0x16: {  	[sflag:s13] =	ssyncset.done $0x0  }
0x17: {  	s1 =	simm.s32 $0x1A580;
	s14 =	rddreg [dreg:$0x5];
	[sflag:s13] =	ssyncadd.s32 $0xFFFE5A80  }
0x18: {  	[tilespmem:s1], [sflag:$0x1] =	stream.linear.gather [hbm4b:s14+s4], $0x400, $0x38;
	[tilespmem:$0x1D580] =	vst v63  }
0x19: {  	s26 =	simm.s32 $0x1A980;
	s15 =	rddreg [dreg:$0x6]  }
0x1a: {  	[tilespmem:s26], [sflag:$0x1] =	stream.linear.gather [hbm4b:s15+s4], $0x400, $0x38;
	[tilespmem:$0x1D580] =	vst v63  }
0x1b: {  	s31 =	simm.s32 $0x1AD80;
	s30 =	simm.s32 $0x0;
	s28 =	rddreg [dreg:$0x7]  }
0x1c: {  	[tilespmem:s31], [sflag:$0x1] =	stream.linear.gather [hbm4b:s28+s4], $0x400, $0x38;
	[tilespmem:$0x1D580] =	vst v63  }
.LBB2_2:
0x1d: {  	p0 =	seq.s32 s30, $0x0  }
0x1e: {  	s0 =	simm.s32 @!p0 $0x3  }
0x1f: {  	_ =	swait.ge @!p0 [sflag:s0], $0x400  }
0x20: {  	[sflag:s0] =	ssyncset.done @!p0 $0x0  }
0x21: {  	[sflag:s0] =	ssyncadd.s32 @!p0 $0xFFFFFC00  }
0x22: {  	_ =	swait.ge @!p0 [sflag:s0], $0x400  }
0x23: {  	[sflag:s0] =	ssyncset.done @!p0 $0x0  }
0x24: {  	[sflag:s0] =	ssyncadd.s32 @!p0 $0xFFFFFC00  }
0x25: {  	_ =	swait.ge @!p0 [sflag:s0], $0x400  }
0x26: {  	[sflag:s0] =	ssyncset.done @!p0 $0x0  }
0x27: {  	[sflag:s0] =	ssyncadd.s32 @!p0 $0xFFFFFC00  }
0x28: {  	_ =	swait.ge [sflag:s7], $0x400  }
0x29: {  	[sflag:s7] =	ssyncset.done $0x0  }
0x2a: {  	[sflag:s7] =	ssyncadd.s32 $0xFFFFFC00  }
0x2b: {  	s13 =	sshll.u32 s30, $0xB;
	_ =	swait.ge [sflag:s7], $0x400  }
0x2c: {  	s8 =	sand.u32 $0x7800, s13;
	[sflag:s7] =	ssyncset.done $0x0  }
0x2d: {  	s14 =	sor.u32 s6, s8;
	[sflag:s7] =	ssyncadd.s32 $0xFFFFFC00  }
0x2e: {  	s15 =	sshrl.u32 s14, $0x3;
	_ =	swait.ge [sflag:s7], $0x400  }
0x2f: {  	s10 =	sadd.s32 $0x40400, s14;
	s31 =	sor.u32 $0x80, s15;
	[sflag:s7] =	ssyncset.done $0x0  }
0x30: {  	s1 =	sshrl.u32 s10, $0x3;
	s9 =	sadd.s32 s2, s31;
	[sflag:s7] =	ssyncadd.s32 $0xFFFFFC00  }
0x31: {  	[tilespmem:s16], [sflag:$0x2] =	stream.linear.gather [hbm4b:s9+s4], $0x400, $0x38;
	[tilespmem:$0x1D580] =	vst v63  }
0x32: {  	s11 =	sadd.s32 $0x80400, s14;
	s0 =	sadd.s32 s2, s1  }
0x33: {  	[tilespmem:s17], [sflag:$0x2] =	stream.linear.gather [hbm4b:s0+s4], $0x400, $0x38;
	[tilespmem:$0x1D580] =	vst v63  }
0x34: {  	s0 =	sshrl.u32 s11, $0x3  }
0x35: {  	s12 =	simm.s32 $0x1A5A0;
	s5 =	sadd.s32 s2, s0  }
0x36: {  	[tilespmem:s18], [sflag:$0x2] =	stream.linear.gather [hbm4b:s5+s4], $0x400, $0x38;
	[tilespmem:$0x1D580] =	vst v63  }
0x37: {  	s8 =	simm.s32 $0x1ADA0;
	v0 =	vld [tilespmem:s12+$0x10]  }
0x38: {  	s9 =	simm.s32 $0x1A9A0;
	v1 =	vld [tilespmem:s8+$0x10]  }
0x39: {  	v2 =	vld [tilespmem:s9+$0x10]  }
0x3a: {  	v3 =	vld [tilespmem:s9+$0xFFFFFFE0]  }
0x3b: {  	v4 =	vld [tilespmem:s9+$0xFFFFFFF0]  }
0x3c: {  	v5 =	vld [tilespmem:s9+$0x0]  }
0x3d: {  	v6 =	vld [tilespmem:s8+$0xFFFFFFE0];
	_ =	sdelay $0x1  }
0x3e: {  	v7 =	vld [tilespmem:s8+$0xFFFFFFF0];
	v0 =	vadd.f32 v0, v0  }
0x3f: {  	v8 =	vld [tilespmem:s8+$0x0];
	v2 =	vadd.f32 v2, v2;
	v1 =	vadd.f32 v1, v1  }
0x40: {  	v9 =	vld [tilespmem:s12+$0xFFFFFFF0];
	v3 =	vadd.f32 v3, v3;
	v4 =	vadd.f32 v4, v4  }
0x41: {  	v10 =	vld [tilespmem:s12+$0xFFFFFFE0];
	v6 =	vadd.f32 v6, v6;
	v5 =	vadd.f32 v5, v5  }
0x42: {  	v11 =	vld [tilespmem:s12+$0x0];
	v0 =	vadd.f32 $-1.000000000e+00, v0;
	v2 =	vadd.f32 $-1.000000000e+00, v2  }
0x43: {  	v7 =	vadd.f32 v7, v7;
	v1 =	vadd.f32 $-1.000000000e+00, v1  }
0x44: {  	v0 =	vadd.f32 $1.000000000e+00, v0;
	v2 =	vadd.f32 $1.000000000e+00, v2  }
0x45: {  	v9 =	vadd.f32 v9, v9;
	v1 =	vadd.f32 $1.000000000e+00, v1  }
0x46: {  	v8 =	vadd.f32 v8, v8;
	v0 =	vmul.f32 $1.600000000e+01, v0;
	v2 =	vmul.f32 $1.600000000e+01, v2  }
0x47: {  	v10 =	vadd.f32 v10, v10;
	v11 =	vadd.f32 v11, v11;
	v1 =	vmul.f32 $1.600000000e+01, v1  }
0x48: {  	v3 =	vadd.f32 $-1.000000000e+00, v3;
	v0 =	vmax.f32 v0, $0.0e+00;
	v2 =	vmax.f32 v2, $0.0e+00  }
0x49: {  	v1 =	vmax.f32 v1, $0.0e+00;
	v0 =	vmin.f32 v0, $3.200000000e+01;
	v2 =	vmin.f32 v2, $3.200000000e+01  }
0x4a: {  	v1 =	vmin.f32 v1, $3.200000000e+01;
	v12 =	vtrunc.f32 v0;
	v13 =	vtrunc.f32 v2  }
0x4b: {  	v4 =	vadd.f32 $-1.000000000e+00, v4;
	v14 =	vtrunc.f32 v1;
	v13 =	vcvt.f32.s32 v13  }
0x4c: {  	v5 =	vadd.f32 $-1.000000000e+00, v5;
	v14 =	vcvt.f32.s32 v14;
	v15 =	vcvt.f32.s32 v12  }
0x4d: {  	v6 =	vadd.f32 $-1.000000000e+00, v6;
	v12 =	vadd.s32 $0x1, v13;
	v19 =	vmul.u32 $0x21, v13  }
0x4e: {  	v16 =	vmul.u32 $0x441, v14;
	v17 =	vadd.s32 $0x1, v15;
	vm0 =	vlt.s32 v12, $0x20  }
0x4f: {  	v23 =	vcvt.s32.f32 v15;
	vm1 =	vlt.s32 v17, $0x20;
	v12 =	vnsel vm0, $0x20, v12  }
0x50: {  	v18 =	vadd.s32 v19, v16;
	v20 =	vnsel vm1, $0x20, v17;
	v21 =	vmul.u32 $0x21, v12  }
0x51: {  	v17 =	vadd.s32 v15, v18;
	v12 =	vcvt.s32.f32 v13;
	v13 =	vadd.s32 $0x1, v14  }
0x52: {  	v18 =	vadd.s32 v20, v18;
	v14 =	vcvt.s32.f32 v14;
	vm7 =	vlt.s32 v13, $0x20  }
0x53: {  	v22 =	vadd.s32 v16, v21;
	v13 =	vnsel vm7, $0x20, v13;
	v2 =	vsub.f32 v2, v12  }
0x54: {  	v24 =	vsub.f32 v1, v14;
	v16 =	vadd.s32 v15, v22;
	v1 =	vmul.u32 $0x441, v13  }
0x55: {  	v7 =	vadd.f32 $-1.000000000e+00, v7;
	v23 =	vsub.f32 v0, v23;
	v12 =	vadd.s32 v20, v22  }
0x56: {  	v22 =	vsub.f32 $1.000000000e+00, v24;
	v13 =	vld.idx.msk [tilespmem:v17+s4+$0x0], $0xffff;
	v0 =	vadd.s32 v19, v1;
	v19 =	vsub.f32 $1.000000000e+00, v2  }
0x57: {  	v26 =	vadd.f32 $-1.000000000e+00, v8;
	v27 =	vadd.f32 $-1.000000000e+00, v10;
	v25 =	vld.idx.msk [tilespmem:v18+s4+$0x0], $0xffff  }
0x58: {  	v28 =	vsub.f32 $1.000000000e+00, v23;
	v14 =	vadd.s32 v15, v0;
	v8 =	vmul.f32 v22, v19  }
0x59: {  	v30 =	vadd.f32 $-1.000000000e+00, v9;
	v10 =	vadd.s32 v21, v1;
	v22 =	vmul.f32 v22, v2;
	v29 =	vld.idx.msk [tilespmem:v16+s4+$0x0], $0xffff  }
0x5a: {  	v33 =	vadd.s32 v20, v0;
	v1 =	vmul.f32 v8, v28;
	v8 =	vmul.f32 v8, v23  }
0x5b: {  	v31 =	vadd.f32 $-1.000000000e+00, v11;
	v3 =	vadd.f32 $1.000000000e+00, v3;
	v21 =	vld.idx.msk [tilespmem:v12+s4+$0x0], $0xffff;
	v0 =	vmul.f32 v22, v28  }
0x5c: {  	v9 =	vadd.s32 v15, v10;
	v15 =	vmul.f32 v1, v13;
	v25 =	vmul.f32 v8, v25  }
0x5d: {  	v4 =	vadd.f32 $1.000000000e+00, v4;
	v10 =	vadd.s32 v20, v10;
	v19 =	vmul.f32 v24, v19;
	v32 =	vld.idx.msk [tilespmem:v14+s4+$0x0], $0xffff  }
0x5e: {  	v13 =	vmul.f32 v22, v23;
	v20 =	vadd.f32 v25, v15;
	v22 =	vmul.f32 v0, v29  }
0x5f: {  	v5 =	vadd.f32 $1.000000000e+00, v5;
	v25 =	vld.idx.msk [tilespmem:v33+s4+$0x0], $0xffff;
	v29 =	vadd.f32 $1.000000000e+00, v6  }
0x60: {  	[tilespmem:$0x1FA10] =	vst v33;
	v15 =	vmul.f32 v19, v28;
	v6 =	vadd.f32 v20, v22;
	v20 =	vmul.f32 v13, v21  }
0x61: {  	v26 =	vadd.f32 $1.000000000e+00, v26;
	v2 =	vmul.f32 v24, v2;
	v21 =	vld.idx.msk [tilespmem:v9+s4+$0x0], $0xffff;
	v22 =	vadd.f32 $1.000000000e+00, v7  }
0x62: {  	v7 =	vmul.f32 v19, v23;
	v19 =	vadd.f32 v6, v20;
	v20 =	vmul.f32 v15, v32  }
0x63: {  	v27 =	vadd.f32 $1.000000000e+00, v27;
	v3 =	vmul.f32 $1.600000000e+01, v3;
	v4 =	vmul.f32 $1.600000000e+01, v4;
	v24 =	vld.idx.msk [tilespmem:v10+s4+$0x0], $0xffff  }
0x64: {  	v6 =	vmul.f32 v2, v28;
	v19 =	vadd.f32 v19, v20;
	v20 =	vmul.f32 v7, v25  }
0x65: {  	v30 =	vadd.f32 $1.000000000e+00, v30;
	v25 =	vmul.f32 $1.600000000e+01, v29;
	v29 =	vmul.f32 $1.600000000e+01, v5  }
0x66: {  	v5 =	vmul.f32 v2, v23;
	v2 =	vadd.f32 v19, v20;
	v19 =	vmul.f32 v6, v21  }
0x67: {  	v3 =	vmax.f32 v3, $0.0e+00;
	v28 =	vadd.f32 $1.000000000e+00, v31;
	v20 =	vmul.f32 $1.600000000e+01, v22  }
0x68: {  	v22 =	vadd.s32 $0x8C61, v17;
	v2 =	vadd.f32 v2, v19;
	v19 =	vmul.f32 v5, v24  }
0x69: {  	v4 =	vmax.f32 v4, $0.0e+00;
	[tilespmem:$0x1FA40] =	vst v7;
	v21 =	vmul.f32 $1.600000000e+01, v26;
	v26 =	vadd.s32 $0x8C61, v18  }
0x6a: {  	[tilespmem:$0x1FA50] =	vst v6;
	v23 =	vmul.f32 $1.600000000e+01, v27;
	v27 =	vmul.f32 $1.600000000e+01, v28;
	v2 =	vadd.f32 v2, v19  }
0x6b: {  	s26 =	simm.s32 $0x1BDA0;
	v28 =	vadd.s32 $0x8C61, v16;
	[tilespmem:$0x1FA60] =	vst v5;
	v24 =	vmul.f32 $1.600000000e+01, v30;
	v19 =	vmax.f32 v25, $0.0e+00  }
0x6c: {  	v25 =	vmax.f32 v29, $0.0e+00;
	v29 =	vmin.f32 v3, $3.200000000e+01;
	v3 =	vmax.f32 v20, $0.0e+00;
	[tilespmem:s26+$0x10] =	vst v2  }
0x6d: {  	v20 =	vmax.f32 v21, $0.0e+00;
	v21 =	vmin.f32 v4, $3.200000000e+01;
	v4 =	vadd.s32 $0x8C61, v12;
	v2 =	vld.idx.msk [tilespmem:v22+s4+$0x0], $0xffff  }
0x6e: {  	v22 =	vmax.f32 v23, $0.0e+00;
	v23 =	vmax.f32 v24, $0.0e+00;
	v24 =	vld.idx.msk [tilespmem:v26+s4+$0x0], $0xffff  }
0x6f: {  	v26 =	vmin.f32 v3, $3.200000000e+01;
	v3 =	vmax.f32 v27, $0.0e+00;
	v27 =	vadd.s32 $0x8C61, v14  }
0x70: {  	v50 =	vadd.s32 $0x118C2, v12;
	v36 =	vadd.s32 $0x8C61, v9;
	v57 =	vmin.f32 v20, $3.200000000e+01;
	v20 =	vld.idx.msk [tilespmem:v28+s4+$0x0], $0xffff  }
0x71: {  	v53 =	vadd.s32 $0x118C2, v14;
	v33 =	vadd.s32 $0x8C61, v33;
	v16 =	vadd.s32 $0x118C2, v16  }
0x72: {  	v17 =	vadd.s32 $0x118C2, v17;
	v30 =	vtrunc.f32 v29;
	v31 =	vtrunc.f32 v21;
	v4 =	vld.idx.msk [tilespmem:v4+s4+$0x0], $0xffff  }
0x73: {  	v19 =	vmin.f32 v19, $3.200000000e+01;
	v2 =	vmul.f32 v1, v2;
	v24 =	vmul.f32 v8, v24  }
0x74: {  	v25 =	vmin.f32 v25, $3.200000000e+01;
	v34 =	vtrunc.f32 v19;
	v30 =	vcvt.f32.s32 v30;
	v27 =	vld.idx.msk [tilespmem:v27+s4+$0x0], $0xffff  }
0x75: {  	v20 =	vmul.f32 v20, v0;
	v2 =	vadd.f32 v24, v2;
	v24 =	vadd.s32 $0x8C61, v10  }
0x76: {  	v18 =	vadd.s32 $0x118C2, v18;
	v31 =	vcvt.f32.s32 v31;
	v28 =	vtrunc.f32 v25;
	v33 =	vld.idx.msk [tilespmem:v33+s4+$0x0], $0xffff  }
0x77: {  	v34 =	vcvt.f32.s32 v34;
	v4 =	vmul.f32 v4, v13;
	v2 =	vadd.f32 v2, v20  }
0x78: {  	v36 =	vld.idx.msk [tilespmem:v36+s4+$0x0], $0xffff;
	v35 =	vmin.f32 v23, $3.200000000e+01;
	v23 =	vtrunc.f32 v26;
	v37 =	vmin.f32 v3, $3.200000000e+01  }
0x79: {  	v3 =	vtrunc.f32 v57;
	v27 =	vmul.f32 v27, v15;
	v2 =	vadd.f32 v2, v4  }
0x7a: {  	v22 =	vmin.f32 v22, $3.200000000e+01;
	v28 =	vcvt.f32.s32 v28;
	v61 =	vcvt.s32.f32 v31;
	v24 =	vld.idx.msk [tilespmem:v24+s4+$0x0], $0xffff  }
0x7b: {  	v38 =	vtrunc.f32 v22;
	v33 =	vmul.f32 v33, v7;
	v27 =	vadd.f32 v2, v27  }
0x7c: {  	v41 =	vadd.s32 $0x1, v31;
	v39 =	vtrunc.f32 v35;
	v40 =	vcvt.f32.s32 v23  }
0x7d: {  	v23 =	vtrunc.f32 v37;
	v59 =	vmul.f32 v36, v6;
	v27 =	vadd.f32 v27, v33  }
0x7e: {  	v31 =	vmul.u32 $0x21, v31;
	v43 =	vcvt.f32.s32 v3;
	v60 =	vcvt.s32.f32 v34  }
0x7f: {  	vm9 =	vlt.s32 v41, $0x20;
	v27 =	vadd.f32 v27, v59;
	v24 =	vmul.f32 v24, v5  }
0x80: {  	v3 =	vcvt.f32.s32 v39;
	v58 =	vadd.s32 $0x1, v28;
	v44 =	vcvt.s32.f32 v28  }
0x81: {  	v41 =	vnsel vm9, $0x20, v41;
	v42 =	vcvt.s32.f32 v40;
	v24 =	vadd.f32 v27, v24  }
0x82: {  	s11 =	simm.s32 $0x1C1A0;
	vm2 =	vlt.s32 v58, $0x20;
	v48 =	vmul.u32 $0x441, v40;
	v39 =	vmul.u32 $0x21, v41  }
0x83: {  	v62 =	vcvt.s32.f32 v43;
	v46 =	vadd.s32 $0x1, v3;
	v12 =	vsub.f32 v25, v44;
	[tilespmem:s11+$0x10] =	vst v24  }
0x84: {  	vm11 =	vlt.s32 v46, $0x20;
	v56 =	vadd.s32 v48, v39;
	v20 =	vadd.s32 $0x1, v30;
	v49 =	vld.idx.msk [tilespmem:v17+s4+$0x0], $0xffff  }
0x85: {  	v44 =	vnsel vm11, $0x20, v46;
	v46 =	vsub.f32 $1.000000000e+00, v12;
	vm8 =	vlt.s32 v20, $0x20;
	v52 =	vld.idx.msk [tilespmem:v18+s4+$0x0], $0xffff  }
0x86: {  	v4 =	vcvt.f32.s32 v38;
	v51 =	vnsel vm8, $0x20, v20;
	v38 =	vnsel vm2, $0x20, v58  }
0x87: {  	v20 =	vsub.f32 v19, v60;
	v19 =	vsub.f32 v26, v42;
	v26 =	vcvt.s32.f32 v3;
	v16 =	vld.idx.msk [tilespmem:v16+s4+$0x0], $0xffff  }
0x88: {  	v58 =	vadd.s32 v3, v56;
	v38 =	vmul.u32 $0x21, v38;
	v2 =	vcvt.f32.s32 v23  }
0x89: {  	v23 =	vcvt.s32.f32 v30;
	v45 =	vadd.s32 $0x1, v4;
	v30 =	vmul.u32 $0x21, v30;
	v25 =	vld.idx.msk [tilespmem:v50+s4+$0x0], $0xffff  }
0x8a: {  	vm10 =	vlt.s32 v45, $0x20;
	v1 =	vmul.f32 v49, v1;
	v8 =	vmul.f32 v52, v8  }
0x8b: {  	v47 =	vadd.s32 $0x1, v2;
	v14 =	vsub.f32 v29, v23;
	v33 =	vmul.u32 $0x21, v51  }
0x8c: {  	v27 =	vmul.u32 $0x441, v34;
	v0 =	vmul.f32 v16, v0;
	v1 =	vadd.f32 v8, v1  }
0x8d: {  	v41 =	vnsel vm10, $0x20, v45;
	v24 =	vmul.u32 $0x21, v28;
	v28 =	vmul.u32 $0x441, v43;
	v51 =	vld.idx.msk [tilespmem:v53+s4+$0x0], $0xffff  }
0x8e: {  	v8 =	vadd.s32 v30, v27;
	v0 =	vadd.f32 v0, v1;
	v1 =	vmul.f32 v25, v13  }
0x8f: {  	v7 =	vadd.s32 v4, v8;
	v25 =	vadd.s32 v41, v8;
	v8 =	vadd.s32 v24, v28  }
0x90: {  	vm12 =	vlt.s32 v47, $0x20;
	[tilespmem:$0x1FAC0] =	vst v25;
	v6 =	vadd.s32 v2, v8;
	v0 =	vadd.f32 v1, v0  }
0x91: {  	v23 =	vnsel vm12, $0x20, v47;
	v17 =	vsub.f32 v57, v62;
	v16 =	vadd.s32 v31, v48;
	[tilespmem:$0x1FAF0] =	vst v6  }
0x92: {  	v18 =	vsub.f32 v21, v61;
	v1 =	vadd.s32 v44, v16;
	[tilespmem:$0x1FA20] =	vst v0;
	v0 =	vmul.f32 v51, v15  }
0x93: {  	v21 =	vcvt.s32.f32 v4;
	v59 =	vsub.f32 $1.000000000e+00, v17;
	v5 =	vadd.s32 v3, v16;
	[tilespmem:$0x1FAE0] =	vst v1  }
0x94: {  	v36 =	vsub.f32 $1.000000000e+00, v20;
	v63 =	vcvt.s32.f32 v2;
	[tilespmem:$0x1FA30] =	vst v0;
	v0 =	vadd.s32 v23, v8  }
0x95: {  	v62 =	vmul.f32 v59, v46;
	v13 =	vsub.f32 $1.000000000e+00, v14;
	v16 =	vsub.f32 v22, v21;
	[tilespmem:$0x1FB00] =	vst v0  }
0x96: {  	v45 =	vsub.f32 $1.000000000e+00, v19;
	v27 =	vadd.s32 v27, v33;
	v22 =	vsub.f32 v35, v26;
	v52 =	vld.idx.msk [tilespmem:v7+s4+$0x0], $0xffff;
	[tilespmem:$0x1FAB0] =	vst v7  }
0x97: {  	v55 =	vmul.f32 v36, v13;
	v60 =	vsub.f32 $1.000000000e+00, v16;
	v8 =	vadd.s32 $0x1, v34;
	v26 =	vld.idx.msk [tilespmem:v25+s4+$0x0], $0xffff  }
0x98: {  	v34 =	vadd.s32 $0x1, v40;
	v40 =	vadd.s32 $0x1, v43;
	v43 =	vsub.f32 $1.000000000e+00, v18;
	v53 =	vld.idx.msk [tilespmem:v5+s4+$0x0], $0xffff;
	[tilespmem:$0x1FAD0] =	vst v5  }
0x99: {  	v28 =	vadd.s32 v28, v38;
	v21 =	vsub.f32 v37, v63;
	v11 =	vmul.f32 v55, v60;
	v54 =	vld.idx.msk [tilespmem:v1+s4+$0x0], $0xffff  }
0x9a: {  	v61 =	vsub.f32 $1.000000000e+00, v22;
	v57 =	vmul.f32 v45, v43;
	v63 =	vld.idx.msk [tilespmem:v6+s4+$0x0], $0xffff;
	v6 =	vmul.f32 v55, v16  }
0x9b: {  	v29 =	vadd.s32 v4, v27;
	v48 =	vadd.s32 v2, v28;
	v13 =	vmul.f32 v20, v13;
	[tilespmem:$0x1FB60] =	vst v11  }
0x9c: {  	vm13 =	vlt.s32 v8, $0x20;
	vm14 =	vlt.s32 v34, $0x20;
	v47 =	vmul.f32 v57, v61;
	[tilespmem:$0x1FBB0] =	vst v6  }
0x9d: {  	v8 =	vnsel vm13, $0x20, v8;
	v15 =	vmul.f32 v57, v22;
	v37 =	vld.idx.msk [tilespmem:v0+s4+$0x0], $0xffff;
	v0 =	vsub.f32 $1.000000000e+00, v21  }
0x9e: {  	v8 =	vmul.u32 $0x441, v8;
	v1 =	vmul.f32 v13, v60;
	v35 =	vmul.f32 v47, v53  }
0x9f: {  	v34 =	vnsel vm14, $0x20, v34;
	[tilespmem:$0x1FBC0] =	vst v47;
	v32 =	vmul.f32 v15, v54;
	v50 =	vmul.f32 v62, v0  }
0xa0: {  	v30 =	vadd.s32 v30, v8;
	[tilespmem:$0x1FBF0] =	vst v15;
	v49 =	vmul.f32 v11, v52;
	v15 =	vmul.f32 v62, v21  }
0xa1: {  	v47 =	vadd.s32 v41, v27;
	[tilespmem:$0x1FC70] =	vst v50;
	v27 =	vadd.f32 v32, v35;
	v35 =	vmul.f32 v36, v14  }
0xa2: {  	v52 =	vadd.s32 v44, v56;
	v26 =	vmul.f32 v6, v26;
	[tilespmem:$0x1FCD0] =	vst v15;
	v42 =	vmul.f32 v50, v63  }
0xa3: {  	v25 =	vmov v5;
	v57 =	vld.idx.msk [tilespmem:v29+s4+$0x0], $0xffff;
	[tilespmem:$0x1FB20] =	vst v29;
	v37 =	vmul.f32 v15, v37;
	v5 =	vmul.f32 v35, v60  }
0xa4: {  	v34 =	vmul.u32 $0x441, v34;
	v8 =	vadd.s32 v33, v8;
	v26 =	vadd.f32 v26, v49;
	v49 =	vld.idx.msk [tilespmem:v58+s4+$0x0], $0xffff;
	[tilespmem:$0x1FBA0] =	vst v58  }
0xa5: {  	v53 =	vadd.s32 v23, v28;
	v28 =	vadd.f32 v37, v42;
	v37 =	vmul.f32 v45, v18;
	[tilespmem:$0x1FD20] =	vst v5  }
0xa6: {  	vm15 =	vlt.s32 v40, $0x20;
	v31 =	vadd.s32 v31, v34;
	v34 =	vadd.s32 v39, v34;
	v51 =	vld.idx.msk [tilespmem:v48+s4+$0x0], $0xffff;
	[tilespmem:$0x1FC20] =	vst v48  }
0xa7: {  	v62 =	vmov v29;
	v63 =	vmul.f32 v59, v12;
	v29 =	vmul.f32 v37, v61;
	v56 =	vld.idx.msk [tilespmem:v47+s4+$0x0], $0xffff;
	[tilespmem:$0x1FCA0] =	vst v47  }
0xa8: {  	v55 =	vadd.s32 v3, v31;
	v50 =	vnsel vm15, $0x20, v40;
	v32 =	vmul.f32 v5, v57;
	v57 =	vld.idx.msk [tilespmem:v52+s4+$0x0], $0xffff;
	[tilespmem:$0x1FD10] =	vst v52  }
0xa9: {  	v54 =	vadd.s32 v4, v30;
	v33 =	vmul.u32 $0x441, v50;
	v11 =	vmul.f32 v63, v0;
	[tilespmem:$0x1FD40] =	vst v29  }
0xaa: {  	v6 =	vmov v48;
	v14 =	vmul.f32 v20, v14;
	v15 =	vmul.f32 v37, v22;
	v59 =	vld.idx.msk [tilespmem:v53+s4+$0x0], $0xffff;
	[tilespmem:$0x1FD80] =	vst v53  }
0xab: {  	v24 =	vadd.s32 v24, v33;
	v36 =	vmul.f32 v29, v49;
	v29 =	vmul.f32 v35, v16;
	[tilespmem:$0x1FD60] =	vst v11  }
0xac: {  	[tilespmem:$0x1FE40] =	vst v15;
	v40 =	vmul.f32 v11, v51;
	v51 =	vadd.s32 v2, v24;
	v11 =	vmul.f32 v63, v21  }
0xad: {  	v33 =	vadd.s32 v38, v33;
	v48 =	vadd.s32 v41, v30;
	v26 =	vadd.f32 v26, v32;
	[tilespmem:$0x1FDC0] =	vst v29  }
0xae: {  	v27 =	vadd.f32 v27, v36;
	v63 =	vadd.s32 v44, v31;
	v30 =	vmul.f32 v29, v56;
	[tilespmem:$0x1FE50] =	vst v11  }
0xaf: {  	v28 =	vadd.f32 v28, v40;
	v32 =	vmul.f32 v11, v59;
	v42 =	vld.idx.msk [tilespmem:v54+s4+$0x0], $0xffff;
	[tilespmem:$0x1FD90] =	vst v54  }
0xb0: {  	v31 =	vmul.f32 v15, v57;
	v26 =	vadd.f32 v26, v30;
	v30 =	vld.idx.msk [tilespmem:v55+s4+$0x0], $0xffff;
	[tilespmem:$0x1FDA0] =	vst v55  }
0xb1: {  	v38 =	vadd.s32 v3, v34;
	v28 =	vadd.f32 v28, v32;
	v32 =	vld.idx.msk [tilespmem:v51+s4+$0x0], $0xffff;
	[tilespmem:$0x1FDB0] =	vst v51  }
0xb2: {  	v27 =	vadd.f32 v27, v31;
	v31 =	vmul.f32 v19, v43;
	v36 =	vld.idx.msk [tilespmem:v48+s4+$0x0], $0xffff;
	[tilespmem:$0x1FDD0] =	vst v48  }
0xb3: {  	v5 =	vmov v47;
	v57 =	vadd.s32 v23, v24;
	v24 =	vmul.f32 v17, v46;
	[tilespmem:$0x1FE60] =	vst v1  }
0xb4: {  	s5 =	simm.s32 $0x1A9E0;
	v50 =	vmov v48;
	v48 =	vadd.s32 v4, v8;
	v47 =	vmul.f32 v31, v61;
	v4 =	vld.idx.msk [tilespmem:v63+s4+$0x0], $0xffff;
	[tilespmem:$0x1FDF0] =	vst v63  }
0xb5: {  	v11 =	vadd.s32 v41, v8;
	v3 =	vmul.f32 v1, v42;
	v8 =	vld [tilespmem:s5+$0x10];
	v1 =	vmul.f32 v13, v16  }
0xb6: {  	v18 =	vmul.f32 v19, v18;
	v49 =	vmov v63;
	v63 =	vmul.f32 v24, v0;
	[tilespmem:$0x1FE80] =	vst v47  }
0xb7: {  	s12 =	simm.s32 $0x1A5E0;
	v12 =	vmul.f32 v17, v12;
	[tilespmem:$0x1FED0] =	vst v1  }
0xb8: {  	s8 =	simm.s32 $0x1ADE0;
	v39 =	vadd.s32 v2, v33;
	v56 =	vmul.f32 v14, v60;
	v29 =	vmul.f32 v18, v61;
	v13 =	vld [tilespmem:s12+$0x10];
	[tilespmem:$0x1FEA0] =	vst v63  }
0xb9: {  	v35 =	vadd.s32 v23, v33;
	v15 =	vmul.f32 v18, v22;
	v59 =	vmul.f32 v31, v22;
	v31 =	vld [tilespmem:s8+$0x10]  }
0xba: {  	v40 =	vmul.f32 v12, v0;
	v41 =	vmul.f32 v14, v16;
	v8 =	vadd.f32 v8, v8  }
0xbb: {  	v30 =	vmul.f32 v47, v30;
	v3 =	vadd.f32 v26, v3;
	v26 =	vld.idx.msk [tilespmem:v57+s4+$0x0], $0xffff;
	[tilespmem:$0x1FE20] =	vst v57  }
0xbc: {  	v42 =	vadd.s32 v44, v34;
	v44 =	vmul.f32 v24, v21;
	[tilespmem:$0x1FEE0] =	vst v59;
	v8 =	vadd.f32 $-1.000000000e+00, v8  }
0xbd: {  	v2 =	vmul.f32 v63, v32;
	v27 =	vadd.f32 v27, v30;
	v20 =	vld.idx.msk [tilespmem:v48+s4+$0x0], $0xffff;
	v13 =	vadd.f32 v13, v13  }
0xbe: {  	v23 =	vmul.f32 v1, v36;
	[tilespmem:$0x1FE00] =	vst v48;
	v19 =	vadd.f32 v31, v31;
	v8 =	vadd.f32 $1.000000000e+00, v8  }
0xbf: {  	v2 =	vadd.f32 v28, v2;
	v4 =	vmul.f32 v59, v4;
	[tilespmem:$0x1FF20] =	vst v44;
	v13 =	vadd.f32 $-1.000000000e+00, v13  }
0xc0: {  	v3 =	vadd.f32 v3, v23;
	v17 =	vadd.f32 $-1.000000000e+00, v19;
	v19 =	vld.idx.msk [tilespmem:v38+s4+$0x0], $0xffff;
	v8 =	vmul.f32 $1.600000000e+01, v8  }
0xc1: {  	v4 =	vadd.f32 v27, v4;
	v23 =	vmul.f32 v44, v26;
	v13 =	vadd.f32 $1.000000000e+00, v13  }
0xc2: {  	v14 =	vmul.f32 v56, v20;
	[tilespmem:$0x1FE70] =	vst v38;
	v16 =	vadd.f32 $1.000000000e+00, v17;
	v8 =	vmax.f32 v8, $0.0e+00  }
0xc3: {  	v2 =	vadd.f32 v2, v23;
	[tilespmem:$0x1FF00] =	vst v56;
	v13 =	vmul.f32 $1.600000000e+01, v13;
	v8 =	vmin.f32 v8, $3.200000000e+01  }
0xc4: {  	v3 =	vadd.f32 v3, v14;
	v14 =	vmul.f32 $1.600000000e+01, v16;
	v16 =	vld.idx.msk [tilespmem:v39+s4+$0x0], $0xffff;
	v17 =	vtrunc.f32 v8  }
0xc5: {  	v61 =	vmovc v39;
	[tilespmem:$0x1FE90] =	vst v39;
	v39 =	vmul.f32 v12, v21;
	v0 =	vmul.f32 v29, v19;
	v13 =	vmax.f32 v13, $0.0e+00  }
0xc6: {  	v17 =	vcvt.f32.s32 v17;
	v14 =	vmax.f32 v14, $0.0e+00;
	v13 =	vmin.f32 v13, $3.200000000e+01  }
0xc7: {  	v14 =	vmin.f32 v14, $3.200000000e+01;
	v36 =	vadd.f32 v4, v0;
	v4 =	vtrunc.f32 v13  }
0xc8: {  	v0 =	vld [tilespmem:$0x1FA10];
	v18 =	vtrunc.f32 v14;
	v19 =	vcvt.f32.s32 v4;
	v4 =	vadd.s32 $0x1, v17  }
0xc9: {  	v18 =	vcvt.f32.s32 v18;
	v12 =	vmul.f32 v40, v16;
	vm4 =	vlt.s32 v4, $0x20  }
0xca: {  	v16 =	vmul.u32 $0x21, v17;
	v21 =	vadd.s32 $0x1, v19;
	v26 =	vcvt.s32.f32 v19  }
0xcb: {  	v20 =	vmul.u32 $0x441, v18;
	v22 =	vadd.f32 v2, v12;
	vm5 =	vlt.s32 v21, $0x20  }
0xcc: {  	v2 =	vnsel vm4, $0x20, v4;
	v4 =	vcvt.s32.f32 v17;
	v24 =	vcvt.s32.f32 v18  }
0xcd: {  	v21 =	vnsel vm5, $0x20, v21;
	v27 =	vmul.u32 $0x21, v2;
	v2 =	vadd.s32 $0x118C2, v0  }
0xce: {  	v17 =	vadd.s32 v16, v20;
	v8 =	vsub.f32 v8, v4;
	v14 =	vsub.f32 v14, v24  }
0xcf: {  	v23 =	vld.idx.msk [tilespmem:v11+s4+$0x0], $0xffff;
	[tilespmem:$0x1FEB0] =	vst v11;
	v24 =	vsub.f32 v13, v26;
	v13 =	vadd.s32 $0x118C2, v9;
	v12 =	vadd.s32 v19, v17  }
0xd0: {  	v4 =	vadd.s32 $0x1, v18;
	v18 =	vld.idx.msk [tilespmem:v42+s4+$0x0], $0xffff;
	v17 =	vadd.s32 v21, v17;
	v9 =	vadd.s32 v20, v27  }
0xd1: {  	v60 =	vmov v38;
	[tilespmem:$0x1FEC0] =	vst v42;
	v38 =	vadd.s32 v19, v9  }
0xd2: {  	v34 =	vld.idx.msk [tilespmem:v35+s4+$0x0], $0xffff  }
0xd3: {  	v31 =	vld.idx.msk [tilespmem:v2+s4+$0x0], $0xffff  }
0xd4: {  	v10 =	vadd.s32 $0x118C2, v10;
	v20 =	vmul.f32 v41, v23;
	v23 =	vld.idx.msk [tilespmem:v12+s4+$0x0], $0xffff  }
0xd5: {  	vm6 =	vlt.s32 v4, $0x20;
	v26 =	vsub.f32 $1.000000000e+00, v8;
	v18 =	vmul.f32 v15, v18;
	v30 =	vld.idx.msk [tilespmem:v17+s4+$0x0], $0xffff;
	[tilespmem:$0x1FEF0] =	vst v35  }
0xd6: {  	v28 =	vsub.f32 $1.000000000e+00, v14;
	v46 =	vadd.s32 v21, v9;
	v3 =	vadd.f32 v3, v20;
	v9 =	vmovc v35;
	v35 =	vld.idx.msk [tilespmem:v38+s4+$0x0], $0xffff  }
0xd7: {  	v4 =	vnsel vm6, $0x20, v4;
	v32 =	vsub.f32 $1.000000000e+00, v24;
	v1 =	vadd.f32 v36, v18;
	v18 =	vld.idx.msk [tilespmem:v13+s4+$0x0], $0xffff  }
0xd8: {  	v20 =	vmul.u32 $0x441, v4;
	v4 =	vmul.f32 v28, v26;
	v13 =	vmul.f32 v28, v8;
	v28 =	vld [tilespmem:$0x1FAC0];
	[tilespmem:s26+$0xFFFFFFE0] =	vst v3  }
0xd9: {  	v3 =	vld [tilespmem:$0x1FAE0];
	[tilespmem:s26+$0xFFFFFFF0] =	vst v1  }
0xda: {  	v43 =	vmul.f32 v4, v32;
	v45 =	vmul.f32 v4, v24;
	v1 =	vld [tilespmem:$0x1FAF0];
	_ =	sdelay $0x1  }
0xdb: {  	v16 =	vadd.s32 v16, v20;
	v23 =	vmul.f32 v43, v23;
	v30 =	vmul.f32 v45, v30  }
0xdc: {  	v20 =	vadd.s32 v27, v20;
	v4 =	vadd.s32 v19, v16;
	v36 =	vld.idx.msk [tilespmem:v10+s4+$0x0], $0xffff;
	v10 =	vmul.f32 v13, v32  }
0xdd: {  	v23 =	vadd.f32 v30, v23;
	v30 =	vadd.s32 $0x8C61, v3;
	v3 =	vadd.s32 v19, v20  }
0xde: {  	v19 =	vmul.f32 v10, v35;
	v35 =	vmul.f32 v13, v24;
	v13 =	vadd.s32 $0x8C61, v1;
	v1 =	vld [tilespmem:$0x1FB00];
	_ =	sdelay $0x1  }
0xdf: {  	v33 =	vadd.s32 $0x8C61, v7;
	_ =	sdelay $0x1  }
0xe0: {  	v37 =	vadd.s32 $0x8C61, v25;
	v7 =	vld [tilespmem:$0x1FA30]  }
0xe1: {  	v19 =	vadd.f32 v23, v19;
	v23 =	vadd.s32 $0x8C61, v1;
	v1 =	vld [tilespmem:$0x1FA20]  }
0xe2: {  	v2 =	vadd.s32 v21, v16;
	v16 =	vld.idx.msk [tilespmem:v46+s4+$0x0], $0xffff;
	v28 =	vadd.s32 $0x8C61, v28  }
0xe3: {  	v27 =	vld.idx.msk [tilespmem:v33+s4+$0x0], $0xffff  }
0xe4: {  	v33 =	vmul.f32 v39, v34;
	v34 =	vld.idx.msk [tilespmem:v4+s4+$0x0], $0xffff  }
0xe5: {  	v20 =	vadd.s32 v21, v20;
	v21 =	vld.idx.msk [tilespmem:v37+s4+$0x0], $0xffff  }
0xe6: {  	v26 =	vmul.f32 v14, v26;
	v1 =	vadd.f32 v7, v1;
	v7 =	vld [tilespmem:$0x1FA40]  }
0xe7: {  	v22 =	vadd.f32 v22, v33;
	v0 =	vld.idx.msk [tilespmem:v28+s4+$0x0], $0xffff  }
0xe8: {  	v37 =	vmov v15;
	v15 =	vmul.f32 v26, v32;
	v28 =	vld.idx.msk [tilespmem:v2+s4+$0x0], $0xffff;
	[tilespmem:$0x1FB10] =	vst v2  }
0xe9: {  	[tilespmem:s26+$0x0] =	vst v22  }
0xea: {  	v25 =	vld.idx.msk [tilespmem:v30+s4+$0x0], $0xffff;
	[tilespmem:$0x1FB40] =	vst v15  }
0xeb: {  	v7 =	vmul.f32 v31, v7;
	v31 =	vld.idx.msk [tilespmem:v3+s4+$0x0], $0xffff  }
0xec: {  	v22 =	vadd.s32 $0x8C61, v58;
	v58 =	vmov v3;
	[tilespmem:$0x1FB30] =	vst v3;
	v3 =	vld [tilespmem:$0x1FA50]  }
0xed: {  	v16 =	vmul.f32 v35, v16  }
0xee: {  	v30 =	vadd.s32 $0x8C61, v62  }
0xef: {  	v8 =	vmul.f32 v14, v8;
	v16 =	vadd.f32 v19, v16;
	v19 =	vmul.f32 v15, v34;
	v14 =	vld.idx.msk [tilespmem:v13+s4+$0x0], $0xffff  }
0xf0: {  	v13 =	vmul.f32 v26, v24;
	v26 =	vadd.s32 $0x8C61, v6;
	v33 =	vld.idx.msk [tilespmem:v20+s4+$0x0], $0xffff;
	v1 =	vadd.f32 v7, v1  }
0xf1: {  	v7 =	vadd.f32 v16, v19;
	v16 =	vadd.s32 $0x8C61, v5;
	v6 =	vmul.f32 v18, v3;
	v3 =	vld [tilespmem:$0x1FA60]  }
0xf2: {  	v62 =	vmov v15;
	v15 =	vmul.f32 v8, v32;
	v23 =	vld.idx.msk [tilespmem:v23+s4+$0x0], $0xffff;
	[tilespmem:$0x1FB90] =	vst v13  }
0xf3: {  	v28 =	vmul.f32 v13, v28;
	v19 =	vmov v13;
	v13 =	vmul.f32 v8, v24;
	v8 =	vld.idx.msk [tilespmem:v30+s4+$0x0], $0xffff  }
0xf4: {  	v52 =	vadd.s32 $0x8C61, v52;
	v22 =	vld.idx.msk [tilespmem:v22+s4+$0x0], $0xffff;
	[tilespmem:$0x1FBD0] =	vst v15  }
0xf5: {  	v7 =	vadd.f32 v7, v28;
	v28 =	vmul.f32 v15, v31;
	v1 =	vadd.f32 v6, v1;
	v6 =	vld.idx.msk [tilespmem:v26+s4+$0x0], $0xffff  }
0xf6: {  	v24 =	vadd.s32 $0x8C61, v53;
	v16 =	vld.idx.msk [tilespmem:v16+s4+$0x0], $0xffff;
	v5 =	vmul.f32 v36, v3  }
0xf7: {  	v7 =	vadd.f32 v7, v28;
	v28 =	vmul.f32 v13, v33;
	[tilespmem:$0x1FC10] =	vst v13;
	v3 =	vmov v13;
	v13 =	vld [tilespmem:$0x1FB60]  }
0xf8: {  	v1 =	vadd.f32 v5, v1;
	_ =	sdelay $0x1  }
0xf9: {  	v32 =	vld.idx.msk [tilespmem:v52+s4+$0x0], $0xffff;
	[tilespmem:$0x1FFA0] =	vst v1  }
0xfa: {  	v5 =	vld.idx.msk [tilespmem:v24+s4+$0x0], $0xffff  }
0xfb: {  	v24 =	vmul.f32 v13, v27;
	v13 =	vld [tilespmem:$0x1FBB0];
	_ =	sdelay $0x4  }
0xfc: {  	v0 =	vmul.f32 v13, v0;
	v13 =	vld [tilespmem:$0x1FBC0];
	_ =	sdelay $0x4  }
0xfd: {  	v21 =	vmul.f32 v13, v21;
	v13 =	vld [tilespmem:$0x1FBF0];
	_ =	sdelay $0x4  }
0xfe: {  	v25 =	vmul.f32 v13, v25;
	v13 =	vld [tilespmem:$0x1FC70];
	_ =	sdelay $0x4  }
0xff: {  	v14 =	vmul.f32 v13, v14;
	v13 =	vld [tilespmem:$0x1FCD0];
	_ =	sdelay $0x4  }
0x100: {  	v23 =	vmul.f32 v13, v23;
	v13 =	vld [tilespmem:$0x1FD20];
	_ =	sdelay $0x1  }
0x101: {  	v1 =	vadd.f32 v7, v28  }
0x102: {  	s9 =	simm.s32 $0x1BDE0  }
0x103: {  	[tilespmem:s9+$0x10] =	vst v1  }
0x104: {  	v8 =	vmul.f32 v8, v13;
	v13 =	vld [tilespmem:$0x1FD60];
	_ =	sdelay $0x1  }
0x105: {  	v30 =	vadd.s32 $0x8C61, v54;
	_ =	sdelay $0x1  }
0x106: {  	v26 =	vadd.s32 $0x8C61, v55  }
0x107: {  	v6 =	vmul.f32 v6, v13;
	v13 =	vld [tilespmem:$0x1FDC0]  }
0x108: {  	v31 =	vadd.s32 $0x8C61, v51;
	v0 =	vadd.f32 v0, v24  }
0x109: {  	v53 =	vadd.s32 $0x8C61, v50;
	v27 =	vld.idx.msk [tilespmem:v30+s4+$0x0], $0xffff  }
0x10a: {  	v7 =	vadd.s32 $0x8C61, v49;
	v0 =	vadd.f32 v0, v8;
	v8 =	vld [tilespmem:$0x1FD40]  }
0x10b: {  	v26 =	vld.idx.msk [tilespmem:v26+s4+$0x0], $0xffff;
	v30 =	vadd.s32 $0x8C61, v17  }
0x10c: {  	v54 =	vadd.s32 $0x8C61, v57;
	v16 =	vmul.f32 v16, v13;
	v13 =	vld [tilespmem:$0x1FE40]  }
0x10d: {  	v28 =	vadd.s32 $0x8C61, v12;
	v31 =	vld.idx.msk [tilespmem:v31+s4+$0x0], $0xffff  }
0x10e: {  	v24 =	vld.idx.msk [tilespmem:v53+s4+$0x0], $0xffff  }
0x10f: {  	v21 =	vadd.f32 v25, v21;
	v1 =	vld.idx.msk [tilespmem:v7+s4+$0x0], $0xffff;
	v8 =	vmul.f32 v22, v8  }
0x110: {  	v55 =	vadd.s32 $0x8C61, v38;
	v25 =	vld.idx.msk [tilespmem:v30+s4+$0x0], $0xffff  }
0x111: {  	v7 =	vadd.s32 $0x8C61, v48;
	v30 =	vld.idx.msk [tilespmem:v54+s4+$0x0], $0xffff;
	v8 =	vadd.f32 v21, v8;
	v21 =	vmul.f32 v32, v13  }
0x112: {  	v14 =	vadd.f32 v23, v14;
	v23 =	vadd.s32 $0x8C61, v46;
	v22 =	vld.idx.msk [tilespmem:v28+s4+$0x0], $0xffff  }
0x113: {  	v8 =	vadd.f32 v8, v21;
	v21 =	vadd.s32 $0x8C61, v2;
	v2 =	vld [tilespmem:$0x1FE60]  }
0x114: {  	v28 =	vadd.s32 $0x8C61, v60;
	v13 =	vld [tilespmem:$0x1FE50]  }
0x115: {  	v6 =	vadd.f32 v14, v6;
	v14 =	vld.idx.msk [tilespmem:v55+s4+$0x0], $0xffff;
	v0 =	vadd.f32 v0, v16;
	v16 =	vadd.s32 $0x8C61, v61  }
0x116: {  	v7 =	vld.idx.msk [tilespmem:v7+s4+$0x0], $0xffff;
	v60 =	vadd.s32 $0x8C61, v4  }
0x117: {  	v25 =	vmul.f32 v45, v25;
	v23 =	vld.idx.msk [tilespmem:v23+s4+$0x0], $0xffff;
	v61 =	vadd.s32 $0x8C61, v11  }
0x118: {  	v22 =	vmul.f32 v43, v22;
	v27 =	vmul.f32 v27, v2;
	v2 =	vld [tilespmem:$0x1FED0]  }
0x119: {  	v36 =	vadd.s32 $0x8C61, v58;
	v26 =	vmul.f32 v26, v47;
	v28 =	vld.idx.msk [tilespmem:v28+s4+$0x0], $0xffff;
	v5 =	vmul.f32 v5, v13  }
0x11a: {  	v1 =	vmul.f32 v1, v59;
	v14 =	vmul.f32 v14, v10;
	v22 =	vadd.f32 v25, v22;
	v16 =	vld.idx.msk [tilespmem:v16+s4+$0x0], $0xffff  }
0x11b: {  	v5 =	vadd.f32 v6, v5;
	v6 =	vmul.f32 v31, v63;
	v0 =	vadd.f32 v0, v27;
	v27 =	vld.idx.msk [tilespmem:v60+s4+$0x0], $0xffff  }
0x11c: {  	v23 =	vmul.f32 v23, v35;
	v14 =	vadd.f32 v22, v14;
	v22 =	vld.idx.msk [tilespmem:v61+s4+$0x0], $0xffff;
	v8 =	vadd.f32 v8, v26  }
0x11d: {  	v21 =	vld.idx.msk [tilespmem:v21+s4+$0x0], $0xffff;
	v5 =	vadd.f32 v5, v6;
	v6 =	vmul.f32 v24, v2  }
0x11e: {  	v1 =	vadd.f32 v8, v1;
	v8 =	vadd.f32 v14, v23;
	v23 =	vld [tilespmem:s5+$0xFFFFFFE0];
	v24 =	vmul.f32 v30, v44  }
0x11f: {  	v0 =	vadd.f32 v0, v6;
	v6 =	vmul.f32 v7, v56;
	v7 =	vld.idx.msk [tilespmem:v36+s4+$0x0], $0xffff;
	[tilespmem:$0x1FA70] =	vst v29  }
0x120: {  	v5 =	vadd.f32 v5, v24;
	v14 =	vmul.f32 v27, v62;
	v24 =	vld [tilespmem:s5+$0xFFFFFFF0]  }
0x121: {  	v25 =	vadd.s32 $0x8C61, v20;
	v26 =	vld [tilespmem:s8+$0xFFFFFFE0];
	[tilespmem:$0x1FA80] =	vst v40;
	v0 =	vadd.f32 v0, v6;
	v6 =	vmul.f32 v28, v29  }
0x122: {  	[tilespmem:$0x1FA90] =	vst v41;
	v8 =	vadd.f32 v8, v14;
	v14 =	vmul.f32 v21, v19;
	v21 =	vadd.s32 $0x8C61, v42  }
0x123: {  	v6 =	vadd.f32 v1, v6;
	v1 =	vmul.f32 v16, v40;
	v16 =	vmul.f32 v22, v41;
	v22 =	vld [tilespmem:s8+$0xFFFFFFF0]  }
0x124: {  	v8 =	vadd.f32 v8, v14;
	v14 =	vadd.s32 $0x8C61, v9;
	v7 =	vmul.f32 v7, v15  }
0x125: {  	v54 =	vadd.f32 v0, v16  }
0x126: {  	v0 =	vadd.f32 v8, v7;
	v7 =	vadd.f32 v23, v23;
	v8 =	vld.idx.msk [tilespmem:v25+s4+$0x0], $0xffff  }
0x127: {  	v12 =	vadd.s32 $0x118C2, v12;
	v16 =	vld.idx.msk [tilespmem:v21+s4+$0x0], $0xffff;
	v21 =	vadd.f32 v24, v24;
	v23 =	vadd.f32 v26, v26  }
0x128: {  	v11 =	vadd.s32 $0x118C2, v38;
	v22 =	vadd.f32 v22, v22;
	v7 =	vadd.f32 $-1.000000000e+00, v7  }
0x129: {  	v2 =	vadd.s32 $0x118C2, v46;
	v14 =	vld.idx.msk [tilespmem:v14+s4+$0x0], $0xffff;
	v21 =	vadd.f32 $-1.000000000e+00, v21;
	v23 =	vadd.f32 $-1.000000000e+00, v23  }
0x12a: {  	v25 =	vadd.s32 $0x118C2, v17;
	v22 =	vadd.f32 $-1.000000000e+00, v22;
	v7 =	vadd.f32 $1.000000000e+00, v7  }
0x12b: {  	v21 =	vadd.f32 $1.000000000e+00, v21;
	v23 =	vadd.f32 $1.000000000e+00, v23;
	v8 =	vmul.f32 v8, v3  }
0x12c: {  	v16 =	vmul.f32 v16, v37;
	v7 =	vmul.f32 $1.600000000e+01, v7;
	v22 =	vadd.f32 $1.000000000e+00, v22  }
0x12d: {  	v0 =	vadd.f32 v0, v8;
	v8 =	vmul.f32 $1.600000000e+01, v21;
	v21 =	vmul.f32 $1.600000000e+01, v23  }
0x12e: {  	[tilespmem:$0x1FAA0] =	vst v39;
	v14 =	vmul.f32 v14, v39;
	v62 =	vadd.f32 v6, v16;
	v22 =	vmul.f32 $1.600000000e+01, v22  }
0x12f: {  	v16 =	vld [tilespmem:s12+$0xFFFFFFE0];
	v7 =	vmax.f32 v7, $0.0e+00;
	v8 =	vmax.f32 v8, $0.0e+00;
	v21 =	vmax.f32 v21, $0.0e+00  }
0x130: {  	s10 =	simm.s32 $0x1C1E0;
	v26 =	vld [tilespmem:s8+$0x0];
	v7 =	vmin.f32 v7, $3.200000000e+01;
	v22 =	vmax.f32 v22, $0.0e+00;
	v21 =	vmin.f32 v21, $3.200000000e+01  }
0x131: {  	[tilespmem:s10+$0x10] =	vst v0;
	v0 =	vld [tilespmem:s12+$0x0];
	v8 =	vmin.f32 v8, $3.200000000e+01;
	v23 =	vtrunc.f32 v7;
	v24 =	vtrunc.f32 v21  }
0x132: {  	v12 =	vld.idx.msk [tilespmem:v12+s4+$0x0], $0xffff;
	v22 =	vmin.f32 v22, $3.200000000e+01;
	v23 =	vcvt.f32.s32 v23;
	v17 =	vtrunc.f32 v8  }
0x133: {  	v5 =	vadd.f32 v5, v1;
	v11 =	vld.idx.msk [tilespmem:v11+s4+$0x0], $0xffff;
	v36 =	vcvt.f32.s32 v24;
	v28 =	vtrunc.f32 v22  }
0x134: {  	v24 =	vld [tilespmem:s5+$0x0];
	v30 =	vcvt.f32.s32 v17;
	v16 =	vadd.f32 v16, v16;
	v44 =	vcvt.f32.s32 v28  }
0x135: {  	v39 =	vadd.f32 v5, v14;
	v28 =	vld [tilespmem:s12+$0xFFFFFFF0];
	v6 =	vcvt.s32.f32 v23;
	v31 =	vcvt.s32.f32 v36  }
0x136: {  	v2 =	vld.idx.msk [tilespmem:v2+s4+$0x0], $0xffff;
	v5 =	vcvt.s32.f32 v30;
	v0 =	vadd.f32 v0, v0;
	v16 =	vadd.f32 $-1.000000000e+00, v16  }
0x137: {  	v14 =	vcvt.s32.f32 v44;
	v42 =	vsub.f32 v7, v6;
	v40 =	vsub.f32 v21, v31  }
0x138: {  	v56 =	vmul.u32 $0x21, v30;
	v60 =	vsub.f32 v8, v5;
	v21 =	vadd.f32 v26, v26  }
0x139: {  	v9 =	vmul.f32 v12, v43;
	v5 =	vld.idx.msk [tilespmem:v25+s4+$0x0], $0xffff;
	v0 =	vadd.f32 $-1.000000000e+00, v0;
	v63 =	vsub.f32 v22, v14  }
0x13a: {  	v10 =	vmul.f32 v11, v10;
	v8 =	vadd.f32 v24, v24;
	v14 =	vadd.f32 v28, v28  }
0x13b: {  	v2 =	vmul.f32 v2, v35;
	v12 =	vadd.f32 $-1.000000000e+00, v21;
	v0 =	vadd.f32 $1.000000000e+00, v0  }
0x13c: {  	v57 =	vmovc v4;
	v43 =	vmul.u32 $0x21, v23;
	v8 =	vadd.f32 $-1.000000000e+00, v8;
	v4 =	vadd.f32 $-1.000000000e+00, v14  }
0x13d: {  	v11 =	vadd.f32 $1.000000000e+00, v12;
	v12 =	vadd.f32 $1.000000000e+00, v16;
	v0 =	vmul.f32 $1.600000000e+01, v0  }
0x13e: {  	v5 =	vmul.f32 v5, v45;
	v8 =	vadd.f32 $1.000000000e+00, v8;
	v4 =	vadd.f32 $1.000000000e+00, v4  }
0x13f: {  	v11 =	vmul.f32 $1.600000000e+01, v11;
	v12 =	vmul.f32 $1.600000000e+01, v12;
	v0 =	vmax.f32 v0, $0.0e+00  }
0x140: {  	v8 =	vmul.f32 $1.600000000e+01, v8;
	v0 =	vmin.f32 v0, $3.200000000e+01;
	v5 =	vadd.f32 v5, v9  }
0x141: {  	v4 =	vmul.f32 $1.600000000e+01, v4;
	v11 =	vmax.f32 v11, $0.0e+00;
	v12 =	vmax.f32 v12, $0.0e+00  }
0x142: {  	v9 =	vtrunc.f32 v0;
	v8 =	vmax.f32 v8, $0.0e+00;
	v11 =	vmin.f32 v11, $3.200000000e+01  }
0x143: {  	v16 =	vmin.f32 v12, $3.200000000e+01;
	v5 =	vadd.f32 v10, v5;
	v8 =	vmin.f32 v8, $3.200000000e+01  }
0x144: {  	v4 =	vmax.f32 v4, $0.0e+00;
	v12 =	vtrunc.f32 v11;
	v14 =	vtrunc.f32 v8  }
0x145: {  	v22 =	vmin.f32 v4, $3.200000000e+01;
	v21 =	vcvt.f32.s32 v14;
	v14 =	vtrunc.f32 v16  }
0x146: {  	v25 =	vcvt.f32.s32 v12;
	v1 =	vadd.f32 v2, v5;
	v7 =	vcvt.f32.s32 v14  }
0x147: {  	v2 =	vadd.s32 $0x1, v30;
	v12 =	vtrunc.f32 v22;
	v14 =	vcvt.s32.f32 v21  }
0x148: {  	vm8 =	vlt.s32 v2, $0x20;
	v46 =	vcvt.f32.s32 v12;
	v3 =	vcvt.s32.f32 v7  }
0x149: {  	v33 =	vmul.u32 $0x21, v21;
	v48 =	vsub.f32 v8, v14;
	v8 =	vcvt.s32.f32 v25  }
0x14a: {  	v14 =	vcvt.f32.s32 v9;
	v17 =	vsub.f32 v16, v3;
	v3 =	vadd.s32 $0x1, v21  }
0x14b: {  	v21 =	vmul.u32 $0x441, v44;
	v47 =	vsub.f32 v11, v8;
	v8 =	vcvt.s32.f32 v46  }
0x14c: {  	v2 =	vnsel vm8, $0x20, v2;
	v26 =	vmul.u32 $0x441, v25;
	v9 =	vcvt.s32.f32 v14  }
0x14d: {  	v55 =	vmovc v20;
	v16 =	vmul.u32 $0x441, v36;
	v28 =	vadd.s32 v56, v21;
	v20 =	vsub.f32 v22, v8  }
0x14e: {  	v38 =	vsub.f32 v0, v9;
	v0 =	vadd.s32 $0x1, v23;
	v8 =	vadd.s32 $0x1, v7  }
0x14f: {  	v23 =	vadd.s32 v43, v16;
	v5 =	vadd.s32 v46, v28;
	vm10 =	vlt.s32 v8, $0x20  }
0x150: {  	[tilespmem:$0x1FB70] =	vst v1;
	v4 =	vadd.s32 v7, v23;
	v10 =	vnsel vm10, $0x20, v8;
	v8 =	vadd.s32 $0x1, v46  }
0x151: {  	[tilespmem:$0x1FF40] =	vst v5;
	vm11 =	vlt.s32 v8, $0x20;
	v1 =	vadd.s32 v10, v23;
	v23 =	vadd.s32 $0x1, v14  }
0x152: {  	[tilespmem:$0x1FF10] =	vst v4;
	vm12 =	vlt.s32 v23, $0x20;
	v9 =	vnsel vm11, $0x20, v8;
	v8 =	vadd.s32 v33, v26  }
0x153: {  	v18 =	vmul.u32 $0x21, v2;
	[tilespmem:$0x1FF30] =	vst v1;
	v11 =	vnsel vm12, $0x20, v23;
	v6 =	vadd.s32 v14, v8  }
0x154: {  	vm7 =	vlt.s32 v0, $0x20;
	v53 =	vadd.s32 v9, v28;
	[tilespmem:$0x1FB50] =	vst v6;
	v2 =	vadd.s32 v11, v8  }
0x155: {  	v24 =	vsub.f32 $1.000000000e+00, v42;
	vm9 =	vlt.s32 v3, $0x20;
	v0 =	vnsel vm7, $0x20, v0;
	[tilespmem:$0x1FB80] =	vst v2  }
0x156: {  	v29 =	vsub.f32 $1.000000000e+00, v48;
	v12 =	vmul.u32 $0x21, v0;
	v28 =	vsub.f32 $1.000000000e+00, v40;
	v45 =	vld.idx.msk [tilespmem:v4+s4+$0x0], $0xffff  }
0x157: {  	v3 =	vnsel vm9, $0x20, v3;
	v13 =	vsub.f32 $1.000000000e+00, v17;
	v30 =	vsub.f32 $1.000000000e+00, v47;
	v61 =	vld.idx.msk [tilespmem:v1+s4+$0x0], $0xffff  }
0x158: {  	v27 =	vadd.s32 v21, v18;
	v31 =	vadd.s32 v16, v12;
	v16 =	vmul.f32 v28, v24;
	v5 =	vld.idx.msk [tilespmem:v5+s4+$0x0], $0xffff  }
0x159: {  	v22 =	vsub.f32 $1.000000000e+00, v60;
	v0 =	vmul.f32 v30, v29;
	v4 =	vsub.f32 $1.000000000e+00, v63;
	v21 =	vld.idx.msk [tilespmem:v53+s4+$0x0], $0xffff;
	[tilespmem:$0x1FF60] =	vst v53  }
0x15a: {  	v49 =	vmul.f32 v16, v13;
	v59 =	vmul.f32 v16, v17;
	v16 =	vsub.f32 $1.000000000e+00, v38;
	v6 =	vld.idx.msk [tilespmem:v6+s4+$0x0], $0xffff  }
0x15b: {  	v19 =	vmul.u32 $0x21, v3;
	v15 =	vsub.f32 $1.000000000e+00, v20;
	v23 =	vmul.f32 v4, v22;
	v3 =	vld.idx.msk [tilespmem:v2+s4+$0x0], $0xffff  }
0x15c: {  	v41 =	vmul.f32 v0, v38;
	v8 =	vadd.s32 v7, v31;
	v51 =	vmul.f32 v0, v16  }
0x15d: {  	v2 =	vadd.s32 v26, v19;
	v50 =	vmul.f32 v23, v15;
	v23 =	vmul.f32 v23, v20  }
0x15e: {  	v26 =	vadd.s32 v46, v27;
	v1 =	vmul.f32 v49, v45;
	v32 =	vmul.f32 v59, v61  }
0x15f: {  	v45 =	vadd.s32 $0x1, v44;
	v5 =	vmul.f32 v50, v5;
	v0 =	vmul.f32 v23, v21  }
0x160: {  	[tilespmem:$0x1FBE0] =	vst v26;
	v21 =	vadd.s32 v14, v2;
	v6 =	vmul.f32 v51, v6;
	v3 =	vmul.f32 v41, v3  }
0x161: {  	vm14 =	vlt.s32 v45, $0x20;
	v1 =	vadd.f32 v32, v1;
	[tilespmem:$0x1FC00] =	vst v21;
	v0 =	vadd.f32 v0, v5  }
0x162: {  	v5 =	vadd.s32 $0x1, v36;
	v52 =	vld.idx.msk [tilespmem:v8+s4+$0x0], $0xffff;
	[tilespmem:$0x1FF80] =	vst v8;
	v6 =	vadd.f32 v3, v6;
	v3 =	vadd.s32 v10, v31  }
0x163: {  	v35 =	vmovc v8;
	v32 =	vnsel vm14, $0x20, v45;
	v8 =	vadd.s32 v9, v27;
	vm13 =	vlt.s32 v5, $0x20;
	[tilespmem:$0x1FC50] =	vst v3  }
0x164: {  	v32 =	vmul.u32 $0x441, v32;
	v5 =	vnsel vm13, $0x20, v5;
	v31 =	vld.idx.msk [tilespmem:v26+s4+$0x0], $0xffff;
	[tilespmem:$0x1FC60] =	vst v8  }
0x165: {  	v27 =	vmul.f32 v28, v42;
	v5 =	vmul.u32 $0x441, v5;
	v28 =	vld.idx.msk [tilespmem:v21+s4+$0x0], $0xffff;
	v21 =	vadd.s32 v11, v2  }
0x166: {  	v30 =	vmul.f32 v30, v48;
	[tilespmem:$0x1FC80] =	vst v21  }
0x167: {  	v43 =	vadd.s32 v43, v5;
	v5 =	vadd.s32 v12, v5;
	v12 =	vadd.s32 v56, v32;
	v56 =	vld.idx.msk [tilespmem:v3+s4+$0x0], $0xffff  }
0x168: {  	v4 =	vmul.f32 v4, v60;
	v3 =	vld [tilespmem:$0x1FAB0]  }
0x169: {  	v45 =	vmul.f32 v30, v16  }
0x16a: {  	v44 =	vmul.f32 v4, v15;
	v32 =	vadd.s32 v18, v32;
	v18 =	vadd.s32 $0x1, v25  }
0x16b: {  	vm15 =	vlt.s32 v18, $0x20;
	v25 =	vmul.f32 v45, v28  }
0x16c: {  	v61 =	vmul.f32 v27, v13;
	v18 =	vnsel vm15, $0x20, v18;
	v31 =	vmul.f32 v44, v31  }
0x16d: {  	v6 =	vadd.f32 v6, v25;
	v25 =	vadd.s32 $0x118C2, v3;
	v3 =	vmul.f32 v4, v20;
	v4 =	vld [tilespmem:$0x1FAC0]  }
0x16e: {  	v36 =	vmul.f32 v61, v52;
	v18 =	vmul.u32 $0x441, v18;
	v2 =	vadd.f32 v0, v31;
	v0 =	vld.idx.msk [tilespmem:v21+s4+$0x0], $0xffff  }
0x16f: {  	v52 =	vmul.f32 v30, v38;
	v28 =	vld.idx.msk [tilespmem:v8+s4+$0x0], $0xffff;
	v8 =	vmul.f32 v27, v17;
	v21 =	vadd.s32 v46, v12  }
0x170: {  	v26 =	vadd.s32 v7, v43;
	v1 =	vadd.f32 v1, v36;
	v33 =	vadd.s32 v33, v18;
	[tilespmem:$0x1FCE0] =	vst v21  }
0x171: {  	v19 =	vadd.s32 v19, v18;
	v30 =	vmul.f32 v8, v56;
	v34 =	vadd.s32 v14, v33;
	[tilespmem:s11+$0xFFFFFFE0] =	vst v54  }
0x172: {  	v18 =	vadd.s32 v10, v43;
	v56 =	vadd.s32 v9, v12;
	[tilespmem:$0x1FCF0] =	vst v34;
	v4 =	vadd.s32 $0x118C2, v4  }
0x173: {  	v54 =	vadd.f32 v1, v30;
	v0 =	vmul.f32 v52, v0;
	v30 =	vld.idx.msk [tilespmem:v25+s4+$0x0], $0xffff;
	[tilespmem:$0x1FD00] =	vst v18  }
0x174: {  	v1 =	vld [tilespmem:$0x1FAD0];
	[tilespmem:$0x1FD30] =	vst v56  }
0x175: {  	v0 =	vadd.f32 v6, v0;
	v6 =	vld.idx.msk [tilespmem:v26+s4+$0x0], $0xffff;
	[tilespmem:$0x1FFB0] =	vst v26  }
0x176: {  	v27 =	vadd.s32 v7, v5;
	v12 =	vadd.s32 v10, v5;
	v5 =	vld.idx.msk [tilespmem:v21+s4+$0x0], $0xffff  }
0x177: {  	v21 =	vadd.s32 v11, v33;
	v7 =	vld.idx.msk [tilespmem:v4+s4+$0x0], $0xffff  }
0x178: {  	v31 =	vadd.s32 v9, v32;
	[tilespmem:$0x1FD50] =	vst v21;
	v4 =	vld [tilespmem:$0x1FAE0]  }
0x179: {  	v29 =	vmul.f32 v47, v29;
	[tilespmem:$0x1FD70] =	vst v31  }
0x17a: {  	v22 =	vmul.f32 v63, v22;
	v28 =	vmul.f32 v3, v28;
	v1 =	vadd.s32 $0x118C2, v1;
	[tilespmem:s11+$0xFFFFFFF0] =	vst v62  }
0x17b: {  	v46 =	vadd.s32 v46, v32;
	v10 =	vmul.f32 v40, v24;
	v33 =	vmul.f32 v63, v60;
	v63 =	vld [tilespmem:$0x1FAF0]  }
0x17c: {  	v9 =	vmul.f32 v40, v42;
	v36 =	vadd.s32 v14, v19;
	v2 =	vadd.f32 v2, v28;
	v24 =	vld.idx.msk [tilespmem:v34+s4+$0x0], $0xffff  }
0x17d: {  	v32 =	vld.idx.msk [tilespmem:v18+s4+$0x0], $0xffff;
	v34 =	vmul.f32 v22, v15;
	v28 =	vadd.s32 $0x118C2, v4;
	v4 =	vmul.f32 v10, v13  }
0x17e: {  	v14 =	vmul.f32 v29, v16;
	v60 =	vmov v41;
	v41 =	vmul.f32 v10, v17;
	v42 =	vld.idx.msk [tilespmem:v56+s4+$0x0], $0xffff  }
0x17f: {  	v1 =	vld.idx.msk [tilespmem:v1+s4+$0x0], $0xffff;
	v5 =	vmul.f32 v34, v5;
	v6 =	vmul.f32 v4, v6  }
0x180: {  	v10 =	vld.idx.msk [tilespmem:v21+s4+$0x0], $0xffff;
	v40 =	vadd.s32 $0x118C2, v63;
	v63 =	vadd.s32 v11, v19;
	v11 =	vmul.f32 v47, v48  }
0x181: {  	v48 =	vmov v14;
	v14 =	vld.idx.msk [tilespmem:v27+s4+$0x0], $0xffff;
	[tilespmem:$0x1FFD0] =	vst v27;
	v6 =	vadd.f32 v54, v6;
	v54 =	vmul.f32 v22, v20  }
0x182: {  	v2 =	vadd.f32 v2, v5;
	[tilespmem:s11+$0x0] =	vst v39;
	v5 =	vld.idx.msk [tilespmem:v28+s4+$0x0], $0xffff  }
0x183: {  	v28 =	vmul.f32 v54, v42;
	v42 =	vmov v3;
	v3 =	vld [tilespmem:$0x1FB00];
	_ =	sdelay $0x1  }
0x184: {  	v19 =	vmul.f32 v48, v24;
	_ =	sdelay $0x1  }
0x185: {  	v0 =	vadd.f32 v0, v19;
	v19 =	vld.idx.msk [tilespmem:v40+s4+$0x0], $0xffff  }
0x186: {  	v40 =	vmov v8;
	v8 =	vmul.f32 v9, v13;
	v13 =	vadd.s32 $0x118C2, v3;
	v3 =	vld [tilespmem:$0x1FB10];
	_ =	sdelay $0x4  }
0x187: {  	v2 =	vadd.f32 v2, v28;
	v28 =	vadd.s32 $0x118C2, v3;
	v3 =	vld [tilespmem:$0x1FB20];
	_ =	sdelay $0x4  }
0x188: {  	v47 =	vmul.f32 v9, v17;
	v9 =	vadd.s32 $0x118C2, v3;
	v3 =	vld [tilespmem:$0x1FB30]  }
0x189: {  	v22 =	vmul.f32 v41, v32  }
0x18a: {  	v62 =	vmul.f32 v29, v38  }
0x18b: {  	v24 =	vadd.s32 $0x118C2, v57;
	v29 =	vld.idx.msk [tilespmem:v46+s4+$0x0], $0xffff;
	v6 =	vadd.f32 v6, v22;
	[tilespmem:$0x1FDE0] =	vst v8;
	v8 =	vmul.f32 v8, v14  }
0x18c: {  	v58 =	vmov v23;
	v23 =	vmov v12;
	v22 =	vld.idx.msk [tilespmem:v12+s4+$0x0], $0xffff;
	[tilespmem:$0x1FFF0] =	vst v12;
	v12 =	vmul.f32 v33, v15  }
0x18d: {  	v6 =	vadd.f32 v6, v8;
	v8 =	vadd.s32 $0x118C2, v3;
	v3 =	vld [tilespmem:$0x1FF10]  }
0x18e: {  	[tilespmem:$0x1FE10] =	vst v12  }
0x18f: {  	v14 =	vld.idx.msk [tilespmem:v36+s4+$0x0], $0xffff;
	[tilespmem:$0x1FFE0] =	vst v36  }
0x190: {  	v15 =	vld.idx.msk [tilespmem:v24+s4+$0x0], $0xffff;
	v24 =	vmul.f32 v12, v29;
	_ =	sdelay $0x1  }
0x191: {  	v2 =	vadd.f32 v2, v24;
	v24 =	vadd.s32 $0x8C61, v3;
	v3 =	vld [tilespmem:$0x1FF30];
	_ =	sdelay $0x4  }
0x192: {  	v43 =	vmul.f32 v33, v20;
	v20 =	vadd.s32 $0x8C61, v3;
	v3 =	vld [tilespmem:$0x1FF40];
	_ =	sdelay $0x2  }
0x193: {  	v22 =	vmul.f32 v47, v22;
	_ =	sdelay $0x1  }
0x194: {  	v6 =	vadd.f32 v6, v22;
	v22 =	vadd.s32 $0x8C61, v3;
	v3 =	vld [tilespmem:$0x1FB40]  }
0x195: {  	v39 =	vmov v4;
	v4 =	vmul.f32 v11, v16;
	v10 =	vmul.f32 v62, v10;
	_ =	sdelay $0x1  }
0x196: {  	v0 =	vadd.f32 v0, v10;
	v10 =	vld.idx.msk [tilespmem:v31+s4+$0x0], $0xffff;
	[tilespmem:$0x1FE30] =	vst v4  }
0x197: {  	v17 =	vadd.s32 $0x118C2, v55;
	[tilespmem:s9+$0xFFFFFFE0] =	vst v6  }
0x198: {  	v15 =	vmul.f32 v15, v3;
	v3 =	vld [tilespmem:$0x1FB60];
	_ =	sdelay $0x3  }
0x199: {  	v6 =	vld.idx.msk [tilespmem:v17+s4+$0x0], $0xffff  }
0x19a: {  	v17 =	vmul.f32 v30, v3;
	v3 =	vld [tilespmem:$0x1FB70];
	_ =	sdelay $0x3  }
0x19b: {  	v55 =	vmul.f32 v11, v38;
	v11 =	vld.idx.msk [tilespmem:v28+s4+$0x0], $0xffff  }
0x19c: {  	v10 =	vmul.f32 v43, v10;
	v15 =	vadd.f32 v15, v3;
	v3 =	vld [tilespmem:$0x1FB90]  }
0x19d: {  	v14 =	vmul.f32 v4, v14  }
0x19e: {  	v2 =	vadd.f32 v2, v10  }
0x19f: {  	v0 =	vadd.f32 v0, v14;
	v14 =	vadd.s32 $0x8C61, v53;
	v53 =	vld [tilespmem:$0x1FB50]  }
0x1a0: {  	v38 =	vmov v41;
	v41 =	vld [tilespmem:$0x1FB80];
	[tilespmem:s9+$0xFFFFFFF0] =	vst v2  }
0x1a1: {  	v11 =	vmul.f32 v11, v3;
	v3 =	vld [tilespmem:$0x1FBB0];
	_ =	sdelay $0x3  }
0x1a2: {  	v16 =	vld.idx.msk [tilespmem:v63+s4+$0x0], $0xffff  }
0x1a3: {  	v7 =	vmul.f32 v7, v3;
	v3 =	vld [tilespmem:$0x1FBC0];
	_ =	sdelay $0x3  }
0x1a4: {  	v8 =	vld.idx.msk [tilespmem:v8+s4+$0x0], $0xffff  }
0x1a5: {  	v10 =	vmul.f32 v55, v16;
	v1 =	vmul.f32 v1, v3;
	v3 =	vld [tilespmem:$0x1FBD0];
	_ =	sdelay $0x1  }
0x1a6: {  	v0 =	vadd.f32 v0, v10;
	_ =	sdelay $0x1  }
0x1a7: {  	v2 =	vld [tilespmem:$0x1FBA0];
	[tilespmem:s9+$0x0] =	vst v0  }
0x1a8: {  	v8 =	vmul.f32 v8, v3;
	v3 =	vld [tilespmem:$0x1FBF0];
	_ =	sdelay $0x4  }
0x1a9: {  	v5 =	vmul.f32 v5, v3;
	v3 =	vld [tilespmem:$0x1FC10];
	_ =	sdelay $0x1  }
0x1aa: {  	v13 =	vld.idx.msk [tilespmem:v13+s4+$0x0], $0xffff  }
0x1ab: {  	v9 =	vld.idx.msk [tilespmem:v9+s4+$0x0], $0xffff;
	v2 =	vadd.s32 $0x118C2, v2  }
0x1ac: {  	v24 =	vld.idx.msk [tilespmem:v24+s4+$0x0], $0xffff  }
0x1ad: {  	v16 =	vadd.s32 $0x8C61, v53;
	v6 =	vmul.f32 v6, v3;
	v3 =	vld [tilespmem:$0x1FC20]  }
0x1ae: {  	v10 =	vld.idx.msk [tilespmem:v20+s4+$0x0], $0xffff;
	v28 =	vadd.s32 $0x8C61, v41;
	v11 =	vadd.f32 v11, v15  }
0x1af: {  	v20 =	vld.idx.msk [tilespmem:v22+s4+$0x0], $0xffff  }
0x1b0: {  	v2 =	vld.idx.msk [tilespmem:v2+s4+$0x0], $0xffff;
	v8 =	vadd.f32 v8, v11  }
0x1b1: {  	v0 =	vld.idx.msk [tilespmem:v14+s4+$0x0], $0xffff  }
0x1b2: {  	v15 =	vld.idx.msk [tilespmem:v16+s4+$0x0], $0xffff;
	v11 =	vadd.s32 $0x118C2, v3;
	v3 =	vadd.f32 v6, v8  }
0x1b3: {  	v7 =	vadd.f32 v7, v17;
	v17 =	vld.idx.msk [tilespmem:v28+s4+$0x0], $0xffff  }
0x1b4: {  	[tilespmem:$0x1FFC0] =	vst v3;
	v3 =	vld [tilespmem:$0x1FC70];
	_ =	sdelay $0x4  }
0x1b5: {  	v19 =	vmul.f32 v19, v3;
	v3 =	vld [tilespmem:$0x1FCA0];
	_ =	sdelay $0x2  }
0x1b6: {  	v22 =	vadd.s32 $0x8C61, v35;
	_ =	sdelay $0x1  }
0x1b7: {  	v29 =	vadd.s32 $0x118C2, v3;
	v3 =	vld [tilespmem:$0x1FCD0]  }
0x1b8: {  	[tilespmem:$0x1FC30] =	vst v49  }
0x1b9: {  	[tilespmem:$0x1FC40] =	vst v59  }
0x1ba: {  	v6 =	vld.idx.msk [tilespmem:v22+s4+$0x0], $0xffff;
	_ =	sdelay $0x1  }
0x1bb: {  	v13 =	vmul.f32 v13, v3;
	v3 =	vld [tilespmem:$0x1FD10]  }
0x1bc: {  	v24 =	vmul.f32 v49, v24;
	v10 =	vmul.f32 v59, v10;
	_ =	sdelay $0x1  }
0x1bd: {  	v10 =	vadd.f32 v10, v24;
	v56 =	vld [tilespmem:$0x1FBE0];
	v6 =	vmul.f32 v6, v61;
	_ =	sdelay $0x1  }
0x1be: {  	v6 =	vadd.f32 v10, v6;
	v10 =	vadd.s32 $0x118C2, v3;
	v3 =	vld [tilespmem:$0x1FD20];
	_ =	sdelay $0x1  }
0x1bf: {  	v32 =	vmov v46;
	v46 =	vld [tilespmem:$0x1FC00]  }
0x1c0: {  	v14 =	vadd.s32 $0x8C61, v56  }
0x1c1: {  	v33 =	vld [tilespmem:$0x1FC60]  }
0x1c2: {  	v9 =	vmul.f32 v9, v3;
	v3 =	vld [tilespmem:$0x1FD40]  }
0x1c3: {  	v31 =	vld [tilespmem:$0x1FC80]  }
0x1c4: {  	v18 =	vld [tilespmem:$0x1FCF0];
	v16 =	vadd.s32 $0x8C61, v46  }
0x1c5: {  	v14 =	vld.idx.msk [tilespmem:v14+s4+$0x0], $0xffff;
	[tilespmem:$0x1FC90] =	vst v50  }
0x1c6: {  	v15 =	vmul.f32 v51, v15;
	v8 =	vadd.s32 $0x8C61, v33;
	v11 =	vld.idx.msk [tilespmem:v11+s4+$0x0], $0xffff  }
0x1c7: {  	v17 =	vmul.f32 v60, v17;
	v2 =	vmul.f32 v2, v3;
	v3 =	vld [tilespmem:$0x1FD60]  }
0x1c8: {  	v22 =	vadd.s32 $0x8C61, v31  }
0x1c9: {  	v15 =	vadd.f32 v17, v15;
	v17 =	vadd.s32 $0x8C61, v18;
	v16 =	vld.idx.msk [tilespmem:v16+s4+$0x0], $0xffff;
	[tilespmem:$0x1FCB0] =	vst v51  }
0x1ca: {  	v35 =	vld [tilespmem:$0x1FC50];
	[tilespmem:$0x1FCC0] =	vst v60  }
0x1cb: {  	v8 =	vld.idx.msk [tilespmem:v8+s4+$0x0], $0xffff  }
0x1cc: {  	v11 =	vmul.f32 v11, v3;
	v3 =	vld [tilespmem:$0x1FD80]  }
0x1cd: {  	v20 =	vmul.f32 v50, v20;
	v0 =	vmul.f32 v58, v0;
	v13 =	vadd.f32 v13, v19;
	v19 =	vld.idx.msk [tilespmem:v22+s4+$0x0], $0xffff  }
0x1ce: {  	v17 =	vld.idx.msk [tilespmem:v17+s4+$0x0], $0xffff  }
0x1cf: {  	v21 =	vmov v45;
	v25 =	vld [tilespmem:$0x1FD00];
	v0 =	vadd.f32 v0, v20;
	v14 =	vmul.f32 v14, v44  }
0x1d0: {  	v24 =	vadd.s32 $0x8C61, v26;
	v28 =	vadd.s32 $0x8C61, v35;
	v16 =	vmul.f32 v16, v21  }
0x1d1: {  	v0 =	vadd.f32 v0, v14;
	v7 =	vadd.f32 v9, v7;
	v9 =	vadd.s32 $0x118C2, v3;
	v3 =	vld [tilespmem:$0x1FD90]  }
0x1d2: {  	v15 =	vadd.f32 v15, v16;
	v8 =	vmul.f32 v8, v42;
	v19 =	vmul.f32 v19, v52  }
0x1d3: {  	v1 =	vadd.f32 v5, v1;
	v17 =	vmul.f32 v17, v48  }
0x1d4: {  	v50 =	vld [tilespmem:$0x1FCE0];
	v0 =	vadd.f32 v0, v8;
	v22 =	vadd.s32 $0x8C61, v25;
	v8 =	vadd.f32 v15, v19  }
0x1d5: {  	v20 =	vld.idx.msk [tilespmem:v28+s4+$0x0], $0xffff  }
0x1d6: {  	v1 =	vadd.f32 v2, v1;
	v2 =	vadd.f32 v8, v17;
	v8 =	vadd.s32 $0x118C2, v3;
	v3 =	vld [tilespmem:$0x1FDA0]  }
0x1d7: {  	v24 =	vld.idx.msk [tilespmem:v24+s4+$0x0], $0xffff;
	_ =	sdelay $0x1  }
0x1d8: {  	v28 =	vadd.s32 $0x8C61, v50;
	v22 =	vld.idx.msk [tilespmem:v22+s4+$0x0], $0xffff  }
0x1d9: {  	v5 =	vld [tilespmem:$0x1FD50];
	v20 =	vmul.f32 v20, v40  }
0x1da: {  	v11 =	vadd.f32 v11, v13;
	v13 =	vadd.s32 $0x118C2, v3;
	v3 =	vld [tilespmem:$0x1FDB0]  }
0x1db: {  	v12 =	vld [tilespmem:$0x1FD30];
	v6 =	vadd.f32 v6, v20;
	v20 =	vmul.f32 v24, v39  }
0x1dc: {  	v4 =	vld [tilespmem:$0x1FD70]  }
0x1dd: {  	v16 =	vld.idx.msk [tilespmem:v28+s4+$0x0], $0xffff;
	v6 =	vadd.f32 v6, v20;
	v22 =	vmul.f32 v22, v38  }
0x1de: {  	v28 =	vadd.s32 $0x8C61, v5;
	v14 =	vld.idx.msk [tilespmem:v29+s4+$0x0], $0xffff  }
0x1df: {  	v6 =	vadd.f32 v6, v22;
	v22 =	vadd.s32 $0x118C2, v3;
	v3 =	vld [tilespmem:$0x1FDC0];
	_ =	sdelay $0x1  }
0x1e0: {  	v29 =	vadd.s32 $0x8C61, v12  }
0x1e1: {  	v24 =	vadd.s32 $0x8C61, v36  }
0x1e2: {  	v20 =	vld.idx.msk [tilespmem:v28+s4+$0x0], $0xffff;
	v28 =	vadd.s32 $0x8C61, v4  }
0x1e3: {  	v14 =	vmul.f32 v14, v3;
	v3 =	vld [tilespmem:$0x1FDD0];
	_ =	sdelay $0x1  }
0x1e4: {  	v15 =	vld.idx.msk [tilespmem:v29+s4+$0x0], $0xffff  }
0x1e5: {  	v30 =	vadd.s32 $0x8C61, v27;
	v17 =	vld.idx.msk [tilespmem:v24+s4+$0x0], $0xffff  }
0x1e6: {  	v24 =	vld.idx.msk [tilespmem:v28+s4+$0x0], $0xffff  }
0x1e7: {  	v28 =	vadd.s32 $0x118C2, v3;
	v3 =	vld [tilespmem:$0x1FDF0]  }
0x1e8: {  	v16 =	vmul.f32 v16, v34  }
0x1e9: {  	v45 =	vmov v61;
	v61 =	vld [tilespmem:$0x1FDE0]  }
0x1ea: {  	v0 =	vadd.f32 v0, v16;
	v29 =	vld.idx.msk [tilespmem:v30+s4+$0x0], $0xffff;
	v15 =	vmul.f32 v15, v54;
	_ =	sdelay $0x1  }
0x1eb: {  	v0 =	vadd.f32 v0, v15;
	v15 =	vadd.s32 $0x118C2, v3;
	v3 =	vld [tilespmem:$0x1FE00];
	_ =	sdelay $0x1  }
0x1ec: {  	v30 =	vadd.s32 $0x8C61, v63  }
0x1ed: {  	v60 =	vmov v32;
	v32 =	vadd.s32 $0x8C61, v32;
	v29 =	vmul.f32 v29, v61  }
0x1ee: {  	v59 =	vmov v52;
	v52 =	vmov v54;
	v54 =	vld [tilespmem:$0x1FE30]  }
0x1ef: {  	v20 =	vmul.f32 v20, v62;
	v6 =	vadd.f32 v6, v29;
	v29 =	vadd.s32 $0x118C2, v3;
	v3 =	vld [tilespmem:$0x1FE20]  }
0x1f0: {  	v19 =	vadd.s32 $0x8C61, v23  }
0x1f1: {  	v2 =	vadd.f32 v2, v20;
	v20 =	vld.idx.msk [tilespmem:v30+s4+$0x0], $0xffff  }
0x1f2: {  	v16 =	vld.idx.msk [tilespmem:v32+s4+$0x0], $0xffff  }
0x1f3: {  	v10 =	vld.idx.msk [tilespmem:v10+s4+$0x0], $0xffff  }
0x1f4: {  	v17 =	vmul.f32 v17, v54;
	v30 =	vadd.s32 $0x118C2, v3;
	v3 =	vld [tilespmem:$0x1FE40]  }
0x1f5: {  	v19 =	vld.idx.msk [tilespmem:v19+s4+$0x0], $0xffff  }
0x1f6: {  	v2 =	vadd.f32 v2, v17;
	v9 =	vld.idx.msk [tilespmem:v9+s4+$0x0], $0xffff;
	v7 =	vadd.f32 v14, v7;
	v14 =	vmul.f32 v20, v55  }
0x1f7: {  	v13 =	vld.idx.msk [tilespmem:v13+s4+$0x0], $0xffff  }
0x1f8: {  	v32 =	vadd.f32 v2, v14;
	v2 =	vld [tilespmem:$0x1FE80]  }
0x1f9: {  	v10 =	vmul.f32 v10, v3;
	v3 =	vld [tilespmem:$0x1FE50];
	_ =	sdelay $0x1  }
0x1fa: {  	v27 =	vmov v63;
	v63 =	vld [tilespmem:$0x1FE10];
	_ =	sdelay $0x1  }
0x1fb: {  	v19 =	vmul.f32 v19, v47  }
0x1fc: {  	v2 =	vmul.f32 v13, v2;
	v1 =	vadd.f32 v10, v1;
	v9 =	vmul.f32 v9, v3  }
0x1fd: {  	v17 =	vadd.f32 v6, v19;
	v6 =	vld.idx.msk [tilespmem:v28+s4+$0x0], $0xffff  }
0x1fe: {  	v16 =	vmul.f32 v16, v63;
	v11 =	vadd.f32 v9, v11;
	v9 =	vadd.f32 v2, v1;
	v2 =	vld [tilespmem:$0x1FED0];
	_ =	sdelay $0x1  }
0x1ff: {  	v0 =	vadd.f32 v0, v16;
	v16 =	vld.idx.msk [tilespmem:v22+s4+$0x0], $0xffff;
	v22 =	vmul.f32 v24, v43;
	_ =	sdelay $0x1  }
0x200: {  	v28 =	vadd.f32 v0, v22;
	v0 =	vld.idx.msk [tilespmem:v15+s4+$0x0], $0xffff  }
0x201: {  	v14 =	vmul.f32 v6, v2;
	v2 =	vld [tilespmem:$0x1FEE0];
	_ =	sdelay $0x1  }
0x202: {  	v8 =	vld.idx.msk [tilespmem:v8+s4+$0x0], $0xffff  }
0x203: {  	v3 =	vld [tilespmem:$0x1FE60];
	_ =	sdelay $0x1  }
0x204: {  	v15 =	vmul.f32 v0, v2;
	v0 =	vld [tilespmem:$0x1FEF0];
	_ =	sdelay $0x2  }
0x205: {  	v8 =	vmul.f32 v8, v3;
	v3 =	vld [tilespmem:$0x1FE70]  }
0x206: {  	v19 =	vld.idx.msk [tilespmem:v29+s4+$0x0], $0xffff  }
0x207: {  	v2 =	vadd.s32 $0x118C2, v0;
	v0 =	vld [tilespmem:$0x1FF00];
	_ =	sdelay $0x2  }
0x208: {  	v10 =	vadd.s32 $0x118C2, v3;
	v3 =	vld [tilespmem:$0x1FE90];
	_ =	sdelay $0x1  }
0x209: {  	v6 =	vmul.f32 v19, v0;
	v0 =	vld [tilespmem:$0x1FF10];
	_ =	sdelay $0x1  }
0x20a: {  	v13 =	vld.idx.msk [tilespmem:v30+s4+$0x0], $0xffff  }
0x20b: {  	v22 =	vadd.s32 $0x118C2, v3;
	v3 =	vld [tilespmem:$0x1FEA0]  }
0x20c: {  	v23 =	vld.idx.msk [tilespmem:v10+s4+$0x0], $0xffff  }
0x20d: {  	v10 =	vadd.s32 $0x118C2, v0;
	v0 =	vld [tilespmem:$0x1FF20];
	_ =	sdelay $0x3  }
0x20e: {  	v16 =	vmul.f32 v16, v3;
	v3 =	vld [tilespmem:$0x1FEB0]  }
0x20f: {  	v13 =	vmul.f32 v13, v0;
	v0 =	vld [tilespmem:$0x1FF30];
	_ =	sdelay $0x3  }
0x210: {  	v8 =	vadd.f32 v8, v7  }
0x211: {  	v7 =	vadd.f32 v16, v11;
	v24 =	vadd.s32 $0x118C2, v3;
	v11 =	vadd.s32 $0x118C2, v0;
	v0 =	vld [tilespmem:$0x1FF40];
	_ =	sdelay $0x4  }
0x212: {  	v16 =	vadd.s32 $0x118C2, v0;
	v0 =	vld.idx.msk [tilespmem:v24+s4+$0x0], $0xffff;
	_ =	sdelay $0x3  }
0x213: {  	v22 =	vld.idx.msk [tilespmem:v22+s4+$0x0], $0xffff  }
0x214: {  	[tilespmem:$0x1FF50] =	vst v0;
	v0 =	vld [tilespmem:$0x1FF60];
	_ =	sdelay $0x2  }
0x215: {  	v1 =	vld [tilespmem:$0x1FEC0];
	_ =	sdelay $0x1  }
0x216: {  	v30 =	vadd.s32 $0x118C2, v0;
	v0 =	vadd.s32 $0x118C2, v53  }
0x217: {  	[tilespmem:$0x1FF70] =	vst v0;
	v0 =	vld [tilespmem:$0x1FF80];
	_ =	sdelay $0x1  }
0x218: {  	v1 =	vadd.s32 $0x118C2, v1;
	_ =	sdelay $0x2  }
0x219: {  	v0 =	vadd.s32 $0x118C2, v0  }
0x21a: {  	[tilespmem:$0x1FF90] =	vst v0  }
0x21b: {  	v26 =	vld.idx.msk [tilespmem:v1+s4+$0x0], $0xffff;
	[tilespmem:s10+$0xFFFFFFE0] =	vst v17  }
0x21c: {  	v1 =	vld [tilespmem:$0x1FFA0];
	_ =	sdelay $0x3  }
0x21d: {  	s11 =	simm.s32 $0x1C5A0  }
0x21e: {  	[tilespmem:s11+$0x10] =	vst v1  }
0x21f: {  	v0 =	vld [tilespmem:$0x1FFB0];
	_ =	sdelay $0x3  }
0x220: {  	[tilespmem:s10+$0xFFFFFFF0] =	vst v28  }
0x221: {  	v24 =	vadd.s32 $0x118C2, v33;
	v33 =	vadd.s32 $0x118C2, v31;
	v31 =	vadd.s32 $0x118C2, v0;
	v0 =	vld [tilespmem:$0x1FFC0];
	_ =	sdelay $0x3  }
0x222: {  	s12 =	simm.s32 $0x1C5E0  }
0x223: {  	[tilespmem:s12+$0x10] =	vst v0  }
0x224: {  	v0 =	vld [tilespmem:$0x1FFD0];
	_ =	sdelay $0x4  }
0x225: {  	v29 =	vadd.s32 $0x118C2, v0;
	v0 =	vld [tilespmem:$0x1FFE0];
	_ =	sdelay $0x3  }
0x226: {  	v51 =	vld.idx.msk [tilespmem:v2+s4+$0x0], $0xffff;
	[tilespmem:s10+$0x0] =	vst v32  }
0x227: {  	v2 =	vadd.s32 $0x118C2, v0;
	v0 =	vld [tilespmem:$0x1FFF0]  }
0x228: {  	v41 =	vadd.s32 $0x118C2, v41  }
0x229: {  	v57 =	vmovc v44;
	v49 =	vadd.s32 $0x118C2, v46;
	v46 =	vadd.s32 $0x118C2, v27;
	v50 =	vadd.s32 $0x118C2, v50;
	v10 =	vld.idx.msk [tilespmem:v10+s4+$0x0], $0xffff  }
0x22a: {  	v44 =	vmovc v21;
	v21 =	vadd.s32 $0x118C2, v56;
	v56 =	vadd.s32 $0x118C2, v5;
	v36 =	vmovc v43;
	v43 =	vadd.s32 $0x118C2, v18;
	v11 =	vld.idx.msk [tilespmem:v11+s4+$0x0], $0xffff  }
0x22b: {  	v18 =	vadd.s32 $0x118C2, v12;
	v53 =	vmovc v47;
	v47 =	vadd.s32 $0x118C2, v35;
	v17 =	vadd.s32 $0x118C2, v25;
	v5 =	vld.idx.msk [tilespmem:v16+s4+$0x0], $0xffff  }
0x22c: {  	s28 =	simm.s32 $0x1A620;
	s26 =	simm.s32 $0x4;
	v35 =	vmovc v62;
	v62 =	vmovc v61;
	v1 =	vadd.s32 $0x118C2, v4;
	v28 =	vadd.s32 $0x118C2, v60;
	v12 =	vld.idx.msk [tilespmem:v30+s4+$0x0], $0xffff;
	v25 =	vadd.s32 $0x118C2, v0  }
.LBB2_3:
0x22d: {  	v0 =	vld [tilespmem:$0x1FCC0];
	_ =	sdelay $0x4  }
0x22e: {  	[tilespmem:$0x1FCC0] =	vst v0;
	v0 =	vadd.f32 v15, v9;
	v9 =	vld [tilespmem:$0x1FA70]  }
0x22f: {  	v19 =	vld [tilespmem:$0x1FC30]  }
0x230: {  	v7 =	vadd.f32 v13, v7;
	v13 =	vld [tilespmem:$0x1FA80];
	_ =	sdelay $0x1  }
0x231: {  	v16 =	vld [tilespmem:$0x1FF50]  }
0x232: {  	v3 =	vadd.f32 v14, v8;
	v15 =	vld [tilespmem:$0x1FA90];
	v9 =	vmul.f32 v23, v9  }
0x233: {  	v10 =	vmul.f32 v10, v19;
	v19 =	vld [tilespmem:$0x1FC90]  }
0x234: {  	v20 =	vmul.f32 v22, v13;
	v22 =	vadd.f32 v6, v3;
	v6 =	vadd.f32 v9, v0;
	v0 =	vld [tilespmem:$0x1FAA0];
	_ =	sdelay $0x2  }
0x235: {  	v8 =	vmov v62;
	v15 =	vmul.f32 v16, v15;
	v9 =	vld [tilespmem:$0x1FC40]  }
0x236: {  	s5 =	sadd.s32 $0x40, s5;
	[tilespmem:$0x1F9D0] =	vst v8;
	v13 =	vmov v63  }
0x237: {  	v8 =	vld [tilespmem:s5+$0xFFFFFFE0];
	v63 =	vmul.f32 v5, v19;
	v5 =	vadd.f32 v15, v22;
	v15 =	vmul.f32 v51, v0;
	v0 =	vmovc v36  }
0x238: {  	[tilespmem:$0x1F8E0] =	vst v0;
	v0 =	vld [tilespmem:$0x1FF70]  }
0x239: {  	[tilespmem:$0x1FA70] =	vst v13;
	v13 =	vld [tilespmem:s5+$0xFFFFFFF0];
	v16 =	vmov v35  }
0x23a: {  	[tilespmem:$0x1F9F0] =	vst v16;
	v16 =	vld [tilespmem:s5+$0x10];
	v23 =	vmul.f32 v11, v9;
	v11 =	vmul.f32 v26, v37;
	v9 =	vmov v53  }
0x23b: {  	s8 =	sadd.s32 $0x40, s8;
	v26 =	vadd.f32 v20, v7;
	v20 =	vld [tilespmem:s5+$0x0];
	[tilespmem:$0x1FA90] =	vst v9  }
0x23c: {  	v7 =	vmov v55;
	v9 =	vld [tilespmem:s8+$0xFFFFFFE0];
	[tilespmem:s11+$0xFFFFFFE0] =	vst v5;
	v6 =	vadd.f32 v11, v6  }
0x23d: {  	[tilespmem:$0x1FAA0] =	vst v7;
	v7 =	vld [tilespmem:s8+$0xFFFFFFF0];
	v5 =	vadd.f32 v15, v26  }
0x23e: {  	[tilespmem:s11+$0xFFFFFFF0] =	vst v6;
	v6 =	vadd.f32 v8, v8;
	v8 =	vld [tilespmem:s8+$0x0]  }
0x23f: {  	v3 =	vmov v54;
	[tilespmem:s11+$0x0] =	vst v5;
	v5 =	vld [tilespmem:s28+$0xFFFFFFF0]  }
0x240: {  	[tilespmem:$0x1FA80] =	vst v3;
	v3 =	vadd.f32 v23, v10;
	v10 =	vadd.f32 v16, v16;
	v16 =	vld.idx.msk [tilespmem:v0+s4+$0x0], $0xffff  }
0x241: {  	v0 =	vld.idx.msk [tilespmem:v41+s4+$0x0], $0xffff;
	_ =	sdelay $0x2  }
0x242: {  	v4 =	vld [tilespmem:s28+$0x10];
	v14 =	vmov v52  }
0x243: {  	[tilespmem:$0x1F9A0] =	vst v14;
	v14 =	vld [tilespmem:s8+$0x10]  }
0x244: {  	[tilespmem:$0x1F740] =	vst v0;
	v0 =	vadd.f32 v5, v5;
	v5 =	vadd.f32 v8, v8;
	v8 =	vld [tilespmem:$0x1FF90];
	_ =	sdelay $0x3  }
0x245: {  	v4 =	vadd.f32 v4, v4  }
0x246: {  	v11 =	vadd.f32 v14, v14  }
0x247: {  	v4 =	vadd.f32 $-1.000000000e+00, v4  }
0x248: {  	v10 =	vadd.f32 $-1.000000000e+00, v10;
	v11 =	vadd.f32 $-1.000000000e+00, v11  }
0x249: {  	v4 =	vadd.f32 $1.000000000e+00, v4;
	v8 =	vld.idx.msk [tilespmem:v8+s4+$0x0], $0xffff  }
0x24a: {  	v10 =	vadd.f32 $1.000000000e+00, v10;
	v11 =	vadd.f32 $1.000000000e+00, v11  }
0x24b: {  	v4 =	vmul.f32 $1.600000000e+01, v4;
	v14 =	vld [tilespmem:s28+$0xFFFFFFE0]  }
0x24c: {  	v15 =	vadd.f32 v20, v20;
	v20 =	vld.idx.msk [tilespmem:v47+s4+$0x0], $0xffff;
	v10 =	vmul.f32 $1.600000000e+01, v10;
	v11 =	vmul.f32 $1.600000000e+01, v11  }
0x24d: {  	[tilespmem:$0x1F820] =	vst v3;
	v3 =	vmul.f32 v12, v58;
	v12 =	vadd.f32 v13, v13;
	v9 =	vadd.f32 v9, v9  }
0x24e: {  	v23 =	vld.idx.msk [tilespmem:v31+s4+$0x0], $0xffff;
	v7 =	vadd.f32 v7, v7;
	[tilespmem:$0x1F760] =	vst v8;
	v8 =	vmax.f32 v10, $0.0e+00;
	v10 =	vmax.f32 v11, $0.0e+00  }
0x24f: {  	v13 =	vld [tilespmem:s28+$0x0];
	v6 =	vadd.f32 $-1.000000000e+00, v6;
	v12 =	vadd.f32 $-1.000000000e+00, v12;
	v10 =	vmin.f32 v10, $3.200000000e+01  }
0x250: {  	v3 =	vadd.f32 v3, v63;
	v14 =	vadd.f32 v14, v14;
	[tilespmem:$0x1F730] =	vst v16;
	v16 =	vld.idx.msk [tilespmem:v49+s4+$0x0], $0xffff;
	v19 =	vtrunc.f32 v10  }
0x251: {  	v15 =	vadd.f32 $-1.000000000e+00, v15;
	v9 =	vadd.f32 $-1.000000000e+00, v9;
	[tilespmem:$0x1F870] =	vst v20;
	v20 =	vcvt.f32.s32 v19;
	v19 =	vld.idx.msk [tilespmem:v24+s4+$0x0], $0xffff  }
0x252: {  	v7 =	vadd.f32 $-1.000000000e+00, v7;
	v6 =	vadd.f32 $1.000000000e+00, v6;
	v11 =	vld.idx.msk [tilespmem:v21+s4+$0x0], $0xffff  }
0x253: {  	v4 =	vmax.f32 v4, $0.0e+00;
	v17 =	vld.idx.msk [tilespmem:v17+s4+$0x0], $0xffff;
	v12 =	vadd.f32 $1.000000000e+00, v12;
	v14 =	vadd.f32 $-1.000000000e+00, v14  }
0x254: {  	v4 =	vmin.f32 v4, $3.200000000e+01;
	v18 =	vld.idx.msk [tilespmem:v18+s4+$0x0], $0xffff;
	[tilespmem:$0x1F8F0] =	vst v23;
	v15 =	vadd.f32 $1.000000000e+00, v15;
	v13 =	vadd.f32 v13, v13  }
0x255: {  	v6 =	vmul.f32 $1.600000000e+01, v6;
	v9 =	vadd.f32 $1.000000000e+00, v9;
	[tilespmem:$0x1F7C0] =	vst v16;
	v8 =	vmin.f32 v8, $3.200000000e+01;
	v24 =	vld.idx.msk [tilespmem:v50+s4+$0x0], $0xffff  }
0x256: {  	v7 =	vadd.f32 $1.000000000e+00, v7;
	v12 =	vmul.f32 $1.600000000e+01, v12;
	v16 =	vtrunc.f32 v8;
	[tilespmem:$0x1F890] =	vst v19;
	v19 =	vld.idx.msk [tilespmem:v33+s4+$0x0], $0xffff  }
0x257: {  	v26 =	vld.idx.msk [tilespmem:v43+s4+$0x0], $0xffff;
	v14 =	vadd.f32 $1.000000000e+00, v14;
	v16 =	vcvt.f32.s32 v16;
	[tilespmem:$0x1F790] =	vst v11;
	v11 =	vtrunc.f32 v4  }
0x258: {  	[tilespmem:$0x1F980] =	vst v17;
	v15 =	vmul.f32 $1.600000000e+01, v15;
	v13 =	vadd.f32 $-1.000000000e+00, v13;
	v11 =	vcvt.f32.s32 v11  }
0x259: {  	[tilespmem:$0x1F9B0] =	vst v18;
	v21 =	vmul.u32 $0x21, v16;
	v22 =	vmul.u32 $0x441, v20;
	v17 =	vadd.s32 $0x1, v20  }
0x25a: {  	v18 =	vcvt.s32.f32 v20;
	vm7 =	vlt.s32 v17, $0x20;
	v23 =	vadd.s32 $0x1, v11;
	[tilespmem:$0x1F910] =	vst v24  }
0x25b: {  	v24 =	vadd.s32 v21, v22;
	vm1 =	vlt.s32 v23, $0x20;
	[tilespmem:$0x1F8B0] =	vst v19;
	v19 =	vadd.s32 $0x1, v16  }
0x25c: {  	v1 =	vld.idx.msk [tilespmem:v1+s4+$0x0], $0xffff;
	[tilespmem:$0x1F930] =	vst v26;
	v26 =	vnsel vm1, $0x20, v23;
	v16 =	vcvt.s32.f32 v16;
	vm0 =	vlt.s32 v19, $0x20  }
0x25d: {  	v17 =	vnsel vm7, $0x20, v17;
	v30 =	vadd.s32 v26, v24;
	v19 =	vnsel vm0, $0x20, v19  }
0x25e: {  	v8 =	vsub.f32 v8, v16;
	v16 =	vmul.u32 $0x441, v17;
	v17 =	vld.idx.msk [tilespmem:v28+s4+$0x0], $0xffff;
	v23 =	vmul.u32 $0x21, v19  }
0x25f: {  	v2 =	vld.idx.msk [tilespmem:v2+s4+$0x0], $0xffff;
	v9 =	vmul.f32 $1.600000000e+01, v9;
	v6 =	vmax.f32 v6, $0.0e+00;
	v19 =	vadd.s32 v11, v24  }
0x260: {  	[tilespmem:$0x1F770] =	vst v45;
	v20 =	vld.idx.msk [tilespmem:v56+s4+$0x0], $0xffff;
	v10 =	vsub.f32 v10, v18;
	v24 =	vcvt.s32.f32 v11;
	v22 =	vadd.s32 v22, v23  }
0x261: {  	[tilespmem:$0x1F8D0] =	vst v1;
	v1 =	vld.idx.msk [tilespmem:v46+s4+$0x0], $0xffff;
	v7 =	vmul.f32 $1.600000000e+01, v7;
	v45 =	vadd.f32 $-1.000000000e+00, v0;
	v31 =	vadd.s32 v11, v22  }
0x262: {  	v12 =	vmax.f32 v12, $0.0e+00;
	v0 =	vld.idx.msk [tilespmem:v25+s4+$0x0], $0xffff;
	v4 =	vsub.f32 v4, v24;
	v24 =	vsub.f32 $1.000000000e+00, v10  }
0x263: {  	v27 =	vld.idx.msk [tilespmem:v30+s4+$0x0], $0xffff;
	v28 =	vadd.s32 v26, v22;
	[tilespmem:$0x1F960] =	vst v17;
	v17 =	vadd.s32 v21, v16;
	v21 =	vsub.f32 $1.000000000e+00, v8  }
0x264: {  	[tilespmem:$0x1F8A0] =	vst v42;
	v35 =	vmin.f32 v6, $3.200000000e+01;
	v36 =	vmin.f32 v12, $3.200000000e+01;
	v5 =	vadd.f32 $-1.000000000e+00, v5;
	v18 =	vld.idx.msk [tilespmem:v19+s4+$0x0], $0xffff  }
0x265: {  	[tilespmem:$0x1FA00] =	vst v20;
	v20 =	vld.idx.msk [tilespmem:v29+s4+$0x0], $0xffff;
	v42 =	vsub.f32 $1.000000000e+00, v4;
	v29 =	vadd.s32 v11, v17;
	v43 =	vmul.f32 v24, v21  }
0x266: {  	[tilespmem:$0x1F7D0] =	vst v44;
	v13 =	vadd.f32 $1.000000000e+00, v13;
	v5 =	vadd.f32 $1.000000000e+00, v5;
	v47 =	vmul.f32 v24, v8;
	v44 =	vld.idx.msk [tilespmem:v31+s4+$0x0], $0xffff  }
0x267: {  	[tilespmem:$0x1F950] =	vst v2;
	v32 =	vadd.s32 v26, v17;
	v2 =	vmul.f32 v43, v42;
	v17 =	vmul.f32 v43, v4  }
0x268: {  	v5 =	vmul.f32 $1.600000000e+01, v5;
	[tilespmem:$0x1FF50] =	vst v0;
	v16 =	vadd.s32 v23, v16;
	v0 =	vmul.f32 v47, v42;
	v25 =	vld.idx.msk [tilespmem:v28+s4+$0x0], $0xffff  }
0x269: {  	[tilespmem:$0x1F940] =	vst v48;
	v33 =	vadd.s32 v11, v16;
	v11 =	vmul.f32 v2, v18;
	v18 =	vmul.f32 v17, v27  }
0x26a: {  	[tilespmem:$0x1F920] =	vst v34;
	v5 =	vmax.f32 v5, $0.0e+00;
	v34 =	vadd.s32 v26, v16;
	v16 =	vmul.f32 v10, v21;
	v27 =	vld.idx.msk [tilespmem:v29+s4+$0x0], $0xffff  }
0x26b: {  	[tilespmem:$0x1F850] =	vst v1;
	v1 =	vmul.f32 v47, v4;
	v11 =	vadd.f32 v18, v11;
	v26 =	vmul.f32 v0, v44  }
0x26c: {  	[tilespmem:$0x1F900] =	vst v39;
	v6 =	vmax.f32 v7, $0.0e+00;
	v13 =	vmul.f32 $1.600000000e+01, v13;
	v39 =	vmin.f32 v5, $3.200000000e+01;
	v48 =	vld.idx.msk [tilespmem:v32+s4+$0x0], $0xffff  }
0x26d: {  	[tilespmem:$0x1F9E0] =	vst v20;
	v20 =	vmul.f32 v16, v42;
	v25 =	vmul.f32 v1, v25;
	v11 =	vadd.f32 v11, v26  }
0x26e: {  	[tilespmem:$0x1F990] =	vst v38;
	v38 =	vadd.f32 $1.000000000e+00, v45;
	v53 =	vtrunc.f32 v39;
	v8 =	vmul.f32 v10, v8;
	v49 =	vld.idx.msk [tilespmem:v33+s4+$0x0], $0xffff  }
0x26f: {  	v26 =	vmul.f32 v16, v4;
	v10 =	vadd.f32 v11, v25;
	v11 =	vmul.f32 v20, v27  }
0x270: {  	v50 =	vadd.s32 $0x8C61, v32;
	v54 =	vadd.s32 $0x8C61, v33;
	v43 =	vcvt.f32.s32 v53;
	v16 =	vld.idx.msk [tilespmem:v34+s4+$0x0], $0xffff  }
0x271: {  	v27 =	vmul.f32 v8, v42;
	v10 =	vadd.f32 v10, v11;
	v11 =	vmul.f32 v26, v48  }
0x272: {  	[tilespmem:$0x1F840] =	vst v3;
	v3 =	vadd.s32 $0x8C61, v34;
	v60 =	vcvt.s32.f32 v43;
	v25 =	vmul.f32 v8, v4  }
0x273: {  	v8 =	vmul.f32 v27, v49;
	v4 =	vadd.f32 v10, v11;
	v10 =	vadd.s32 $0x8C61, v19  }
0x274: {  	v11 =	vmul.f32 $1.600000000e+01, v14;
	v14 =	vmul.f32 $1.600000000e+01, v38;
	v19 =	vadd.s32 $0x118C2, v19  }
0x275: {  	v4 =	vadd.f32 v4, v8;
	v8 =	vmul.f32 v25, v16;
	v16 =	vadd.s32 $0x8C61, v30  }
0x276: {  	v7 =	vmax.f32 v11, $0.0e+00;
	v11 =	vadd.s32 $0x8C61, v29;
	v30 =	vadd.s32 $0x118C2, v30  }
0x277: {  	v29 =	vadd.s32 $0x118C2, v29;
	v7 =	vmin.f32 v7, $3.200000000e+01;
	v4 =	vadd.f32 v4, v8  }
0x278: {  	v8 =	vmax.f32 v9, $0.0e+00;
	v9 =	vmax.f32 v15, $0.0e+00;
	v15 =	vadd.s32 $0x8C61, v31  }
0x279: {  	s9 =	sadd.s32 $0x40, s9;
	v55 =	vtrunc.f32 v7;
	v12 =	vmin.f32 v9, $3.200000000e+01;
	v9 =	vadd.s32 $0x8C61, v28  }
0x27a: {  	v38 =	vmin.f32 v8, $3.200000000e+01;
	v8 =	vmax.f32 v14, $0.0e+00;
	v14 =	vmin.f32 v6, $3.200000000e+01;
	[tilespmem:s9+$0x10] =	vst v4  }
0x27b: {  	v6 =	vmax.f32 v13, $0.0e+00;
	v13 =	vtrunc.f32 v35;
	v51 =	vtrunc.f32 v38;
	v4 =	vld.idx.msk [tilespmem:v10+s4+$0x0], $0xffff  }
0x27c: {  	v31 =	vadd.s32 $0x118C2, v31;
	v52 =	vtrunc.f32 v14;
	v13 =	vcvt.f32.s32 v13;
	v10 =	vld.idx.msk [tilespmem:v16+s4+$0x0], $0xffff  }
0x27d: {  	v8 =	vmin.f32 v8, $3.200000000e+01;
	v16 =	vtrunc.f32 v36;
	v41 =	vcvt.f32.s32 v51  }
0x27e: {  	[tilespmem:$0x1F7A0] =	vst v57;
	v6 =	vmin.f32 v6, $3.200000000e+01;
	v56 =	vtrunc.f32 v8;
	v42 =	vcvt.f32.s32 v52;
	v5 =	vld.idx.msk [tilespmem:v15+s4+$0x0], $0xffff  }
0x27f: {  	[tilespmem:$0x1F8C0] =	vst v59;
	v28 =	vadd.s32 $0x118C2, v28;
	v57 =	vtrunc.f32 v6;
	v59 =	vld.idx.msk [tilespmem:v3+s4+$0x0], $0xffff;
	v16 =	vcvt.f32.s32 v16  }
0x280: {  	[tilespmem:$0x1F880] =	vst v40;
	v40 =	vadd.s32 $0x1, v13;
	v3 =	vcvt.f32.s32 v57;
	v45 =	vcvt.s32.f32 v13;
	v9 =	vld.idx.msk [tilespmem:v9+s4+$0x0], $0xffff  }
0x281: {  	v23 =	vmul.u32 $0x21, v13;
	v4 =	vmul.f32 v2, v4;
	v10 =	vmul.f32 v17, v10  }
0x282: {  	v11 =	vld.idx.msk [tilespmem:v11+s4+$0x0], $0xffff;
	v15 =	vtrunc.f32 v12;
	vm8 =	vlt.s32 v40, $0x20;
	v47 =	vcvt.s32.f32 v41  }
0x283: {  	v52 =	vcvt.s32.f32 v42;
	v4 =	vadd.f32 v10, v4;
	v5 =	vmul.f32 v5, v0  }
0x284: {  	v13 =	vmul.u32 $0x441, v41;
	v15 =	vcvt.f32.s32 v15;
	v44 =	vadd.s32 $0x1, v16;
	v10 =	vld.idx.msk [tilespmem:v50+s4+$0x0], $0xffff  }
0x285: {  	v48 =	vcvt.s32.f32 v16;
	v4 =	vadd.f32 v4, v5;
	v5 =	vmul.f32 v9, v1  }
0x286: {  	v63 =	vadd.s32 $0x1, v3;
	v40 =	vnsel vm8, $0x20, v40;
	v45 =	vsub.f32 v35, v45;
	v9 =	vld.idx.msk [tilespmem:v54+s4+$0x0], $0xffff  }
0x287: {  	v49 =	vcvt.s32.f32 v3;
	v11 =	vmul.f32 v11, v20;
	v58 =	vadd.f32 v4, v5  }
0x288: {  	vm9 =	vlt.s32 v44, $0x20;
	v51 =	vsub.f32 v38, v47;
	vm12 =	vlt.s32 v63, $0x20  }
0x289: {  	v52 =	vsub.f32 v14, v52;
	v10 =	vmul.f32 v10, v26;
	v11 =	vadd.f32 v58, v11  }
0x28a: {  	v14 =	vadd.s32 $0x118C2, v32;
	v32 =	vmul.u32 $0x21, v40;
	v37 =	vadd.s32 $0x1, v15  }
0x28b: {  	v44 =	vnsel vm9, $0x20, v44;
	v9 =	vmul.f32 v9, v27;
	v10 =	vadd.f32 v11, v10  }
0x28c: {  	v53 =	vcvt.s32.f32 v15;
	vm2 =	vlt.s32 v37, $0x20;
	v18 =	vmul.u32 $0x21, v44  }
0x28d: {  	v37 =	vnsel vm2, $0x20, v37;
	v11 =	vmul.f32 v59, v25;
	v10 =	vadd.f32 v10, v9  }
0x28e: {  	v50 =	vsub.f32 v36, v48;
	v54 =	vsub.f32 v39, v60;
	v39 =	vadd.s32 $0x1, v43  }
0x28f: {  	v4 =	vcvt.f32.s32 v55;
	v5 =	vcvt.f32.s32 v56;
	v10 =	vadd.f32 v10, v11  }
0x290: {  	s10 =	sadd.s32 $0x40, s10;
	v53 =	vsub.f32 v12, v53;
	v46 =	vmul.u32 $0x21, v37;
	vm15 =	vlt.s32 v39, $0x20  }
0x291: {  	v56 =	vsub.f32 $1.000000000e+00, v52;
	v61 =	vadd.s32 $0x1, v4;
	v62 =	vadd.s32 $0x1, v5;
	[tilespmem:s10+$0x10] =	vst v10  }
0x292: {  	v35 =	vcvt.s32.f32 v4;
	v48 =	vcvt.s32.f32 v5;
	v58 =	vsub.f32 $1.000000000e+00, v45;
	v19 =	vld.idx.msk [tilespmem:v19+s4+$0x0], $0xffff  }
0x293: {  	v37 =	vmul.f32 v56, v50;
	vm10 =	vlt.s32 v61, $0x20;
	vm11 =	vlt.s32 v62, $0x20;
	v30 =	vld.idx.msk [tilespmem:v30+s4+$0x0], $0xffff  }
0x294: {  	v59 =	vadd.s32 $0x118C2, v33;
	v11 =	vmul.u32 $0x21, v16;
	v16 =	vmul.u32 $0x441, v42;
	v31 =	vld.idx.msk [tilespmem:v31+s4+$0x0], $0xffff  }
0x295: {  	v55 =	vnsel vm11, $0x20, v62;
	v57 =	vsub.f32 v7, v35;
	v10 =	vmul.u32 $0x21, v15;
	v12 =	vld.idx.msk [tilespmem:v28+s4+$0x0], $0xffff  }
0x296: {  	v15 =	vmul.u32 $0x441, v43;
	v60 =	vadd.s32 v11, v16;
	v7 =	vadd.s32 v16, v18;
	v14 =	vld.idx.msk [tilespmem:v14+s4+$0x0], $0xffff  }
0x297: {  	v9 =	vadd.s32 v55, v60;
	v47 =	vadd.s32 v5, v7;
	v28 =	vadd.s32 v55, v7  }
0x298: {  	v62 =	vadd.s32 v10, v15;
	v2 =	vmul.f32 v19, v2;
	v17 =	vmul.f32 v30, v17  }
0x299: {  	v19 =	vld.idx.msk [tilespmem:v29+s4+$0x0], $0xffff;
	v29 =	vadd.s32 $0x118C2, v34;
	v30 =	vnsel vm10, $0x20, v61;
	v0 =	vmul.f32 v31, v0  }
0x29a: {  	v31 =	vnsel vm12, $0x20, v63;
	v12 =	vmul.f32 v12, v1;
	v2 =	vadd.f32 v17, v2  }
0x29b: {  	v1 =	vadd.s32 v5, v60;
	v34 =	vadd.s32 $0x1, v41;
	v14 =	vmul.f32 v14, v26  }
0x29c: {  	v26 =	vadd.s32 $0x1, v42;
	v41 =	vnsel vm15, $0x20, v39;
	v0 =	vadd.f32 v0, v2  }
0x29d: {  	v61 =	vld.idx.msk [tilespmem:v59+s4+$0x0], $0xffff;
	v42 =	vsub.f32 $1.000000000e+00, v51;
	v59 =	vsub.f32 $1.000000000e+00, v50;
	v21 =	vmul.u32 $0x441, v41  }
0x29e: {  	vm13 =	vlt.s32 v34, $0x20;
	v63 =	vmul.f32 v19, v20;
	v12 =	vadd.f32 v12, v0  }
0x29f: {  	vm14 =	vlt.s32 v26, $0x20;
	v17 =	vadd.s32 v23, v13;
	v39 =	vadd.s32 v10, v21;
	v29 =	vld.idx.msk [tilespmem:v29+s4+$0x0], $0xffff  }
0x2a0: {  	v21 =	vadd.s32 v46, v21;
	v19 =	vadd.s32 v3, v62;
	v12 =	vadd.f32 v63, v12  }
0x2a1: {  	v2 =	vadd.s32 v4, v17;
	v17 =	vadd.s32 v30, v17;
	v0 =	vadd.s32 v31, v62  }
0x2a2: {  	v62 =	vsub.f32 $1.000000000e+00, v57;
	v12 =	vadd.f32 v14, v12;
	v14 =	vmul.f32 v61, v27  }
0x2a3: {  	v27 =	vadd.s32 v13, v32;
	v61 =	vsub.f32 $1.000000000e+00, v53;
	v13 =	vsub.f32 v8, v48  }
0x2a4: {  	v8 =	vadd.s32 v15, v46;
	v12 =	vadd.f32 v14, v12;
	v14 =	vmul.f32 v29, v25  }
0x2a5: {  	[tilespmem:$0x1F700] =	vst v19;
	v35 =	vld.idx.msk [tilespmem:v19+s4+$0x0], $0xffff;
	v48 =	vadd.s32 v4, v27;
	v19 =	vadd.s32 v30, v27;
	v29 =	vsub.f32 $1.000000000e+00, v54  }
0x2a6: {  	v40 =	vadd.s32 v31, v8;
	v15 =	vsub.f32 $1.000000000e+00, v13;
	v12 =	vadd.f32 v14, v12  }
0x2a7: {  	v22 =	vld.idx.msk [tilespmem:v47+s4+$0x0], $0xffff;
	[tilespmem:$0x1F710] =	vst v0;
	v14 =	vsub.f32 v6, v49;
	v6 =	vnsel vm13, $0x20, v34;
	v34 =	vmul.f32 v56, v59  }
0x2a8: {  	s11 =	smov.u32 s12;
	s12 =	sadd.s32 $0x40, s12;
	v36 =	vld.idx.msk [tilespmem:v0+s4+$0x0], $0xffff;
	v49 =	vadd.s32 v3, v8;
	v38 =	vmul.f32 v29, v61;
	v0 =	vmul.f32 v29, v53  }
0x2a9: {  	v25 =	vld.idx.msk [tilespmem:v9+s4+$0x0], $0xffff;
	[tilespmem:s12+$0x10] =	vst v12;
	v12 =	vnsel vm14, $0x20, v26;
	v26 =	vmul.f32 v42, v58;
	v8 =	vmul.f32 v34, v15  }
0x2aa: {  	[tilespmem:$0x1F6E0] =	vst v1;
	v60 =	vld.idx.msk [tilespmem:v1+s4+$0x0], $0xffff;
	v16 =	vsub.f32 $1.000000000e+00, v14;
	v1 =	vmul.f32 v34, v13;
	v58 =	vmul.f32 v51, v58  }
0x2ab: {  	v43 =	vld.idx.msk [tilespmem:v2+s4+$0x0], $0xffff;
	v63 =	vmul.u32 $0x441, v6;
	v6 =	vmul.f32 v0, v14;
	v7 =	vmul.f32 v26, v62  }
0x2ac: {  	[tilespmem:$0x1F6F0] =	vst v9;
	v44 =	vld.idx.msk [tilespmem:v17+s4+$0x0], $0xffff;
	v20 =	vmul.u32 $0x441, v12;
	v9 =	vmul.f32 v26, v57;
	v33 =	vmul.f32 v38, v16  }
0x2ad: {  	[tilespmem:$0x1F6D0] =	vst v2;
	v23 =	vadd.s32 v23, v63;
	v38 =	vmul.f32 v38, v14;
	v26 =	vmul.f32 v42, v45  }
0x2ae: {  	v27 =	vld.idx.msk [tilespmem:v48+s4+$0x0], $0xffff;
	v63 =	vadd.s32 v32, v63;
	v25 =	vmul.f32 v1, v25;
	v2 =	vmul.f32 v0, v16  }
0x2af: {  	[tilespmem:$0x1F720] =	vst v1;
	v24 =	vadd.s32 v11, v20;
	v0 =	vadd.s32 v18, v20;
	v20 =	vmul.f32 v52, v59  }
0x2b0: {  	v12 =	vadd.s32 v4, v23;
	v1 =	vld.idx.msk [tilespmem:v40+s4+$0x0], $0xffff;
	v59 =	vmul.f32 v54, v61;
	v56 =	vmul.f32 v7, v43  }
0x2b1: {  	v23 =	vadd.s32 v30, v23;
	v34 =	vld.idx.msk [tilespmem:v49+s4+$0x0], $0xffff;
	v29 =	vmul.f32 v9, v44;
	v44 =	vmul.f32 v33, v35  }
0x2b2: {  	v11 =	vadd.s32 v3, v39;
	v35 =	vmul.f32 v26, v62;
	v36 =	vmul.f32 v38, v36  }
0x2b3: {  	v41 =	vld.idx.msk [tilespmem:v19+s4+$0x0], $0xffff;
	v10 =	vadd.s32 v5, v24;
	v29 =	vadd.f32 v29, v56;
	v56 =	vmul.f32 v37, v15  }
0x2b4: {  	v43 =	vmul.f32 v8, v60;
	v60 =	vld.idx.msk [tilespmem:v28+s4+$0x0], $0xffff;
	v27 =	vmul.f32 v35, v27;
	v36 =	vadd.f32 v36, v44  }
0x2b5: {  	v44 =	vadd.s32 v55, v24;
	v1 =	vmul.f32 v6, v1;
	v24 =	vmul.f32 v56, v22  }
0x2b6: {  	[tilespmem:$0x1F750] =	vst v2;
	v25 =	vadd.f32 v25, v43;
	v34 =	vmul.f32 v2, v34;
	v22 =	vmul.f32 v26, v57  }
0x2b7: {  	v42 =	vld.idx.msk [tilespmem:v12+s4+$0x0], $0xffff;
	v2 =	vmul.f32 v37, v13;
	v37 =	vadd.s32 v31, v39;
	v29 =	vadd.f32 v29, v27  }
0x2b8: {  	v61 =	vld.idx.msk [tilespmem:v23+s4+$0x0], $0xffff;
	v27 =	vadd.s32 v5, v0;
	v5 =	vmul.f32 v20, v15;
	v31 =	vadd.s32 v31, v21  }
0x2b9: {  	v39 =	vld.idx.msk [tilespmem:v11+s4+$0x0], $0xffff;
	v24 =	vadd.f32 v25, v24;
	v25 =	vmul.f32 v22, v41;
	v32 =	vmul.f32 v2, v60  }
0x2ba: {  	v43 =	vld.idx.msk [tilespmem:v10+s4+$0x0], $0xffff;
	v46 =	vadd.f32 v36, v34;
	v36 =	vadd.s32 v4, v63;
	v4 =	vmul.f32 v58, v62  }
0x2bb: {  	[tilespmem:$0x1F7B0] =	vst v2;
	v34 =	vadd.s32 v3, v21;
	v3 =	vmul.f32 v59, v16;
	v41 =	vld.idx.msk [tilespmem:v44+s4+$0x0], $0xffff  }
0x2bc: {  	[tilespmem:$0x1F7F0] =	vst v4;
	v25 =	vadd.f32 v29, v25;
	v24 =	vadd.f32 v24, v32;
	v29 =	vmul.f32 v4, v42  }
0x2bd: {  	v18 =	vld [tilespmem:$0x1F6D0];
	[tilespmem:$0x1F810] =	vst v3;
	v1 =	vadd.f32 v46, v1;
	v32 =	vadd.s32 v30, v63;
	v46 =	vmul.f32 v20, v13  }
0x2be: {  	v30 =	vadd.s32 v55, v0;
	v20 =	vmul.f32 v51, v45;
	v4 =	vmul.f32 v59, v14;
	v2 =	vld.idx.msk [tilespmem:v37+s4+$0x0], $0xffff  }
0x2bf: {  	v0 =	vmul.f32 v3, v39;
	v3 =	vmul.f32 v58, v57;
	v21 =	vadd.f32 v25, v29;
	v25 =	vld.idx.msk [tilespmem:v27+s4+$0x0], $0xffff  }
0x2c0: {  	[tilespmem:$0x1F780] =	vst v22;
	v42 =	vmul.f32 v5, v43;
	v29 =	vmul.f32 v52, v50;
	v55 =	vld.idx.msk [tilespmem:v36+s4+$0x0], $0xffff  }
0x2c1: {  	v22 =	vmul.f32 v20, v62;
	v45 =	vld.idx.msk [tilespmem:v34+s4+$0x0], $0xffff;
	v58 =	vmul.f32 v3, v61;
	v0 =	vadd.f32 v1, v0  }
0x2c2: {  	v24 =	vadd.f32 v24, v42;
	v42 =	vmul.f32 v54, v53;
	v41 =	vmul.f32 v46, v41;
	v1 =	vld.idx.msk [tilespmem:v32+s4+$0x0], $0xffff  }
0x2c3: {  	[tilespmem:$0x1F7E0] =	vst v6;
	v6 =	vld [tilespmem:$0x1F6E0];
	v59 =	vadd.s32 $0x8C61, v18;
	v63 =	vmul.f32 v29, v15;
	v2 =	vmul.f32 v4, v2  }
0x2c4: {  	v53 =	vmul.f32 v20, v57;
	v20 =	vadd.s32 $0x8C61, v17;
	v21 =	vadd.f32 v21, v58;
	v15 =	vld.idx.msk [tilespmem:v30+s4+$0x0], $0xffff  }
0x2c5: {  	v26 =	vmul.f32 v42, v16;
	v16 =	vmul.f32 v22, v55;
	v0 =	vadd.f32 v0, v2;
	v2 =	vld.idx.msk [tilespmem:v31+s4+$0x0], $0xffff  }
0x2c6: {  	[tilespmem:$0x1F860] =	vst v4;
	v54 =	vmul.f32 v29, v13;
	v24 =	vadd.f32 v24, v41;
	v4 =	vld [tilespmem:$0x1F6F0];
	v25 =	vmul.f32 v63, v25  }
0x2c7: {  	[tilespmem:$0x1F830] =	vst v3;
	v3 =	vld [tilespmem:$0x1F700];
	v13 =	vmul.f32 v26, v45;
	v16 =	vadd.f32 v21, v16;
	v1 =	vmul.f32 v53, v1  }
0x2c8: {  	v55 =	vmul.f32 v42, v14;
	v21 =	vadd.f32 v24, v25;
	v24 =	vadd.s32 $0x8C61, v6  }
0x2c9: {  	v0 =	vadd.f32 v0, v13;
	v13 =	vmul.f32 v54, v15;
	v1 =	vadd.f32 v16, v1  }
0x2ca: {  	[tilespmem:$0x1F800] =	vst v5;
	v41 =	vadd.s32 $0x8C61, v48;
	v2 =	vmul.f32 v55, v2  }
0x2cb: {  	v5 =	vld [tilespmem:$0x1F710];
	v14 =	vadd.s32 $0x8C61, v4;
	v13 =	vadd.f32 v21, v13;
	[tilespmem:s9+$0xFFFFFFE0] =	vst v1  }
0x2cc: {  	v25 =	vadd.s32 $0x8C61, v3;
	v0 =	vadd.f32 v0, v2;
	v2 =	vld.idx.msk [tilespmem:v59+s4+$0x0], $0xffff  }
0x2cd: {  	v39 =	vadd.s32 $0x8C61, v23;
	[tilespmem:s9+$0xFFFFFFF0] =	vst v13;
	v20 =	vld.idx.msk [tilespmem:v20+s4+$0x0], $0xffff  }
0x2ce: {  	v24 =	vld.idx.msk [tilespmem:v24+s4+$0x0], $0xffff  }
0x2cf: {  	v21 =	vadd.s32 $0x8C61, v47;
	v16 =	vadd.s32 $0x118C2, v18;
	v18 =	vld.idx.msk [tilespmem:v41+s4+$0x0], $0xffff  }
0x2d0: {  	v15 =	vld.idx.msk [tilespmem:v14+s4+$0x0], $0xffff;
	[tilespmem:s9+$0x0] =	vst v0  }
0x2d1: {  	v14 =	vadd.s32 $0x118C2, v17;
	v17 =	vld.idx.msk [tilespmem:v25+s4+$0x0], $0xffff  }
0x2d2: {  	v29 =	vadd.s32 $0x8C61, v5;
	v39 =	vld.idx.msk [tilespmem:v39+s4+$0x0], $0xffff  }
0x2d3: {  	v6 =	vadd.s32 $0x118C2, v6;
	v1 =	vadd.s32 $0x8C61, v19;
	v41 =	vadd.s32 $0x118C2, v5;
	v5 =	vld [tilespmem:$0x1F7E0]  }
0x2d4: {  	v42 =	vadd.s32 $0x8C61, v49;
	[tilespmem:$0x1F970] =	vst v6;
	v6 =	vadd.s32 $0x118C2, v48;
	v48 =	vld.idx.msk [tilespmem:v21+s4+$0x0], $0xffff  }
0x2d5: {  	v13 =	vadd.s32 $0x118C2, v3;
	v21 =	vadd.s32 $0x118C2, v47;
	v47 =	vadd.s32 $0x118C2, v19;
	v19 =	vld [tilespmem:$0x1F730]  }
0x2d6: {  	v50 =	vadd.s32 $0x8C61, v12;
	[tilespmem:$0x1FF70] =	vst v13;
	v13 =	vadd.s32 $0x118C2, v12;
	v12 =	vmul.f32 v33, v17;
	v17 =	vld [tilespmem:$0x1FCB0]  }
0x2d7: {  	v29 =	vld.idx.msk [tilespmem:v29+s4+$0x0], $0xffff  }
0x2d8: {  	[tilespmem:$0x1FC30] =	vst v7;
	v43 =	vadd.s32 $0x8C61, v28;
	v61 =	vadd.s32 $0x8C61, v10;
	v4 =	vadd.s32 $0x118C2, v4;
	v1 =	vld.idx.msk [tilespmem:v1+s4+$0x0], $0xffff  }
0x2d9: {  	[tilespmem:$0x1F9C0] =	vst v4;
	v2 =	vmul.f32 v7, v2;
	v4 =	vmul.f32 v9, v20;
	v7 =	vld.idx.msk [tilespmem:v42+s4+$0x0], $0xffff;
	v20 =	vmov v33  }
0x2da: {  	v57 =	vadd.s32 $0x8C61, v44;
	[tilespmem:$0x1FCB0] =	vst v20;
	v20 =	vld [tilespmem:$0x1FCC0]  }
0x2db: {  	v17 =	vmul.f32 v19, v17;
	v19 =	vld [tilespmem:$0x1F740]  }
0x2dc: {  	[tilespmem:$0x1FF90] =	vst v6;
	v6 =	vmul.f32 v8, v24;
	v24 =	vadd.s32 $0x118C2, v28;
	v28 =	vld [tilespmem:$0x1F720]  }
0x2dd: {  	[tilespmem:$0x1FC90] =	vst v8;
	v8 =	vld.idx.msk [tilespmem:v43+s4+$0x0], $0xffff  }
0x2de: {  	v62 =	vadd.s32 $0x8C61, v11;
	v43 =	vadd.s32 $0x118C2, v11;
	v11 =	vld.idx.msk [tilespmem:v61+s4+$0x0], $0xffff  }
0x2df: {  	v42 =	vld.idx.msk [tilespmem:v57+s4+$0x0], $0xffff  }
0x2e0: {  	[tilespmem:$0x1FC40] =	vst v9;
	v3 =	vadd.s32 $0x118C2, v40;
	v61 =	vld [tilespmem:$0x1F7F0];
	v9 =	vmul.f32 v38, v29;
	v20 =	vmul.f32 v19, v20  }
0x2e1: {  	v33 =	vmov v3;
	v3 =	vld [tilespmem:$0x1F770]  }
0x2e2: {  	v15 =	vmul.f32 v28, v15;
	v9 =	vadd.f32 v9, v12;
	v12 =	vadd.f32 v20, v17;
	v17 =	vld [tilespmem:$0x1F760]  }
0x2e3: {  	v29 =	vld.idx.msk [tilespmem:v50+s4+$0x0], $0xffff;
	v50 =	vadd.s32 $0x118C2, v10;
	v10 =	vmov v38  }
0x2e4: {  	[tilespmem:$0x1FCC0] =	vst v10;
	v10 =	vmul.f32 v48, v56;
	v6 =	vadd.f32 v15, v6;
	v19 =	vld [tilespmem:$0x1F750]  }
0x2e5: {  	v2 =	vadd.f32 v4, v2;
	v4 =	vld [tilespmem:$0x1F7B0]  }
0x2e6: {  	v6 =	vadd.f32 v6, v10;
	v10 =	vld [tilespmem:$0x1F790]  }
0x2e7: {  	v60 =	vadd.s32 $0x8C61, v40;
	v40 =	vmul.f32 v17, v3;
	v3 =	vld [tilespmem:$0x1F7A0]  }
0x2e8: {  	v48 =	vld [tilespmem:$0x1F800]  }
0x2e9: {  	v20 =	vld.idx.msk [tilespmem:v62+s4+$0x0], $0xffff;
	v7 =	vmul.f32 v7, v19  }
0x2ea: {  	v62 =	vmov v22;
	v22 =	vld [tilespmem:$0x1F780]  }
0x2eb: {  	v0 =	vadd.s32 $0x8C61, v36;
	v7 =	vadd.f32 v9, v7;
	v9 =	vld [tilespmem:$0x1F7C0]  }
0x2ec: {  	v10 =	vmul.f32 v10, v3;
	v3 =	vld [tilespmem:$0x1F7D0]  }
0x2ed: {  	v18 =	vmul.f32 v18, v35;
	v15 =	vld.idx.msk [tilespmem:v60+s4+$0x0], $0xffff  }
0x2ee: {  	v59 =	vadd.s32 $0x8C61, v27;
	v60 =	vld [tilespmem:$0x1F830]  }
0x2ef: {  	v45 =	vadd.s32 $0x8C61, v37;
	v2 =	vadd.f32 v2, v18;
	v18 =	vadd.s32 $0x118C2, v44;
	v44 =	vmovc v19;
	v19 =	vld [tilespmem:$0x1F820]  }
0x2f0: {  	v8 =	vmul.f32 v8, v4;
	v17 =	vadd.s32 $0x118C2, v23;
	v23 =	vmul.f32 v29, v61;
	v29 =	vld.idx.msk [tilespmem:v0+s4+$0x0], $0xffff  }
0x2f1: {  	v52 =	vadd.s32 $0x8C61, v34;
	v1 =	vmul.f32 v1, v22;
	v9 =	vmul.f32 v9, v3;
	v3 =	vld [tilespmem:$0x1F810]  }
0x2f2: {  	v51 =	vadd.s32 $0x8C61, v30;
	v6 =	vadd.f32 v6, v8;
	v8 =	vmul.f32 v11, v48;
	v0 =	vld [tilespmem:$0x1F840]  }
0x2f3: {  	v11 =	vld.idx.msk [tilespmem:v59+s4+$0x0], $0xffff;
	v1 =	vadd.f32 v2, v1;
	v2 =	vmul.f32 v15, v5  }
0x2f4: {  	v58 =	vadd.s32 $0x8C61, v32;
	v6 =	vadd.f32 v6, v8;
	v15 =	vld.idx.msk [tilespmem:v45+s4+$0x0], $0xffff  }
0x2f5: {  	v25 =	vadd.s32 $0x8C61, v31;
	v45 =	vmovc v35;
	v35 =	vld [tilespmem:$0x1F860];
	v2 =	vadd.f32 v7, v2;
	v1 =	vadd.f32 v1, v23  }
0x2f6: {  	v23 =	vadd.f32 v40, v19;
	v40 =	vmul.f32 v39, v60;
	v7 =	vmul.f32 v20, v3;
	v20 =	vld.idx.msk [tilespmem:v52+s4+$0x0], $0xffff  }
0x2f7: {  	v8 =	vadd.f32 v10, v0;
	v10 =	vmul.f32 v42, v46;
	v52 =	vmov v46;
	v46 =	vld.idx.msk [tilespmem:v51+s4+$0x0], $0xffff;
	_ =	sdelay $0x1  }
0x2f8: {  	v57 =	vmov v56;
	v56 =	vadd.s32 $0x118C2, v37;
	v37 =	vld.idx.msk [tilespmem:v58+s4+$0x0], $0xffff;
	v1 =	vadd.f32 v1, v40  }
0x2f9: {  	v11 =	vmul.f32 v11, v63;
	v0 =	vld [tilespmem:$0x1F880];
	v6 =	vadd.f32 v6, v10;
	v2 =	vadd.f32 v2, v7  }
0x2fa: {  	v7 =	vadd.f32 v9, v12;
	v12 =	vld.idx.msk [tilespmem:v25+s4+$0x0], $0xffff;
	v25 =	vmul.f32 v29, v62;
	v29 =	vadd.s32 $0x118C2, v36;
	v36 =	vmovc v54  }
0x2fb: {  	v6 =	vadd.f32 v6, v11;
	v9 =	vmul.f32 v15, v35;
	v15 =	vld [tilespmem:$0x1F870];
	v11 =	vmul.f32 v46, v36  }
0x2fc: {  	v42 =	vmov v4;
	v4 =	vld [tilespmem:$0x1F8F0]  }
0x2fd: {  	v40 =	vmovc v22;
	v22 =	vmul.f32 v37, v53;
	v1 =	vadd.f32 v1, v25;
	v6 =	vadd.f32 v6, v11;
	v11 =	vld [tilespmem:$0x1F900];
	_ =	sdelay $0x1  }
0x2fe: {  	v10 =	vld [tilespmem:$0x1F890];
	v1 =	vadd.f32 v1, v22  }
0x2ff: {  	v15 =	vmul.f32 v15, v0;
	v0 =	vld [tilespmem:$0x1F8A0]  }
0x300: {  	[tilespmem:s10+$0xFFFFFFE0] =	vst v1;
	v1 =	vld [tilespmem:$0x1F910]  }
0x301: {  	v22 =	vmul.f32 v4, v11;
	v4 =	vld [tilespmem:$0x1F920]  }
0x302: {  	v19 =	vld [tilespmem:$0x1F8C0];
	v2 =	vadd.f32 v2, v9;
	v20 =	vmul.f32 v20, v26  }
0x303: {  	v9 =	vld [tilespmem:$0x1F8B0]  }
0x304: {  	v20 =	vadd.f32 v2, v20;
	v12 =	vmul.f32 v12, v55;
	v10 =	vmul.f32 v10, v0  }
0x305: {  	v15 =	vadd.f32 v15, v23;
	v0 =	vld [tilespmem:$0x1F940]  }
0x306: {  	v23 =	vadd.f32 v10, v8;
	v8 =	vadd.f32 v20, v12;
	v12 =	vmul.f32 v1, v4;
	v4 =	vld [tilespmem:$0x1F930];
	_ =	sdelay $0x1  }
0x307: {  	v9 =	vmul.f32 v9, v19;
	_ =	sdelay $0x1  }
0x308: {  	v7 =	vadd.f32 v9, v7;
	v9 =	vadd.f32 v12, v23;
	v12 =	vld [tilespmem:$0x1F990]  }
0x309: {  	[tilespmem:s10+$0xFFFFFFF0] =	vst v6;
	v6 =	vmul.f32 v4, v0;
	v4 =	vld [tilespmem:$0x1F980];
	_ =	sdelay $0x2  }
0x30a: {  	v11 =	vld.idx.msk [tilespmem:v14+s4+$0x0], $0xffff  }
0x30b: {  	v0 =	vld [tilespmem:$0x1F970]  }
0x30c: {  	v14 =	vmul.f32 v4, v12;
	v12 =	vld [tilespmem:$0x1F9A0]  }
0x30d: {  	v4 =	vld [tilespmem:$0x1F9B0];
	_ =	sdelay $0x2  }
0x30e: {  	v37 =	vld [tilespmem:$0x1F8E0]  }
0x30f: {  	v7 =	vadd.f32 v6, v7;
	v6 =	vld [tilespmem:$0x1F9D0]  }
0x310: {  	[tilespmem:s10+$0x0] =	vst v8;
	v8 =	vadd.f32 v22, v15;
	v15 =	vmul.f32 v4, v12;
	v4 =	vld [tilespmem:$0x1F9E0]  }
0x311: {  	v59 =	vmov v5;
	v5 =	vld.idx.msk [tilespmem:v0+s4+$0x0], $0xffff  }
0x312: {  	v0 =	vld [tilespmem:$0x1F9C0]  }
0x313: {  	v51 =	vld [tilespmem:$0x1F850]  }
0x314: {  	s26 =	sadd.s32 $0x4, s26;
	v46 =	vadd.s32 $0x118C2, v31;
	v31 =	vmov v13;
	v13 =	vld [tilespmem:$0x1F9F0]  }
0x315: {  	p1 =	slt.u32 s26, $0x3C;
	v6 =	vmul.f32 v4, v6;
	v4 =	vld [tilespmem:$0x1FA00]  }
.Ltmp0:
0x316: {  	v54 =	vmov v26;
	v26 =	vld [tilespmem:$0x1F8D0];
	(pc) =	sbr.rel @p1 .LBB2_3-.Ltmp0, $4  }
0x317: {  	v10 =	vld.idx.msk [tilespmem:v16+s4+$0x0], $0xffff  }
0x318: {  	v49 =	vadd.s32 $0x118C2, v49;
	v22 =	vld [tilespmem:$0x1F950]  }
0x319: {  	v58 =	vmovc v28;
	v28 =	vadd.s32 $0x118C2, v27;
	v38 =	vmovc v60;
	v39 =	vmov v61;
	v25 =	vadd.s32 $0x118C2, v32;
	v23 =	vld [tilespmem:$0x1F960]  }
0x31a: {  	s28 =	sadd.s32 $0x40, s28;
	v2 =	vadd.s32 $0x118C2, v34;
	v34 =	vmovc v48;
	v48 =	vmovc v3;
	v1 =	vadd.s32 $0x118C2, v30;
	v12 =	vld.idx.msk [tilespmem:v0+s4+$0x0], $0xffff;
	v13 =	vmul.f32 v4, v13  }
0x31b: {  	_ = 	snop  }
0x31c: {  	v8 =	vadd.f32 v14, v8;
	v14 =	vld [tilespmem:$0x1FA70]  }
0x31d: {  	v0 =	vld [tilespmem:$0x1FF70]  }
0x31e: {  	v4 =	vld [tilespmem:$0x1FF90]  }
0x31f: {  	v16 =	vld.idx.msk [tilespmem:v21+s4+$0x0], $0xffff  }
0x320: {  	v21 =	vld [tilespmem:$0x1FA90]  }
0x321: {  	v14 =	vmul.f32 v23, v14;
	v23 =	vld [tilespmem:$0x1FF50]  }
0x322: {  	v19 =	vld.idx.msk [tilespmem:v49+s4+$0x0], $0xffff  }
0x323: {  	v20 =	vld.idx.msk [tilespmem:v47+s4+$0x0], $0xffff  }
0x324: {  	v9 =	vadd.f32 v15, v9;
	v15 =	vld.idx.msk [tilespmem:v24+s4+$0x0], $0xffff  }
0x325: {  	v6 =	vadd.f32 v6, v8;
	v8 =	vld [tilespmem:$0x1FC40]  }
0x326: {  	v21 =	vmul.f32 v23, v21;
	v23 =	vld [tilespmem:$0x1FC30]  }
0x327: {  	v24 =	vld [tilespmem:$0x1FCB0]  }
0x328: {  	v7 =	vadd.f32 v13, v7;
	v13 =	vld [tilespmem:$0x1FA80]  }
0x329: {  	v3 =	vld.idx.msk [tilespmem:v0+s4+$0x0], $0xffff  }
0x32a: {  	v0 =	vld.idx.msk [tilespmem:v41+s4+$0x0], $0xffff  }
0x32b: {  	v8 =	vmul.f32 v11, v8;
	v4 =	vld.idx.msk [tilespmem:v4+s4+$0x0], $0xffff;
	v10 =	vmul.f32 v10, v23  }
0x32c: {  	v23 =	vld [tilespmem:$0x1FC90]  }
0x32d: {  	v8 =	vadd.f32 v8, v10;
	v10 =	vld.idx.msk [tilespmem:v17+s4+$0x0], $0xffff  }
0x32e: {  	v17 =	vld [tilespmem:$0x1FCC0]  }
0x32f: {  	v2 =	vld.idx.msk [tilespmem:v2+s4+$0x0], $0xffff  }
0x330: {  	v13 =	vmul.f32 v22, v13;
	v22 =	vld.idx.msk [tilespmem:v33+s4+$0x0], $0xffff  }
0x331: {  	v12 =	vmul.f32 v12, v58;
	v11 =	vld.idx.msk [tilespmem:v31+s4+$0x0], $0xffff;
	v4 =	vmul.f32 v4, v45  }
0x332: {  	v15 =	vmul.f32 v15, v42;
	v7 =	vadd.f32 v13, v7;
	v13 =	vld.idx.msk [tilespmem:v43+s4+$0x0], $0xffff;
	v5 =	vmul.f32 v5, v23  }
0x333: {  	v3 =	vmul.f32 v3, v24;
	v4 =	vadd.f32 v4, v8;
	v8 =	vld.idx.msk [tilespmem:v29+s4+$0x0], $0xffff;
	v0 =	vmul.f32 v0, v17  }
0x334: {  	v9 =	vadd.f32 v14, v9;
	v23 =	vld.idx.msk [tilespmem:v50+s4+$0x0], $0xffff;
	v5 =	vadd.f32 v12, v5;
	v12 =	vmul.f32 v16, v57  }
0x335: {  	v14 =	vmul.f32 v26, v37;
	v17 =	vld.idx.msk [tilespmem:v18+s4+$0x0], $0xffff;
	v0 =	vadd.f32 v0, v3;
	v3 =	vmul.f32 v19, v44  }
0x336: {  	v2 =	vmul.f32 v2, v54;
	v16 =	vld.idx.msk [tilespmem:v56+s4+$0x0], $0xffff;
	v5 =	vadd.f32 v12, v5;
	v12 =	vmul.f32 v20, v40  }
0x337: {  	v9 =	vadd.f32 v14, v9;
	v18 =	vld [tilespmem:$0x1FAA0];
	v0 =	vadd.f32 v3, v0;
	v3 =	vmul.f32 v22, v59  }
0x338: {  	v11 =	vmul.f32 v11, v39;
	v19 =	vld.idx.msk [tilespmem:v28+s4+$0x0], $0xffff;
	v4 =	vadd.f32 v12, v4;
	v5 =	vadd.f32 v15, v5  }
0x339: {  	v20 =	vld.idx.msk [tilespmem:v25+s4+$0x0], $0xffff;
	v12 =	vmul.f32 v23, v34;
	v0 =	vadd.f32 v3, v0;
	v3 =	vmul.f32 v13, v48  }
0x33a: {  	v1 =	vld.idx.msk [tilespmem:v1+s4+$0x0], $0xffff;
	v6 =	vadd.f32 v21, v6;
	v10 =	vmul.f32 v10, v38;
	v4 =	vadd.f32 v11, v4  }
0x33b: {  	v11 =	vld.idx.msk [tilespmem:v46+s4+$0x0], $0xffff;
	v5 =	vadd.f32 v12, v5;
	v12 =	vmul.f32 v17, v52;
	v0 =	vadd.f32 v3, v0  }
0x33c: {  	v3 =	vmul.f32 v8, v62;
	v8 =	vmul.f32 v16, v35;
	v4 =	vadd.f32 v10, v4  }
0x33d: {  	v18 =	vmul.f32 v51, v18;
	v5 =	vadd.f32 v12, v5;
	v10 =	vmul.f32 v19, v63  }
0x33e: {  	v12 =	vmul.f32 v20, v53;
	v0 =	vadd.f32 v8, v0;
	v3 =	vadd.f32 v3, v4  }
0x33f: {  	v1 =	vmul.f32 v1, v36;
	[tilespmem:s11+$0xFFFFFFE0] =	vst v6;
	v4 =	vadd.f32 v18, v7;
	v5 =	vadd.f32 v10, v5  }
0x340: {  	[tilespmem:s11+$0xFFFFFFF0] =	vst v9;
	v0 =	vadd.f32 v2, v0;
	v2 =	vadd.f32 v12, v3;
	v3 =	vmul.f32 v11, v55  }
0x341: {  	[tilespmem:s11+$0x0] =	vst v4;
	v1 =	vadd.f32 v1, v5  }
0x342: {  	[tilespmem:s12+$0xFFFFFFE0] =	vst v2;
	v0 =	vadd.f32 v3, v0  }
0x343: {  	[tilespmem:s12+$0xFFFFFFF0] =	vst v1  }
0x344: {  	s5 =	sadd.s32 s3, s15;
	s10 =	sadd.s32 $0x40000, s14;
	[tilespmem:s12+$0x0] =	vst v0  }
0x345: {  	[hbm4b:s5+s4] =	stream.linear.scatter [tilespmem:s19], [sflag:$0x3], $0x400, $0x38;
	[tilespmem:$0x1D580] =	vst v63  }
0x346: {  	s5 =	sshrl.u32 s10, $0x3  }
0x347: {  	s11 =	sadd.s32 $0x80000, s14;
	s5 =	sadd.s32 s3, s5  }
0x348: {  	[hbm4b:s5+s4] =	stream.linear.scatter [tilespmem:s20], [sflag:$0x3], $0x400, $0x38;
	[tilespmem:$0x1D580] =	vst v63  }
0x349: {  	s5 =	sshrl.u32 s11, $0x3  }
0x34a: {  	s5 =	sadd.s32 s3, s5  }
0x34b: {  	[hbm4b:s5+s4] =	stream.linear.scatter [tilespmem:s21], [sflag:$0x3], $0x400, $0x38;
	[tilespmem:$0x1D580] =	vst v63  }
0x34c: {  	s5 =	simm.s32 @!p0 $0x4  }
0x34d: {  	_ =	swait.ge @!p0 [sflag:s5], $0x400  }
0x34e: {  	[sflag:s5] =	ssyncset.done @!p0 $0x0  }
0x34f: {  	[sflag:s5] =	ssyncadd.s32 @!p0 $0xFFFFFC00  }
0x350: {  	_ =	swait.ge @!p0 [sflag:s5], $0x400  }
0x351: {  	[sflag:s5] =	ssyncset.done @!p0 $0x0  }
0x352: {  	[sflag:s5] =	ssyncadd.s32 @!p0 $0xFFFFFC00  }
0x353: {  	_ =	swait.ge @!p0 [sflag:s5], $0x400  }
0x354: {  	[sflag:s5] =	ssyncset.done @!p0 $0x0  }
0x355: {  	[sflag:s5] =	ssyncadd.s32 @!p0 $0xFFFFFC00  }
0x356: {  	_ =	swait.ge [sflag:s22], $0x400  }
0x357: {  	[sflag:s22] =	ssyncset.done $0x0  }
0x358: {  	p0 =	seq.s32 s30, $0xF;
	[sflag:s22] =	ssyncadd.s32 $0xFFFFFC00  }
0x359: {  	s5 =	sadd.s32 @!p0 $0x800, s13;
	_ =	swait.ge [sflag:s22], $0x400  }
0x35a: {  	s8 =	sand.u32 @!p0 $0xF000, s5;
	[sflag:s22] =	ssyncset.done $0x0  }
0x35b: {  	s5 =	sand.u32 @!p0 $0x800, s5;
	s8 =	sadd.s32 @!p0 s8, s6;
	[sflag:s22] =	ssyncadd.s32 $0xFFFFFC00  }
0x35c: {  	s5 =	sor.u32 @!p0 s5, s8;
	_ =	swait.ge [sflag:s22], $0x400  }
0x35d: {  	s9 =	simm.s32 @!p0 $0x0;
	s8 =	sshrl.u32 @!p0 s5, $0x3;
	[sflag:s22] =	ssyncset.done $0x0  }
0x35e: {  	s10 =	simm.s32 @!p0 $0x1A580;
	s8 =	sadd.s32 @!p0 s2, s8;
	[sflag:s22] =	ssyncadd.s32 $0xFFFFFC00  }
0x35f: {  	[tilespmem:s10], [sflag:$0x1] =	stream.linear.gather @!p0 [hbm4b:s8+s9], $0x400, $0x38;
	[tilespmem:$0x1D580] =	vst v63  }
0x360: {  	s8 =	sadd.s32 @!p0 $0x40000, s5  }
0x361: {  	s5 =	sadd.s32 @!p0 $0x80000, s5;
	s8 =	sshrl.u32 @!p0 s8, $0x3  }
0x362: {  	s10 =	simm.s32 @!p0 $0x1A980;
	s5 =	sshrl.u32 @!p0 s5, $0x3;
	s8 =	sadd.s32 @!p0 s2, s8  }
0x363: {  	[tilespmem:s10], [sflag:$0x1] =	stream.linear.gather @!p0 [hbm4b:s8+s9], $0x400, $0x38;
	[tilespmem:$0x1D580] =	vst v63  }
0x364: {  	s12 =	simm.s32 $0x1B1A0;
	s5 =	sadd.s32 @!p0 s2, s5;
	s8 =	simm.s32 @!p0 $0x1AD80  }
0x365: {  	[tilespmem:s8], [sflag:$0x1] =	stream.linear.gather @!p0 [hbm4b:s5+s9], $0x400, $0x38;
	[tilespmem:$0x1D580] =	vst v63  }
0x366: {  	s13 =	simm.s32 $0x1B9A0;
	v0 =	vld [tilespmem:s12+$0x10]  }
0x367: {  	s14 =	simm.s32 $0x1B5A0;
	v1 =	vld [tilespmem:s13+$0x10]  }
0x368: {  	v2 =	vld [tilespmem:s14+$0x10]  }
0x369: {  	v3 =	vld [tilespmem:s14+$0xFFFFFFE0]  }
0x36a: {  	v4 =	vld [tilespmem:s14+$0xFFFFFFF0]  }
0x36b: {  	v5 =	vld [tilespmem:s14+$0x0]  }
0x36c: {  	v6 =	vld [tilespmem:s13+$0xFFFFFFE0]  }
0x36d: {  	v7 =	vld [tilespmem:s13+$0xFFFFFFF0];
	_ =	sdelay $0x1  }
0x36e: {  	v9 =	vld [tilespmem:s12+$0xFFFFFFF0];
	v0 =	vadd.f32 v0, v0;
	v2 =	vadd.f32 v2, v2  }
0x36f: {  	v1 =	vadd.f32 v1, v1;
	v3 =	vadd.f32 v3, v3  }
0x370: {  	v8 =	vld [tilespmem:s13+$0x0];
	v4 =	vadd.f32 v4, v4;
	v6 =	vadd.f32 v6, v6  }
0x371: {  	v10 =	vld [tilespmem:s12+$0xFFFFFFE0];
	v5 =	vadd.f32 v5, v5;
	v7 =	vadd.f32 v7, v7  }
0x372: {  	v11 =	vld [tilespmem:s12+$0x0];
	v0 =	vadd.f32 $-1.000000000e+00, v0;
	v2 =	vadd.f32 $-1.000000000e+00, v2  }
0x373: {  	v9 =	vadd.f32 v9, v9;
	v1 =	vadd.f32 $-1.000000000e+00, v1  }
0x374: {  	v0 =	vadd.f32 $1.000000000e+00, v0;
	v2 =	vadd.f32 $1.000000000e+00, v2  }
0x375: {  	v8 =	vadd.f32 v8, v8;
	v1 =	vadd.f32 $1.000000000e+00, v1  }
0x376: {  	v10 =	vadd.f32 v10, v10;
	v0 =	vmul.f32 $1.600000000e+01, v0;
	v2 =	vmul.f32 $1.600000000e+01, v2  }
0x377: {  	v11 =	vadd.f32 v11, v11;
	v3 =	vadd.f32 $-1.000000000e+00, v3;
	v1 =	vmul.f32 $1.600000000e+01, v1  }
0x378: {  	v4 =	vadd.f32 $-1.000000000e+00, v4;
	v0 =	vmax.f32 v0, $0.0e+00;
	v2 =	vmax.f32 v2, $0.0e+00  }
0x379: {  	v1 =	vmax.f32 v1, $0.0e+00;
	v0 =	vmin.f32 v0, $3.200000000e+01;
	v2 =	vmin.f32 v2, $3.200000000e+01  }
0x37a: {  	v1 =	vmin.f32 v1, $3.200000000e+01;
	v12 =	vtrunc.f32 v0;
	v13 =	vtrunc.f32 v2  }
0x37b: {  	v5 =	vadd.f32 $-1.000000000e+00, v5;
	v14 =	vtrunc.f32 v1;
	v13 =	vcvt.f32.s32 v13  }
0x37c: {  	v6 =	vadd.f32 $-1.000000000e+00, v6;
	v14 =	vcvt.f32.s32 v14;
	v15 =	vcvt.f32.s32 v12  }
0x37d: {  	v7 =	vadd.f32 $-1.000000000e+00, v7;
	v12 =	vadd.s32 $0x1, v13;
	v19 =	vmul.u32 $0x21, v13  }
0x37e: {  	v16 =	vmul.u32 $0x441, v14;
	v17 =	vadd.s32 $0x1, v15;
	vm0 =	vlt.s32 v12, $0x20  }
0x37f: {  	v23 =	vcvt.s32.f32 v15;
	vm1 =	vlt.s32 v17, $0x20;
	v12 =	vnsel vm0, $0x20, v12  }
0x380: {  	v18 =	vadd.s32 v19, v16;
	v20 =	vnsel vm1, $0x20, v17;
	v21 =	vmul.u32 $0x21, v12  }
0x381: {  	v17 =	vadd.s32 v15, v18;
	v12 =	vcvt.s32.f32 v13;
	v13 =	vadd.s32 $0x1, v14  }
0x382: {  	v18 =	vadd.s32 v20, v18;
	v14 =	vcvt.s32.f32 v14;
	vm7 =	vlt.s32 v13, $0x20  }
0x383: {  	v22 =	vadd.s32 v16, v21;
	v13 =	vnsel vm7, $0x20, v13;
	v2 =	vsub.f32 v2, v12  }
0x384: {  	v24 =	vsub.f32 v1, v14;
	v16 =	vadd.s32 v15, v22;
	v1 =	vmul.u32 $0x441, v13  }
0x385: {  	v26 =	vadd.f32 $-1.000000000e+00, v8;
	v23 =	vsub.f32 v0, v23;
	v12 =	vadd.s32 v20, v22  }
0x386: {  	v22 =	vsub.f32 $1.000000000e+00, v24;
	v13 =	vld.idx.msk [tilespmem:v17+s4+$0x0], $0xffff;
	v0 =	vadd.s32 v19, v1;
	v19 =	vsub.f32 $1.000000000e+00, v2  }
0x387: {  	v27 =	vadd.f32 $-1.000000000e+00, v10;
	v30 =	vadd.f32 $-1.000000000e+00, v9;
	v25 =	vld.idx.msk [tilespmem:v18+s4+$0x0], $0xffff  }
0x388: {  	v28 =	vsub.f32 $1.000000000e+00, v23;
	v14 =	vadd.s32 v15, v0;
	v8 =	vmul.f32 v22, v19  }
0x389: {  	v31 =	vadd.f32 $-1.000000000e+00, v11;
	v10 =	vadd.s32 v21, v1;
	v22 =	vmul.f32 v22, v2;
	v29 =	vld.idx.msk [tilespmem:v16+s4+$0x0], $0xffff  }
0x38a: {  	v9 =	vadd.s32 v20, v0;
	v1 =	vmul.f32 v8, v28;
	v8 =	vmul.f32 v8, v23  }
0x38b: {  	v3 =	vadd.f32 $1.000000000e+00, v3;
	v4 =	vadd.f32 $1.000000000e+00, v4;
	v21 =	vld.idx.msk [tilespmem:v12+s4+$0x0], $0xffff;
	v0 =	vmul.f32 v22, v28  }
0x38c: {  	v11 =	vadd.s32 v15, v10;
	v15 =	vmul.f32 v1, v13;
	v25 =	vmul.f32 v8, v25  }
0x38d: {  	v5 =	vadd.f32 $1.000000000e+00, v5;
	v10 =	vadd.s32 v20, v10;
	v19 =	vmul.f32 v24, v19;
	v32 =	vld.idx.msk [tilespmem:v14+s4+$0x0], $0xffff  }
0x38e: {  	v13 =	vmul.f32 v22, v23;
	v20 =	vadd.f32 v25, v15;
	v22 =	vmul.f32 v0, v29  }
0x38f: {  	v26 =	vadd.f32 $1.000000000e+00, v26;
	v25 =	vld.idx.msk [tilespmem:v9+s4+$0x0], $0xffff;
	v29 =	vadd.f32 $1.000000000e+00, v6  }
0x390: {  	v15 =	vmul.f32 v19, v28;
	v6 =	vadd.f32 v20, v22;
	v20 =	vmul.f32 v13, v21  }
0x391: {  	v27 =	vadd.f32 $1.000000000e+00, v27;
	v2 =	vmul.f32 v24, v2;
	v21 =	vld.idx.msk [tilespmem:v11+s4+$0x0], $0xffff;
	v22 =	vadd.f32 $1.000000000e+00, v7  }
0x392: {  	v7 =	vmul.f32 v19, v23;
	v19 =	vadd.f32 v6, v20;
	v20 =	vmul.f32 v15, v32  }
0x393: {  	v30 =	vadd.f32 $1.000000000e+00, v30;
	v3 =	vmul.f32 $1.600000000e+01, v3;
	v4 =	vmul.f32 $1.600000000e+01, v4;
	v24 =	vld.idx.msk [tilespmem:v10+s4+$0x0], $0xffff  }
0x394: {  	v6 =	vmul.f32 v2, v28;
	v19 =	vadd.f32 v19, v20;
	v20 =	vmul.f32 v7, v25  }
0x395: {  	v3 =	vmax.f32 v3, $0.0e+00;
	v25 =	vmul.f32 $1.600000000e+01, v29;
	v29 =	vmul.f32 $1.600000000e+01, v5  }
0x396: {  	v5 =	vmul.f32 v2, v23;
	v2 =	vadd.f32 v19, v20;
	v19 =	vmul.f32 v6, v21  }
0x397: {  	v4 =	vmax.f32 v4, $0.0e+00;
	v28 =	vadd.f32 $1.000000000e+00, v31;
	v20 =	vmul.f32 $1.600000000e+01, v22  }
0x398: {  	v22 =	vadd.s32 $0x8C61, v17;
	v2 =	vadd.f32 v2, v19;
	v19 =	vmul.f32 v5, v24  }
0x399: {  	v56 =	vadd.s32 $0x8C61, v9;
	[tilespmem:$0x1F0F0] =	vst v7;
	v21 =	vmul.f32 $1.600000000e+01, v26;
	v26 =	vadd.s32 $0x8C61, v18  }
0x39a: {  	[tilespmem:$0x1F100] =	vst v6;
	v23 =	vmul.f32 $1.600000000e+01, v27;
	v27 =	vmul.f32 $1.600000000e+01, v28;
	v2 =	vadd.f32 v2, v19  }
0x39b: {  	s15 =	simm.s32 $0x1C9A0;
	v28 =	vadd.s32 $0x8C61, v16;
	[tilespmem:$0x1F110] =	vst v5;
	v24 =	vmul.f32 $1.600000000e+01, v30;
	v19 =	vmax.f32 v25, $0.0e+00  }
0x39c: {  	v25 =	vmax.f32 v29, $0.0e+00;
	v29 =	vmin.f32 v3, $3.200000000e+01;
	v3 =	vmax.f32 v20, $0.0e+00;
	[tilespmem:s15+$0x10] =	vst v2  }
0x39d: {  	v20 =	vmax.f32 v21, $0.0e+00;
	v21 =	vmin.f32 v4, $3.200000000e+01;
	v4 =	vadd.s32 $0x8C61, v12;
	v2 =	vld.idx.msk [tilespmem:v22+s4+$0x0], $0xffff  }
0x39e: {  	v59 =	vadd.s32 $0x8C61, v11;
	v22 =	vmax.f32 v23, $0.0e+00;
	v23 =	vmax.f32 v24, $0.0e+00;
	v24 =	vld.idx.msk [tilespmem:v26+s4+$0x0], $0xffff  }
0x39f: {  	v26 =	vmin.f32 v3, $3.200000000e+01;
	v3 =	vmax.f32 v27, $0.0e+00;
	v27 =	vadd.s32 $0x8C61, v14  }
0x3a0: {  	v16 =	vadd.s32 $0x118C2, v16;
	v17 =	vadd.s32 $0x118C2, v17;
	v32 =	vmin.f32 v20, $3.200000000e+01;
	v20 =	vld.idx.msk [tilespmem:v28+s4+$0x0], $0xffff  }
0x3a1: {  	v19 =	vmin.f32 v19, $3.200000000e+01;
	v30 =	vtrunc.f32 v29;
	v31 =	vtrunc.f32 v21  }
0x3a2: {  	v18 =	vadd.s32 $0x118C2, v18;
	v57 =	vtrunc.f32 v19;
	v30 =	vcvt.f32.s32 v30;
	v4 =	vld.idx.msk [tilespmem:v4+s4+$0x0], $0xffff  }
0x3a3: {  	v25 =	vmin.f32 v25, $3.200000000e+01;
	v2 =	vmul.f32 v1, v2;
	v24 =	vmul.f32 v8, v24  }
0x3a4: {  	v31 =	vcvt.f32.s32 v31;
	v34 =	vcvt.f32.s32 v57;
	v28 =	vmin.f32 v22, $3.200000000e+01;
	v27 =	vld.idx.msk [tilespmem:v27+s4+$0x0], $0xffff  }
0x3a5: {  	v20 =	vmul.f32 v20, v0;
	v2 =	vadd.f32 v24, v2;
	v24 =	vadd.s32 $0x8C61, v10  }
0x3a6: {  	v33 =	vld.idx.msk [tilespmem:v56+s4+$0x0], $0xffff;
	v22 =	vtrunc.f32 v25;
	v58 =	vtrunc.f32 v26;
	v37 =	vmin.f32 v3, $3.200000000e+01  }
0x3a7: {  	v3 =	vtrunc.f32 v32;
	v4 =	vmul.f32 v4, v13;
	v2 =	vadd.f32 v2, v20  }
0x3a8: {  	v36 =	vld.idx.msk [tilespmem:v59+s4+$0x0], $0xffff;
	v23 =	vmin.f32 v23, $3.200000000e+01;
	v39 =	vcvt.s32.f32 v30;
	v40 =	vcvt.s32.f32 v31  }
0x3a9: {  	v22 =	vcvt.f32.s32 v22;
	v27 =	vmul.f32 v27, v15;
	v2 =	vadd.f32 v2, v4  }
0x3aa: {  	v63 =	vadd.s32 $0x1, v31;
	v60 =	vtrunc.f32 v28;
	v61 =	vtrunc.f32 v23;
	v24 =	vld.idx.msk [tilespmem:v24+s4+$0x0], $0xffff  }
0x3ab: {  	v35 =	vcvt.f32.s32 v58;
	v33 =	vmul.f32 v33, v7;
	v27 =	vadd.f32 v2, v27  }
0x3ac: {  	v31 =	vmul.u32 $0x21, v31;
	v62 =	vtrunc.f32 v37;
	v42 =	vcvt.f32.s32 v3  }
0x3ad: {  	vm9 =	vlt.s32 v63, $0x20;
	v55 =	vmul.f32 v36, v6;
	v27 =	vadd.f32 v27, v33  }
0x3ae: {  	v56 =	vmul.u32 $0x441, v34;
	v3 =	vcvt.f32.s32 v61;
	v41 =	vnsel vm9, $0x20, v63  }
0x3af: {  	v63 =	vadd.s32 $0x118C2, v14;
	v27 =	vadd.f32 v27, v55;
	v24 =	vmul.f32 v24, v5  }
0x3b0: {  	v14 =	vsub.f32 v29, v39;
	v54 =	vadd.s32 $0x1, v22;
	v43 =	vcvt.s32.f32 v35  }
0x3b1: {  	v44 =	vcvt.s32.f32 v22;
	vm2 =	vlt.s32 v54, $0x20;
	v24 =	vadd.f32 v27, v24  }
0x3b2: {  	s26 =	simm.s32 $0x1CDA0;
	v57 =	vmul.u32 $0x441, v35;
	v59 =	vmul.u32 $0x441, v42;
	v38 =	vnsel vm2, $0x20, v54  }
0x3b3: {  	v36 =	vcvt.s32.f32 v34;
	v38 =	vmul.u32 $0x21, v38;
	v20 =	vadd.s32 $0x1, v30;
	[tilespmem:s26+$0x10] =	vst v24  }
0x3b4: {  	v4 =	vcvt.f32.s32 v60;
	v60 =	vadd.s32 $0x118C2, v12;
	v24 =	vmul.u32 $0x21, v22;
	v22 =	vld.idx.msk [tilespmem:v17+s4+$0x0], $0xffff  }
0x3b5: {  	v30 =	vmul.u32 $0x21, v30;
	vm8 =	vlt.s32 v20, $0x20;
	v2 =	vcvt.f32.s32 v62;
	v62 =	vld.idx.msk [tilespmem:v18+s4+$0x0], $0xffff  }
0x3b6: {  	v61 =	vnsel vm8, $0x20, v20;
	v20 =	vsub.f32 v19, v36;
	v19 =	vsub.f32 v26, v43  }
0x3b7: {  	v12 =	vsub.f32 v25, v44;
	v36 =	vmul.u32 $0x21, v41;
	v41 =	vadd.s32 $0x1, v42;
	v16 =	vld.idx.msk [tilespmem:v16+s4+$0x0], $0xffff  }
0x3b8: {  	v26 =	vcvt.s32.f32 v3;
	vm15 =	vlt.s32 v41, $0x20;
	v45 =	vadd.s32 $0x1, v4  }
0x3b9: {  	v43 =	vsub.f32 $1.000000000e+00, v19;
	v48 =	vadd.s32 v57, v36;
	v33 =	vcvt.s32.f32 v42;
	v25 =	vld.idx.msk [tilespmem:v60+s4+$0x0], $0xffff  }
0x3ba: {  	vm10 =	vlt.s32 v45, $0x20;
	v1 =	vmul.f32 v22, v1;
	v8 =	vmul.f32 v62, v8  }
0x3bb: {  	v58 =	vadd.s32 $0x1, v2;
	v29 =	vcvt.s32.f32 v2;
	v39 =	vnsel vm10, $0x20, v45  }
0x3bc: {  	v27 =	vadd.s32 $0x1, v3;
	v0 =	vmul.f32 v16, v0;
	v1 =	vadd.f32 v8, v1  }
0x3bd: {  	vm12 =	vlt.s32 v58, $0x20;
	vm11 =	vlt.s32 v27, $0x20;
	v18 =	vsub.f32 v21, v40;
	v44 =	vld.idx.msk [tilespmem:v63+s4+$0x0], $0xffff  }
0x3be: {  	v21 =	vcvt.s32.f32 v4;
	v0 =	vadd.f32 v0, v1;
	v1 =	vmul.f32 v25, v13  }
0x3bf: {  	v17 =	vsub.f32 v32, v33;
	v40 =	vnsel vm11, $0x20, v27;
	v8 =	vadd.s32 v30, v56  }
0x3c0: {  	v33 =	vsub.f32 $1.000000000e+00, v14;
	v25 =	vadd.s32 v39, v8;
	v0 =	vadd.f32 v1, v0  }
0x3c1: {  	v22 =	vnsel vm12, $0x20, v58;
	v7 =	vadd.s32 v4, v8;
	v8 =	vadd.s32 v24, v59;
	[tilespmem:$0x1F160] =	vst v25  }
0x3c2: {  	v16 =	vadd.s32 v31, v57;
	[tilespmem:$0x1F0D0] =	vst v0;
	v0 =	vmul.f32 v44, v15;
	v15 =	vadd.s32 v22, v8  }
0x3c3: {  	v5 =	vadd.s32 v3, v16;
	v6 =	vadd.s32 v40, v16;
	v13 =	vadd.s32 $0x1, v34;
	[tilespmem:$0x1F1A0] =	vst v15  }
0x3c4: {  	v34 =	vadd.s32 $0x1, v35;
	v35 =	vsub.f32 $1.000000000e+00, v20;
	[tilespmem:$0x1F0E0] =	vst v0;
	v0 =	vadd.s32 v2, v8  }
0x3c5: {  	v45 =	vsub.f32 $1.000000000e+00, v12;
	v32 =	vmul.u32 $0x21, v61;
	v16 =	vsub.f32 v28, v21;
	[tilespmem:$0x1F190] =	vst v0  }
0x3c6: {  	v49 =	vsub.f32 $1.000000000e+00, v17;
	v50 =	vmul.f32 v43, v18;
	v47 =	vmul.f32 v35, v33;
	v28 =	vld.idx.msk [tilespmem:v7+s4+$0x0], $0xffff;
	[tilespmem:$0x1F150] =	vst v7  }
0x3c7: {  	v8 =	vsub.f32 v23, v26;
	v26 =	vadd.s32 v59, v38;
	v59 =	vsub.f32 $1.000000000e+00, v16;
	v23 =	vld.idx.msk [tilespmem:v25+s4+$0x0], $0xffff  }
0x3c8: {  	v42 =	vsub.f32 $1.000000000e+00, v18;
	v61 =	vmul.f32 v49, v45;
	v21 =	vsub.f32 v37, v29;
	v46 =	vld.idx.msk [tilespmem:v5+s4+$0x0], $0xffff;
	[tilespmem:$0x1F170] =	vst v5  }
0x3c9: {  	v58 =	vadd.s32 v3, v48;
	v25 =	vmov v6;
	v29 =	vld.idx.msk [tilespmem:v6+s4+$0x0], $0xffff;
	[tilespmem:$0x1F180] =	vst v6;
	v6 =	vmul.f32 v47, v59  }
0x3ca: {  	v62 =	vmul.f32 v49, v12;
	v63 =	vsub.f32 $1.000000000e+00, v21;
	v57 =	vld.idx.msk [tilespmem:v0+s4+$0x0], $0xffff;
	v0 =	vmul.f32 v47, v16  }
0x3cb: {  	v44 =	vadd.s32 v56, v32;
	v56 =	vmul.f32 v43, v42;
	v60 =	vsub.f32 $1.000000000e+00, v8;
	[tilespmem:$0x1F210] =	vst v6  }
0x3cc: {  	vm13 =	vlt.s32 v13, $0x20;
	vm14 =	vlt.s32 v34, $0x20;
	v55 =	vmul.f32 v61, v63;
	[tilespmem:$0x1F260] =	vst v0  }
0x3cd: {  	v13 =	vnsel vm13, $0x20, v13;
	v27 =	vmul.f32 v56, v60;
	v54 =	vld.idx.msk [tilespmem:v15+s4+$0x0], $0xffff;
	v15 =	vmul.f32 v56, v8  }
0x3ce: {  	v34 =	vnsel vm14, $0x20, v34;
	v52 =	vadd.s32 v4, v44;
	v23 =	vmul.f32 v0, v23  }
0x3cf: {  	v13 =	vmul.u32 $0x441, v13;
	[tilespmem:$0x1F270] =	vst v27;
	v0 =	vmul.f32 v27, v46;
	v29 =	vmul.f32 v15, v29  }
0x3d0: {  	v34 =	vmul.u32 $0x441, v34;
	v51 =	vadd.s32 v2, v26;
	[tilespmem:$0x1F2A0] =	vst v15;
	v15 =	vmul.f32 v61, v21  }
0x3d1: {  	v28 =	vmul.f32 v6, v28;
	[tilespmem:$0x1F320] =	vst v55;
	v0 =	vadd.f32 v29, v0;
	v29 =	vmul.f32 v35, v14  }
0x3d2: {  	v30 =	vadd.s32 v30, v13;
	v6 =	vadd.s32 v40, v48;
	v56 =	vadd.s32 v39, v44;
	[tilespmem:$0x1F390] =	vst v15  }
0x3d3: {  	v1 =	vmov v5;
	v23 =	vadd.f32 v23, v28;
	v28 =	vld.idx.msk [tilespmem:v52+s4+$0x0], $0xffff;
	[tilespmem:$0x1F1C0] =	vst v52;
	v5 =	vmul.f32 v29, v59  }
0x3d4: {  	v13 =	vadd.s32 v32, v13;
	v31 =	vadd.s32 v31, v34;
	v48 =	vnsel vm15, $0x20, v41;
	v35 =	vld.idx.msk [tilespmem:v58+s4+$0x0], $0xffff;
	[tilespmem:$0x1F250] =	vst v58  }
0x3d5: {  	v53 =	vadd.s32 v39, v30;
	v32 =	vmul.u32 $0x441, v48;
	v61 =	vmovc v52;
	v52 =	vadd.s32 v22, v26;
	[tilespmem:$0x1F3E0] =	vst v5  }
0x3d6: {  	v49 =	vadd.s32 v4, v13;
	v47 =	vmul.f32 v55, v57;
	v57 =	vld.idx.msk [tilespmem:v51+s4+$0x0], $0xffff;
	[tilespmem:$0x1F2D0] =	vst v51  }
0x3d7: {  	v27 =	vmul.f32 v50, v60;
	v24 =	vadd.s32 v24, v32;
	v44 =	vld.idx.msk [tilespmem:v56+s4+$0x0], $0xffff;
	[tilespmem:$0x1F360] =	vst v56  }
0x3d8: {  	v55 =	vadd.s32 v3, v31;
	v28 =	vmul.f32 v5, v28;
	v46 =	vld.idx.msk [tilespmem:v6+s4+$0x0], $0xffff;
	[tilespmem:$0x1F3D0] =	vst v6  }
0x3d9: {  	v37 =	vmul.f32 v15, v54;
	v54 =	vadd.s32 v4, v30;
	v15 =	vmul.f32 v62, v63;
	[tilespmem:$0x1F400] =	vst v27  }
0x3da: {  	v29 =	vmul.f32 v29, v16;
	v23 =	vadd.f32 v23, v28;
	v28 =	vld.idx.msk [tilespmem:v52+s4+$0x0], $0xffff;
	[tilespmem:$0x1F460] =	vst v52  }
0x3db: {  	v5 =	vmov v56;
	v35 =	vmul.f32 v27, v35;
	v27 =	vmul.f32 v50, v8;
	[tilespmem:$0x1F420] =	vst v15  }
0x3dc: {  	v56 =	vadd.s32 v2, v24;
	[tilespmem:$0x1F4E0] =	vst v29;
	v41 =	vmul.f32 v15, v57;
	v15 =	vmul.f32 v62, v21  }
0x3dd: {  	v26 =	vadd.f32 v37, v47;
	v47 =	vadd.s32 v40, v31;
	[tilespmem:$0x1F550] =	vst v27;
	v0 =	vadd.f32 v0, v35  }
0x3de: {  	v57 =	vadd.s32 v22, v24;
	v24 =	vmul.f32 v17, v45;
	v29 =	vmul.f32 v29, v44;
	[tilespmem:$0x1F560] =	vst v15  }
0x3df: {  	v26 =	vadd.f32 v26, v41;
	v30 =	vmul.f32 v27, v46;
	v31 =	vld.idx.msk [tilespmem:v54+s4+$0x0], $0xffff;
	[tilespmem:$0x1F4A0] =	vst v54  }
0x3e0: {  	v23 =	vadd.f32 v23, v29;
	v29 =	vmul.f32 v20, v33;
	v33 =	vld.idx.msk [tilespmem:v55+s4+$0x0], $0xffff;
	[tilespmem:$0x1F4B0] =	vst v55  }
0x3e1: {  	v28 =	vmul.f32 v15, v28;
	v0 =	vadd.f32 v0, v30;
	v30 =	vld.idx.msk [tilespmem:v56+s4+$0x0], $0xffff;
	[tilespmem:$0x1F4C0] =	vst v56  }
0x3e2: {  	v48 =	vmul.f32 v24, v63;
	v62 =	vmul.f32 v29, v59;
	v35 =	vld.idx.msk [tilespmem:v53+s4+$0x0], $0xffff;
	[tilespmem:$0x1F4F0] =	vst v53  }
0x3e3: {  	v26 =	vadd.f32 v26, v28;
	v28 =	vmul.f32 v19, v42;
	v4 =	vld.idx.msk [tilespmem:v47+s4+$0x0], $0xffff;
	[tilespmem:$0x1F510] =	vst v47  }
0x3e4: {  	v15 =	vmul.f32 v29, v16;
	[tilespmem:$0x1F570] =	vst v62  }
0x3e5: {  	s5 =	simm.s32 $0x1B5E0;
	v12 =	vmul.f32 v17, v12;
	v46 =	vmul.f32 v28, v60;
	[tilespmem:$0x1F5B0] =	vst v48  }
0x3e6: {  	v34 =	vadd.s32 v36, v34;
	v36 =	vadd.s32 v39, v13;
	v13 =	vld [tilespmem:s5+$0x10];
	[tilespmem:$0x1F5E0] =	vst v15  }
0x3e7: {  	s28 =	simm.s32 $0x1B1E0;
	v18 =	vmul.f32 v19, v18;
	v39 =	vmul.f32 v12, v21;
	[tilespmem:$0x1F590] =	vst v46  }
0x3e8: {  	s8 =	simm.s32 $0x1B9E0;
	v43 =	vadd.s32 v3, v34;
	v14 =	vmul.f32 v20, v14;
	v50 =	vmovc v47;
	v47 =	vmul.f32 v28, v8;
	v29 =	vld [tilespmem:s28+$0x10]  }
0x3e9: {  	v32 =	vadd.s32 v38, v32;
	v3 =	vmul.f32 v62, v31;
	v31 =	vmul.f32 v46, v33;
	v28 =	vld [tilespmem:s8+$0x10]  }
0x3ea: {  	v38 =	vmul.f32 v14, v16;
	v37 =	vadd.s32 v22, v32;
	v33 =	vadd.s32 v2, v32  }
0x3eb: {  	v2 =	vmul.f32 v48, v30;
	v0 =	vadd.f32 v0, v31;
	v4 =	vmul.f32 v47, v4  }
0x3ec: {  	v3 =	vadd.f32 v23, v3;
	v23 =	vld.idx.msk [tilespmem:v57+s4+$0x0], $0xffff;
	[tilespmem:$0x1F540] =	vst v57;
	v13 =	vadd.f32 v13, v13  }
0x3ed: {  	[tilespmem:$0x1F5F0] =	vst v47;
	v48 =	vmul.f32 v24, v21;
	v0 =	vadd.f32 v0, v4;
	v4 =	vadd.f32 v29, v29  }
0x3ee: {  	v45 =	vmul.f32 v14, v59;
	v20 =	vld.idx.msk [tilespmem:v49+s4+$0x0], $0xffff;
	[tilespmem:$0x1F520] =	vst v49;
	v19 =	vadd.f32 v28, v28;
	v13 =	vadd.f32 $-1.000000000e+00, v13  }
0x3ef: {  	v27 =	vmul.f32 v18, v60;
	v42 =	vadd.s32 v40, v34;
	[tilespmem:$0x1F630] =	vst v48;
	v4 =	vadd.f32 $-1.000000000e+00, v4  }
0x3f0: {  	v59 =	vmul.f32 v18, v8;
	v17 =	vadd.f32 $-1.000000000e+00, v19;
	v13 =	vadd.f32 $1.000000000e+00, v13;
	v19 =	vld.idx.msk [tilespmem:v43+s4+$0x0], $0xffff  }
0x3f1: {  	v40 =	vmul.f32 v12, v63;
	v22 =	vmul.f32 v15, v35;
	v2 =	vadd.f32 v26, v2  }
0x3f2: {  	v4 =	vadd.f32 $1.000000000e+00, v4;
	v16 =	vadd.f32 $1.000000000e+00, v17;
	v13 =	vmul.f32 $1.600000000e+01, v13  }
0x3f3: {  	v3 =	vadd.f32 v3, v22;
	v22 =	vmul.f32 v48, v23;
	v14 =	vmul.f32 v45, v20;
	[tilespmem:$0x1F580] =	vst v43  }
0x3f4: {  	[tilespmem:$0x1F610] =	vst v45;
	v4 =	vmul.f32 $1.600000000e+01, v4;
	v8 =	vmul.f32 $1.600000000e+01, v16;
	v13 =	vmax.f32 v13, $0.0e+00  }
0x3f5: {  	v3 =	vadd.f32 v3, v14;
	v16 =	vld.idx.msk [tilespmem:v33+s4+$0x0], $0xffff;
	v14 =	vmul.f32 v27, v19;
	v13 =	vmin.f32 v13, $3.200000000e+01  }
0x3f6: {  	v4 =	vmax.f32 v4, $0.0e+00;
	v8 =	vmax.f32 v8, $0.0e+00;
	v17 =	vtrunc.f32 v13  }
0x3f7: {  	v4 =	vmin.f32 v4, $3.200000000e+01;
	v8 =	vmin.f32 v8, $3.200000000e+01;
	v17 =	vcvt.f32.s32 v17  }
0x3f8: {  	v0 =	vadd.f32 v0, v14;
	v14 =	vtrunc.f32 v4;
	v18 =	vtrunc.f32 v8  }
0x3f9: {  	v2 =	vadd.f32 v2, v22;
	v18 =	vcvt.f32.s32 v18;
	v14 =	vcvt.f32.s32 v14  }
0x3fa: {  	v19 =	vadd.s32 $0x1, v17;
	v12 =	vmul.f32 v40, v16;
	v16 =	vmul.u32 $0x21, v17  }
0x3fb: {  	v17 =	vcvt.s32.f32 v17;
	vm4 =	vlt.s32 v19, $0x20;
	v20 =	vmul.u32 $0x441, v18  }
0x3fc: {  	v21 =	vadd.s32 $0x1, v14;
	v22 =	vadd.f32 v2, v12;
	v2 =	vnsel vm4, $0x20, v19  }
0x3fd: {  	v24 =	vcvt.s32.f32 v18;
	v26 =	vcvt.s32.f32 v14;
	v13 =	vsub.f32 v13, v17  }
0x3fe: {  	[tilespmem:$0x1F5A0] =	vst v33;
	vm5 =	vlt.s32 v21, $0x20;
	v28 =	vmul.u32 $0x21, v2;
	v23 =	vadd.s32 v16, v20  }
0x3ff: {  	v2 =	vadd.s32 $0x118C2, v9;
	v19 =	vnsel vm5, $0x20, v21;
	v21 =	vld.idx.msk [tilespmem:v36+s4+$0x0], $0xffff;
	[tilespmem:$0x1F5C0] =	vst v36;
	v12 =	vadd.s32 v14, v23  }
0x400: {  	v17 =	vadd.s32 v19, v23;
	v23 =	vsub.f32 v4, v26;
	v4 =	vadd.s32 $0x1, v18;
	v18 =	vld.idx.msk [tilespmem:v42+s4+$0x0], $0xffff;
	_ =	sdelay $0x1  }
0x401: {  	v8 =	vsub.f32 v8, v24;
	v24 =	vadd.s32 $0x118C2, v11;
	[tilespmem:$0x1F5D0] =	vst v42  }
0x402: {  	v9 =	vadd.s32 v20, v28;
	v34 =	vld.idx.msk [tilespmem:v37+s4+$0x0], $0xffff  }
0x403: {  	v10 =	vadd.s32 $0x118C2, v10;
	v26 =	vsub.f32 $1.000000000e+00, v13;
	v11 =	vadd.s32 v14, v9;
	v31 =	vld.idx.msk [tilespmem:v2+s4+$0x0], $0xffff  }
0x404: {  	vm6 =	vlt.s32 v4, $0x20;
	v20 =	vmul.f32 v38, v21;
	v21 =	vld.idx.msk [tilespmem:v12+s4+$0x0], $0xffff;
	v18 =	vmul.f32 v59, v18  }
0x405: {  	v29 =	vsub.f32 $1.000000000e+00, v8;
	v44 =	vadd.s32 v19, v9;
	v4 =	vnsel vm6, $0x20, v4;
	v30 =	vld.idx.msk [tilespmem:v17+s4+$0x0], $0xffff;
	[tilespmem:$0x1F600] =	vst v37  }
0x406: {  	v3 =	vadd.f32 v3, v20;
	v20 =	vmul.u32 $0x441, v4;
	v0 =	vadd.f32 v0, v18;
	v18 =	vld.idx.msk [tilespmem:v24+s4+$0x0], $0xffff  }
0x407: {  	v32 =	vsub.f32 $1.000000000e+00, v23;
	v4 =	vmul.f32 v29, v26;
	v24 =	vmul.f32 v29, v13;
	v29 =	vld [tilespmem:$0x1F160]  }
0x408: {  	v60 =	vmov v33;
	v33 =	vadd.s32 $0x8C61, v7;
	v35 =	vld.idx.msk [tilespmem:v11+s4+$0x0], $0xffff;
	v16 =	vadd.s32 v16, v20;
	[tilespmem:s15+$0xFFFFFFE0] =	vst v3  }
0x409: {  	v41 =	vmul.f32 v4, v32;
	v4 =	vmul.f32 v4, v23;
	v2 =	vadd.s32 v14, v16;
	[tilespmem:s15+$0xFFFFFFF0] =	vst v0  }
0x40a: {  	v9 =	vmov v37;
	v37 =	vadd.s32 $0x8C61, v1;
	v1 =	vld [tilespmem:$0x1F190]  }
0x40b: {  	v63 =	vmov v36;
	v36 =	vld.idx.msk [tilespmem:v10+s4+$0x0], $0xffff;
	v21 =	vmul.f32 v41, v21;
	v30 =	vmul.f32 v4, v30  }
0x40c: {  	v7 =	vadd.s32 v19, v16;
	v16 =	vld.idx.msk [tilespmem:v44+s4+$0x0], $0xffff;
	v10 =	vmul.f32 v24, v32;
	v29 =	vadd.s32 $0x8C61, v29  }
0x40d: {  	v20 =	vadd.s32 v28, v20;
	v28 =	vld.idx.msk [tilespmem:v33+s4+$0x0], $0xffff;
	v33 =	vmul.f32 v39, v34;
	v21 =	vadd.f32 v30, v21  }
0x40e: {  	v30 =	vadd.s32 $0x8C61, v25;
	v25 =	vadd.s32 v14, v20;
	v14 =	vmul.f32 v10, v35;
	v34 =	vld.idx.msk [tilespmem:v2+s4+$0x0], $0xffff  }
0x40f: {  	v3 =	vmul.f32 v24, v23;
	v24 =	vadd.s32 $0x8C61, v1;
	v1 =	vld [tilespmem:$0x1F1A0]  }
0x410: {  	v14 =	vadd.f32 v21, v14;
	v21 =	vld.idx.msk [tilespmem:v37+s4+$0x0], $0xffff  }
0x411: {  	v0 =	vld.idx.msk [tilespmem:v29+s4+$0x0], $0xffff  }
0x412: {  	v29 =	vld.idx.msk [tilespmem:v7+s4+$0x0], $0xffff  }
0x413: {  	v37 =	vmov v7;
	[tilespmem:$0x1F1B0] =	vst v7;
	v7 =	vld [tilespmem:$0x1F0E0]  }
0x414: {  	v22 =	vadd.f32 v22, v33;
	v33 =	vadd.s32 v19, v20;
	v19 =	vadd.s32 $0x8C61, v1;
	v1 =	vld [tilespmem:$0x1F0D0];
	_ =	sdelay $0x4  }
0x415: {  	v1 =	vadd.f32 v7, v1;
	v7 =	vld [tilespmem:$0x1F0F0]  }
0x416: {  	v26 =	vmul.f32 v8, v26;
	_ =	sdelay $0x1  }
0x417: {  	v35 =	vmul.f32 v26, v32;
	v16 =	vmul.f32 v3, v16;
	v20 =	vld.idx.msk [tilespmem:v30+s4+$0x0], $0xffff;
	[tilespmem:s15+$0x0] =	vst v22  }
0x418: {  	v30 =	vadd.s32 $0x8C61, v61;
	v61 =	vadd.s32 $0x8C61, v6;
	v6 =	vld [tilespmem:$0x1F100]  }
0x419: {  	v14 =	vadd.f32 v14, v16;
	v16 =	vmul.f32 v35, v34;
	[tilespmem:$0x1F200] =	vst v35;
	v15 =	vld [tilespmem:$0x1F210];
	v7 =	vmul.f32 v31, v7  }
0x41a: {  	v8 =	vmul.f32 v8, v13;
	v34 =	vmul.f32 v26, v23;
	v22 =	vadd.s32 $0x8C61, v58;
	v31 =	vld.idx.msk [tilespmem:v25+s4+$0x0], $0xffff  }
0x41b: {  	[tilespmem:$0x1F1D0] =	vst v25;
	v1 =	vadd.f32 v7, v1;
	v7 =	vadd.f32 v14, v16;
	v14 =	vadd.s32 $0x8C61, v5;
	v5 =	vld [tilespmem:$0x1F110]  }
0x41c: {  	v13 =	vld.idx.msk [tilespmem:v24+s4+$0x0], $0xffff;
	v24 =	vadd.s32 $0x8C61, v51  }
0x41d: {  	v29 =	vmul.f32 v34, v29;
	v51 =	vmov v33;
	v16 =	vld.idx.msk [tilespmem:v33+s4+$0x0], $0xffff;
	[tilespmem:$0x1F1E0] =	vst v33;
	v33 =	vmul.f32 v8, v32  }
0x41e: {  	v6 =	vmul.f32 v18, v6;
	v26 =	vld.idx.msk [tilespmem:v19+s4+$0x0], $0xffff;
	[tilespmem:$0x1F240] =	vst v34  }
0x41f: {  	v19 =	vmul.f32 v8, v23;
	v8 =	vld.idx.msk [tilespmem:v30+s4+$0x0], $0xffff;
	v7 =	vadd.f32 v7, v29;
	v23 =	vmul.f32 v33, v31  }
0x420: {  	v22 =	vld.idx.msk [tilespmem:v22+s4+$0x0], $0xffff;
	[tilespmem:$0x1F280] =	vst v33;
	v1 =	vadd.f32 v6, v1;
	v5 =	vmul.f32 v36, v5  }
0x421: {  	v6 =	vld.idx.msk [tilespmem:v24+s4+$0x0], $0xffff;
	v7 =	vadd.f32 v7, v23  }
0x422: {  	v14 =	vld.idx.msk [tilespmem:v14+s4+$0x0], $0xffff;
	v16 =	vmul.f32 v19, v16;
	[tilespmem:$0x1F2C0] =	vst v19;
	v1 =	vadd.f32 v5, v1  }
0x423: {  	v30 =	vld.idx.msk [tilespmem:v61+s4+$0x0], $0xffff  }
0x424: {  	[tilespmem:$0x1F690] =	vst v1;
	v1 =	vadd.f32 v7, v16;
	v16 =	vmul.f32 v15, v28;
	v15 =	vld [tilespmem:$0x1F260];
	_ =	sdelay $0x4  }
0x425: {  	v0 =	vmul.f32 v15, v0;
	v15 =	vld [tilespmem:$0x1F270];
	_ =	sdelay $0x4  }
0x426: {  	v21 =	vmul.f32 v15, v21;
	v15 =	vld [tilespmem:$0x1F2A0];
	_ =	sdelay $0x4  }
0x427: {  	v58 =	vmov v25;
	v25 =	vmul.f32 v15, v20;
	v15 =	vld [tilespmem:$0x1F320];
	_ =	sdelay $0x4  }
0x428: {  	v13 =	vmul.f32 v15, v13;
	v15 =	vld [tilespmem:$0x1F390];
	_ =	sdelay $0x4  }
0x429: {  	v26 =	vmul.f32 v15, v26;
	v15 =	vld [tilespmem:$0x1F3E0];
	_ =	sdelay $0x2  }
0x42a: {  	s9 =	simm.s32 $0x1C9E0  }
0x42b: {  	[tilespmem:s9+$0x10] =	vst v1  }
0x42c: {  	v8 =	vmul.f32 v8, v15;
	v15 =	vld [tilespmem:$0x1F420];
	_ =	sdelay $0x1  }
0x42d: {  	v18 =	vadd.s32 $0x8C61, v52;
	_ =	sdelay $0x1  }
0x42e: {  	v29 =	vadd.s32 $0x8C61, v54  }
0x42f: {  	v6 =	vmul.f32 v6, v15;
	v15 =	vld [tilespmem:$0x1F4E0]  }
0x430: {  	v23 =	vadd.s32 $0x8C61, v56;
	v0 =	vadd.f32 v0, v16  }
0x431: {  	v31 =	vadd.s32 $0x8C61, v53;
	v5 =	vld.idx.msk [tilespmem:v18+s4+$0x0], $0xffff  }
0x432: {  	v7 =	vadd.s32 $0x8C61, v50;
	v0 =	vadd.f32 v0, v8;
	v8 =	vld [tilespmem:$0x1F400]  }
0x433: {  	v18 =	vld.idx.msk [tilespmem:v29+s4+$0x0], $0xffff;
	v29 =	vadd.s32 $0x8C61, v17  }
0x434: {  	v14 =	vmul.f32 v14, v15;
	v15 =	vld [tilespmem:$0x1F550]  }
0x435: {  	v28 =	vadd.s32 $0x8C61, v12;
	v23 =	vld.idx.msk [tilespmem:v23+s4+$0x0], $0xffff  }
0x436: {  	v16 =	vld.idx.msk [tilespmem:v31+s4+$0x0], $0xffff  }
0x437: {  	v31 =	vadd.s32 $0x8C61, v11;
	v21 =	vadd.f32 v25, v21;
	v1 =	vld.idx.msk [tilespmem:v7+s4+$0x0], $0xffff;
	v8 =	vmul.f32 v22, v8  }
0x438: {  	v13 =	vadd.f32 v26, v13;
	v26 =	vld.idx.msk [tilespmem:v29+s4+$0x0], $0xffff  }
0x439: {  	v24 =	vadd.s32 $0x8C61, v55;
	v8 =	vadd.f32 v21, v8;
	v21 =	vmul.f32 v30, v15;
	v15 =	vld [tilespmem:$0x1F560]  }
0x43a: {  	v36 =	vadd.s32 $0x8C61, v57;
	v22 =	vld.idx.msk [tilespmem:v28+s4+$0x0], $0xffff  }
0x43b: {  	v56 =	vmov v2;
	v25 =	vadd.s32 $0x8C61, v44;
	v30 =	vadd.s32 $0x8C61, v2;
	v2 =	vld [tilespmem:$0x1F5B0]  }
0x43c: {  	v7 =	vadd.s32 $0x8C61, v49;
	v6 =	vadd.f32 v13, v6;
	v13 =	vld.idx.msk [tilespmem:v31+s4+$0x0], $0xffff;
	_ =	sdelay $0x1  }
0x43d: {  	v24 =	vld.idx.msk [tilespmem:v24+s4+$0x0], $0xffff;
	v26 =	vmul.f32 v4, v26;
	v28 =	vadd.s32 $0x8C61, v43;
	v5 =	vmul.f32 v5, v15  }
0x43e: {  	v29 =	vld.idx.msk [tilespmem:v36+s4+$0x0], $0xffff;
	v0 =	vadd.f32 v0, v14;
	v14 =	vadd.s32 $0x8C61, v60;
	v22 =	vmul.f32 v41, v22  }
0x43f: {  	v25 =	vld.idx.msk [tilespmem:v25+s4+$0x0], $0xffff;
	v5 =	vadd.f32 v6, v5;
	v6 =	vmul.f32 v23, v2  }
0x440: {  	v7 =	vld.idx.msk [tilespmem:v7+s4+$0x0], $0xffff;
	v13 =	vmul.f32 v13, v10;
	v22 =	vadd.f32 v26, v22  }
0x441: {  	v8 =	vadd.f32 v8, v21;
	v21 =	vadd.s32 $0x8C61, v37;
	v5 =	vadd.f32 v5, v6;
	v6 =	vld [tilespmem:$0x1F5E0]  }
0x442: {  	v18 =	vmul.f32 v18, v62;
	v31 =	vadd.s32 $0x8C61, v63;
	v28 =	vld.idx.msk [tilespmem:v28+s4+$0x0], $0xffff  }
0x443: {  	v43 =	vadd.s32 $0x8C61, v58;
	v13 =	vadd.f32 v22, v13;
	v22 =	vmul.f32 v29, v48;
	v14 =	vld.idx.msk [tilespmem:v14+s4+$0x0], $0xffff  }
0x444: {  	v0 =	vadd.f32 v0, v18;
	v18 =	vld.idx.msk [tilespmem:v30+s4+$0x0], $0xffff  }
0x445: {  	v24 =	vmul.f32 v24, v46;
	v5 =	vadd.f32 v5, v22;
	v22 =	vld [tilespmem:s5+$0xFFFFFFE0]  }
0x446: {  	v6 =	vmul.f32 v16, v6;
	v16 =	vld.idx.msk [tilespmem:v21+s4+$0x0], $0xffff  }
0x447: {  	v1 =	vmul.f32 v1, v47;
	v8 =	vadd.f32 v8, v24;
	v23 =	vmul.f32 v25, v3;
	v21 =	vld.idx.msk [tilespmem:v31+s4+$0x0], $0xffff  }
0x448: {  	v0 =	vadd.f32 v0, v6;
	v6 =	vmul.f32 v7, v45;
	v7 =	vld.idx.msk [tilespmem:v43+s4+$0x0], $0xffff;
	[tilespmem:$0x1F120] =	vst v27  }
0x449: {  	v1 =	vadd.f32 v8, v1;
	v8 =	vadd.f32 v13, v23;
	v13 =	vmul.f32 v18, v35;
	v23 =	vld [tilespmem:s5+$0xFFFFFFF0]  }
0x44a: {  	v24 =	vadd.s32 $0x8C61, v51;
	v25 =	vld [tilespmem:s8+$0xFFFFFFE0];
	[tilespmem:$0x1F130] =	vst v40;
	v0 =	vadd.f32 v0, v6;
	v6 =	vmul.f32 v28, v27  }
0x44b: {  	v8 =	vadd.f32 v8, v13;
	[tilespmem:$0x1F140] =	vst v38;
	v13 =	vmul.f32 v16, v34;
	v16 =	vadd.s32 $0x8C61, v42  }
0x44c: {  	v1 =	vadd.f32 v1, v6;
	v6 =	vmul.f32 v14, v40;
	v14 =	vmul.f32 v21, v38;
	v21 =	vld [tilespmem:s8+$0xFFFFFFF0]  }
0x44d: {  	v8 =	vadd.f32 v8, v13;
	v7 =	vmul.f32 v7, v33;
	v13 =	vadd.s32 $0x8C61, v9  }
0x44e: {  	v6 =	vadd.f32 v5, v6;
	v58 =	vadd.f32 v0, v14  }
0x44f: {  	v5 =	vadd.f32 v22, v22;
	v0 =	vadd.f32 v8, v7;
	v7 =	vld.idx.msk [tilespmem:v24+s4+$0x0], $0xffff  }
0x450: {  	v14 =	vadd.f32 v23, v23;
	v8 =	vld.idx.msk [tilespmem:v16+s4+$0x0], $0xffff;
	v16 =	vadd.f32 v25, v25  }
0x451: {  	v5 =	vadd.f32 $-1.000000000e+00, v5;
	v21 =	vadd.f32 v21, v21  }
0x452: {  	v11 =	vadd.s32 $0x118C2, v11;
	v14 =	vadd.f32 $-1.000000000e+00, v14;
	v13 =	vld.idx.msk [tilespmem:v13+s4+$0x0], $0xffff;
	v16 =	vadd.f32 $-1.000000000e+00, v16  }
0x453: {  	v2 =	vadd.s32 $0x118C2, v44;
	v5 =	vadd.f32 $1.000000000e+00, v5;
	v21 =	vadd.f32 $-1.000000000e+00, v21  }
0x454: {  	v14 =	vadd.f32 $1.000000000e+00, v14;
	v16 =	vadd.f32 $1.000000000e+00, v16;
	v7 =	vmul.f32 v7, v19  }
0x455: {  	v5 =	vmul.f32 $1.600000000e+01, v5;
	v8 =	vmul.f32 v8, v59;
	v21 =	vadd.f32 $1.000000000e+00, v21  }
0x456: {  	v0 =	vadd.f32 v0, v7;
	v7 =	vmul.f32 $1.600000000e+01, v14;
	v14 =	vmul.f32 $1.600000000e+01, v16  }
0x457: {  	v5 =	vmax.f32 v5, $0.0e+00;
	v16 =	vmul.f32 v13, v39;
	v13 =	vmul.f32 $1.600000000e+01, v21  }
0x458: {  	v21 =	vmin.f32 v5, $3.200000000e+01;
	v57 =	vadd.f32 v1, v8;
	v7 =	vmax.f32 v7, $0.0e+00  }
0x459: {  	s10 =	simm.s32 $0x1CDE0;
	v1 =	vld [tilespmem:s28+$0xFFFFFFE0];
	v14 =	vmax.f32 v14, $0.0e+00;
	v5 =	vmax.f32 v13, $0.0e+00;
	v22 =	vmin.f32 v7, $3.200000000e+01  }
0x45a: {  	[tilespmem:s10+$0x10] =	vst v0;
	v0 =	vld [tilespmem:s28+$0x0];
	v7 =	vmin.f32 v14, $3.200000000e+01;
	v14 =	vmin.f32 v5, $3.200000000e+01;
	v5 =	vtrunc.f32 v21  }
0x45b: {  	v12 =	vadd.s32 $0x118C2, v12;
	v25 =	vld [tilespmem:s8+$0x0];
	v13 =	vtrunc.f32 v7;
	v23 =	vcvt.f32.s32 v5  }
0x45c: {  	v17 =	vadd.s32 $0x118C2, v17;
	v11 =	vld.idx.msk [tilespmem:v11+s4+$0x0], $0xffff;
	v42 =	vcvt.f32.s32 v13;
	v5 =	vtrunc.f32 v22  }
0x45d: {  	v55 =	vadd.f32 v6, v16;
	v2 =	vld.idx.msk [tilespmem:v2+s4+$0x0], $0xffff;
	v26 =	vtrunc.f32 v14;
	v29 =	vcvt.f32.s32 v5  }
0x45e: {  	v24 =	vld [tilespmem:s5+$0x0];
	v35 =	vcvt.f32.s32 v26;
	v1 =	vadd.f32 v1, v1;
	v8 =	vcvt.s32.f32 v23  }
0x45f: {  	v26 =	vld [tilespmem:s28+$0xFFFFFFF0];
	v28 =	vcvt.s32.f32 v42;
	v0 =	vadd.f32 v0, v0;
	v16 =	vcvt.s32.f32 v29  }
0x460: {  	v30 =	vcvt.s32.f32 v35;
	v1 =	vadd.f32 $-1.000000000e+00, v1;
	v50 =	vsub.f32 v21, v8;
	v8 =	vld.idx.msk [tilespmem:v12+s4+$0x0], $0xffff  }
0x461: {  	v5 =	vmul.f32 v11, v10;
	v46 =	vsub.f32 v7, v28;
	v12 =	vld.idx.msk [tilespmem:v17+s4+$0x0], $0xffff;
	v17 =	vadd.f32 v25, v25  }
0x462: {  	v2 =	vmul.f32 v2, v3;
	v0 =	vadd.f32 $-1.000000000e+00, v0;
	v63 =	vsub.f32 v14, v30  }
0x463: {  	v28 =	vmul.u32 $0x21, v29;
	v14 =	vadd.f32 v24, v24;
	v1 =	vadd.f32 $1.000000000e+00, v1  }
0x464: {  	v49 =	vsub.f32 v22, v16;
	v24 =	vmul.u32 $0x21, v23;
	v0 =	vadd.f32 $1.000000000e+00, v0  }
0x465: {  	v16 =	vadd.f32 v26, v26;
	v14 =	vadd.f32 $-1.000000000e+00, v14;
	v1 =	vmul.f32 $1.600000000e+01, v1  }
0x466: {  	v0 =	vmul.f32 $1.600000000e+01, v0;
	v9 =	vmul.f32 v8, v41;
	v8 =	vadd.f32 $-1.000000000e+00, v17  }
0x467: {  	v4 =	vmul.f32 v12, v4;
	v12 =	vadd.f32 $-1.000000000e+00, v16;
	v14 =	vadd.f32 $1.000000000e+00, v14  }
0x468: {  	v26 =	vmul.u32 $0x441, v35;
	v1 =	vmax.f32 v1, $0.0e+00;
	v0 =	vmax.f32 v0, $0.0e+00  }
0x469: {  	v8 =	vadd.f32 $1.000000000e+00, v8;
	v11 =	vadd.f32 $1.000000000e+00, v12;
	v12 =	vmul.f32 $1.600000000e+01, v14  }
0x46a: {  	v33 =	vsub.f32 $1.000000000e+00, v50;
	v1 =	vmin.f32 v1, $3.200000000e+01;
	v0 =	vmin.f32 v0, $3.200000000e+01  }
0x46b: {  	v4 =	vadd.f32 v4, v9;
	v8 =	vmul.f32 $1.600000000e+01, v8;
	v12 =	vmax.f32 v12, $0.0e+00  }
0x46c: {  	v9 =	vtrunc.f32 v0;
	v11 =	vmul.f32 $1.600000000e+01, v11;
	v12 =	vmin.f32 v12, $3.200000000e+01  }
0x46d: {  	v4 =	vadd.f32 v5, v4;
	v8 =	vmax.f32 v8, $0.0e+00;
	v14 =	vtrunc.f32 v12  }
0x46e: {  	v11 =	vmax.f32 v11, $0.0e+00;
	v17 =	vmin.f32 v8, $3.200000000e+01;
	v21 =	vcvt.f32.s32 v14  }
0x46f: {  	v14 =	vtrunc.f32 v1;
	v22 =	vmin.f32 v11, $3.200000000e+01;
	v8 =	vtrunc.f32 v17  }
0x470: {  	v2 =	vadd.f32 v2, v4;
	v10 =	vcvt.f32.s32 v14;
	v11 =	vtrunc.f32 v22  }
0x471: {  	v31 =	vadd.s32 v28, v26;
	v25 =	vcvt.f32.s32 v8;
	v14 =	vcvt.s32.f32 v21  }
0x472: {  	[tilespmem:$0x1F220] =	vst v2;
	v16 =	vcvt.f32.s32 v11;
	v2 =	vadd.s32 $0x1, v21;
	v40 =	vmul.u32 $0x21, v21  }
0x473: {  	v21 =	vmul.u32 $0x441, v42;
	v3 =	vcvt.s32.f32 v10;
	vm9 =	vlt.s32 v2, $0x20  }
0x474: {  	v47 =	vsub.f32 v12, v14;
	v14 =	vcvt.f32.s32 v9;
	v9 =	vcvt.s32.f32 v25  }
0x475: {  	v19 =	vadd.s32 v24, v21;
	v30 =	vmul.u32 $0x441, v25;
	v5 =	vadd.s32 v16, v31  }
0x476: {  	v20 =	vsub.f32 v1, v3;
	v1 =	vadd.s32 $0x1, v29;
	v3 =	vadd.s32 $0x1, v10  }
0x477: {  	v4 =	vadd.s32 v10, v19;
	v44 =	vsub.f32 v17, v9;
	v17 =	vcvt.s32.f32 v14  }
0x478: {  	vm8 =	vlt.s32 v1, $0x20;
	vm10 =	vlt.s32 v3, $0x20;
	v29 =	vadd.s32 $0x1, v14  }
0x479: {  	v1 =	vnsel vm8, $0x20, v1;
	v13 =	vnsel vm10, $0x20, v3;
	v3 =	vadd.s32 $0x1, v16  }
0x47a: {  	vm12 =	vlt.s32 v29, $0x20;
	v27 =	vsub.f32 v0, v17;
	v0 =	vadd.s32 $0x1, v23  }
0x47b: {  	[tilespmem:$0x1F1F0] =	vst v5;
	v23 =	vnsel vm9, $0x20, v2;
	vm11 =	vlt.s32 v3, $0x20;
	v2 =	vadd.s32 v13, v19  }
0x47c: {  	[tilespmem:$0x1F620] =	vst v4;
	v12 =	vnsel vm12, $0x20, v29;
	v11 =	vnsel vm11, $0x20, v3;
	v3 =	vadd.s32 v40, v30  }
0x47d: {  	v18 =	vmul.u32 $0x21, v1;
	[tilespmem:$0x1F640] =	vst v2;
	v54 =	vadd.s32 v11, v31;
	v1 =	vadd.s32 v12, v3  }
0x47e: {  	v9 =	vcvt.s32.f32 v16;
	vm7 =	vlt.s32 v0, $0x20;
	v61 =	vadd.s32 v14, v3;
	[tilespmem:$0x1F230] =	vst v1  }
0x47f: {  	v32 =	vsub.f32 $1.000000000e+00, v49;
	v38 =	vsub.f32 $1.000000000e+00, v47;
	v0 =	vnsel vm7, $0x20, v0;
	v36 =	vld.idx.msk [tilespmem:v4+s4+$0x0], $0xffff  }
0x480: {  	v22 =	vsub.f32 v22, v9;
	v31 =	vsub.f32 $1.000000000e+00, v46;
	v15 =	vmul.u32 $0x21, v0;
	v8 =	vld.idx.msk [tilespmem:v5+s4+$0x0], $0xffff  }
0x481: {  	v9 =	vsub.f32 $1.000000000e+00, v63;
	v17 =	vsub.f32 $1.000000000e+00, v20;
	v23 =	vmul.u32 $0x21, v23;
	v0 =	vld.idx.msk [tilespmem:v2+s4+$0x0], $0xffff  }
0x482: {  	v7 =	vmul.f32 v31, v33;
	v5 =	vsub.f32 $1.000000000e+00, v44;
	v45 =	vadd.s32 v21, v15;
	v21 =	vld.idx.msk [tilespmem:v54+s4+$0x0], $0xffff;
	[tilespmem:$0x1F660] =	vst v54  }
0x483: {  	v29 =	vsub.f32 $1.000000000e+00, v22;
	v4 =	vadd.s32 v26, v18;
	v26 =	vmul.f32 v9, v32;
	v6 =	vld.idx.msk [tilespmem:v61+s4+$0x0], $0xffff  }
0x484: {  	v19 =	vsub.f32 $1.000000000e+00, v27;
	v51 =	vmul.f32 v7, v17;
	v48 =	vmul.f32 v5, v38;
	v3 =	vld.idx.msk [tilespmem:v1+s4+$0x0], $0xffff  }
0x485: {  	v30 =	vadd.s32 v30, v23;
	v37 =	vmul.f32 v7, v20;
	v53 =	vmul.f32 v26, v22  }
0x486: {  	v43 =	vadd.s32 v10, v45;
	v60 =	vmul.f32 v48, v19;
	v41 =	vmul.f32 v48, v27  }
0x487: {  	v62 =	vadd.s32 v16, v4;
	v2 =	vmul.f32 v51, v36;
	v0 =	vmul.f32 v37, v0  }
0x488: {  	v52 =	vmul.f32 v26, v29;
	v1 =	vmul.f32 v53, v21;
	v21 =	vadd.s32 v14, v30  }
0x489: {  	[tilespmem:$0x1F290] =	vst v62;
	v7 =	vadd.f32 v0, v2;
	v2 =	vmul.f32 v60, v6;
	v3 =	vmul.f32 v41, v3  }
0x48a: {  	v26 =	vadd.s32 v13, v45;
	[tilespmem:$0x1F2B0] =	vst v21  }
0x48b: {  	v8 =	vmul.f32 v52, v8;
	v2 =	vadd.f32 v3, v2;
	v3 =	vld.idx.msk [tilespmem:v43+s4+$0x0], $0xffff;
	[tilespmem:$0x1F670] =	vst v43  }
0x48c: {  	v9 =	vmul.f32 v9, v49;
	v6 =	vadd.s32 $0x1, v42;
	v42 =	vadd.s32 v11, v4;
	[tilespmem:$0x1F300] =	vst v26  }
0x48d: {  	v1 =	vadd.f32 v1, v8;
	v8 =	vadd.s32 $0x1, v35;
	vm13 =	vlt.s32 v6, $0x20;
	v36 =	vld.idx.msk [tilespmem:v62+s4+$0x0], $0xffff  }
0x48e: {  	v4 =	vmul.f32 v31, v50;
	vm14 =	vlt.s32 v8, $0x20;
	v6 =	vnsel vm13, $0x20, v6  }
0x48f: {  	v8 =	vnsel vm14, $0x20, v8;
	v0 =	vmul.u32 $0x441, v6;
	v6 =	vadd.s32 v12, v30  }
0x490: {  	v45 =	vmul.f32 v9, v29;
	v62 =	vmul.f32 v4, v17;
	v8 =	vmul.u32 $0x441, v8  }
0x491: {  	v24 =	vadd.s32 v24, v0;
	v0 =	vadd.s32 v15, v0  }
0x492: {  	[tilespmem:$0x1F310] =	vst v42;
	v15 =	vadd.s32 v28, v8;
	v3 =	vmul.f32 v62, v3;
	v28 =	vmul.f32 v45, v36  }
0x493: {  	v31 =	vld.idx.msk [tilespmem:v21+s4+$0x0], $0xffff;
	[tilespmem:$0x1F330] =	vst v6  }
0x494: {  	v5 =	vmul.f32 v5, v47;
	v3 =	vadd.f32 v7, v3;
	v7 =	vadd.f32 v1, v28;
	v1 =	vld.idx.msk [tilespmem:v6+s4+$0x0], $0xffff  }
0x495: {  	v6 =	vld [tilespmem:$0x1F150]  }
0x496: {  	v48 =	vmul.f32 v5, v19  }
0x497: {  	v18 =	vadd.s32 v18, v8;
	v8 =	vadd.s32 $0x1, v25  }
0x498: {  	v35 =	vld.idx.msk [tilespmem:v26+s4+$0x0], $0xffff;
	vm15 =	vlt.s32 v8, $0x20;
	v25 =	vmul.f32 v48, v31  }
0x499: {  	v8 =	vnsel vm15, $0x20, v8  }
0x49a: {  	v8 =	vmul.u32 $0x441, v8;
	v2 =	vadd.f32 v2, v25;
	v25 =	vadd.s32 $0x118C2, v6  }
0x49b: {  	v26 =	vmul.f32 v5, v27;
	v5 =	vld [tilespmem:$0x1F160];
	v30 =	vadd.s32 v16, v15;
	v6 =	vmul.f32 v4, v20  }
0x49c: {  	v36 =	vld.idx.msk [tilespmem:v42+s4+$0x0], $0xffff;
	[tilespmem:$0x1F3A0] =	vst v30;
	v4 =	vmul.f32 v9, v22;
	v9 =	vadd.s32 v40, v8  }
0x49d: {  	v31 =	vadd.s32 v10, v24;
	[tilespmem:s26+$0xFFFFFFE0] =	vst v58;
	v58 =	vadd.s32 v14, v9;
	v28 =	vmul.f32 v6, v35  }
0x49e: {  	v23 =	vadd.s32 v23, v8;
	[tilespmem:$0x1F3B0] =	vst v58  }
0x49f: {  	v34 =	vmul.f32 v26, v1;
	v1 =	vadd.s32 v13, v24;
	v3 =	vadd.f32 v3, v28;
	v28 =	vld.idx.msk [tilespmem:v25+s4+$0x0], $0xffff  }
0x4a0: {  	v8 =	vadd.s32 v13, v0;
	[tilespmem:$0x1F3C0] =	vst v1;
	v25 =	vadd.s32 v11, v15;
	v15 =	vadd.s32 v10, v0;
	v0 =	vld [tilespmem:$0x1F170]  }
0x4a1: {  	v5 =	vadd.s32 $0x118C2, v5;
	[tilespmem:$0x1F3F0] =	vst v25  }
0x4a2: {  	v24 =	vld.idx.msk [tilespmem:v31+s4+$0x0], $0xffff;
	[tilespmem:$0x1F6A0] =	vst v31  }
0x4a3: {  	[tilespmem:$0x1F430] =	vst v15  }
0x4a4: {  	v40 =	vld.idx.msk [tilespmem:v30+s4+$0x0], $0xffff  }
0x4a5: {  	v21 =	vadd.s32 v16, v18;
	v10 =	vadd.s32 $0x118C2, v0;
	v0 =	vld [tilespmem:$0x1F180]  }
0x4a6: {  	v35 =	vmul.f32 v4, v36;
	v42 =	vld.idx.msk [tilespmem:v5+s4+$0x0], $0xffff;
	v30 =	vadd.s32 v12, v9;
	[tilespmem:$0x1F440] =	vst v21  }
0x4a7: {  	[tilespmem:$0x1F410] =	vst v30  }
0x4a8: {  	v7 =	vadd.f32 v7, v35;
	v9 =	vmul.f32 v46, v33;
	v16 =	vld.idx.msk [tilespmem:v58+s4+$0x0], $0xffff  }
0x4a9: {  	v35 =	vadd.s32 v11, v18;
	v11 =	vmul.f32 v46, v50;
	v46 =	vld.idx.msk [tilespmem:v1+s4+$0x0], $0xffff;
	[tilespmem:s26+$0xFFFFFFF0] =	vst v57  }
0x4aa: {  	v33 =	vmul.f32 v63, v32;
	v5 =	vmul.f32 v9, v17;
	v18 =	vadd.s32 $0x118C2, v0;
	v0 =	vld [tilespmem:$0x1F190]  }
0x4ab: {  	v50 =	vmul.f32 v63, v49;
	v32 =	vmov v26;
	v36 =	vld.idx.msk [tilespmem:v25+s4+$0x0], $0xffff;
	v25 =	vadd.s32 v14, v23  }
0x4ac: {  	v26 =	vmul.f32 v33, v22;
	v63 =	vmovc v5;
	v14 =	vmul.f32 v5, v24;
	v5 =	vadd.s32 v12, v23  }
0x4ad: {  	v10 =	vld.idx.msk [tilespmem:v10+s4+$0x0], $0xffff;
	[tilespmem:$0x1F490] =	vst v5  }
0x4ae: {  	v38 =	vmul.f32 v44, v38;
	v49 =	vmul.f32 v9, v20;
	v9 =	vld.idx.msk [tilespmem:v30+s4+$0x0], $0xffff;
	[tilespmem:$0x1F4D0] =	vst v26  }
0x4af: {  	[tilespmem:s26+$0x0] =	vst v55;
	v57 =	vadd.s32 $0x118C2, v0  }
0x4b0: {  	v58 =	vmov v4;
	v4 =	vld [tilespmem:$0x1F1A0];
	v0 =	vmul.f32 v38, v19;
	_ =	sdelay $0x1  }
0x4b1: {  	v2 =	vadd.f32 v2, v34;
	v16 =	vmul.f32 v0, v16;
	_ =	sdelay $0x1  }
0x4b2: {  	v1 =	vmul.f32 v33, v29;
	v2 =	vadd.f32 v2, v16;
	v16 =	vld.idx.msk [tilespmem:v57+s4+$0x0], $0xffff  }
0x4b3: {  	v57 =	vmov v6;
	v6 =	vmul.f32 v11, v17;
	v17 =	vadd.s32 $0x118C2, v4;
	v4 =	vld [tilespmem:$0x1F1B0]  }
0x4b4: {  	v24 =	vmul.f32 v1, v40;
	_ =	sdelay $0x1  }
0x4b5: {  	v7 =	vadd.f32 v7, v24;
	v33 =	vmul.f32 v26, v36;
	_ =	sdelay $0x1  }
0x4b6: {  	v7 =	vadd.f32 v7, v33;
	v33 =	vadd.s32 $0x118C2, v4;
	v4 =	vld [tilespmem:$0x1F1C0]  }
0x4b7: {  	v55 =	vmul.f32 v38, v27;
	_ =	sdelay $0x1  }
0x4b8: {  	v3 =	vadd.f32 v3, v14;
	v14 =	vld.idx.msk [tilespmem:v15+s4+$0x0], $0xffff;
	v9 =	vmul.f32 v55, v9;
	_ =	sdelay $0x1  }
0x4b9: {  	v2 =	vadd.f32 v2, v9;
	v9 =	vadd.s32 $0x118C2, v4;
	v4 =	vld [tilespmem:$0x1F1D0]  }
0x4ba: {  	v23 =	vmul.f32 v49, v46;
	_ =	sdelay $0x1  }
0x4bb: {  	v3 =	vadd.f32 v3, v23;
	v14 =	vmul.f32 v6, v14;
	_ =	sdelay $0x1  }
0x4bc: {  	v3 =	vadd.f32 v3, v14;
	v14 =	vadd.s32 $0x118C2, v4;
	v4 =	vld [tilespmem:$0x1F1E0];
	_ =	sdelay $0x1  }
0x4bd: {  	v12 =	vmul.f32 v44, v47;
	v47 =	vld.idx.msk [tilespmem:v21+s4+$0x0], $0xffff  }
0x4be: {  	v24 =	vadd.s32 $0x118C2, v56;
	v18 =	vld.idx.msk [tilespmem:v18+s4+$0x0], $0xffff;
	[tilespmem:$0x1F500] =	vst v6  }
0x4bf: {  	v23 =	vld.idx.msk [tilespmem:v8+s4+$0x0], $0xffff  }
0x4c0: {  	v36 =	vmul.f32 v50, v22;
	v21 =	vmovc v8;
	v8 =	vmul.f32 v50, v29;
	v22 =	vadd.s32 $0x118C2, v4;
	v4 =	vld [tilespmem:$0x1F620];
	_ =	sdelay $0x1  }
0x4c1: {  	[tilespmem:$0x1F530] =	vst v8  }
0x4c2: {  	v40 =	vmul.f32 v11, v20;
	v20 =	vld.idx.msk [tilespmem:v24+s4+$0x0], $0xffff;
	v24 =	vmul.f32 v8, v47  }
0x4c3: {  	v29 =	vld.idx.msk [tilespmem:v25+s4+$0x0], $0xffff  }
0x4c4: {  	v7 =	vadd.f32 v7, v24;
	v24 =	vadd.s32 $0x8C61, v4;
	v4 =	vld [tilespmem:$0x1F640];
	_ =	sdelay $0x2  }
0x4c5: {  	v56 =	vmul.f32 v12, v19  }
0x4c6: {  	v46 =	vmul.f32 v12, v27  }
0x4c7: {  	v23 =	vmul.f32 v40, v23;
	v27 =	vmul.f32 v56, v29;
	v29 =	vadd.s32 $0x8C61, v4;
	v4 =	vld [tilespmem:$0x1F200];
	_ =	sdelay $0x1  }
0x4c8: {  	v3 =	vadd.f32 v3, v23;
	_ =	sdelay $0x1  }
0x4c9: {  	v44 =	vld [tilespmem:$0x1F1F0];
	[tilespmem:s9+$0xFFFFFFE0] =	vst v3  }
0x4ca: {  	v20 =	vmul.f32 v20, v4;
	v4 =	vld [tilespmem:$0x1F210];
	_ =	sdelay $0x2  }
0x4cb: {  	v11 =	vld.idx.msk [tilespmem:v35+s4+$0x0], $0xffff  }
0x4cc: {  	v3 =	vld.idx.msk [tilespmem:v22+s4+$0x0], $0xffff  }
0x4cd: {  	v22 =	vmul.f32 v28, v4;
	v4 =	vld [tilespmem:$0x1F220];
	_ =	sdelay $0x3  }
0x4ce: {  	v12 =	vld.idx.msk [tilespmem:v33+s4+$0x0], $0xffff  }
0x4cf: {  	v11 =	vmul.f32 v36, v11;
	v20 =	vadd.f32 v20, v4;
	v4 =	vld [tilespmem:$0x1F240];
	_ =	sdelay $0x1  }
0x4d0: {  	v7 =	vadd.f32 v7, v11;
	_ =	sdelay $0x1  }
0x4d1: {  	v50 =	vld [tilespmem:$0x1F230];
	[tilespmem:s9+$0xFFFFFFF0] =	vst v7  }
0x4d2: {  	v12 =	vmul.f32 v12, v4;
	v4 =	vld [tilespmem:$0x1F250];
	_ =	sdelay $0x1  }
0x4d3: {  	v19 =	vld.idx.msk [tilespmem:v5+s4+$0x0], $0xffff;
	_ =	sdelay $0x2  }
0x4d4: {  	v7 =	vadd.s32 $0x118C2, v4;
	v4 =	vld [tilespmem:$0x1F260];
	_ =	sdelay $0x1  }
0x4d5: {  	v2 =	vadd.f32 v2, v27;
	v11 =	vmul.f32 v46, v19;
	_ =	sdelay $0x1  }
0x4d6: {  	v2 =	vadd.f32 v2, v11;
	v11 =	vld.idx.msk [tilespmem:v29+s4+$0x0], $0xffff  }
0x4d7: {  	v29 =	vmul.f32 v42, v4;
	v4 =	vld [tilespmem:$0x1F270];
	_ =	sdelay $0x3  }
0x4d8: {  	v14 =	vld.idx.msk [tilespmem:v14+s4+$0x0], $0xffff  }
0x4d9: {  	v10 =	vmul.f32 v10, v4;
	v4 =	vld [tilespmem:$0x1F280];
	_ =	sdelay $0x3  }
0x4da: {  	[tilespmem:s9+$0x0] =	vst v2  }
0x4db: {  	v14 =	vmul.f32 v14, v4;
	v4 =	vld [tilespmem:$0x1F2A0];
	_ =	sdelay $0x4  }
0x4dc: {  	v18 =	vmul.f32 v18, v4;
	v4 =	vld [tilespmem:$0x1F2C0];
	_ =	sdelay $0x1  }
0x4dd: {  	v23 =	vadd.s32 $0x8C61, v44  }
0x4de: {  	v17 =	vld.idx.msk [tilespmem:v17+s4+$0x0], $0xffff  }
0x4df: {  	v9 =	vld.idx.msk [tilespmem:v9+s4+$0x0], $0xffff  }
0x4e0: {  	v3 =	vmul.f32 v3, v4;
	v4 =	vld [tilespmem:$0x1F2D0]  }
0x4e1: {  	v24 =	vld.idx.msk [tilespmem:v24+s4+$0x0], $0xffff  }
0x4e2: {  	v27 =	vadd.s32 $0x8C61, v54;
	v23 =	vld.idx.msk [tilespmem:v23+s4+$0x0], $0xffff  }
0x4e3: {  	v19 =	vadd.s32 $0x8C61, v61;
	v12 =	vadd.f32 v12, v20;
	v47 =	vld [tilespmem:$0x1F290]  }
0x4e4: {  	v38 =	vadd.s32 $0x8C61, v43;
	v28 =	vadd.s32 $0x8C61, v50;
	v43 =	vld [tilespmem:$0x1F2B0]  }
0x4e5: {  	v12 =	vadd.f32 v14, v12;
	v14 =	vadd.s32 $0x118C2, v4;
	v4 =	vld [tilespmem:$0x1F320]  }
0x4e6: {  	v7 =	vld.idx.msk [tilespmem:v7+s4+$0x0], $0xffff  }
0x4e7: {  	v2 =	vld.idx.msk [tilespmem:v27+s4+$0x0], $0xffff  }
0x4e8: {  	v19 =	vld.idx.msk [tilespmem:v19+s4+$0x0], $0xffff;
	v20 =	vadd.s32 $0x8C61, v47  }
0x4e9: {  	v28 =	vld.idx.msk [tilespmem:v28+s4+$0x0], $0xffff;
	[tilespmem:$0x1F2E0] =	vst v51;
	v27 =	vadd.s32 $0x8C61, v43;
	v3 =	vadd.f32 v3, v12  }
0x4ea: {  	[tilespmem:$0x1F2F0] =	vst v37;
	v16 =	vmul.f32 v16, v4;
	v4 =	vld [tilespmem:$0x1F360]  }
0x4eb: {  	[tilespmem:$0x1F6C0] =	vst v3  }
0x4ec: {  	v12 =	vld.idx.msk [tilespmem:v38+s4+$0x0], $0xffff  }
0x4ed: {  	v20 =	vld.idx.msk [tilespmem:v20+s4+$0x0], $0xffff;
	[tilespmem:$0x1F340] =	vst v52  }
0x4ee: {  	v27 =	vld.idx.msk [tilespmem:v27+s4+$0x0], $0xffff  }
0x4ef: {  	v2 =	vmul.f32 v53, v2;
	[tilespmem:$0x1F350] =	vst v53;
	v53 =	vadd.s32 $0x118C2, v4;
	v4 =	vld [tilespmem:$0x1F390];
	_ =	sdelay $0x4  }
0x4f0: {  	v17 =	vmul.f32 v17, v4;
	v4 =	vld [tilespmem:$0x1F3D0]  }
0x4f1: {  	v24 =	vmul.f32 v51, v24;
	v11 =	vmul.f32 v37, v11;
	_ =	sdelay $0x1  }
0x4f2: {  	v11 =	vadd.f32 v11, v24;
	v12 =	vmul.f32 v12, v62;
	_ =	sdelay $0x1  }
0x4f3: {  	v11 =	vadd.f32 v11, v12;
	v12 =	vadd.s32 $0x118C2, v4;
	v4 =	vld [tilespmem:$0x1F3E0]  }
0x4f4: {  	v34 =	vld [tilespmem:$0x1F300]  }
0x4f5: {  	v54 =	vld [tilespmem:$0x1F310]  }
0x4f6: {  	v30 =	vld [tilespmem:$0x1F330]  }
0x4f7: {  	v26 =	vld [tilespmem:$0x1F3A0]  }
0x4f8: {  	v9 =	vmul.f32 v9, v4;
	v4 =	vld [tilespmem:$0x1F400]  }
0x4f9: {  	v13 =	vld [tilespmem:$0x1F3B0]  }
0x4fa: {  	v22 =	vadd.f32 v29, v22;
	v15 =	vld [tilespmem:$0x1F3C0];
	v29 =	vadd.s32 $0x8C61, v34  }
0x4fb: {  	v8 =	vld [tilespmem:$0x1F3F0];
	v10 =	vadd.f32 v18, v10;
	v18 =	vadd.s32 $0x8C61, v54  }
0x4fc: {  	v51 =	vadd.s32 $0x8C61, v31;
	v14 =	vld.idx.msk [tilespmem:v14+s4+$0x0], $0xffff  }
0x4fd: {  	v23 =	vmul.f32 v52, v23;
	[tilespmem:$0x1F370] =	vst v60;
	v7 =	vmul.f32 v7, v4;
	v4 =	vld [tilespmem:$0x1F420]  }
0x4fe: {  	v6 =	vld [tilespmem:$0x1F410];
	v19 =	vmul.f32 v60, v19;
	[tilespmem:$0x1F380] =	vst v41  }
0x4ff: {  	v28 =	vmul.f32 v41, v28;
	v2 =	vadd.f32 v2, v23;
	v23 =	vld.idx.msk [tilespmem:v29+s4+$0x0], $0xffff;
	v29 =	vadd.s32 $0x8C61, v26  }
0x500: {  	v24 =	vadd.s32 $0x8C61, v30;
	v18 =	vld.idx.msk [tilespmem:v18+s4+$0x0], $0xffff  }
0x501: {  	v19 =	vadd.f32 v28, v19;
	v28 =	vadd.s32 $0x8C61, v13;
	v20 =	vmul.f32 v20, v45;
	v33 =	vld.idx.msk [tilespmem:v51+s4+$0x0], $0xffff  }
0x502: {  	v38 =	vadd.s32 $0x8C61, v8;
	v27 =	vmul.f32 v27, v48;
	v14 =	vmul.f32 v14, v4;
	v4 =	vld [tilespmem:$0x1F430]  }
0x503: {  	v2 =	vadd.f32 v2, v20  }
0x504: {  	v19 =	vadd.f32 v19, v27;
	v27 =	vld.idx.msk [tilespmem:v29+s4+$0x0], $0xffff;
	v29 =	vadd.s32 $0x8C61, v6;
	v23 =	vmul.f32 v23, v57  }
0x505: {  	v18 =	vmul.f32 v18, v58;
	v16 =	vadd.f32 v17, v16;
	v17 =	vld.idx.msk [tilespmem:v24+s4+$0x0], $0xffff;
	v24 =	vadd.s32 $0x8C61, v15  }
0x506: {  	v28 =	vld.idx.msk [tilespmem:v28+s4+$0x0], $0xffff;
	v11 =	vadd.f32 v11, v23  }
0x507: {  	v23 =	vmul.f32 v33, v63;
	v2 =	vadd.f32 v2, v18;
	v18 =	vld.idx.msk [tilespmem:v38+s4+$0x0], $0xffff;
	v37 =	vadd.s32 $0x8C61, v4  }
0x508: {  	v20 =	vld.idx.msk [tilespmem:v53+s4+$0x0], $0xffff  }
0x509: {  	v11 =	vadd.f32 v11, v23;
	v23 =	vld.idx.msk [tilespmem:v29+s4+$0x0], $0xffff  }
0x50a: {  	v24 =	vld.idx.msk [tilespmem:v24+s4+$0x0], $0xffff  }
0x50b: {  	v12 =	vld.idx.msk [tilespmem:v12+s4+$0x0], $0xffff;
	[tilespmem:$0x1F450] =	vst v1  }
0x50c: {  	v38 =	vld.idx.msk [tilespmem:v37+s4+$0x0], $0xffff  }
0x50d: {  	v28 =	vmul.f32 v28, v0;
	[tilespmem:$0x1F470] =	vst v0;
	v0 =	vld [tilespmem:$0x1F4A0]  }
0x50e: {  	v17 =	vmul.f32 v17, v32;
	_ =	sdelay $0x1  }
0x50f: {  	v17 =	vadd.f32 v19, v17;
	_ =	sdelay $0x1  }
0x510: {  	v7 =	vadd.f32 v7, v10;
	v10 =	vadd.f32 v17, v28;
	v17 =	vadd.s32 $0x118C2, v0;
	v0 =	vld [tilespmem:$0x1F4B0];
	_ =	sdelay $0x4  }
0x511: {  	v14 =	vadd.f32 v14, v16;
	v16 =	vadd.s32 $0x118C2, v0;
	v0 =	vld [tilespmem:$0x1F4C0];
	_ =	sdelay $0x2  }
0x512: {  	v24 =	vmul.f32 v24, v49;
	_ =	sdelay $0x1  }
0x513: {  	v11 =	vadd.f32 v11, v24;
	v24 =	vadd.s32 $0x118C2, v0;
	v0 =	vld [tilespmem:$0x1F4E0];
	_ =	sdelay $0x4  }
0x514: {  	v20 =	vmul.f32 v20, v0;
	v0 =	vld [tilespmem:$0x1F4F0];
	_ =	sdelay $0x2  }
0x515: {  	v5 =	vmov v35;
	v29 =	vadd.s32 $0x8C61, v35;
	v35 =	vld [tilespmem:$0x1F4D0]  }
0x516: {  	v60 =	vld [tilespmem:$0x1F440]  }
0x517: {  	v33 =	vadd.s32 $0x118C2, v0;
	v0 =	vld [tilespmem:$0x1F510]  }
0x518: {  	v27 =	vmul.f32 v27, v1;
	_ =	sdelay $0x1  }
0x519: {  	v2 =	vadd.f32 v2, v27;
	v18 =	vmul.f32 v18, v35  }
0x51a: {  	v3 =	vld [tilespmem:$0x1F490];
	v51 =	vadd.s32 $0x8C61, v60  }
0x51b: {  	v2 =	vadd.f32 v2, v18;
	v18 =	vadd.s32 $0x118C2, v0;
	v0 =	vld [tilespmem:$0x1F520];
	_ =	sdelay $0x2  }
0x51c: {  	v1 =	vld [tilespmem:$0x1F460]  }
0x51d: {  	v27 =	vld.idx.msk [tilespmem:v51+s4+$0x0], $0xffff;
	[tilespmem:$0x1F480] =	vst v49;
	v49 =	vadd.s32 $0x8C61, v3  }
0x51e: {  	v51 =	vadd.s32 $0x118C2, v0;
	v0 =	vld [tilespmem:$0x1F540];
	_ =	sdelay $0x1  }
0x51f: {  	v23 =	vmul.f32 v23, v55;
	_ =	sdelay $0x1  }
0x520: {  	v9 =	vadd.f32 v9, v22;
	v22 =	vadd.s32 $0x118C2, v1;
	v10 =	vadd.f32 v10, v23;
	v23 =	vld.idx.msk [tilespmem:v49+s4+$0x0], $0xffff  }
0x521: {  	v49 =	vadd.s32 $0x118C2, v0;
	v0 =	vld [tilespmem:$0x1F550];
	_ =	sdelay $0x3  }
0x522: {  	v22 =	vld.idx.msk [tilespmem:v22+s4+$0x0], $0xffff  }
0x523: {  	v12 =	vmul.f32 v12, v0;
	v0 =	vld [tilespmem:$0x1F560];
	_ =	sdelay $0x2  }
0x524: {  	v31 =	vmov v25;
	v53 =	vadd.s32 $0x8C61, v25;
	v25 =	vld [tilespmem:$0x1F530]  }
0x525: {  	v17 =	vld.idx.msk [tilespmem:v17+s4+$0x0], $0xffff  }
0x526: {  	v22 =	vmul.f32 v22, v0;
	v0 =	vld [tilespmem:$0x1F570]  }
0x527: {  	v19 =	vadd.s32 $0x8C61, v21  }
0x528: {  	v29 =	vld.idx.msk [tilespmem:v29+s4+$0x0], $0xffff  }
0x529: {  	v28 =	vld.idx.msk [tilespmem:v53+s4+$0x0], $0xffff  }
0x52a: {  	v53 =	vld [tilespmem:$0x1F500]  }
0x52b: {  	v27 =	vmul.f32 v27, v25;
	v17 =	vmul.f32 v17, v0;
	v0 =	vld [tilespmem:$0x1F580]  }
0x52c: {  	v19 =	vld.idx.msk [tilespmem:v19+s4+$0x0], $0xffff  }
0x52d: {  	v2 =	vadd.f32 v2, v27;
	v27 =	vmul.f32 v29, v36  }
0x52e: {  	v16 =	vld.idx.msk [tilespmem:v16+s4+$0x0], $0xffff  }
0x52f: {  	v38 =	vmul.f32 v38, v53;
	v27 =	vadd.f32 v2, v27;
	v2 =	vld.idx.msk [tilespmem:v18+s4+$0x0], $0xffff  }
0x530: {  	v52 =	vmov v40;
	v18 =	vadd.s32 $0x118C2, v0;
	v0 =	vld [tilespmem:$0x1F590]  }
0x531: {  	v28 =	vmul.f32 v28, v56;
	v19 =	vmul.f32 v19, v52;
	v11 =	vadd.f32 v11, v38;
	_ =	sdelay $0x1  }
0x532: {  	v10 =	vadd.f32 v10, v28;
	v29 =	vadd.f32 v11, v19;
	v11 =	vmul.f32 v23, v46;
	_ =	sdelay $0x1  }
0x533: {  	v1 =	vadd.f32 v10, v11;
	v10 =	vmul.f32 v16, v0;
	v0 =	vld [tilespmem:$0x1F5A0];
	_ =	sdelay $0x3  }
0x534: {  	v24 =	vld.idx.msk [tilespmem:v24+s4+$0x0], $0xffff  }
0x535: {  	v16 =	vadd.s32 $0x118C2, v0;
	v0 =	vld [tilespmem:$0x1F5B0];
	_ =	sdelay $0x4  }
0x536: {  	v24 =	vmul.f32 v24, v0;
	v0 =	vld [tilespmem:$0x1F5C0];
	_ =	sdelay $0x3  }
0x537: {  	v9 =	vadd.f32 v20, v9;
	v20 =	vld.idx.msk [tilespmem:v51+s4+$0x0], $0xffff  }
0x538: {  	v51 =	vadd.s32 $0x118C2, v0;
	v0 =	vld [tilespmem:$0x1F5D0];
	_ =	sdelay $0x2  }
0x539: {  	v7 =	vadd.f32 v12, v7  }
0x53a: {  	v19 =	vld.idx.msk [tilespmem:v33+s4+$0x0], $0xffff  }
0x53b: {  	v12 =	vadd.f32 v10, v7;
	v7 =	vadd.s32 $0x118C2, v0;
	v0 =	vld [tilespmem:$0x1F5E0];
	_ =	sdelay $0x4  }
0x53c: {  	v22 =	vadd.f32 v22, v14;
	v14 =	vmul.f32 v19, v0;
	v0 =	vld [tilespmem:$0x1F5F0];
	_ =	sdelay $0x4  }
0x53d: {  	v28 =	vmul.f32 v2, v0;
	v0 =	vld [tilespmem:$0x1F600];
	_ =	sdelay $0x4  }
0x53e: {  	v11 =	vadd.f32 v17, v9;
	v17 =	vadd.s32 $0x118C2, v0;
	v0 =	vld [tilespmem:$0x1F610];
	_ =	sdelay $0x4  }
0x53f: {  	v9 =	vmul.f32 v20, v0;
	v0 =	vld [tilespmem:$0x1F620];
	_ =	sdelay $0x2  }
0x540: {  	v23 =	vld.idx.msk [tilespmem:v49+s4+$0x0], $0xffff  }
0x541: {  	v10 =	vadd.f32 v24, v22;
	v22 =	vld.idx.msk [tilespmem:v18+s4+$0x0], $0xffff  }
0x542: {  	v18 =	vadd.s32 $0x118C2, v0;
	v0 =	vld [tilespmem:$0x1F630];
	_ =	sdelay $0x4  }
0x543: {  	v40 =	vmul.f32 v23, v0;
	v0 =	vld [tilespmem:$0x1F640];
	_ =	sdelay $0x4  }
0x544: {  	v20 =	vadd.s32 $0x118C2, v0;
	v0 =	vld.idx.msk [tilespmem:v51+s4+$0x0], $0xffff;
	_ =	sdelay $0x3  }
0x545: {  	v24 =	vld.idx.msk [tilespmem:v16+s4+$0x0], $0xffff  }
0x546: {  	[tilespmem:$0x1F650] =	vst v0;
	v0 =	vld [tilespmem:$0x1F660];
	_ =	sdelay $0x4  }
0x547: {  	v33 =	vadd.s32 $0x118C2, v0;
	v0 =	vld [tilespmem:$0x1F670];
	_ =	sdelay $0x4  }
0x548: {  	v0 =	vadd.s32 $0x118C2, v0  }
0x549: {  	[tilespmem:$0x1F680] =	vst v0  }
0x54a: {  	[tilespmem:s10+$0xFFFFFFE0] =	vst v29  }
0x54b: {  	v0 =	vld [tilespmem:$0x1F690];
	_ =	sdelay $0x3  }
0x54c: {  	s11 =	simm.s32 $0x1D1A0  }
0x54d: {  	[tilespmem:s11+$0x10] =	vst v0  }
0x54e: {  	v0 =	vld [tilespmem:$0x1F6A0];
	_ =	sdelay $0x4  }
0x54f: {  	v37 =	vld.idx.msk [tilespmem:v7+s4+$0x0], $0xffff;
	v0 =	vadd.s32 $0x118C2, v0  }
0x550: {  	v51 =	vld.idx.msk [tilespmem:v17+s4+$0x0], $0xffff;
	[tilespmem:$0x1F6B0] =	vst v0  }
0x551: {  	v44 =	vadd.s32 $0x118C2, v44;
	[tilespmem:s10+$0xFFFFFFF0] =	vst v27  }
0x552: {  	v42 =	vadd.s32 $0x118C2, v43;
	v30 =	vadd.s32 $0x118C2, v30;
	v41 =	vadd.s32 $0x118C2, v47;
	v0 =	vld [tilespmem:$0x1F6C0]  }
0x553: {  	v43 =	vmovc v55;
	v47 =	vadd.s32 $0x118C2, v34;
	v55 =	vadd.s32 $0x118C2, v6;
	v49 =	vadd.s32 $0x118C2, v54  }
0x554: {  	v54 =	vmovc v46;
	v46 =	vadd.s32 $0x118C2, v3;
	v2 =	vadd.s32 $0x118C2, v50;
	v50 =	vadd.s32 $0x118C2, v26;
	v16 =	vld.idx.msk [tilespmem:v18+s4+$0x0], $0xffff  }
0x555: {  	v23 =	vadd.s32 $0x118C2, v61;
	v61 =	vadd.s32 $0x118C2, v13;
	v17 =	vadd.s32 $0x118C2, v15;
	v15 =	vld.idx.msk [tilespmem:v20+s4+$0x0], $0xffff  }
0x556: {  	s12 =	simm.s32 $0x1D1E0;
	v29 =	vadd.s32 $0x118C2, v4;
	v4 =	vadd.s32 $0x118C2, v21;
	v18 =	vadd.s32 $0x118C2, v8;
	v6 =	vld.idx.msk [tilespmem:v44+s4+$0x0], $0xffff;
	[tilespmem:s10+$0x0] =	vst v1  }
0x557: {  	s13 =	simm.s32 $0x4;
	s14 =	simm.s32 $0x1B220;
	v26 =	vmovc v56;
	v27 =	vadd.s32 $0x118C2, v60;
	v1 =	vadd.s32 $0x118C2, v5;
	v7 =	vld.idx.msk [tilespmem:v33+s4+$0x0], $0xffff;
	[tilespmem:s12+$0x10] =	vst v0;
	v0 =	vadd.s32 $0x118C2, v31  }
.LBB2_5:
0x558: {  	v3 =	vld [tilespmem:$0x1F370];
	_ =	sdelay $0x3  }
0x559: {  	v13 =	vld [tilespmem:$0x1F140]  }
0x55a: {  	[tilespmem:$0x1F370] =	vst v3;
	v3 =	vadd.f32 v14, v11;
	v14 =	vld [tilespmem:$0x1F650];
	_ =	sdelay $0x2  }
0x55b: {  	v11 =	vld [tilespmem:$0x1F120];
	_ =	sdelay $0x1  }
0x55c: {  	v13 =	vmul.f32 v14, v13;
	v14 =	vld [tilespmem:$0x1F130];
	_ =	sdelay $0x2  }
0x55d: {  	v8 =	vadd.f32 v28, v12;
	v11 =	vmul.f32 v22, v11  }
0x55e: {  	v19 =	vld [tilespmem:$0x1F2E0]  }
0x55f: {  	v21 =	vmul.f32 v24, v14;
	v24 =	vadd.f32 v11, v8;
	v11 =	vld [tilespmem:$0x1F2F0];
	_ =	sdelay $0x4  }
0x560: {  	v16 =	vmul.f32 v16, v19;
	v28 =	vmul.f32 v15, v11  }
0x561: {  	v19 =	vld [tilespmem:$0x1F340];
	v22 =	vadd.f32 v9, v3;
	v3 =	vmov v26  }
0x562: {  	[tilespmem:$0x1F130] =	vst v3;
	v3 =	vadd.f32 v28, v16;
	_ =	sdelay $0x1  }
0x563: {  	[tilespmem:$0x1EED0] =	vst v3;
	v3 =	vld [tilespmem:$0x1F350]  }
0x564: {  	[tilespmem:$0x1EFD0] =	vst v63;
	s5 =	sadd.s32 $0x40, s5;
	v10 =	vadd.f32 v40, v10;
	v9 =	vmov v53  }
0x565: {  	v63 =	vmul.f32 v6, v19;
	[tilespmem:$0x1F090] =	vst v9;
	v9 =	vld [tilespmem:s5+$0xFFFFFFE0];
	v14 =	vmov v25  }
0x566: {  	s8 =	sadd.s32 $0x40, s8;
	v6 =	vadd.f32 v13, v22;
	v8 =	vmov v52;
	[tilespmem:$0x1F120] =	vst v14;
	v14 =	vld [tilespmem:s5+$0xFFFFFFF0];
	v15 =	vmul.f32 v37, v59  }
0x567: {  	v13 =	vmul.f32 v51, v39;
	[tilespmem:$0x1F140] =	vst v8;
	v8 =	vld [tilespmem:s8+$0xFFFFFFE0];
	v31 =	vadd.f32 v21, v10  }
0x568: {  	[tilespmem:s11+$0xFFFFFFE0] =	vst v6;
	v21 =	vld [tilespmem:s5+$0x0];
	v10 =	vmov v54;
	v3 =	vmul.f32 v7, v3;
	v7 =	vadd.f32 v15, v24  }
0x569: {  	[tilespmem:$0x1EF00] =	vst v10;
	v10 =	vld [tilespmem:s8+$0xFFFFFFF0];
	v6 =	vadd.f32 v13, v31  }
0x56a: {  	[tilespmem:s11+$0xFFFFFFF0] =	vst v7;
	v7 =	vadd.f32 v9, v9;
	v9 =	vld [tilespmem:s8+$0x0]  }
0x56b: {  	[tilespmem:s11+$0x0] =	vst v6;
	v6 =	vld [tilespmem:s14+$0xFFFFFFF0]  }
0x56c: {  	v2 =	vld.idx.msk [tilespmem:v2+s4+$0x0], $0xffff;
	_ =	sdelay $0x2  }
0x56d: {  	v20 =	vmov v43  }
0x56e: {  	[tilespmem:$0x1F0B0] =	vst v20;
	v20 =	vld [tilespmem:s5+$0x10]  }
0x56f: {  	[tilespmem:$0x1EDF0] =	vst v2;
	v2 =	vadd.f32 v6, v6;
	v6 =	vadd.f32 v9, v9;
	v9 =	vld [tilespmem:$0x1F680];
	_ =	sdelay $0x3  }
0x570: {  	v5 =	vld [tilespmem:s14+$0x10];
	v11 =	vmov v36  }
0x571: {  	v12 =	vmov v35;
	[tilespmem:$0x1EF80] =	vst v11;
	v11 =	vadd.f32 v20, v20;
	v19 =	vld.idx.msk [tilespmem:v23+s4+$0x0], $0xffff  }
0x572: {  	[tilespmem:$0x1F060] =	vst v12;
	v12 =	vld [tilespmem:s8+$0x10]  }
0x573: {  	v11 =	vadd.f32 $-1.000000000e+00, v11  }
0x574: {  	v9 =	vld.idx.msk [tilespmem:v9+s4+$0x0], $0xffff  }
0x575: {  	v11 =	vadd.f32 $1.000000000e+00, v11  }
0x576: {  	v5 =	vadd.f32 v5, v5;
	[tilespmem:$0x1EDE0] =	vst v19;
	v19 =	vld.idx.msk [tilespmem:v42+s4+$0x0], $0xffff  }
0x577: {  	v12 =	vadd.f32 v12, v12;
	v16 =	vadd.f32 v21, v21;
	v21 =	vld.idx.msk [tilespmem:v47+s4+$0x0], $0xffff;
	v11 =	vmul.f32 $1.600000000e+01, v11  }
0x578: {  	v5 =	vadd.f32 $-1.000000000e+00, v5  }
0x579: {  	v12 =	vadd.f32 $-1.000000000e+00, v12;
	[tilespmem:$0x1EE10] =	vst v9;
	v9 =	vmax.f32 v11, $0.0e+00  }
0x57a: {  	v5 =	vadd.f32 $1.000000000e+00, v5;
	v24 =	vld [tilespmem:$0x1F6B0];
	v9 =	vmin.f32 v9, $3.200000000e+01  }
0x57b: {  	v12 =	vadd.f32 $1.000000000e+00, v12;
	[tilespmem:$0x1EE70] =	vst v19;
	v19 =	vtrunc.f32 v9  }
0x57c: {  	v5 =	vmul.f32 $1.600000000e+01, v5;
	v13 =	vadd.f32 v14, v14;
	[tilespmem:$0x1EF20] =	vst v21;
	v21 =	vcvt.f32.s32 v19;
	v19 =	vld.idx.msk [tilespmem:v49+s4+$0x0], $0xffff  }
0x57d: {  	v12 =	vmul.f32 $1.600000000e+01, v12;
	v8 =	vadd.f32 v8, v8  }
0x57e: {  	v5 =	vmax.f32 v5, $0.0e+00;
	v17 =	vld.idx.msk [tilespmem:v17+s4+$0x0], $0xffff;
	v13 =	vadd.f32 $-1.000000000e+00, v13  }
0x57f: {  	v10 =	vadd.f32 v10, v10;
	v8 =	vadd.f32 $-1.000000000e+00, v8;
	v11 =	vmax.f32 v12, $0.0e+00;
	v12 =	vld.idx.msk [tilespmem:v41+s4+$0x0], $0xffff  }
0x580: {  	v5 =	vmin.f32 v5, $3.200000000e+01;
	v16 =	vadd.f32 $-1.000000000e+00, v16;
	v13 =	vadd.f32 $1.000000000e+00, v13;
	v18 =	vld.idx.msk [tilespmem:v18+s4+$0x0], $0xffff  }
0x581: {  	v10 =	vadd.f32 $-1.000000000e+00, v10;
	v8 =	vadd.f32 $1.000000000e+00, v8;
	v11 =	vmin.f32 v11, $3.200000000e+01;
	[tilespmem:$0x1EF40] =	vst v19;
	v19 =	vld.idx.msk [tilespmem:v30+s4+$0x0], $0xffff  }
0x582: {  	v16 =	vadd.f32 $1.000000000e+00, v16;
	v13 =	vmul.f32 $1.600000000e+01, v13;
	v24 =	vld.idx.msk [tilespmem:v24+s4+$0x0], $0xffff;
	v20 =	vtrunc.f32 v11  }
0x583: {  	[tilespmem:$0x1F050] =	vst v17;
	v10 =	vadd.f32 $1.000000000e+00, v10;
	v8 =	vmul.f32 $1.600000000e+01, v8;
	v25 =	vld.idx.msk [tilespmem:v50+s4+$0x0], $0xffff;
	v20 =	vcvt.f32.s32 v20  }
0x584: {  	v16 =	vmul.f32 $1.600000000e+01, v16;
	v15 =	vld [tilespmem:s14+$0xFFFFFFE0];
	[tilespmem:$0x1EE40] =	vst v12;
	v12 =	vtrunc.f32 v5;
	v22 =	vmul.u32 $0x21, v21  }
0x585: {  	v28 =	vld.idx.msk [tilespmem:v61+s4+$0x0], $0xffff;
	[tilespmem:$0x1F070] =	vst v18;
	v23 =	vmul.u32 $0x441, v20;
	v17 =	vcvt.s32.f32 v21;
	v12 =	vcvt.f32.s32 v12  }
0x586: {  	v18 =	vcvt.s32.f32 v20;
	[tilespmem:$0x1EF60] =	vst v19;
	v19 =	vadd.s32 $0x1, v21;
	v21 =	vadd.s32 $0x1, v20;
	v20 =	vld.idx.msk [tilespmem:v55+s4+$0x0], $0xffff  }
0x587: {  	v3 =	vadd.f32 v3, v63;
	v7 =	vadd.f32 $-1.000000000e+00, v7;
	[tilespmem:$0x1EFC0] =	vst v24;
	v24 =	vadd.s32 $0x1, v12  }
0x588: {  	v14 =	vld [tilespmem:s14+$0x0];
	[tilespmem:$0x1EFE0] =	vst v25;
	v25 =	vadd.s32 v22, v23;
	vm1 =	vlt.s32 v24, $0x20;
	vm0 =	vlt.s32 v19, $0x20  }
0x589: {  	v0 =	vld.idx.msk [tilespmem:v0+s4+$0x0], $0xffff;
	v11 =	vsub.f32 v11, v18;
	v26 =	vnsel vm1, $0x20, v24;
	v19 =	vnsel vm0, $0x20, v19  }
0x58a: {  	[tilespmem:$0x1F010] =	vst v28;
	v18 =	vld.idx.msk [tilespmem:v27+s4+$0x0], $0xffff;
	v28 =	vadd.s32 v26, v25;
	vm7 =	vlt.s32 v21, $0x20;
	v33 =	vmul.u32 $0x21, v19  }
0x58b: {  	v15 =	vadd.f32 v15, v15;
	v19 =	vadd.s32 v12, v25;
	[tilespmem:$0x1F0C0] =	vst v20;
	v20 =	vnsel vm7, $0x20, v21;
	v21 =	vld.idx.msk [tilespmem:v29+s4+$0x0], $0xffff  }
0x58c: {  	v1 =	vld.idx.msk [tilespmem:v1+s4+$0x0], $0xffff;
	v7 =	vadd.f32 $1.000000000e+00, v7;
	v24 =	vcvt.s32.f32 v12;
	v23 =	vadd.s32 v23, v33  }
0x58d: {  	[tilespmem:$0x1EE80] =	vst v48;
	v15 =	vadd.f32 $-1.000000000e+00, v15;
	v9 =	vsub.f32 v9, v17;
	v30 =	vadd.s32 v12, v23  }
0x58e: {  	[tilespmem:$0x1EF90] =	vst v0;
	v38 =	vadd.f32 $-1.000000000e+00, v2;
	v2 =	vld.idx.msk [tilespmem:v4+s4+$0x0], $0xffff;
	v5 =	vsub.f32 v5, v24;
	v17 =	vmul.u32 $0x441, v20  }
0x58f: {  	[tilespmem:$0x1EFB0] =	vst v18;
	v25 =	vsub.f32 $1.000000000e+00, v9;
	v27 =	vld.idx.msk [tilespmem:v28+s4+$0x0], $0xffff;
	v29 =	vadd.s32 v26, v23;
	v23 =	vsub.f32 $1.000000000e+00, v11  }
0x590: {  	v14 =	vadd.f32 v14, v14;
	v7 =	vmul.f32 $1.600000000e+01, v7;
	v18 =	vld.idx.msk [tilespmem:v19+s4+$0x0], $0xffff;
	[tilespmem:$0x1F0A0] =	vst v21;
	v21 =	vadd.s32 v22, v17  }
0x591: {  	[tilespmem:$0x1EFA0] =	vst v1;
	v1 =	vld.idx.msk [tilespmem:v46+s4+$0x0], $0xffff;
	v48 =	vsub.f32 $1.000000000e+00, v5;
	v0 =	vmul.f32 v23, v25;
	v31 =	vadd.s32 v12, v21  }
0x592: {  	[tilespmem:$0x1EF70] =	vst v32;
	v15 =	vadd.f32 $1.000000000e+00, v15;
	v6 =	vadd.f32 $-1.000000000e+00, v6;
	v50 =	vmul.f32 v23, v9;
	v49 =	vld.idx.msk [tilespmem:v30+s4+$0x0], $0xffff  }
0x593: {  	[tilespmem:$0x1F650] =	vst v2;
	v2 =	vmul.f32 v0, v48;
	v20 =	vmul.f32 v0, v5;
	v32 =	vadd.s32 v26, v21  }
0x594: {  	v14 =	vadd.f32 $-1.000000000e+00, v14;
	v4 =	vadd.s32 v33, v17;
	v0 =	vmul.f32 v50, v48;
	v51 =	vld.idx.msk [tilespmem:v29+s4+$0x0], $0xffff  }
0x595: {  	v33 =	vadd.s32 v12, v4;
	v12 =	vmul.f32 v2, v18;
	v18 =	vmul.f32 v20, v27  }
0x596: {  	v6 =	vadd.f32 $1.000000000e+00, v6;
	v34 =	vadd.s32 v26, v4;
	v4 =	vmul.f32 v11, v25;
	v27 =	vld.idx.msk [tilespmem:v31+s4+$0x0], $0xffff  }
0x597: {  	[tilespmem:$0x1EF10] =	vst v1;
	v1 =	vmul.f32 v50, v5;
	v12 =	vadd.f32 v18, v12;
	v25 =	vmul.f32 v0, v49  }
0x598: {  	v7 =	vmax.f32 v7, $0.0e+00;
	v38 =	vadd.f32 $1.000000000e+00, v38;
	v6 =	vmul.f32 $1.600000000e+01, v6;
	v52 =	vld.idx.msk [tilespmem:v32+s4+$0x0], $0xffff  }
0x599: {  	v21 =	vmul.f32 v4, v48;
	v12 =	vadd.f32 v12, v25;
	v25 =	vmul.f32 v1, v51  }
0x59a: {  	v14 =	vadd.f32 $1.000000000e+00, v14;
	v6 =	vmax.f32 v6, $0.0e+00;
	v9 =	vmul.f32 v11, v9;
	v53 =	vld.idx.msk [tilespmem:v33+s4+$0x0], $0xffff  }
0x59b: {  	v26 =	vmul.f32 v4, v5;
	v4 =	vadd.f32 v12, v25;
	v11 =	vmul.f32 v21, v27  }
0x59c: {  	v40 =	vmin.f32 v6, $3.200000000e+01;
	v54 =	vadd.s32 $0x8C61, v28;
	v28 =	vadd.s32 $0x118C2, v28;
	v12 =	vld.idx.msk [tilespmem:v34+s4+$0x0], $0xffff  }
0x59d: {  	v27 =	vmul.f32 v9, v48;
	v4 =	vadd.f32 v4, v11;
	v11 =	vmul.f32 v26, v52  }
0x59e: {  	[tilespmem:$0x1EEF0] =	vst v3;
	v44 =	vadd.s32 $0x8C61, v33;
	v3 =	vadd.s32 $0x8C61, v34;
	v25 =	vmul.f32 v9, v5  }
0x59f: {  	v9 =	vmul.f32 $1.600000000e+01, v10;
	v5 =	vmul.f32 v27, v53;
	v4 =	vadd.f32 v4, v11  }
0x5a0: {  	v10 =	vadd.s32 $0x8C61, v19;
	v11 =	vmul.f32 $1.600000000e+01, v15;
	v15 =	vmul.f32 $1.600000000e+01, v38  }
0x5a1: {  	v4 =	vadd.f32 v4, v5;
	v5 =	vmul.f32 v25, v12;
	v12 =	vmax.f32 v13, $0.0e+00  }
0x5a2: {  	v13 =	vmul.f32 $1.600000000e+01, v14;
	v14 =	vadd.s32 $0x8C61, v30;
	v36 =	vmin.f32 v12, $3.200000000e+01  }
0x5a3: {  	v4 =	vadd.f32 v4, v5;
	v5 =	vmax.f32 v8, $0.0e+00;
	v8 =	vmax.f32 v16, $0.0e+00  }
0x5a4: {  	v16 =	vmin.f32 v7, $3.200000000e+01;
	v7 =	vmax.f32 v9, $0.0e+00;
	v9 =	vadd.s32 $0x8C61, v29  }
0x5a5: {  	v56 =	vtrunc.f32 v36;
	v12 =	vmin.f32 v8, $3.200000000e+01;
	v8 =	vmax.f32 v11, $0.0e+00  }
0x5a6: {  	s9 =	sadd.s32 $0x40, s9;
	v38 =	vmin.f32 v5, $3.200000000e+01;
	v5 =	vmax.f32 v15, $0.0e+00;
	v15 =	vmin.f32 v7, $3.200000000e+01  }
0x5a7: {  	v11 =	vmax.f32 v13, $0.0e+00;
	v13 =	vadd.s32 $0x8C61, v31;
	v55 =	vtrunc.f32 v16;
	[tilespmem:s9+$0x10] =	vst v4  }
0x5a8: {  	[tilespmem:$0x1EF30] =	vst v57;
	v37 =	vcvt.f32.s32 v56;
	v7 =	vmin.f32 v8, $3.200000000e+01;
	v57 =	vtrunc.f32 v12;
	v4 =	vld.idx.msk [tilespmem:v10+s4+$0x0], $0xffff  }
0x5a9: {  	v59 =	vtrunc.f32 v38;
	v8 =	vmin.f32 v5, $3.200000000e+01;
	v5 =	vtrunc.f32 v15;
	v10 =	vld.idx.msk [tilespmem:v54+s4+$0x0], $0xffff  }
0x5aa: {  	v6 =	vmin.f32 v11, $3.200000000e+01;
	v11 =	vtrunc.f32 v40;
	v35 =	vcvt.f32.s32 v55  }
0x5ab: {  	[tilespmem:$0x1EF50] =	vst v58;
	v58 =	vadd.s32 $0x8C61, v32;
	v14 =	vld.idx.msk [tilespmem:v14+s4+$0x0], $0xffff;
	v39 =	vcvt.f32.s32 v57;
	v60 =	vtrunc.f32 v7  }
0x5ac: {  	v34 =	vadd.s32 $0x118C2, v34;
	v43 =	vcvt.f32.s32 v59;
	v61 =	vtrunc.f32 v8  }
0x5ad: {  	[tilespmem:$0x1EE20] =	vst v62;
	v30 =	vadd.s32 $0x118C2, v30;
	v47 =	vcvt.f32.s32 v5;
	v62 =	vtrunc.f32 v6;
	v9 =	vld.idx.msk [tilespmem:v9+s4+$0x0], $0xffff  }
0x5ae: {  	v29 =	vadd.s32 $0x118C2, v29;
	v4 =	vmul.f32 v2, v4;
	v10 =	vmul.f32 v20, v10  }
0x5af: {  	v31 =	vadd.s32 $0x118C2, v31;
	v49 =	vcvt.f32.s32 v11;
	v50 =	vcvt.s32.f32 v37;
	v13 =	vld.idx.msk [tilespmem:v13+s4+$0x0], $0xffff  }
0x5b0: {  	v24 =	vmul.u32 $0x21, v37;
	v4 =	vadd.f32 v10, v4;
	v10 =	vmul.f32 v14, v0  }
0x5b1: {  	v42 =	vadd.s32 $0x1, v35;
	v5 =	vcvt.f32.s32 v61;
	v22 =	vmul.u32 $0x21, v35;
	v14 =	vld.idx.msk [tilespmem:v58+s4+$0x0], $0xffff  }
0x5b2: {  	v63 =	vadd.s32 $0x1, v39;
	v9 =	vmul.f32 v9, v1;
	v4 =	vadd.f32 v4, v10  }
0x5b3: {  	vm8 =	vlt.s32 v42, $0x20;
	v48 =	vcvt.s32.f32 v43;
	v52 =	vcvt.s32.f32 v47;
	v10 =	vld.idx.msk [tilespmem:v44+s4+$0x0], $0xffff  }
0x5b4: {  	v17 =	vmul.u32 $0x21, v39;
	v11 =	vmul.f32 v13, v21;
	v9 =	vadd.f32 v4, v9  }
0x5b5: {  	v50 =	vsub.f32 v36, v50;
	vm2 =	vlt.s32 v63, $0x20;
	v56 =	vadd.s32 $0x1, v5;
	v13 =	vld.idx.msk [tilespmem:v3+s4+$0x0], $0xffff  }
0x5b6: {  	v42 =	vnsel vm8, $0x20, v42;
	v9 =	vadd.f32 v9, v11;
	v11 =	vmul.f32 v14, v26  }
0x5b7: {  	v41 =	vnsel vm2, $0x20, v63;
	vm11 =	vlt.s32 v56, $0x20;
	v51 =	vsub.f32 v38, v48  }
0x5b8: {  	v59 =	vsub.f32 $1.000000000e+00, v50;
	v10 =	vmul.f32 v10, v27;
	v9 =	vadd.f32 v9, v11  }
0x5b9: {  	v56 =	vnsel vm11, $0x20, v56;
	v3 =	vcvt.f32.s32 v62;
	v62 =	vcvt.s32.f32 v39  }
0x5ba: {  	v11 =	vmul.f32 v13, v25;
	v13 =	vadd.s32 $0x118C2, v19;
	v10 =	vadd.f32 v9, v10  }
0x5bb: {  	v39 =	vmul.u32 $0x441, v49;
	v44 =	vadd.s32 $0x1, v37;
	v37 =	vmul.u32 $0x441, v47  }
0x5bc: {  	vm9 =	vlt.s32 v44, $0x20;
	v61 =	vadd.s32 $0x1, v3;
	v10 =	vadd.f32 v10, v11  }
0x5bd: {  	s10 =	sadd.s32 $0x40, s10;
	v53 =	vsub.f32 v12, v62;
	v48 =	vcvt.s32.f32 v3;
	v4 =	vcvt.f32.s32 v60  }
0x5be: {  	v60 =	vmul.u32 $0x441, v43;
	v44 =	vnsel vm9, $0x20, v44;
	vm12 =	vlt.s32 v61, $0x20;
	[tilespmem:s10+$0x10] =	vst v10  }
0x5bf: {  	v18 =	vmul.u32 $0x21, v44;
	v14 =	vcvt.s32.f32 v35;
	v55 =	vadd.s32 $0x1, v4;
	v13 =	vld.idx.msk [tilespmem:v13+s4+$0x0], $0xffff  }
0x5c0: {  	vm10 =	vlt.s32 v55, $0x20;
	v19 =	vcvt.s32.f32 v49;
	v9 =	vsub.f32 v15, v52;
	v63 =	vld.idx.msk [tilespmem:v28+s4+$0x0], $0xffff  }
0x5c1: {  	[tilespmem:$0x1EE50] =	vst v45;
	v45 =	vsub.f32 v16, v14;
	v16 =	vcvt.s32.f32 v4;
	v15 =	vadd.s32 $0x118C2, v32;
	v14 =	vld.idx.msk [tilespmem:v30+s4+$0x0], $0xffff  }
0x5c2: {  	v54 =	vsub.f32 v40, v19;
	v19 =	vadd.s32 $0x118C2, v33;
	v44 =	vsub.f32 $1.000000000e+00, v9;
	v12 =	vld.idx.msk [tilespmem:v29+s4+$0x0], $0xffff  }
0x5c3: {  	v32 =	vmul.u32 $0x21, v42;
	v58 =	vsub.f32 $1.000000000e+00, v45;
	v42 =	vsub.f32 $1.000000000e+00, v51;
	v62 =	vld.idx.msk [tilespmem:v31+s4+$0x0], $0xffff  }
0x5c4: {  	v57 =	vsub.f32 v7, v16;
	v7 =	vadd.s32 v37, v18;
	v33 =	vmul.f32 v44, v59  }
0x5c5: {  	v59 =	vmul.f32 v9, v59;
	v29 =	vcvt.s32.f32 v5;
	v30 =	vnsel vm10, $0x20, v55  }
0x5c6: {  	v31 =	vnsel vm12, $0x20, v61;
	v2 =	vmul.f32 v13, v2;
	v13 =	vmul.f32 v63, v20  }
0x5c7: {  	v20 =	vmul.u32 $0x21, v41;
	v0 =	vmul.f32 v14, v0;
	v14 =	vadd.s32 v22, v60  }
0x5c8: {  	v34 =	vld.idx.msk [tilespmem:v34+s4+$0x0], $0xffff;
	v12 =	vmul.f32 v12, v1;
	v38 =	vmul.f32 v62, v21;
	v2 =	vadd.f32 v13, v2  }
0x5c9: {  	v62 =	vsub.f32 $1.000000000e+00, v57;
	v11 =	vadd.s32 v30, v14;
	v13 =	vld.idx.msk [tilespmem:v15+s4+$0x0], $0xffff;
	v15 =	vadd.s32 v24, v37  }
0x5ca: {  	v37 =	vmul.f32 v44, v50;
	v1 =	vadd.s32 v5, v15;
	v0 =	vadd.f32 v0, v2  }
0x5cb: {  	v10 =	vadd.s32 v56, v15;
	v15 =	vadd.s32 $0x1, v43;
	v2 =	vadd.s32 v4, v14  }
0x5cc: {  	v63 =	vld.idx.msk [tilespmem:v19+s4+$0x0], $0xffff;
	v14 =	vadd.s32 v17, v39;
	vm13 =	vlt.s32 v15, $0x20;
	v12 =	vadd.f32 v12, v0  }
0x5cd: {  	v19 =	vadd.s32 v3, v14;
	v0 =	vadd.s32 v31, v14;
	v14 =	vmul.f32 v34, v25  }
0x5ce: {  	v13 =	vmul.f32 v13, v26;
	v26 =	vadd.s32 $0x1, v47;
	v12 =	vadd.f32 v38, v12  }
0x5cf: {  	v34 =	vsub.f32 $1.000000000e+00, v54;
	v38 =	vadd.s32 $0x1, v49;
	vm14 =	vlt.s32 v26, $0x20  }
0x5d0: {  	v49 =	vadd.s32 v56, v7;
	vm15 =	vlt.s32 v38, $0x20;
	v12 =	vadd.f32 v13, v12  }
0x5d1: {  	v13 =	vmul.f32 v63, v27;
	v27 =	vadd.s32 v60, v32;
	v60 =	vsub.f32 $1.000000000e+00, v53  }
0x5d2: {  	[tilespmem:$0x1EDB0] =	vst v0;
	v41 =	vnsel vm15, $0x20, v38;
	v36 =	vld.idx.msk [tilespmem:v0+s4+$0x0], $0xffff;
	v0 =	vadd.s32 v5, v7;
	v47 =	vadd.s32 v30, v27  }
0x5d3: {  	[tilespmem:$0x1ED50] =	vst v20;
	v12 =	vadd.f32 v13, v12;
	v13 =	vsub.f32 v8, v29;
	v8 =	vadd.s32 v39, v20  }
0x5d4: {  	[tilespmem:$0x1ED80] =	vst v1;
	v52 =	vmul.f32 v34, v60;
	v20 =	vmul.u32 $0x441, v41;
	v34 =	vmul.f32 v34, v53  }
0x5d5: {  	v55 =	vld.idx.msk [tilespmem:v1+s4+$0x0], $0xffff;
	v60 =	vmul.f32 v54, v60;
	v1 =	vadd.s32 v3, v8;
	v46 =	vadd.s32 v31, v8  }
0x5d6: {  	v12 =	vadd.f32 v14, v12;
	v14 =	vsub.f32 v6, v48;
	v48 =	vadd.s32 v4, v27  }
0x5d7: {  	s11 =	smov.u32 s12;
	s12 =	sadd.s32 $0x40, s12;
	[tilespmem:$0x1ED70] =	vst v11;
	v25 =	vld.idx.msk [tilespmem:v10+s4+$0x0], $0xffff;
	v6 =	vnsel vm13, $0x20, v15;
	v15 =	vsub.f32 $1.000000000e+00, v13;
	v39 =	vadd.s32 v17, v20  }
0x5d8: {  	v29 =	vld.idx.msk [tilespmem:v19+s4+$0x0], $0xffff;
	v61 =	vmul.u32 $0x441, v6;
	[tilespmem:s12+$0x10] =	vst v12;
	v12 =	vnsel vm14, $0x20, v26;
	v26 =	vmul.f32 v42, v58  }
0x5d9: {  	[tilespmem:$0x1EDA0] =	vst v19;
	v8 =	vld [tilespmem:$0x1ED50];
	v28 =	vadd.s32 v3, v39;
	v19 =	vmul.f32 v33, v15;
	v33 =	vmul.f32 v33, v13  }
0x5da: {  	[tilespmem:$0x1ED90] =	vst v10;
	v35 =	vld.idx.msk [tilespmem:v11+s4+$0x0], $0xffff;
	v16 =	vsub.f32 $1.000000000e+00, v14;
	v58 =	vmul.f32 v51, v58;
	v6 =	vmul.f32 v34, v14  }
0x5db: {  	[tilespmem:$0x1ED60] =	vst v2;
	v43 =	vld.idx.msk [tilespmem:v2+s4+$0x0], $0xffff;
	v63 =	vmul.u32 $0x441, v12;
	v22 =	vadd.s32 v22, v61;
	v10 =	vmul.f32 v26, v62  }
0x5dc: {  	[tilespmem:$0x1EDC0] =	vst v0;
	v61 =	vadd.s32 v32, v61;
	v11 =	vmul.f32 v26, v57;
	v40 =	vmul.f32 v52, v16  }
0x5dd: {  	[tilespmem:$0x1EDD0] =	vst v1;
	v52 =	vmul.f32 v52, v14;
	v26 =	vmul.f32 v42, v45;
	v12 =	vadd.s32 v4, v22  }
0x5de: {  	v21 =	vld.idx.msk [tilespmem:v0+s4+$0x0], $0xffff;
	v25 =	vmul.f32 v33, v25;
	v2 =	vmul.f32 v34, v16;
	v20 =	vadd.s32 v8, v20  }
0x5df: {  	v41 =	vld.idx.msk [tilespmem:v47+s4+$0x0], $0xffff;
	v44 =	vadd.s32 v30, v22;
	v17 =	vadd.s32 v30, v61;
	v34 =	vadd.s32 v3, v20  }
0x5e0: {  	v0 =	vld.idx.msk [tilespmem:v49+s4+$0x0], $0xffff;
	v3 =	vmul.f32 v60, v16;
	v8 =	vadd.s32 v31, v20;
	v20 =	vmul.f32 v51, v45  }
0x5e1: {  	v23 =	vld.idx.msk [tilespmem:v1+s4+$0x0], $0xffff;
	v24 =	vadd.s32 v24, v63;
	v42 =	vmul.f32 v10, v43;
	v35 =	vmul.f32 v11, v35  }
0x5e2: {  	v1 =	vld.idx.msk [tilespmem:v46+s4+$0x0], $0xffff;
	v63 =	vadd.s32 v18, v63;
	v43 =	vmul.f32 v19, v55;
	v29 =	vmul.f32 v40, v29  }
0x5e3: {  	v27 =	vld.idx.msk [tilespmem:v48+s4+$0x0], $0xffff;
	v38 =	vadd.s32 v5, v24;
	v55 =	vmul.f32 v26, v62;
	v7 =	vmul.f32 v26, v57  }
0x5e4: {  	[tilespmem:$0x1EE90] =	vst v6;
	v36 =	vmul.f32 v52, v36;
	v24 =	vadd.s32 v56, v24;
	v42 =	vadd.f32 v35, v42  }
0x5e5: {  	v18 =	vld [tilespmem:$0x1ED80];
	[tilespmem:$0x1EE00] =	vst v2;
	v35 =	vmul.f32 v37, v15;
	v25 =	vadd.f32 v25, v43;
	v32 =	vmul.f32 v7, v41  }
0x5e6: {  	v43 =	vadd.s32 v31, v39;
	v39 =	vld.idx.msk [tilespmem:v28+s4+$0x0], $0xffff;
	v23 =	vmul.f32 v2, v23;
	v2 =	vmul.f32 v37, v13  }
0x5e7: {  	v5 =	vadd.s32 v5, v63;
	[tilespmem:$0x1EE30] =	vst v7;
	v7 =	vld [tilespmem:$0x1ED70];
	v1 =	vmul.f32 v6, v1;
	v6 =	vmul.f32 v58, v62  }
0x5e8: {  	v36 =	vadd.f32 v36, v29;
	v22 =	vld.idx.msk [tilespmem:v12+s4+$0x0], $0xffff;
	v37 =	vmul.f32 v20, v57;
	v27 =	vmul.f32 v55, v27  }
0x5e9: {  	v56 =	vadd.s32 v56, v63;
	v21 =	vmul.f32 v35, v21;
	v29 =	vld.idx.msk [tilespmem:v38+s4+$0x0], $0xffff;
	v0 =	vmul.f32 v2, v0  }
0x5ea: {  	v41 =	vld.idx.msk [tilespmem:v24+s4+$0x0], $0xffff;
	v23 =	vadd.f32 v36, v23;
	v36 =	vadd.s32 v4, v61;
	v4 =	vmul.f32 v59, v15  }
0x5eb: {  	[tilespmem:$0x1EE60] =	vst v2;
	v61 =	vmul.f32 v9, v50;
	v9 =	vld [tilespmem:$0x1ED60];
	v27 =	vadd.f32 v42, v27;
	v21 =	vadd.f32 v25, v21  }
0x5ec: {  	v42 =	vld.idx.msk [tilespmem:v44+s4+$0x0], $0xffff;
	v25 =	vmul.f32 v60, v14;
	v1 =	vadd.f32 v23, v1;
	v23 =	vmul.f32 v3, v39  }
0x5ed: {  	v2 =	vld.idx.msk [tilespmem:v43+s4+$0x0], $0xffff;
	v30 =	vmul.f32 v61, v15;
	v27 =	vadd.f32 v27, v32;
	v0 =	vadd.f32 v21, v0  }
0x5ee: {  	v21 =	vmul.f32 v6, v22;
	v32 =	vmul.f32 v59, v13;
	v1 =	vadd.f32 v1, v23;
	v23 =	vld.idx.msk [tilespmem:v17+s4+$0x0], $0xffff  }
0x5ef: {  	[tilespmem:$0x1EEB0] =	vst v4;
	v22 =	vmul.f32 v4, v29;
	v4 =	vmul.f32 v58, v57;
	v29 =	vld.idx.msk [tilespmem:v36+s4+$0x0], $0xffff  }
0x5f0: {  	v31 =	vmul.f32 v61, v13;
	v21 =	vadd.f32 v27, v21;
	v27 =	vld.idx.msk [tilespmem:v5+s4+$0x0], $0xffff;
	v41 =	vmul.f32 v32, v41  }
0x5f1: {  	v58 =	vmovc v5;
	v5 =	vld [tilespmem:$0x1ED90];
	v0 =	vadd.f32 v0, v22;
	v22 =	vmul.f32 v54, v53;
	v42 =	vmul.f32 v4, v42  }
0x5f2: {  	v63 =	vld.idx.msk [tilespmem:v34+s4+$0x0], $0xffff;
	v59 =	vadd.s32 $0x8C61, v9;
	v53 =	vmul.f32 v20, v62;
	v2 =	vmul.f32 v25, v2  }
0x5f3: {  	v15 =	vld.idx.msk [tilespmem:v56+s4+$0x0], $0xffff;
	v9 =	vadd.s32 $0x118C2, v9;
	v20 =	vadd.s32 $0x8C61, v7;
	v21 =	vadd.f32 v21, v42  }
0x5f4: {  	v26 =	vmul.f32 v22, v16;
	v1 =	vadd.f32 v1, v2;
	v2 =	vld.idx.msk [tilespmem:v8+s4+$0x0], $0xffff;
	v16 =	vmul.f32 v53, v29  }
0x5f5: {  	v51 =	vld [tilespmem:$0x1EDA0];
	[tilespmem:$0x1EEC0] =	vst v3;
	v0 =	vadd.f32 v0, v41;
	v54 =	vmul.f32 v22, v14;
	v14 =	vmul.f32 v37, v23  }
0x5f6: {  	[tilespmem:$0x1EEA0] =	vst v6;
	v3 =	vld [tilespmem:$0x1EDC0];
	v27 =	vmul.f32 v30, v27;
	v22 =	vadd.s32 $0x8C61, v5;
	v16 =	vadd.f32 v21, v16  }
0x5f7: {  	v6 =	vld [tilespmem:$0x1EDB0];
	[tilespmem:$0x1EFF0] =	vst v9;
	v29 =	vadd.s32 $0x8C61, v48;
	v5 =	vadd.s32 $0x118C2, v5;
	v13 =	vmul.f32 v26, v63  }
0x5f8: {  	v9 =	vld [tilespmem:$0x1EDE0];
	[tilespmem:$0x1EEE0] =	vst v4;
	v0 =	vadd.f32 v0, v27;
	v21 =	vadd.s32 $0x8C61, v18;
	v14 =	vadd.f32 v16, v14  }
0x5f9: {  	v4 =	vld [tilespmem:$0x1EDD0];
	[tilespmem:$0x1F080] =	vst v5;
	v1 =	vadd.f32 v1, v13;
	v13 =	vmul.f32 v31, v15;
	v2 =	vmul.f32 v54, v2  }
0x5fa: {  	v61 =	vadd.s32 $0x8C61, v46;
	v5 =	vadd.s32 $0x118C2, v46;
	v46 =	vld [tilespmem:$0x1EE60];
	[tilespmem:s9+$0xFFFFFFE0] =	vst v14  }
0x5fb: {  	v60 =	vadd.s32 $0x8C61, v49;
	v0 =	vadd.f32 v0, v13;
	v1 =	vadd.f32 v1, v2;
	v2 =	vld.idx.msk [tilespmem:v59+s4+$0x0], $0xffff  }
0x5fc: {  	v20 =	vld.idx.msk [tilespmem:v20+s4+$0x0], $0xffff  }
0x5fd: {  	v23 =	vadd.s32 $0x8C61, v51;
	[tilespmem:s9+$0xFFFFFFF0] =	vst v0;
	v29 =	vld.idx.msk [tilespmem:v29+s4+$0x0], $0xffff  }
0x5fe: {  	v27 =	vadd.s32 $0x8C61, v6;
	v21 =	vld.idx.msk [tilespmem:v21+s4+$0x0], $0xffff  }
0x5ff: {  	[tilespmem:$0x1F030] =	vst v8;
	v42 =	vadd.s32 $0x8C61, v4;
	v14 =	vadd.s32 $0x8C61, v8;
	v8 =	vadd.s32 $0x118C2, v12;
	v22 =	vld.idx.msk [tilespmem:v22+s4+$0x0], $0xffff  }
0x600: {  	v41 =	vadd.s32 $0x8C61, v3;
	[tilespmem:$0x1F6B0] =	vst v8;
	v8 =	vld.idx.msk [tilespmem:v60+s4+$0x0], $0xffff  }
0x601: {  	v0 =	vadd.s32 $0x8C61, v38;
	[tilespmem:s9+$0x0] =	vst v1;
	v60 =	vld [tilespmem:$0x1EEE0]  }
0x602: {  	[tilespmem:$0x1F000] =	vst v17;
	v7 =	vadd.s32 $0x118C2, v7;
	v16 =	vmovc v58;
	v59 =	vadd.s32 $0x8C61, v58;
	v58 =	vadd.s32 $0x8C61, v17;
	v17 =	vld.idx.msk [tilespmem:v23+s4+$0x0], $0xffff  }
0x603: {  	[tilespmem:$0x1F020] =	vst v7;
	v7 =	vadd.s32 $0x118C2, v18;
	v27 =	vld.idx.msk [tilespmem:v27+s4+$0x0], $0xffff  }
0x604: {  	[tilespmem:$0x1F040] =	vst v7;
	v7 =	vld.idx.msk [tilespmem:v42+s4+$0x0], $0xffff  }
0x605: {  	v18 =	vmul.f32 v10, v2;
	v2 =	vadd.s32 $0x118C2, v48;
	v48 =	vld.idx.msk [tilespmem:v41+s4+$0x0], $0xffff  }
0x606: {  	v0 =	vld.idx.msk [tilespmem:v0+s4+$0x0], $0xffff  }
0x607: {  	[tilespmem:$0x1F340] =	vst v19;
	v1 =	vadd.s32 $0x8C61, v28;
	v41 =	vadd.s32 $0x118C2, v3;
	v3 =	vadd.s32 $0x118C2, v4;
	v4 =	vld [tilespmem:$0x1EE30]  }
0x608: {  	[tilespmem:$0x1F680] =	vst v2;
	v2 =	vadd.s32 $0x118C2, v6;
	v6 =	vmul.f32 v19, v21;
	v19 =	vld [tilespmem:$0x1EDF0]  }
0x609: {  	v50 =	vadd.s32 $0x8C61, v47;
	v21 =	vmul.f32 v33, v22;
	v22 =	vld [tilespmem:$0x1F380]  }
0x60a: {  	v42 =	vmov v3;
	v3 =	vld [tilespmem:$0x1EE00]  }
0x60b: {  	v39 =	vadd.s32 $0x8C61, v12;
	v12 =	vmul.f32 v40, v17;
	v17 =	vld [tilespmem:$0x1F370]  }
0x60c: {  	v20 =	vmul.f32 v11, v20;
	v1 =	vld.idx.msk [tilespmem:v1+s4+$0x0], $0xffff  }
0x60d: {  	[tilespmem:$0x1F350] =	vst v33;
	v33 =	vld [tilespmem:$0x1EE90]  }
0x60e: {  	v18 =	vadd.f32 v20, v18;
	v20 =	vld.idx.msk [tilespmem:v50+s4+$0x0], $0xffff  }
0x60f: {  	v6 =	vadd.f32 v21, v6;
	v21 =	vld.idx.msk [tilespmem:v61+s4+$0x0], $0xffff  }
0x610: {  	[tilespmem:$0x1F2E0] =	vst v10;
	v61 =	vadd.s32 $0x118C2, v28;
	v28 =	vld [tilespmem:$0x1EEB0];
	v22 =	vmul.f32 v19, v22;
	v17 =	vmul.f32 v9, v17;
	v9 =	vmovc v40  }
0x611: {  	v19 =	vld [tilespmem:$0x1EED0];
	[tilespmem:$0x1F370] =	vst v9;
	v9 =	vmul.f32 v52, v27;
	v27 =	vmul.f32 v29, v55  }
0x612: {  	[tilespmem:$0x1F2F0] =	vst v11;
	v10 =	vmov v52;
	v11 =	vadd.f32 v22, v17;
	v17 =	vld [tilespmem:$0x1EE10]  }
0x613: {  	[tilespmem:$0x1F380] =	vst v10;
	v10 =	vmul.f32 v48, v35;
	v9 =	vadd.f32 v9, v12;
	v12 =	vadd.f32 v18, v27;
	v18 =	vld [tilespmem:$0x1EE20]  }
0x614: {  	v62 =	vadd.s32 $0x8C61, v24;
	v7 =	vmul.f32 v7, v3;
	v48 =	vmov v3;
	v3 =	vld [tilespmem:$0x1EEF0]  }
0x615: {  	v6 =	vadd.f32 v6, v10;
	v10 =	vld [tilespmem:$0x1EE40]  }
0x616: {  	v57 =	vadd.s32 $0x8C61, v44;
	v40 =	vld [tilespmem:$0x1EEA0]  }
0x617: {  	v29 =	vld.idx.msk [tilespmem:v39+s4+$0x0], $0xffff  }
0x618: {  	v22 =	vmul.f32 v17, v18;
	v18 =	vld [tilespmem:$0x1EE50]  }
0x619: {  	v27 =	vld.idx.msk [tilespmem:v62+s4+$0x0], $0xffff  }
0x61a: {  	v45 =	vadd.s32 $0x8C61, v43;
	v7 =	vadd.f32 v9, v7;
	v9 =	vld [tilespmem:$0x1EE70];
	v17 =	vmul.f32 v20, v4  }
0x61b: {  	v63 =	vadd.s32 $0x8C61, v36;
	v15 =	vadd.s32 $0x8C61, v34;
	v8 =	vmul.f32 v8, v46;
	v20 =	vld.idx.msk [tilespmem:v57+s4+$0x0], $0xffff  }
0x61c: {  	v21 =	vmul.f32 v21, v33;
	v12 =	vadd.f32 v12, v17;
	v17 =	vadd.s32 $0x118C2, v44;
	v44 =	vld [tilespmem:$0x1EEC0]  }
0x61d: {  	v0 =	vmul.f32 v0, v28;
	v6 =	vadd.f32 v6, v8;
	v10 =	vmul.f32 v10, v18;
	v18 =	vld [tilespmem:$0x1EE80]  }
0x61e: {  	v7 =	vadd.f32 v7, v21;
	v21 =	vadd.f32 v22, v19;
	v19 =	vld [tilespmem:$0x1EF20]  }
0x61f: {  	v0 =	vadd.f32 v6, v0;
	v6 =	vadd.f32 v10, v3;
	v3 =	vld [tilespmem:$0x1EF30]  }
0x620: {  	v15 =	vld.idx.msk [tilespmem:v15+s4+$0x0], $0xffff;
	v29 =	vmul.f32 v29, v40  }
0x621: {  	v13 =	vadd.s32 $0x8C61, v56;
	v39 =	vld.idx.msk [tilespmem:v45+s4+$0x0], $0xffff;
	v1 =	vmul.f32 v1, v44;
	v10 =	vmul.f32 v27, v32  }
0x622: {  	v57 =	vld.idx.msk [tilespmem:v63+s4+$0x0], $0xffff;
	v12 =	vadd.f32 v12, v29;
	v20 =	vmul.f32 v20, v60;
	v9 =	vmul.f32 v9, v18  }
0x623: {  	v1 =	vadd.f32 v7, v1;
	v0 =	vadd.f32 v0, v10;
	v10 =	vld [tilespmem:$0x1EF40]  }
0x624: {  	v7 =	vadd.f32 v9, v11;
	v9 =	vadd.f32 v12, v20;
	v20 =	vmul.f32 v19, v3;
	v3 =	vld [tilespmem:$0x1EF50]  }
0x625: {  	v8 =	vld.idx.msk [tilespmem:v59+s4+$0x0], $0xffff  }
0x626: {  	v13 =	vld.idx.msk [tilespmem:v13+s4+$0x0], $0xffff  }
0x627: {  	v22 =	vld.idx.msk [tilespmem:v58+s4+$0x0], $0xffff  }
0x628: {  	v62 =	vmovc v55;
	v18 =	vadd.s32 $0x118C2, v24;
	v24 =	vmul.f32 v57, v53;
	v57 =	vmov v4;
	v4 =	vld [tilespmem:$0x1EFC0]  }
0x629: {  	v55 =	vadd.s32 $0x118C2, v43;
	v43 =	vmovc v25;
	v11 =	vmul.f32 v39, v25;
	v25 =	vmovc v30;
	v10 =	vmul.f32 v10, v3;
	v3 =	vld [tilespmem:$0x1EFD0]  }
0x62a: {  	v8 =	vmul.f32 v8, v25  }
0x62b: {  	v12 =	vld.idx.msk [tilespmem:v14+s4+$0x0], $0xffff  }
0x62c: {  	v13 =	vmul.f32 v13, v31;
	v52 =	vmov v37;
	v8 =	vadd.f32 v0, v8  }
0x62d: {  	v15 =	vmul.f32 v15, v26;
	v22 =	vmul.f32 v22, v52;
	v1 =	vadd.f32 v1, v11  }
0x62e: {  	v9 =	vadd.f32 v9, v24;
	v8 =	vadd.f32 v8, v13;
	v13 =	vmul.f32 v4, v3;
	v3 =	vld [tilespmem:$0x1F020]  }
0x62f: {  	v30 =	vmov v5;
	v5 =	vld [tilespmem:$0x1F010]  }
0x630: {  	v1 =	vadd.f32 v1, v15;
	v9 =	vadd.f32 v9, v22;
	v12 =	vmul.f32 v12, v54;
	[tilespmem:s10+$0xFFFFFFF0] =	vst v8;
	v8 =	vld [tilespmem:$0x1F470];
	_ =	sdelay $0x1  }
0x631: {  	v19 =	vld [tilespmem:$0x1EF70];
	[tilespmem:s10+$0xFFFFFFE0] =	vst v9;
	v9 =	vadd.f32 v1, v12  }
0x632: {  	v11 =	vld [tilespmem:$0x1EF60]  }
0x633: {  	[tilespmem:s10+$0x0] =	vst v9;
	v9 =	vld [tilespmem:$0x1F480]  }
0x634: {  	v8 =	vmul.f32 v5, v8;
	v5 =	vld [tilespmem:$0x1F050]  }
0x635: {  	v15 =	vld.idx.msk [tilespmem:v3+s4+$0x0], $0xffff  }
0x636: {  	v3 =	vld [tilespmem:$0x1F030]  }
0x637: {  	v1 =	vld [tilespmem:$0x1F450]  }
0x638: {  	v4 =	vld [tilespmem:$0x1EFE0]  }
0x639: {  	v14 =	vmul.f32 v5, v9;
	v9 =	vld [tilespmem:$0x1F060]  }
0x63a: {  	v5 =	vld [tilespmem:$0x1F070]  }
0x63b: {  	v58 =	vmov v46;
	v11 =	vmul.f32 v11, v19;
	v46 =	vadd.s32 $0x118C2, v3;
	v3 =	vld [tilespmem:$0x1F040];
	_ =	sdelay $0x1  }
0x63c: {  	v6 =	vadd.f32 v10, v6;
	v7 =	vadd.f32 v11, v7;
	v10 =	vmul.f32 v4, v1  }
0x63d: {  	v1 =	vld [tilespmem:$0x1EFF0]  }
0x63e: {  	v12 =	vadd.f32 v10, v6;
	v10 =	vadd.f32 v8, v7;
	v8 =	vld [tilespmem:$0x1F090]  }
0x63f: {  	v11 =	vmov v28;
	v28 =	vmul.f32 v5, v9;
	v5 =	vld [tilespmem:$0x1F0A0]  }
0x640: {  	v23 =	vadd.s32 $0x118C2, v51;
	v51 =	vld [tilespmem:$0x1EF10]  }
0x641: {  	v37 =	vld [tilespmem:$0x1EFA0]  }
0x642: {  	v6 =	vld.idx.msk [tilespmem:v3+s4+$0x0], $0xffff  }
0x643: {  	v3 =	vld [tilespmem:$0x1F080]  }
0x644: {  	v9 =	vmul.f32 v5, v8;
	v8 =	vld [tilespmem:$0x1F0B0]  }
0x645: {  	v5 =	vld [tilespmem:$0x1F0C0]  }
0x646: {  	s13 =	sadd.s32 $0x4, s13;
	v27 =	vadd.s32 $0x118C2, v16;
	v16 =	vld.idx.msk [tilespmem:v1+s4+$0x0], $0xffff  }
0x647: {  	p0 =	slt.u32 s13, $0x3C;
	v1 =	vld [tilespmem:$0x1F000]  }
.Ltmp1:
0x648: {  	v59 =	vld [tilespmem:$0x1EF80];
	(pc) =	sbr.rel @p0 .LBB2_5-.Ltmp1, $4  }
0x649: {  	v47 =	vadd.s32 $0x118C2, v47;
	v49 =	vadd.s32 $0x118C2, v49;
	v50 =	vadd.s32 $0x118C2, v38;
	v39 =	vld [tilespmem:$0x1EF00]  }
0x64a: {  	v63 =	vmovc v40;
	v24 =	vld [tilespmem:$0x1EF90];
	v20 =	vadd.f32 v20, v21;
	[tilespmem:$0x1F450] =	vst v11;
	v40 =	vmul.f32 v5, v8;
	v8 =	vmov v44  }
0x64b: {  	v45 =	vmovc v35;
	v35 =	vmovc v32;
	v29 =	vadd.s32 $0x118C2, v36;
	v0 =	vadd.s32 $0x118C2, v34;
	[tilespmem:$0x1F470] =	vst v8;
	v7 =	vld.idx.msk [tilespmem:v3+s4+$0x0], $0xffff;
	v3 =	vmov v60  }
0x64c: {  	s14 =	sadd.s32 $0x40, s14;
	v36 =	vmovc v31;
	v32 =	vmovc v33;
	v22 =	vld [tilespmem:$0x1EFB0];
	v11 =	vadd.f32 v13, v20;
	v4 =	vadd.s32 $0x118C2, v1;
	v1 =	vadd.s32 $0x118C2, v56;
	[tilespmem:$0x1F480] =	vst v3  }
0x64d: {  	_ =	sdelay $0x3  }
0x64e: {  	v3 =	vld.idx.msk [tilespmem:v23+s4+$0x0], $0xffff  }
0x64f: {  	v2 =	vld.idx.msk [tilespmem:v2+s4+$0x0], $0xffff  }
0x650: {  	v5 =	vld [tilespmem:$0x1F680]  }
0x651: {  	v8 =	vld.idx.msk [tilespmem:v41+s4+$0x0], $0xffff  }
0x652: {  	v13 =	vld.idx.msk [tilespmem:v42+s4+$0x0], $0xffff  }
0x653: {  	v19 =	vld.idx.msk [tilespmem:v47+s4+$0x0], $0xffff  }
0x654: {  	v41 =	vld [tilespmem:$0x1F120]  }
0x655: {  	v20 =	vld.idx.msk [tilespmem:v49+s4+$0x0], $0xffff  }
0x656: {  	v21 =	vld [tilespmem:$0x1F140]  }
0x657: {  	v42 =	vld [tilespmem:$0x1F650]  }
0x658: {  	v44 =	vld [tilespmem:$0x1F130]  }
0x659: {  	v23 =	vld.idx.msk [tilespmem:v30+s4+$0x0], $0xffff  }
0x65a: {  	v47 =	vld [tilespmem:$0x1F2E0]  }
0x65b: {  	v49 =	vld [tilespmem:$0x1F2F0]  }
0x65c: {  	v56 =	vld [tilespmem:$0x1F6B0]  }
0x65d: {  	v12 =	vadd.f32 v28, v12;
	v28 =	vld [tilespmem:$0x1F340]  }
0x65e: {  	v30 =	vld.idx.msk [tilespmem:v50+s4+$0x0], $0xffff  }
0x65f: {  	v31 =	vld [tilespmem:$0x1F350]  }
0x660: {  	v33 =	vld [tilespmem:$0x1F370]  }
0x661: {  	v60 =	vmul.f32 v37, v59;
	v37 =	vld [tilespmem:$0x1F380]  }
0x662: {  	v34 =	vld.idx.msk [tilespmem:v61+s4+$0x0], $0xffff;
	v11 =	vadd.f32 v14, v11;
	v14 =	vmul.f32 v22, v41  }
0x663: {  	v38 =	vld.idx.msk [tilespmem:v17+s4+$0x0], $0xffff;
	v21 =	vmul.f32 v42, v21;
	v22 =	vmul.f32 v24, v44  }
0x664: {  	v0 =	vld.idx.msk [tilespmem:v0+s4+$0x0], $0xffff;
	v9 =	vadd.f32 v9, v11;
	v16 =	vmul.f32 v16, v47;
	v11 =	vmul.f32 v15, v49  }
0x665: {  	v6 =	vmul.f32 v6, v28;
	v7 =	vmul.f32 v7, v31;
	v41 =	vld.idx.msk [tilespmem:v18+s4+$0x0], $0xffff  }
0x666: {  	v3 =	vmul.f32 v3, v33;
	v2 =	vmul.f32 v2, v37;
	v5 =	vld.idx.msk [tilespmem:v5+s4+$0x0], $0xffff  }
0x667: {  	v10 =	vadd.f32 v40, v10;
	v40 =	vmul.f32 v8, v45;
	v42 =	vmul.f32 v13, v48;
	v15 =	vld.idx.msk [tilespmem:v56+s4+$0x0], $0xffff  }
0x668: {  	v45 =	vmul.f32 v19, v57;
	v47 =	vmul.f32 v20, v58;
	v56 =	vld [tilespmem:$0x1F450]  }
0x669: {  	v49 =	vmul.f32 v51, v39;
	v57 =	vld [tilespmem:$0x1F470];
	v12 =	vadd.f32 v14, v12;
	v6 =	vadd.f32 v7, v6  }
0x66a: {  	v44 =	vld.idx.msk [tilespmem:v55+s4+$0x0], $0xffff;
	v50 =	vmul.f32 v23, v32;
	v10 =	vadd.f32 v22, v10;
	v2 =	vadd.f32 v2, v3  }
0x66b: {  	v58 =	vld [tilespmem:$0x1F480];
	v11 =	vadd.f32 v11, v16;
	v6 =	vadd.f32 v40, v6;
	v5 =	vmul.f32 v5, v62  }
0x66c: {  	v51 =	vld.idx.msk [tilespmem:v27+s4+$0x0], $0xffff;
	v0 =	vmul.f32 v0, v26;
	v9 =	vadd.f32 v21, v9;
	v2 =	vadd.f32 v42, v2  }
0x66d: {  	v1 =	vld.idx.msk [tilespmem:v1+s4+$0x0], $0xffff;
	v6 =	vadd.f32 v47, v6;
	v13 =	vmul.f32 v30, v56;
	v5 =	vadd.f32 v5, v11  }
0x66e: {  	v48 =	vld.idx.msk [tilespmem:v29+s4+$0x0], $0xffff;
	v3 =	vmul.f32 v34, v57;
	v8 =	vmul.f32 v41, v35;
	v2 =	vadd.f32 v50, v2  }
0x66f: {  	v59 =	vld.idx.msk [tilespmem:v46+s4+$0x0], $0xffff;
	v55 =	vmul.f32 v15, v63;
	v6 =	vadd.f32 v13, v6;
	v5 =	vadd.f32 v45, v5  }
0x670: {  	v4 =	vld.idx.msk [tilespmem:v4+s4+$0x0], $0xffff;
	v7 =	vmul.f32 v38, v58;
	v2 =	vadd.f32 v3, v2;
	v11 =	vmul.f32 v44, v43  }
0x671: {  	v61 =	vmul.f32 v51, v25;
	v6 =	vadd.f32 v8, v6;
	v5 =	vadd.f32 v55, v5  }
0x672: {  	v1 =	vmul.f32 v1, v36;
	v12 =	vadd.f32 v60, v12;
	v2 =	vadd.f32 v11, v2  }
0x673: {  	v60 =	vmul.f32 v48, v53;
	v6 =	vadd.f32 v61, v6;
	v5 =	vadd.f32 v7, v5  }
0x674: {  	[tilespmem:s11+$0xFFFFFFE0] =	vst v9;
	v62 =	vadd.f32 v49, v10;
	v3 =	vmul.f32 v59, v54;
	v0 =	vadd.f32 v0, v2  }
0x675: {  	v4 =	vmul.f32 v4, v52;
	[tilespmem:s11+$0xFFFFFFF0] =	vst v12;
	v1 =	vadd.f32 v1, v6;
	v5 =	vadd.f32 v60, v5  }
0x676: {  	[tilespmem:s11+$0x0] =	vst v62;
	v0 =	vadd.f32 v3, v0  }
0x677: {  	[tilespmem:s12+$0xFFFFFFF0] =	vst v1;
	v63 =	vadd.f32 v4, v5  }
0x678: {  	s30 =	sadd.s32 $0x1, s30;
	[tilespmem:s12+$0x0] =	vst v0  }
0x679: {  	s5 =	sadd.s32 s3, s31;
	p0 =	sne.s32 s30, $0x10;
	[tilespmem:s12+$0xFFFFFFE0] =	vst v63  }
0x67a: {  	[hbm4b:s5+s4] =	stream.linear.scatter [tilespmem:s23], [sflag:$0x4], $0x400, $0x38;
	[tilespmem:$0x1D580] =	vst v63  }
.Ltmp2:
0x67b: {  	_ = 	snop;
	(pc) =	sbr.rel @p0 .LBB2_2-.Ltmp2, $4  }
0x67c: {  	s1 =	sadd.s32 s3, s1  }
0x67d: {  	[hbm4b:s1+s4] =	stream.linear.scatter [tilespmem:s24], [sflag:$0x4], $0x400, $0x38;
	[tilespmem:$0x1D580] =	vst v63  }
0x67e: {  	s0 =	sadd.s32 s3, s0  }
0x67f: {  	[hbm4b:s0+s4] =	stream.linear.scatter [tilespmem:s25], [sflag:$0x4], $0x400, $0x38;
	[tilespmem:$0x1D580] =	vst v63  }
0x680: {  	s0 =	simm.s32 $0x3  }
0x681: {  	_ =	swait.ge [sflag:s0], $0x400  }
0x682: {  	[sflag:s0] =	ssyncset.done $0x0  }
0x683: {  	[sflag:s0] =	ssyncadd.s32 $0xFFFFFC00  }
0x684: {  	_ =	swait.ge [sflag:s0], $0x400  }
0x685: {  	[sflag:s0] =	ssyncset.done $0x0  }
0x686: {  	[sflag:s0] =	ssyncadd.s32 $0xFFFFFC00  }
0x687: {  	_ =	swait.ge [sflag:s0], $0x400  }
0x688: {  	[sflag:s0] =	ssyncset.done $0x0  }
0x689: {  	s1 =	simm.s32 $0x4;
	[sflag:s0] =	ssyncadd.s32 $0xFFFFFC00  }
0x68a: {  	_ =	swait.ge [sflag:s1], $0x400  }
0x68b: {  	[sflag:s1] =	ssyncset.done $0x0  }
0x68c: {  	[sflag:s1] =	ssyncadd.s32 $0xFFFFFC00  }
0x68d: {  	_ =	swait.ge [sflag:s1], $0x400  }
0x68e: {  	[sflag:s1] =	ssyncset.done $0x0  }
0x68f: {  	[sflag:s1] =	ssyncadd.s32 $0xFFFFFC00  }
0x690: {  	_ =	swait.ge [sflag:s1], $0x400  }
0x691: {  	s29 =	sadd.s32 $0x1, s29;
	s31 =	rddreg [dreg:$0x8]  }
0x692: {  	p0 =	sne.s32 s29, s31  }
.Ltmp3:
0x693: {  	_ = 	snop;
	(pc) =	sbr.rel @p0 .LBB2_1-.Ltmp3, $3  }
0x694: {  	_ =	sdelay $0x1  }
0x695: {  	[sflag:s1] =	ssyncset.done $0x0  }
0x696: {  	[sflag:s1] =	ssyncadd.s32 $0xFFFFFC00  }
0x697: {  	_ =	sfence.sel $0x180000  }
0x698: {  	[bflag:$0x0] =	sbarrier.arrive $0xFFFF  }
0x699: {  	_ =	strace $0x90000047  }
0x69a: {  	s0 =	stileid.u32;
	[bflag:$0x2] =	sbarrier.arrive $0xFFFF  }
0x69b: {  	p0 =	sne.s32 s0, $0x0;
	s0 =	rddreg [dreg:$0x3]  }
0x69c: {  	s0 =	sadd.s32 @!p0 $0x100000, s0  }
0x69d: {  	[sflag:s0] =	ssyncadd.tile.s32 @!p0 $0x1;
	_ =	shalt  }
.Lfunc_end2:
_tile_overlayer_lowered:
.L_overlay_start_2:
0x69e: {  	(tag) =	ssettag $0x2  }
0x69f: {  	s0 =	rddreg [dreg:$0x0];
	s2 =	stileid.u32  }
0x6a0: {  	s1 =	rddreg [dreg:$0x1];
	p0 =	sne.s32 s2, $0x0  }
0x6a1: {  	s3 =	rddreg [dreg:$0x2];
	[bflag:$0x3] =	sbarrier.arrive $0xFFFF;
	s2 =	simm.s32 @!p0 $0x1C05  }
0x6a2: {  	[timem:s3], [sflag:s2] =	dma.local @!p0 [hbm:s0], s1  }
0x6a3: {  	s0 =	simm.s32 @!p0 $0x5  }
0x6a4: {  	_ =	swait.ge @!p0 [sflag:s0], s1  }
0x6a5: {  	s1 =	ssub.s32 @!p0 $0x0, s1;
	[sflag:s0] =	ssyncset.done @!p0 $0x0  }
0x6a6: {  	[sflag:s0] =	ssyncadd.s32 @!p0 s1  }
0x6a7: {  	[bflag:$0x3] =	sbarrier.arrive $0xFFFF  }
0x6a8: {  	_ =	shalt  }

</sc_bundles>
